<compile_context>
chip_gen: v7x
topology: tpu7x:2x2x1
jax: 0.10.2.dev20260603
libtpu: 0.0.44.dev20260713+nightly
codegen_flags: <defaults>
</compile_context>

<pallas_src>
import functools

import jax
import jax.numpy as jnp
from jax import lax
from jax.experimental import pallas as pl
from jax.experimental.pallas import tpu as pltpu
from jax.experimental.pallas import tpu_sc as plsc

N = 10000
E = 320000
NC = 2
NS = 16
K = 80
NCS = 25
NB = 3
RT = 624
RT_LAST = N - 15 * RT
BR = 1000
NBR = N // BR

_MESH = dict(core_axis_name="c", subcore_axis_name="s")


def _tile_rows(s, copy_fn):
    @pl.when(s < 15)
    def _():
        copy_fn(s * RT, RT)

    @pl.when(s == 15)
    def _():
        copy_fn(15 * RT, RT_LAST)



def _deg_body(edges4d, deg0_out, deg1_out, dstbig, ones_v, zb, dsem, deg_sh):
    c = lax.axis_index("c")
    s = lax.axis_index("s")
    zero16 = jnp.zeros((16,), jnp.float32)
    for j in range(40):
        zb[pl.ds(16 * j, 16)] = zero16
    one16 = jnp.full((16,), 1.0, jnp.float32)
    for j in range(K // 16):
        ones_v[pl.ds(16 * j, 16)] = one16
    @pl.when(s < 15)
    def _():
        pltpu.sync_copy(zb, deg_sh.at[pl.ds(s * 640, 640)])

    @pl.when(s == 15)
    def _():
        pltpu.sync_copy(zb.at[pl.ds(0, 400)], deg_sh.at[pl.ds(9600, 400)])

    plsc.subcore_barrier()

    t = c * NS + s
    nslabs = E // NC // NS // K // NCS

    def slab(r, carry):
        pltpu.sync_copy(edges4d.at[1, t, r], dstbig)

        def fire(i, c2):
            pltpu.make_async_copy(
                ones_v, deg_sh.at[dstbig.at[i]], dsem).start(add=True)
            return c2

        lax.fori_loop(0, NCS, fire, 0)

        def drain(i, c2):
            pltpu.make_async_copy(
                ones_v, deg_sh.at[dstbig.at[i]], dsem).wait()
            return c2

        return lax.fori_loop(0, NCS, drain, carry)

    lax.fori_loop(0, nslabs, slab, 0)

    plsc.subcore_barrier()

    def wb(dego):
        @pl.when(s < 15)
        def _():
            pltpu.sync_copy(deg_sh.at[pl.ds(s * 640, 640)], zb)
            pltpu.sync_copy(zb, dego.at[pl.ds(s * 640, 640)])

        @pl.when(s == 15)
        def _():
            pltpu.sync_copy(deg_sh.at[pl.ds(9600, 400)], zb.at[pl.ds(0, 400)])
            pltpu.sync_copy(zb.at[pl.ds(0, 400)], dego.at[pl.ds(9600, 400)])

    @pl.when(c == 0)
    def _():
        wb(deg0_out)

    @pl.when(c == 1)
    def _():
        wb(deg1_out)


def _deg_call(edges4d):
    f = functools.partial(
        pl.kernel,
        out_type=(jax.ShapeDtypeStruct((N,), jnp.float32),
                  jax.ShapeDtypeStruct((N,), jnp.float32)),
        mesh=plsc.VectorSubcoreMesh(**_MESH),
        scratch_types=[
            pltpu.VMEM((NCS, K), jnp.int32),
            pltpu.VMEM((K,), jnp.float32),
            pltpu.VMEM((640,), jnp.float32),
            pltpu.SemaphoreType.DMA,
            pltpu.VMEM_SHARED((N,), jnp.float32),
        ],
    )(_deg_body)
    return f(edges4d)



def _make_prop_body(edge_split):
    nslabs = (E // NC if edge_split else E) // NS // K // NCS

    def body(g_hbm, edges4d, out_hbm, srcbig, dstbig, rows3, gsem, ssem,
             isem, acc_sh):
        c = lax.axis_index("c")
        s = lax.axis_index("s")
        t = c * NS + s if edge_split else s
        gtab = g_hbm if edge_split else g_hbm.at[pl.ds(c * N, N)]

        def start_gather(r2, l, b):
            pltpu.make_async_copy(
                gtab.at[srcbig.at[r2, l]], rows3.at[b], gsem.at[b]).start()

        def wait_gather(r2, l, b):
            pltpu.make_async_copy(
                gtab.at[srcbig.at[r2, l]], rows3.at[b], gsem.at[b]).wait()

        def start_scatter(r2, l, b):
            pltpu.make_async_copy(
                rows3.at[b], acc_sh.at[dstbig.at[r2, l]], ssem.at[b]
            ).start(add=True)

        def wait_scatter(b):
            pltpu.make_async_copy(
                rows3.at[b], acc_sh.at[dstbig.at[0, 0]], ssem.at[b]).wait()

        def fetch_slab(r, r2):
            pltpu.make_async_copy(
                edges4d.at[0, t, r], srcbig.at[r2], isem).start()
            pltpu.make_async_copy(
                edges4d.at[1, t, r], dstbig.at[r2], isem).start()

        def wait_slab(r2):
            pltpu.make_async_copy(
                edges4d.at[0, t, 0], srcbig.at[r2], isem).wait()
            pltpu.make_async_copy(
                edges4d.at[1, t, 0], dstbig.at[r2], isem).wait()

        fetch_slab(0, 0)
        _tile_rows(s, lambda rb, nr: pltpu.sync_copy(
            g_hbm.at[pl.ds(c * N + rb, nr)], acc_sh.at[pl.ds(rb, nr)]))
        plsc.subcore_barrier()
        la = NB - 1

        def slab(r, carry):
            @pl.when(r >= 1)
            def _():
                for b in range(NB):
                    wait_scatter(b)

            r2 = lax.rem(r, 2)
            wait_slab(r2)

            @pl.when(r + 1 < nslabs)
            def _():
                fetch_slab(r + 1, lax.rem(r + 1, 2))

            gbase = r * NCS
            for j in range(la):
                start_gather(r2, j, lax.rem(gbase + j, NB))

            def chunk(l, c2):
                g = gbase + l
                b = lax.rem(g, NB)

                @pl.when(l + la < NCS)
                def _():
                    b2 = lax.rem(g + la, NB)

                    @pl.when(l >= 1)
                    def _():
                        wait_scatter(b2)

                    start_gather(r2, l + la, b2)

                wait_gather(r2, l, b)
                start_scatter(r2, l, b)
                return c2

            return lax.fori_loop(0, NCS, chunk, carry)

        lax.fori_loop(0, nslabs, slab, 0)
        for b in range(NB):
            wait_scatter(b)
        plsc.subcore_barrier()
        _tile_rows(s, lambda rb, nr: pltpu.sync_copy(
            acc_sh.at[pl.ds(rb, nr)], out_hbm.at[pl.ds(c * N + rb, nr)]))

    return body


def _prop_call(g_flat, edges4d, edge_split):
    f = functools.partial(
        pl.kernel,
        out_type=jax.ShapeDtypeStruct((2 * N, 128), jnp.float32),
        mesh=plsc.VectorSubcoreMesh(**_MESH),
        scratch_types=[
            pltpu.VMEM((2, NCS, K), jnp.int32),
            pltpu.VMEM((2, NCS, K), jnp.int32),
            pltpu.VMEM((NB, K, 128), jnp.float32),
            pltpu.SemaphoreType.DMA((NB,)),
            pltpu.SemaphoreType.DMA((NB,)),
            pltpu.SemaphoreType.DMA,
            pltpu.VMEM_SHARED((N, 128), jnp.float32),
        ],
    )(_make_prop_body(edge_split))
    return f(g_flat, edges4d)



def _tc1_body(d0_ref, d1_ref, x_ref, w_ref, g_ref):
    dis = lax.rsqrt(d0_ref[...] + d1_ref[...] + 1.0)
    m = jnp.dot(x_ref[...], w_ref[...],
                preferred_element_type=jnp.float32)
    g = dis * m
    g_ref[0] = g[:, :128]
    g_ref[1] = g[:, 128:]


def _tc1_call(dcol0, dcol1, x, W1):
    return pl.pallas_call(
        _tc1_body,
        grid=(NBR,),
        in_specs=[
            pl.BlockSpec((BR, 1), lambda r: (r, 0)),
            pl.BlockSpec((BR, 1), lambda r: (r, 0)),
            pl.BlockSpec((BR, 128), lambda r: (r, 0)),
            pl.BlockSpec((128, 256), lambda r: (0, 0)),
        ],
        out_specs=pl.BlockSpec((2, BR, 128), lambda r: (0, r, 0)),
        out_shape=jax.ShapeDtypeStruct((2, N, 128), jnp.float32),
    )(dcol0, dcol1, x, W1)


def _tcmid_body(d0_ref, d1_ref, s_ref, b_ref, w_ref, g_ref):
    dis = lax.rsqrt(d0_ref[...] + d1_ref[...] + 1.0)
    sfull = jnp.concatenate([s_ref[0], s_ref[1]], axis=1)
    h = jnp.maximum(dis * sfull + b_ref[...], 0.0)
    m = jnp.dot(h, w_ref[...], preferred_element_type=jnp.float32)
    g = dis * m
    g_ref[0] = g[:, :128]
    g_ref[1] = g[:, 128:]


def _tcmid_call(dcol0, dcol1, s3d, b, W):
    return pl.pallas_call(
        _tcmid_body,
        grid=(NBR,),
        in_specs=[
            pl.BlockSpec((BR, 1), lambda r: (r, 0)),
            pl.BlockSpec((BR, 1), lambda r: (r, 0)),
            pl.BlockSpec((2, BR, 128), lambda r: (0, r, 0)),
            pl.BlockSpec((1, 256), lambda r: (0, 0)),
            pl.BlockSpec((256, 256), lambda r: (0, 0)),
        ],
        out_specs=pl.BlockSpec((2, BR, 128), lambda r: (0, r, 0)),
        out_shape=jax.ShapeDtypeStruct((2, N, 128), jnp.float32),
    )(dcol0, dcol1, s3d, b, W)


def _tc3_body(d0_ref, d1_ref, s_ref, b_ref, w_ref, g_ref):
    dis = lax.rsqrt(d0_ref[...] + d1_ref[...] + 1.0)
    sfull = jnp.concatenate([s_ref[0], s_ref[1]], axis=1)
    h = jnp.maximum(dis * sfull + b_ref[...], 0.0)
    m = jnp.dot(h, w_ref[...], preferred_element_type=jnp.float32)
    g_ref[0] = dis * m
    g_ref[1] = jnp.zeros((BR, 128), jnp.float32)


def _tc3_call(dcol0, dcol1, s3d, b, W3):
    return pl.pallas_call(
        _tc3_body,
        grid=(NBR,),
        in_specs=[
            pl.BlockSpec((BR, 1), lambda r: (r, 0)),
            pl.BlockSpec((BR, 1), lambda r: (r, 0)),
            pl.BlockSpec((2, BR, 128), lambda r: (0, r, 0)),
            pl.BlockSpec((1, 256), lambda r: (0, 0)),
            pl.BlockSpec((256, 128), lambda r: (0, 0)),
        ],
        out_specs=pl.BlockSpec((2, BR, 128), lambda r: (0, r, 0)),
        out_shape=jax.ShapeDtypeStruct((2, N, 128), jnp.float32),
    )(dcol0, dcol1, s3d, b, W3)


def _tc4_body(d0_ref, d1_ref, s_ref, b_ref, o_ref):
    dis = lax.rsqrt(d0_ref[...] + d1_ref[...] + 1.0)
    o_ref[...] = dis * (s_ref[0] + s_ref[1]) + b_ref[...]


def _tc4_call(dcol0, dcol1, s3d, b):
    return pl.pallas_call(
        _tc4_body,
        grid=(NBR,),
        in_specs=[
            pl.BlockSpec((BR, 1), lambda r: (r, 0)),
            pl.BlockSpec((BR, 1), lambda r: (r, 0)),
            pl.BlockSpec((2, BR, 128), lambda r: (0, r, 0)),
            pl.BlockSpec((1, 128), lambda r: (0, 0)),
        ],
        out_specs=pl.BlockSpec((BR, 128), lambda r: (r, 0)),
        out_shape=jax.ShapeDtypeStruct((N, 128), jnp.float32),
    )(dcol0, dcol1, s3d, b)



def kernel(x, edge_index, W1, b1, W2, b2, W3, b3):
    edges_a = edge_index.reshape(2, NS, E // NS // K // NCS, NCS, K)
    edges_b = edge_index.reshape(2, NC * NS, E // NC // NS // K // NCS,
                                 NCS, K)
    deg0, deg1 = _deg_call(edges_b)
    dcol0 = deg0.reshape(N, 1)
    dcol1 = deg1.reshape(N, 1)
    g1 = _tc1_call(dcol0, dcol1, x, W1)
    s1 = _prop_call(g1.reshape(2 * N, 128), edges_a, edge_split=False)
    g2 = _tcmid_call(dcol0, dcol1, s1.reshape(2, N, 128), b1.reshape(1, 256), W2)
    s2 = _prop_call(g2.reshape(2 * N, 128), edges_a, edge_split=False)
    g3 = _tc3_call(dcol0, dcol1, s2.reshape(2, N, 128), b2.reshape(1, 256), W3)
    s3 = _prop_call(g3.reshape(2 * N, 128), edges_b, edge_split=True)
    out = _tc4_call(dcol0, dcol1, s3.reshape(2, N, 128), b3.reshape(1, 128))
    return out

# --- scband reference (transcript-rebuilt; emitter-appended) ---
"""Pipeline reference for scband-gcn-8486855376924 (READ-ONLY COPY).

The authoritative reference and input builder live on the scoring server;
editing this copy changes nothing except your own understanding.
"""

import jax, jax.numpy as jnp
import numpy as np

N_NODES = 10000
N_EDGES = 320000
D_IN = 128
D_HID = 256
D_OUT = 128


def setup_inputs(seed: int = 0) -> dict:
    key = jax.random.key(seed)
    ks = jax.random.split(key, 8)
    x = jax.random.normal(ks[0], (N_NODES, D_IN), dtype=jnp.float32)
    edge_index = jax.random.randint(ks[1], (2, N_EDGES), 0, N_NODES, dtype=jnp.int64 if jax.config.jax_enable_x64 else jnp.int32).astype(jnp.int32)
    W1 = jax.random.normal(ks[2], (D_IN, D_HID), dtype=jnp.float32) * 0.05
    b1 = jnp.zeros((D_HID,), dtype=jnp.float32)
    W2 = jax.random.normal(ks[3], (D_HID, D_HID), dtype=jnp.float32) * 0.05
    b2 = jnp.zeros((D_HID,), dtype=jnp.float32)
    W3 = jax.random.normal(ks[4], (D_HID, D_OUT), dtype=jnp.float32) * 0.05
    b3 = jnp.zeros((D_OUT,), dtype=jnp.float32)
    return {"x": x, "edge_index": edge_index, "W1": W1, "b1": b1, "W2": W2, "b2": b2, "W3": W3, "b3": b3}


def gcn_conv(x, edge_index, W, b):
    # PyG-style GCNConv: add self-loops, symmetric normalization, linear transform
    num_nodes = x.shape[0]
    loop = jnp.arange(num_nodes, dtype=edge_index.dtype)
    src = jnp.concatenate([edge_index[0], loop])
    dst = jnp.concatenate([edge_index[1], loop])
    deg = jnp.zeros((num_nodes,), dtype=x.dtype).at[dst].add(1.0)
    deg_inv_sqrt = jnp.where(deg > 0, deg ** -0.5, 0.0)
    norm = deg_inv_sqrt[src] * deg_inv_sqrt[dst]
    h = x @ W
    msg = h[src] * norm[:, None]
    out = jax.ops.segment_sum(msg, dst, num_segments=num_nodes)
    return out + b


def reference(x, edge_index, W1, b1, W2, b2, W3, b3):
    h = gcn_conv(x, edge_index, W1, b1)
    h = jax.nn.relu(h)
    h = gcn_conv(h, edge_index, W2, b2)
    h = jax.nn.relu(h)
    out = gcn_conv(h, edge_index, W3, b3)
    return out

if __name__ == "__main__":
    import jax
    _d = setup_inputs()
    print(jax.jit(kernel)(*tuple(_d.values())))

</pallas_src>

<mosaic_0001>
#map = affine_map<(d0, d1) -> (0, 0, 0, 0, 0)>
#map1 = affine_map<(d0, d1) -> (0)>
module attributes {stable_mosaic.version = 14 : i64} {
  func.func @_deg_body(%arg0: i32, %arg1: i32, %arg2: memref<2x32x5x25x80xi32, #tpu.memory_space<hbm>>, %arg3: memref<10000xf32, #tpu.memory_space<hbm>>, %arg4: memref<10000xf32, #tpu.memory_space<hbm>>, %arg5: memref<25x80xi32, #tpu.memory_space<vmem>>, %arg6: memref<80xf32, #tpu.memory_space<vmem>>, %arg7: memref<640xf32, #tpu.memory_space<vmem>>, %arg8: memref<!tpu.dma_semaphore, #tpu.memory_space<semaphore_mem>>, %arg9: memref<10000xf32, #tpu.memory_space<vmem_shared>>) attributes {dimension_semantics = [#tpu.dimension_semantics<core_parallel>, #tpu.dimension_semantics<subcore_parallel>], iteration_bounds = array<i64: 2, 16>, scalar_prefetch = 0 : i64, scratch_operands = 5 : i64, tpu.core_type = #tpu.core_type<sc_vector_subcore>, window_params = [{transform_indices = #map}, {transform_indices = #map1}, {transform_indices = #map1}]} {
    %broadcast_in_dim3A = arith.constant 0.000000e+00 : f32
    %broadcast_in_dim3A_0 = vector.broadcast %broadcast_in_dim3A : f32 to vector<16xf32>
    %swap3A = arith.constant 0 : index
    %swap3A_1 = tpu.vector_load %arg7[%swap3A] {strides = array<i32>} : memref<640xf32, #tpu.memory_space<vmem>>, vector<16xf32>,
    %swap3A_2 = vector.shape_cast %swap3A_1 : vector<16xf32> to vector<16xf32>
    %swap3A_3 = vector.shape_cast %broadcast_in_dim3A_0 : vector<16xf32> to vector<16xf32>
    tpu.vector_store %arg7[%swap3A], %swap3A_3 {strides = array<i32>} : memref<640xf32, #tpu.memory_space<vmem>>, vector<16xf32>,
    %swap3A_4 = arith.constant 16 : index
    %swap3A_5 = tpu.vector_load %arg7[%swap3A_4] {strides = array<i32>} : memref<640xf32, #tpu.memory_space<vmem>>, vector<16xf32>,
    %swap3A_6 = vector.shape_cast %swap3A_5 : vector<16xf32> to vector<16xf32>
    %swap3A_7 = vector.shape_cast %broadcast_in_dim3A_0 : vector<16xf32> to vector<16xf32>
    tpu.vector_store %arg7[%swap3A_4], %swap3A_7 {strides = array<i32>} : memref<640xf32, #tpu.memory_space<vmem>>, vector<16xf32>,
    %swap3A_8 = arith.constant 32 : index
    %swap3A_9 = tpu.vector_load %arg7[%swap3A_8] {strides = array<i32>} : memref<640xf32, #tpu.memory_space<vmem>>, vector<16xf32>,
    %swap3A_10 = vector.shape_cast %swap3A_9 : vector<16xf32> to vector<16xf32>
    %swap3A_11 = vector.shape_cast %broadcast_in_dim3A_0 : vector<16xf32> to vector<16xf32>
    tpu.vector_store %arg7[%swap3A_8], %swap3A_11 {strides = array<i32>} : memref<640xf32, #tpu.memory_space<vmem>>, vector<16xf32>,
    %swap3A_12 = arith.constant 48 : index
    %swap3A_13 = tpu.vector_load %arg7[%swap3A_12] {strides = array<i32>} : memref<640xf32, #tpu.memory_space<vmem>>, vector<16xf32>,
    %swap3A_14 = vector.shape_cast %swap3A_13 : vector<16xf32> to vector<16xf32>
    %swap3A_15 = vector.shape_cast %broadcast_in_dim3A_0 : vector<16xf32> to vector<16xf32>
    tpu.vector_store %arg7[%swap3A_12], %swap3A_15 {strides = array<i32>} : memref<640xf32, #tpu.memory_space<vmem>>, vector<16xf32>,
    %swap3A_16 = arith.constant 64 : index
    %swap3A_17 = tpu.vector_load %arg7[%swap3A_16] {strides = array<i32>} : memref<640xf32, #tpu.memory_space<vmem>>, vector<16xf32>,
    %swap3A_18 = vector.shape_cast %swap3A_17 : vector<16xf32> to vector<16xf32>
    %swap3A_19 = vector.shape_cast %broadcast_in_dim3A_0 : vector<16xf32> to vector<16xf32>
    tpu.vector_store %arg7[%swap3A_16], %swap3A_19 {strides = array<i32>} : memref<640xf32, #tpu.memory_space<vmem>>, vector<16xf32>,
    %swap3A_20 = arith.constant 80 : index
    %swap3A_21 = tpu.vector_load %arg7[%swap3A_20] {strides = array<i32>} : memref<640xf32, #tpu.memory_space<vmem>>, vector<16xf32>,
    %swap3A_22 = vector.shape_cast %swap3A_21 : vector<16xf32> to vector<16xf32>
    %swap3A_23 = vector.shape_cast %broadcast_in_dim3A_0 : vector<16xf32> to vector<16xf32>
    tpu.vector_store %arg7[%swap3A_20], %swap3A_23 {strides = array<i32>} : memref<640xf32, #tpu.memory_space<vmem>>, vector<16xf32>,
    %swap3A_24 = arith.constant 96 : index
    %swap3A_25 = tpu.vector_load %arg7[%swap3A_24] {strides = array<i32>} : memref<640xf32, #tpu.memory_space<vmem>>, vector<16xf32>,
    %swap3A_26 = vector.shape_cast %swap3A_25 : vector<16xf32> to vector<16xf32>
    %swap3A_27 = vector.shape_cast %broadcast_in_dim3A_0 : vector<16xf32> to vector<16xf32>
    tpu.vector_store %arg7[%swap3A_24], %swap3A_27 {strides = array<i32>} : memref<640xf32, #tpu.memory_space<vmem>>, vector<16xf32>,
    %swap3A_28 = arith.constant 112 : index
    %swap3A_29 = tpu.vector_load %arg7[%swap3A_28] {strides = array<i32>} : memref<640xf32, #tpu.memory_space<vmem>>, vector<16xf32>,
    %swap3A_30 = vector.shape_cast %swap3A_29 : vector<16xf32> to vector<16xf32>
    %swap3A_31 = vector.shape_cast %broadcast_in_dim3A_0 : vector<16xf32> to vector<16xf32>
    tpu.vector_store %arg7[%swap3A_28], %swap3A_31 {strides = array<i32>} : memref<640xf32, #tpu.memory_space<vmem>>, vector<16xf32>,
    %swap3A_32 = arith.constant 128 : index
    %swap3A_33 = tpu.vector_load %arg7[%swap3A_32] {strides = array<i32>} : memref<640xf32, #tpu.memory_space<vmem>>, vector<16xf32>,
    %swap3A_34 = vector.shape_cast %swap3A_33 : vector<16xf32> to vector<16xf32>
    %swap3A_35 = vector.shape_cast %broadcast_in_dim3A_0 : vector<16xf32> to vector<16xf32>
    tpu.vector_store %arg7[%swap3A_32], %swap3A_35 {strides = array<i32>} : memref<640xf32, #tpu.memory_space<vmem>>, vector<16xf32>,
    %swap3A_36 = arith.constant 144 : index
    %swap3A_37 = tpu.vector_load %arg7[%swap3A_36] {strides = array<i32>} : memref<640xf32, #tpu.memory_space<vmem>>, vector<16xf32>,
    %swap3A_38 = vector.shape_cast %swap3A_37 : vector<16xf32> to vector<16xf32>
    %swap3A_39 = vector.shape_cast %broadcast_in_dim3A_0 : vector<16xf32> to vector<16xf32>
    tpu.vector_store %arg7[%swap3A_36], %swap3A_39 {strides = array<i32>} : memref<640xf32, #tpu.memory_space<vmem>>, vector<16xf32>,
    %swap3A_40 = arith.constant 160 : index
    %swap3A_41 = tpu.vector_load %arg7[%swap3A_40] {strides = array<i32>} : memref<640xf32, #tpu.memory_space<vmem>>, vector<16xf32>,
    %swap3A_42 = vector.shape_cast %swap3A_41 : vector<16xf32> to vector<16xf32>
    %swap3A_43 = vector.shape_cast %broadcast_in_dim3A_0 : vector<16xf32> to vector<16xf32>
    tpu.vector_store %arg7[%swap3A_40], %swap3A_43 {strides = array<i32>} : memref<640xf32, #tpu.memory_space<vmem>>, vector<16xf32>,
    %swap3A_44 = arith.constant 176 : index
    %swap3A_45 = tpu.vector_load %arg7[%swap3A_44] {strides = array<i32>} : memref<640xf32, #tpu.memory_space<vmem>>, vector<16xf32>,
    %swap3A_46 = vector.shape_cast %swap3A_45 : vector<16xf32> to vector<16xf32>
    %swap3A_47 = vector.shape_cast %broadcast_in_dim3A_0 : vector<16xf32> to vector<16xf32>
    tpu.vector_store %arg7[%swap3A_44], %swap3A_47 {strides = array<i32>} : memref<640xf32, #tpu.memory_space<vmem>>, vector<16xf32>,
    %swap3A_48 = arith.constant 192 : index
    %swap3A_49 = tpu.vector_load %arg7[%swap3A_48] {strides = array<i32>} : memref<640xf32, #tpu.memory_space<vmem>>, vector<16xf32>,
    %swap3A_50 = vector.shape_cast %swap3A_49 : vector<16xf32> to vector<16xf32>
    %swap3A_51 = vector.shape_cast %broadcast_in_dim3A_0 : vector<16xf32> to vector<16xf32>
    tpu.vector_store %arg7[%swap3A_48], %swap3A_51 {strides = array<i32>} : memref<640xf32, #tpu.memory_space<vmem>>, vector<16xf32>,
    %swap3A_52 = arith.constant 208 : index
    %swap3A_53 = tpu.vector_load %arg7[%swap3A_52] {strides = array<i32>} : memref<640xf32, #tpu.memory_space<vmem>>, vector<16xf32>,
    %swap3A_54 = vector.shape_cast %swap3A_53 : vector<16xf32> to vector<16xf32>
    %swap3A_55 = vector.shape_cast %broadcast_in_dim3A_0 : vector<16xf32> to vector<16xf32>
    tpu.vector_store %arg7[%swap3A_52], %swap3A_55 {strides = array<i32>} : memref<640xf32, #tpu.memory_space<vmem>>, vector<16xf32>,
    %swap3A_56 = arith.constant 224 : index
    %swap3A_57 = tpu.vector_load %arg7[%swap3A_56] {strides = array<i32>} : memref<640xf32, #tpu.memory_space<vmem>>, vector<16xf32>,
    %swap3A_58 = vector.shape_cast %swap3A_57 : vector<16xf32> to vector<16xf32>
    %swap3A_59 = vector.shape_cast %broadcast_in_dim3A_0 : vector<16xf32> to vector<16xf32>
    tpu.vector_store %arg7[%swap3A_56], %swap3A_59 {strides = array<i32>} : memref<640xf32, #tpu.memory_space<vmem>>, vector<16xf32>,
    %swap3A_60 = arith.constant 240 : index
    %swap3A_61 = tpu.vector_load %arg7[%swap3A_60] {strides = array<i32>} : memref<640xf32, #tpu.memory_space<vmem>>, vector<16xf32>,
    %swap3A_62 = vector.shape_cast %swap3A_61 : vector<16xf32> to vector<16xf32>
    %swap3A_63 = vector.shape_cast %broadcast_in_dim3A_0 : vector<16xf32> to vector<16xf32>
    tpu.vector_store %arg7[%swap3A_60], %swap3A_63 {strides = array<i32>} : memref<640xf32, #tpu.memory_space<vmem>>, vector<16xf32>,
    %swap3A_64 = arith.constant 256 : index
    %swap3A_65 = tpu.vector_load %arg7[%swap3A_64] {strides = array<i32>} : memref<640xf32, #tpu.memory_space<vmem>>, vector<16xf32>,
    %swap3A_66 = vector.shape_cast %swap3A_65 : vector<16xf32> to vector<16xf32>
    %swap3A_67 = vector.shape_cast %broadcast_in_dim3A_0 : vector<16xf32> to vector<16xf32>
    tpu.vector_store %arg7[%swap3A_64], %swap3A_67 {strides = array<i32>} : memref<640xf32, #tpu.memory_space<vmem>>, vector<16xf32>,
    %swap3A_68 = arith.constant 272 : index
    %swap3A_69 = tpu.vector_load %arg7[%swap3A_68] {strides = array<i32>} : memref<640xf32, #tpu.memory_space<vmem>>, vector<16xf32>,
    %swap3A_70 = vector.shape_cast %swap3A_69 : vector<16xf32> to vector<16xf32>
    %swap3A_71 = vector.shape_cast %broadcast_in_dim3A_0 : vector<16xf32> to vector<16xf32>
    tpu.vector_store %arg7[%swap3A_68], %swap3A_71 {strides = array<i32>} : memref<640xf32, #tpu.memory_space<vmem>>, vector<16xf32>,
    %swap3A_72 = arith.constant 288 : index
    %swap3A_73 = tpu.vector_load %arg7[%swap3A_72] {strides = array<i32>} : memref<640xf32, #tpu.memory_space<vmem>>, vector<16xf32>,
    %swap3A_74 = vector.shape_cast %swap3A_73 : vector<16xf32> to vector<16xf32>
    %swap3A_75 = vector.shape_cast %broadcast_in_dim3A_0 : vector<16xf32> to vector<16xf32>
    tpu.vector_store %arg7[%swap3A_72], %swap3A_75 {strides = array<i32>} : memref<640xf32, #tpu.memory_space<vmem>>, vector<16xf32>,
    %swap3A_76 = arith.constant 304 : index
    %swap3A_77 = tpu.vector_load %arg7[%swap3A_76] {strides = array<i32>} : memref<640xf32, #tpu.memory_space<vmem>>, vector<16xf32>,
    %swap3A_78 = vector.shape_cast %swap3A_77 : vector<16xf32> to vector<16xf32>
    %swap3A_79 = vector.shape_cast %broadcast_in_dim3A_0 : vector<16xf32> to vector<16xf32>
    tpu.vector_store %arg7[%swap3A_76], %swap3A_79 {strides = array<i32>} : memref<640xf32, #tpu.memory_space<vmem>>, vector<16xf32>,
    %swap3A_80 = arith.constant 320 : index
    %swap3A_81 = tpu.vector_load %arg7[%swap3A_80] {strides = array<i32>} : memref<640xf32, #tpu.memory_space<vmem>>, vector<16xf32>,
    %swap3A_82 = vector.shape_cast %swap3A_81 : vector<16xf32> to vector<16xf32>
    %swap3A_83 = vector.shape_cast %broadcast_in_dim3A_0 : vector<16xf32> to vector<16xf32>
    tpu.vector_store %arg7[%swap3A_80], %swap3A_83 {strides = array<i32>} : memref<640xf32, #tpu.memory_space<vmem>>, vector<16xf32>,
    %swap3A_84 = arith.constant 336 : index
    %swap3A_85 = tpu.vector_load %arg7[%swap3A_84] {strides = array<i32>} : memref<640xf32, #tpu.memory_space<vmem>>, vector<16xf32>,
    %swap3A_86 = vector.shape_cast %swap3A_85 : vector<16xf32> to vector<16xf32>
    %swap3A_87 = vector.shape_cast %broadcast_in_dim3A_0 : vector<16xf32> to vector<16xf32>
    tpu.vector_store %arg7[%swap3A_84], %swap3A_87 {strides = array<i32>} : memref<640xf32, #tpu.memory_space<vmem>>, vector<16xf32>,
    %swap3A_88 = arith.constant 352 : index
    %swap3A_89 = tpu.vector_load %arg7[%swap3A_88] {strides = array<i32>} : memref<640xf32, #tpu.memory_space<vmem>>, vector<16xf32>,
    %swap3A_90 = vector.shape_cast %swap3A_89 : vector<16xf32> to vector<16xf32>
    %swap3A_91 = vector.shape_cast %broadcast_in_dim3A_0 : vector<16xf32> to vector<16xf32>
    tpu.vector_store %arg7[%swap3A_88], %swap3A_91 {strides = array<i32>} : memref<640xf32, #tpu.memory_space<vmem>>, vector<16xf32>,
    %swap3A_92 = arith.constant 368 : index
    %swap3A_93 = tpu.vector_load %arg7[%swap3A_92] {strides = array<i32>} : memref<640xf32, #tpu.memory_space<vmem>>, vector<16xf32>,
    %swap3A_94 = vector.shape_cast %swap3A_93 : vector<16xf32> to vector<16xf32>
    %swap3A_95 = vector.shape_cast %broadcast_in_dim3A_0 : vector<16xf32> to vector<16xf32>
    tpu.vector_store %arg7[%swap3A_92], %swap3A_95 {strides = array<i32>} : memref<640xf32, #tpu.memory_space<vmem>>, vector<16xf32>,
    %swap3A_96 = arith.constant 384 : index
    %swap3A_97 = tpu.vector_load %arg7[%swap3A_96] {strides = array<i32>} : memref<640xf32, #tpu.memory_space<vmem>>, vector<16xf32>,
    %swap3A_98 = vector.shape_cast %swap3A_97 : vector<16xf32> to vector<16xf32>
    %swap3A_99 = vector.shape_cast %broadcast_in_dim3A_0 : vector<16xf32> to vector<16xf32>
    tpu.vector_store %arg7[%swap3A_96], %swap3A_99 {strides = array<i32>} : memref<640xf32, #tpu.memory_space<vmem>>, vector<16xf32>,
    %swap3A_100 = arith.constant 400 : index
    %swap3A_101 = tpu.vector_load %arg7[%swap3A_100] {strides = array<i32>} : memref<640xf32, #tpu.memory_space<vmem>>, vector<16xf32>,
    %swap3A_102 = vector.shape_cast %swap3A_101 : vector<16xf32> to vector<16xf32>
    %swap3A_103 = vector.shape_cast %broadcast_in_dim3A_0 : vector<16xf32> to vector<16xf32>
    tpu.vector_store %arg7[%swap3A_100], %swap3A_103 {strides = array<i32>} : memref<640xf32, #tpu.memory_space<vmem>>, vector<16xf32>,
    %swap3A_104 = arith.constant 416 : index
    %swap3A_105 = tpu.vector_load %arg7[%swap3A_104] {strides = array<i32>} : memref<640xf32, #tpu.memory_space<vmem>>, vector<16xf32>,
    %swap3A_106 = vector.shape_cast %swap3A_105 : vector<16xf32> to vector<16xf32>
    %swap3A_107 = vector.shape_cast %broadcast_in_dim3A_0 : vector<16xf32> to vector<16xf32>
    tpu.vector_store %arg7[%swap3A_104], %swap3A_107 {strides = array<i32>} : memref<640xf32, #tpu.memory_space<vmem>>, vector<16xf32>,
    %swap3A_108 = arith.constant 432 : index
    %swap3A_109 = tpu.vector_load %arg7[%swap3A_108] {strides = array<i32>} : memref<640xf32, #tpu.memory_space<vmem>>, vector<16xf32>,
    %swap3A_110 = vector.shape_cast %swap3A_109 : vector<16xf32> to vector<16xf32>
    %swap3A_111 = vector.shape_cast %broadcast_in_dim3A_0 : vector<16xf32> to vector<16xf32>
    tpu.vector_store %arg7[%swap3A_108], %swap3A_111 {strides = array<i32>} : memref<640xf32, #tpu.memory_space<vmem>>, vector<16xf32>,
    %swap3A_112 = arith.constant 448 : index
    %swap3A_113 = tpu.vector_load %arg7[%swap3A_112] {strides = array<i32>} : memref<640xf32, #tpu.memory_space<vmem>>, vector<16xf32>,
    %swap3A_114 = vector.shape_cast %swap3A_113 : vector<16xf32> to vector<16xf32>
    %swap3A_115 = vector.shape_cast %broadcast_in_dim3A_0 : vector<16xf32> to vector<16xf32>
    tpu.vector_store %arg7[%swap3A_112], %swap3A_115 {strides = array<i32>} : memref<640xf32, #tpu.memory_space<vmem>>, vector<16xf32>,
    %swap3A_116 = arith.constant 464 : index
    %swap3A_117 = tpu.vector_load %arg7[%swap3A_116] {strides = array<i32>} : memref<640xf32, #tpu.memory_space<vmem>>, vector<16xf32>,
    %swap3A_118 = vector.shape_cast %swap3A_117 : vector<16xf32> to vector<16xf32>
    %swap3A_119 = vector.shape_cast %broadcast_in_dim3A_0 : vector<16xf32> to vector<16xf32>
    tpu.vector_store %arg7[%swap3A_116], %swap3A_119 {strides = array<i32>} : memref<640xf32, #tpu.memory_space<vmem>>, vector<16xf32>,
    %swap3A_120 = arith.constant 480 : index
    %swap3A_121 = tpu.vector_load %arg7[%swap3A_120] {strides = array<i32>} : memref<640xf32, #tpu.memory_space<vmem>>, vector<16xf32>,
    %swap3A_122 = vector.shape_cast %swap3A_121 : vector<16xf32> to vector<16xf32>
    %swap3A_123 = vector.shape_cast %broadcast_in_dim3A_0 : vector<16xf32> to vector<16xf32>
    tpu.vector_store %arg7[%swap3A_120], %swap3A_123 {strides = array<i32>} : memref<640xf32, #tpu.memory_space<vmem>>, vector<16xf32>,
    %swap3A_124 = arith.constant 496 : index
    %swap3A_125 = tpu.vector_load %arg7[%swap3A_124] {strides = array<i32>} : memref<640xf32, #tpu.memory_space<vmem>>, vector<16xf32>,
    %swap3A_126 = vector.shape_cast %swap3A_125 : vector<16xf32> to vector<16xf32>
    %swap3A_127 = vector.shape_cast %broadcast_in_dim3A_0 : vector<16xf32> to vector<16xf32>
    tpu.vector_store %arg7[%swap3A_124], %swap3A_127 {strides = array<i32>} : memref<640xf32, #tpu.memory_space<vmem>>, vector<16xf32>,
    %swap3A_128 = arith.constant 512 : index
    %swap3A_129 = tpu.vector_load %arg7[%swap3A_128] {strides = array<i32>} : memref<640xf32, #tpu.memory_space<vmem>>, vector<16xf32>,
    %swap3A_130 = vector.shape_cast %swap3A_129 : vector<16xf32> to vector<16xf32>
    %swap3A_131 = vector.shape_cast %broadcast_in_dim3A_0 : vector<16xf32> to vector<16xf32>
    tpu.vector_store %arg7[%swap3A_128], %swap3A_131 {strides = array<i32>} : memref<640xf32, #tpu.memory_space<vmem>>, vector<16xf32>,
    %swap3A_132 = arith.constant 528 : index
    %swap3A_133 = tpu.vector_load %arg7[%swap3A_132] {strides = array<i32>} : memref<640xf32, #tpu.memory_space<vmem>>, vector<16xf32>,
    %swap3A_134 = vector.shape_cast %swap3A_133 : vector<16xf32> to vector<16xf32>
    %swap3A_135 = vector.shape_cast %broadcast_in_dim3A_0 : vector<16xf32> to vector<16xf32>
    tpu.vector_store %arg7[%swap3A_132], %swap3A_135 {strides = array<i32>} : memref<640xf32, #tpu.memory_space<vmem>>, vector<16xf32>,
    %swap3A_136 = arith.constant 544 : index
    %swap3A_137 = tpu.vector_load %arg7[%swap3A_136] {strides = array<i32>} : memref<640xf32, #tpu.memory_space<vmem>>, vector<16xf32>,
    %swap3A_138 = vector.shape_cast %swap3A_137 : vector<16xf32> to vector<16xf32>
    %swap3A_139 = vector.shape_cast %broadcast_in_dim3A_0 : vector<16xf32> to vector<16xf32>
    tpu.vector_store %arg7[%swap3A_136], %swap3A_139 {strides = array<i32>} : memref<640xf32, #tpu.memory_space<vmem>>, vector<16xf32>,
    %swap3A_140 = arith.constant 560 : index
    %swap3A_141 = tpu.vector_load %arg7[%swap3A_140] {strides = array<i32>} : memref<640xf32, #tpu.memory_space<vmem>>, vector<16xf32>,
    %swap3A_142 = vector.shape_cast %swap3A_141 : vector<16xf32> to vector<16xf32>
    %swap3A_143 = vector.shape_cast %broadcast_in_dim3A_0 : vector<16xf32> to vector<16xf32>
    tpu.vector_store %arg7[%swap3A_140], %swap3A_143 {strides = array<i32>} : memref<640xf32, #tpu.memory_space<vmem>>, vector<16xf32>,
    %swap3A_144 = arith.constant 576 : index
    %swap3A_145 = tpu.vector_load %arg7[%swap3A_144] {strides = array<i32>} : memref<640xf32, #tpu.memory_space<vmem>>, vector<16xf32>,
    %swap3A_146 = vector.shape_cast %swap3A_145 : vector<16xf32> to vector<16xf32>
    %swap3A_147 = vector.shape_cast %broadcast_in_dim3A_0 : vector<16xf32> to vector<16xf32>
    tpu.vector_store %arg7[%swap3A_144], %swap3A_147 {strides = array<i32>} : memref<640xf32, #tpu.memory_space<vmem>>, vector<16xf32>,
    %swap3A_148 = arith.constant 592 : index
    %swap3A_149 = tpu.vector_load %arg7[%swap3A_148] {strides = array<i32>} : memref<640xf32, #tpu.memory_space<vmem>>, vector<16xf32>,
    %swap3A_150 = vector.shape_cast %swap3A_149 : vector<16xf32> to vector<16xf32>
    %swap3A_151 = vector.shape_cast %broadcast_in_dim3A_0 : vector<16xf32> to vector<16xf32>
    tpu.vector_store %arg7[%swap3A_148], %swap3A_151 {strides = array<i32>} : memref<640xf32, #tpu.memory_space<vmem>>, vector<16xf32>,
    %swap3A_152 = arith.constant 608 : index
    %swap3A_153 = tpu.vector_load %arg7[%swap3A_152] {strides = array<i32>} : memref<640xf32, #tpu.memory_space<vmem>>, vector<16xf32>,
    %swap3A_154 = vector.shape_cast %swap3A_153 : vector<16xf32> to vector<16xf32>
    %swap3A_155 = vector.shape_cast %broadcast_in_dim3A_0 : vector<16xf32> to vector<16xf32>
    tpu.vector_store %arg7[%swap3A_152], %swap3A_155 {strides = array<i32>} : memref<640xf32, #tpu.memory_space<vmem>>, vector<16xf32>,
    %swap3A_156 = arith.constant 624 : index
    %swap3A_157 = tpu.vector_load %arg7[%swap3A_156] {strides = array<i32>} : memref<640xf32, #tpu.memory_space<vmem>>, vector<16xf32>,
    %swap3A_158 = vector.shape_cast %swap3A_157 : vector<16xf32> to vector<16xf32>
    %swap3A_159 = vector.shape_cast %broadcast_in_dim3A_0 : vector<16xf32> to vector<16xf32>
    tpu.vector_store %arg7[%swap3A_156], %swap3A_159 {strides = array<i32>} : memref<640xf32, #tpu.memory_space<vmem>>, vector<16xf32>,
    %broadcast_in_dim3A_160 = arith.constant 1.000000e+00 : f32
    %broadcast_in_dim3A_161 = vector.broadcast %broadcast_in_dim3A_160 : f32 to vector<16xf32>
    %swap3A_162 = arith.constant 0 : index
    %swap3A_163 = tpu.vector_load %arg6[%swap3A_162] {strides = array<i32>} : memref<80xf32, #tpu.memory_space<vmem>>, vector<16xf32>,
    %swap3A_164 = vector.shape_cast %swap3A_163 : vector<16xf32> to vector<16xf32>
    %swap3A_165 = vector.shape_cast %broadcast_in_dim3A_161 : vector<16xf32> to vector<16xf32>
    tpu.vector_store %arg6[%swap3A_162], %swap3A_165 {strides = array<i32>} : memref<80xf32, #tpu.memory_space<vmem>>, vector<16xf32>,
    %swap3A_166 = arith.constant 16 : index
    %swap3A_167 = tpu.vector_load %arg6[%swap3A_166] {strides = array<i32>} : memref<80xf32, #tpu.memory_space<vmem>>, vector<16xf32>,
    %swap3A_168 = vector.shape_cast %swap3A_167 : vector<16xf32> to vector<16xf32>
    %swap3A_169 = vector.shape_cast %broadcast_in_dim3A_161 : vector<16xf32> to vector<16xf32>
    tpu.vector_store %arg6[%swap3A_166], %swap3A_169 {strides = array<i32>} : memref<80xf32, #tpu.memory_space<vmem>>, vector<16xf32>,
    %swap3A_170 = arith.constant 32 : index
    %swap3A_171 = tpu.vector_load %arg6[%swap3A_170] {strides = array<i32>} : memref<80xf32, #tpu.memory_space<vmem>>, vector<16xf32>,
    %swap3A_172 = vector.shape_cast %swap3A_171 : vector<16xf32> to vector<16xf32>
    %swap3A_173 = vector.shape_cast %broadcast_in_dim3A_161 : vector<16xf32> to vector<16xf32>
    tpu.vector_store %arg6[%swap3A_170], %swap3A_173 {strides = array<i32>} : memref<80xf32, #tpu.memory_space<vmem>>, vector<16xf32>,
    %swap3A_174 = arith.constant 48 : index
    %swap3A_175 = tpu.vector_load %arg6[%swap3A_174] {strides = array<i32>} : memref<80xf32, #tpu.memory_space<vmem>>, vector<16xf32>,
    %swap3A_176 = vector.shape_cast %swap3A_175 : vector<16xf32> to vector<16xf32>
    %swap3A_177 = vector.shape_cast %broadcast_in_dim3A_161 : vector<16xf32> to vector<16xf32>
    tpu.vector_store %arg6[%swap3A_174], %swap3A_177 {strides = array<i32>} : memref<80xf32, #tpu.memory_space<vmem>>, vector<16xf32>,
    %swap3A_178 = arith.constant 64 : index
    %swap3A_179 = tpu.vector_load %arg6[%swap3A_178] {strides = array<i32>} : memref<80xf32, #tpu.memory_space<vmem>>, vector<16xf32>,
    %swap3A_180 = vector.shape_cast %swap3A_179 : vector<16xf32> to vector<16xf32>
    %swap3A_181 = vector.shape_cast %broadcast_in_dim3A_161 : vector<16xf32> to vector<16xf32>
    tpu.vector_store %arg6[%swap3A_178], %swap3A_181 {strides = array<i32>} : memref<80xf32, #tpu.memory_space<vmem>>, vector<16xf32>,
    %lt3A = arith.constant 15 : i32
    %lt3A_182 = arith.cmpi slt, %arg1, %lt3A : i32
    %convert_element_type3A = arith.extui %lt3A_182 : i1 to i32
    %cond3A = arith.constant 0 : i32
    %cond3A_183 = arith.cmpi ne, %convert_element_type3A, %cond3A : i32
    scf.if %cond3A_183 {
      %mul3A_205 = arith.constant 640 : i32
      %mul3A_206 = arith.muli %arg1, %mul3A_205 : i32
      "tpu.region"() ({
        %run_scoped3A = tpu.sem_alloc : memref<!tpu.dma_semaphore, #tpu.memory_space<semaphore_mem>>
        %dma_start3A = tpu.memref_slice %arg9[%mul3A_206] : memref<10000xf32, #tpu.memory_space<vmem_shared>> -> memref<640xf32, #tpu.memory_space<vmem_shared>>
        %dma_start3A_207 = tpu.memref_slice %arg9[%mul3A_206] : memref<10000xf32, #tpu.memory_space<vmem_shared>> -> memref<640xf32, #tpu.memory_space<vmem_shared>>
        tpu.enqueue_dma source(%arg7 : memref<640xf32, #tpu.memory_space<vmem>>) target(%dma_start3A_207 : memref<640xf32, #tpu.memory_space<vmem_shared>>) target_semaphore(%run_scoped3A : memref<!tpu.dma_semaphore, #tpu.memory_space<semaphore_mem>>)
        %dma_wait3A = tpu.memref_slice %arg9[%mul3A_206] : memref<10000xf32, #tpu.memory_space<vmem_shared>> -> memref<640xf32, #tpu.memory_space<vmem_shared>>
        %dma_wait3A_208 = tpu.memref_slice %arg9[%mul3A_206] : memref<10000xf32, #tpu.memory_space<vmem_shared>> -> memref<640xf32, #tpu.memory_space<vmem_shared>>
        tpu.wait_dma2 semaphore(%run_scoped3A : memref<!tpu.dma_semaphore, #tpu.memory_space<semaphore_mem>>) src(%arg7 : memref<640xf32, #tpu.memory_space<vmem>>) dst(%dma_wait3A_208 : memref<640xf32, #tpu.memory_space<vmem_shared>>)
        tpu.yield
      }) : () -> ()
    } else {
    }
    %eq3A = arith.constant 15 : i32
    %eq3A_184 = arith.cmpi eq, %arg1, %eq3A : i32
    %convert_element_type3A_185 = arith.extui %eq3A_184 : i1 to i32
    %cond3A_186 = arith.constant 0 : i32
    %cond3A_187 = arith.cmpi ne, %convert_element_type3A_185, %cond3A_186 : i32
    scf.if %cond3A_187 {
      "tpu.region"() ({
        %run_scoped3A = tpu.sem_alloc : memref<!tpu.dma_semaphore, #tpu.memory_space<semaphore_mem>>
        %dma_start3A = arith.constant 0 : i32
        %dma_start3A_205 = tpu.memref_slice %arg7[%dma_start3A] : memref<640xf32, #tpu.memory_space<vmem>> -> memref<400xf32, #tpu.memory_space<vmem>>
        %dma_start3A_206 = arith.constant 9600 : i32
        %dma_start3A_207 = tpu.memref_slice %arg9[%dma_start3A_206] : memref<10000xf32, #tpu.memory_space<vmem_shared>> -> memref<400xf32, #tpu.memory_space<vmem_shared>>
        %dma_start3A_208 = arith.constant 9600 : i32
        %dma_start3A_209 = tpu.memref_slice %arg9[%dma_start3A_208] : memref<10000xf32, #tpu.memory_space<vmem_shared>> -> memref<400xf32, #tpu.memory_space<vmem_shared>>
        %dma_start3A_210 = arith.constant 0 : i32
        %dma_start3A_211 = tpu.memref_slice %arg7[%dma_start3A_210] : memref<640xf32, #tpu.memory_space<vmem>> -> memref<400xf32, #tpu.memory_space<vmem>>
        tpu.enqueue_dma source(%dma_start3A_211 : memref<400xf32, #tpu.memory_space<vmem>>) target(%dma_start3A_209 : memref<400xf32, #tpu.memory_space<vmem_shared>>) target_semaphore(%run_scoped3A : memref<!tpu.dma_semaphore, #tpu.memory_space<semaphore_mem>>)
        %dma_wait3A = arith.constant 0 : i32
        %dma_wait3A_212 = tpu.memref_slice %arg7[%dma_wait3A] : memref<640xf32, #tpu.memory_space<vmem>> -> memref<400xf32, #tpu.memory_space<vmem>>
        %dma_wait3A_213 = arith.constant 9600 : i32
        %dma_wait3A_214 = tpu.memref_slice %arg9[%dma_wait3A_213] : memref<10000xf32, #tpu.memory_space<vmem_shared>> -> memref<400xf32, #tpu.memory_space<vmem_shared>>
        %dma_wait3A_215 = arith.constant 9600 : i32
        %dma_wait3A_216 = tpu.memref_slice %arg9[%dma_wait3A_215] : memref<10000xf32, #tpu.memory_space<vmem_shared>> -> memref<400xf32, #tpu.memory_space<vmem_shared>>
        %dma_wait3A_217 = arith.constant 0 : i32
        %dma_wait3A_218 = tpu.memref_slice %arg7[%dma_wait3A_217] : memref<640xf32, #tpu.memory_space<vmem>> -> memref<400xf32, #tpu.memory_space<vmem>>
        tpu.wait_dma2 semaphore(%run_scoped3A : memref<!tpu.dma_semaphore, #tpu.memory_space<semaphore_mem>>) src(%dma_wait3A_218 : memref<400xf32, #tpu.memory_space<vmem>>) dst(%dma_wait3A_216 : memref<400xf32, #tpu.memory_space<vmem_shared>>)
        tpu.yield
      }) : () -> ()
    } else {
    }
    %barrier3A = arith.constant 0 : index
    tpu.barrier barrier_id(%barrier3A)
    %mul3A = arith.constant 16 : i32
    %mul3A_188 = arith.muli %arg0, %mul3A : i32
    %add3A = arith.addi %mul3A_188, %arg1 : i32
    %scan3A = arith.constant 0 : i32
    %scan3A_189 = arith.constant 0 : i32
    %scan3A_190 = arith.constant 5 : i32
    %scan3A_191 = arith.addi %scan3A_189, %scan3A_190 : i32
    %scan3A_192 = arith.constant 1 : i32
    scf.for %scan3A_205 = %scan3A_189 to %scan3A_191 step %scan3A_192  : i32 {
      %run_scoped3A = arith.constant 1 : i32
      "tpu.region"() ({
        %run_scoped3A_217 = tpu.sem_alloc : memref<!tpu.dma_semaphore, #tpu.memory_space<semaphore_mem>>
        %dma_start3A = arith.constant 0 : i32
        %dma_start3A_218 = arith.constant 0 : i32
        %dma_start3A_219 = tpu.memref_slice %arg2[%run_scoped3A, %add3A, %scan3A_205, %dma_start3A, %dma_start3A_218] : memref<2x32x5x25x80xi32, #tpu.memory_space<hbm>> -> memref<1x1x1x25x80xi32, #tpu.memory_space<hbm>>
        %dma_start3A_220 = tpu.memref_squeeze %dma_start3A_219 : memref<1x1x1x25x80xi32, #tpu.memory_space<hbm>> -> memref<25x80xi32, #tpu.memory_space<hbm>>
        %dma_start3A_221 = arith.constant 0 : i32
        %dma_start3A_222 = arith.constant 0 : i32
        %dma_start3A_223 = tpu.memref_slice %arg2[%run_scoped3A, %add3A, %scan3A_205, %dma_start3A_221, %dma_start3A_222] : memref<2x32x5x25x80xi32, #tpu.memory_space<hbm>> -> memref<1x1x1x25x80xi32, #tpu.memory_space<hbm>>
        %dma_start3A_224 = tpu.memref_squeeze %dma_start3A_223 : memref<1x1x1x25x80xi32, #tpu.memory_space<hbm>> -> memref<25x80xi32, #tpu.memory_space<hbm>>
        tpu.enqueue_dma source(%dma_start3A_224 : memref<25x80xi32, #tpu.memory_space<hbm>>) target(%arg5 : memref<25x80xi32, #tpu.memory_space<vmem>>) target_semaphore(%run_scoped3A_217 : memref<!tpu.dma_semaphore, #tpu.memory_space<semaphore_mem>>)
        %dma_wait3A = arith.constant 0 : i32
        %dma_wait3A_225 = arith.constant 0 : i32
        %dma_wait3A_226 = tpu.memref_slice %arg2[%run_scoped3A, %add3A, %scan3A_205, %dma_wait3A, %dma_wait3A_225] : memref<2x32x5x25x80xi32, #tpu.memory_space<hbm>> -> memref<1x1x1x25x80xi32, #tpu.memory_space<hbm>>
        %dma_wait3A_227 = tpu.memref_squeeze %dma_wait3A_226 : memref<1x1x1x25x80xi32, #tpu.memory_space<hbm>> -> memref<25x80xi32, #tpu.memory_space<hbm>>
        %dma_wait3A_228 = arith.constant 0 : i32
        %dma_wait3A_229 = arith.constant 0 : i32
        %dma_wait3A_230 = tpu.memref_slice %arg2[%run_scoped3A, %add3A, %scan3A_205, %dma_wait3A_228, %dma_wait3A_229] : memref<2x32x5x25x80xi32, #tpu.memory_space<hbm>> -> memref<1x1x1x25x80xi32, #tpu.memory_space<hbm>>
        %dma_wait3A_231 = tpu.memref_squeeze %dma_wait3A_230 : memref<1x1x1x25x80xi32, #tpu.memory_space<hbm>> -> memref<25x80xi32, #tpu.memory_space<hbm>>
        tpu.wait_dma2 semaphore(%run_scoped3A_217 : memref<!tpu.dma_semaphore, #tpu.memory_space<semaphore_mem>>) src(%dma_wait3A_231 : memref<25x80xi32, #tpu.memory_space<hbm>>) dst(%arg5 : memref<25x80xi32, #tpu.memory_space<vmem>>)
        tpu.yield
      }) : () -> ()
      %scan3A_206 = arith.constant 0 : i32
      %scan3A_207 = arith.constant 0 : i32
      %scan3A_208 = arith.constant 25 : i32
      %scan3A_209 = arith.addi %scan3A_207, %scan3A_208 : i32
      %scan3A_210 = arith.constant 1 : i32
      scf.for %scan3A_217 = %scan3A_207 to %scan3A_209 step %scan3A_210  : i32 {
        %dma_start3A = arith.constant 0 : i32
        %dma_start3A_218 = tpu.memref_slice %arg5[%scan3A_217, %dma_start3A] : memref<25x80xi32, #tpu.memory_space<vmem>> -> memref<1x80xi32, #tpu.memory_space<vmem>>
        %dma_start3A_219 = tpu.memref_squeeze %dma_start3A_218 : memref<1x80xi32, #tpu.memory_space<vmem>> -> memref<80xi32, #tpu.memory_space<vmem>>
        %dma_start3A_220 = arith.constant 0 : i32
        %dma_start3A_221 = tpu.memref_slice %arg9[%dma_start3A_220] : memref<10000xf32, #tpu.memory_space<vmem_shared>> -> memref<10000xf32, #tpu.memory_space<vmem_shared>>
        tpu.enqueue_indirect_dma source(%arg6 : memref<80xf32, #tpu.memory_space<vmem>>) target(%dma_start3A_221 : memref<10000xf32, #tpu.memory_space<vmem_shared>>) offsets(%dma_start3A_219 : memref<80xi32, #tpu.memory_space<vmem>>) semaphore(%arg8 : memref<!tpu.dma_semaphore, #tpu.memory_space<semaphore_mem>>) {add = true}
      }
      %scan3A_211 = arith.constant 25 : i32
      %scan3A_212 = arith.constant 0 : i32
      %scan3A_213 = arith.constant 25 : i32
      %scan3A_214 = arith.addi %scan3A_212, %scan3A_213 : i32
      %scan3A_215 = arith.constant 1 : i32
      scf.for %scan3A_217 = %scan3A_212 to %scan3A_214 step %scan3A_215  : i32 {
        %dma_wait3A = arith.constant 0 : i32
        %dma_wait3A_218 = tpu.memref_slice %arg5[%scan3A_217, %dma_wait3A] : memref<25x80xi32, #tpu.memory_space<vmem>> -> memref<1x80xi32, #tpu.memory_space<vmem>>
        %dma_wait3A_219 = tpu.memref_squeeze %dma_wait3A_218 : memref<1x80xi32, #tpu.memory_space<vmem>> -> memref<80xi32, #tpu.memory_space<vmem>>
        %dma_wait3A_220 = arith.constant 0 : i32
        %dma_wait3A_221 = tpu.memref_slice %arg9[%dma_wait3A_220] : memref<10000xf32, #tpu.memory_space<vmem_shared>> -> memref<10000xf32, #tpu.memory_space<vmem_shared>>
        tpu.wait_indirect_dma semaphore(%arg8 : memref<!tpu.dma_semaphore, #tpu.memory_space<semaphore_mem>>) src(%arg6 : memref<80xf32, #tpu.memory_space<vmem>>) dst(%dma_wait3A_221 : memref<10000xf32, #tpu.memory_space<vmem_shared>>)
      }
      %scan3A_216 = arith.constant 25 : i32
    }
    %scan3A_193 = arith.constant 5 : i32
    %barrier3A_194 = arith.constant 0 : index
    tpu.barrier barrier_id(%barrier3A_194)
    %eq3A_195 = arith.constant 0 : i32
    %eq3A_196 = arith.cmpi eq, %arg0, %eq3A_195 : i32
    %convert_element_type3A_197 = arith.extui %eq3A_196 : i1 to i32
    %cond3A_198 = arith.constant 0 : i32
    %cond3A_199 = arith.cmpi ne, %convert_element_type3A_197, %cond3A_198 : i32
    scf.if %cond3A_199 {
      %lt3A_205 = arith.constant 15 : i32
      %lt3A_206 = arith.cmpi slt, %arg1, %lt3A_205 : i32
      %convert_element_type3A_207 = arith.extui %lt3A_206 : i1 to i32
      %cond3A_208 = arith.constant 0 : i32
      %cond3A_209 = arith.cmpi ne, %convert_element_type3A_207, %cond3A_208 : i32
      scf.if %cond3A_209 {
        %mul3A_215 = arith.constant 640 : i32
        %mul3A_216 = arith.muli %arg1, %mul3A_215 : i32
        "tpu.region"() ({
          %run_scoped3A = tpu.sem_alloc : memref<!tpu.dma_semaphore, #tpu.memory_space<semaphore_mem>>
          %dma_start3A = tpu.memref_slice %arg9[%mul3A_216] : memref<10000xf32, #tpu.memory_space<vmem_shared>> -> memref<640xf32, #tpu.memory_space<vmem_shared>>
          %dma_start3A_219 = tpu.memref_slice %arg9[%mul3A_216] : memref<10000xf32, #tpu.memory_space<vmem_shared>> -> memref<640xf32, #tpu.memory_space<vmem_shared>>
          tpu.enqueue_dma source(%dma_start3A_219 : memref<640xf32, #tpu.memory_space<vmem_shared>>) target(%arg7 : memref<640xf32, #tpu.memory_space<vmem>>) target_semaphore(%run_scoped3A : memref<!tpu.dma_semaphore, #tpu.memory_space<semaphore_mem>>)
          %dma_wait3A = tpu.memref_slice %arg9[%mul3A_216] : memref<10000xf32, #tpu.memory_space<vmem_shared>> -> memref<640xf32, #tpu.memory_space<vmem_shared>>
          %dma_wait3A_220 = tpu.memref_slice %arg9[%mul3A_216] : memref<10000xf32, #tpu.memory_space<vmem_shared>> -> memref<640xf32, #tpu.memory_space<vmem_shared>>
          tpu.wait_dma2 semaphore(%run_scoped3A : memref<!tpu.dma_semaphore, #tpu.memory_space<semaphore_mem>>) src(%dma_wait3A_220 : memref<640xf32, #tpu.memory_space<vmem_shared>>) dst(%arg7 : memref<640xf32, #tpu.memory_space<vmem>>)
          tpu.yield
        }) : () -> ()
        %mul3A_217 = arith.constant 640 : i32
        %mul3A_218 = arith.muli %arg1, %mul3A_217 : i32
        "tpu.region"() ({
          %run_scoped3A = tpu.sem_alloc : memref<!tpu.dma_semaphore, #tpu.memory_space<semaphore_mem>>
          %dma_start3A = tpu.memref_slice %arg3[%mul3A_218] : memref<10000xf32, #tpu.memory_space<hbm>> -> memref<640xf32, #tpu.memory_space<hbm>>
          %dma_start3A_219 = tpu.memref_slice %arg3[%mul3A_218] : memref<10000xf32, #tpu.memory_space<hbm>> -> memref<640xf32, #tpu.memory_space<hbm>>
          tpu.enqueue_dma source(%arg7 : memref<640xf32, #tpu.memory_space<vmem>>) target(%dma_start3A_219 : memref<640xf32, #tpu.memory_space<hbm>>) target_semaphore(%run_scoped3A : memref<!tpu.dma_semaphore, #tpu.memory_space<semaphore_mem>>)
          %dma_wait3A = tpu.memref_slice %arg3[%mul3A_218] : memref<10000xf32, #tpu.memory_space<hbm>> -> memref<640xf32, #tpu.memory_space<hbm>>
          %dma_wait3A_220 = tpu.memref_slice %arg3[%mul3A_218] : memref<10000xf32, #tpu.memory_space<hbm>> -> memref<640xf32, #tpu.memory_space<hbm>>
          tpu.wait_dma2 semaphore(%run_scoped3A : memref<!tpu.dma_semaphore, #tpu.memory_space<semaphore_mem>>) src(%arg7 : memref<640xf32, #tpu.memory_space<vmem>>) dst(%dma_wait3A_220 : memref<640xf32, #tpu.memory_space<hbm>>)
          tpu.yield
        }) : () -> ()
      } else {
      }
      %eq3A_210 = arith.constant 15 : i32
      %eq3A_211 = arith.cmpi eq, %arg1, %eq3A_210 : i32
      %convert_element_type3A_212 = arith.extui %eq3A_211 : i1 to i32
      %cond3A_213 = arith.constant 0 : i32
      %cond3A_214 = arith.cmpi ne, %convert_element_type3A_212, %cond3A_213 : i32
      scf.if %cond3A_214 {
        "tpu.region"() ({
          %run_scoped3A = tpu.sem_alloc : memref<!tpu.dma_semaphore, #tpu.memory_space<semaphore_mem>>
          %dma_start3A = arith.constant 0 : i32
          %dma_start3A_215 = tpu.memref_slice %arg7[%dma_start3A] : memref<640xf32, #tpu.memory_space<vmem>> -> memref<400xf32, #tpu.memory_space<vmem>>
          %dma_start3A_216 = arith.constant 9600 : i32
          %dma_start3A_217 = tpu.memref_slice %arg9[%dma_start3A_216] : memref<10000xf32, #tpu.memory_space<vmem_shared>> -> memref<400xf32, #tpu.memory_space<vmem_shared>>
          %dma_start3A_218 = arith.constant 0 : i32
          %dma_start3A_219 = tpu.memref_slice %arg7[%dma_start3A_218] : memref<640xf32, #tpu.memory_space<vmem>> -> memref<400xf32, #tpu.memory_space<vmem>>
          %dma_start3A_220 = arith.constant 9600 : i32
          %dma_start3A_221 = tpu.memref_slice %arg9[%dma_start3A_220] : memref<10000xf32, #tpu.memory_space<vmem_shared>> -> memref<400xf32, #tpu.memory_space<vmem_shared>>
          tpu.enqueue_dma source(%dma_start3A_221 : memref<400xf32, #tpu.memory_space<vmem_shared>>) target(%dma_start3A_219 : memref<400xf32, #tpu.memory_space<vmem>>) target_semaphore(%run_scoped3A : memref<!tpu.dma_semaphore, #tpu.memory_space<semaphore_mem>>)
          %dma_wait3A = arith.constant 0 : i32
          %dma_wait3A_222 = tpu.memref_slice %arg7[%dma_wait3A] : memref<640xf32, #tpu.memory_space<vmem>> -> memref<400xf32, #tpu.memory_space<vmem>>
          %dma_wait3A_223 = arith.constant 9600 : i32
          %dma_wait3A_224 = tpu.memref_slice %arg9[%dma_wait3A_223] : memref<10000xf32, #tpu.memory_space<vmem_shared>> -> memref<400xf32, #tpu.memory_space<vmem_shared>>
          %dma_wait3A_225 = arith.constant 0 : i32
          %dma_wait3A_226 = tpu.memref_slice %arg7[%dma_wait3A_225] : memref<640xf32, #tpu.memory_space<vmem>> -> memref<400xf32, #tpu.memory_space<vmem>>
          %dma_wait3A_227 = arith.constant 9600 : i32
          %dma_wait3A_228 = tpu.memref_slice %arg9[%dma_wait3A_227] : memref<10000xf32, #tpu.memory_space<vmem_shared>> -> memref<400xf32, #tpu.memory_space<vmem_shared>>
          tpu.wait_dma2 semaphore(%run_scoped3A : memref<!tpu.dma_semaphore, #tpu.memory_space<semaphore_mem>>) src(%dma_wait3A_228 : memref<400xf32, #tpu.memory_space<vmem_shared>>) dst(%dma_wait3A_226 : memref<400xf32, #tpu.memory_space<vmem>>)
          tpu.yield
        }) : () -> ()
        "tpu.region"() ({
          %run_scoped3A = tpu.sem_alloc : memref<!tpu.dma_semaphore, #tpu.memory_space<semaphore_mem>>
          %dma_start3A = arith.constant 0 : i32
          %dma_start3A_215 = tpu.memref_slice %arg7[%dma_start3A] : memref<640xf32, #tpu.memory_space<vmem>> -> memref<400xf32, #tpu.memory_space<vmem>>
          %dma_start3A_216 = arith.constant 9600 : i32
          %dma_start3A_217 = tpu.memref_slice %arg3[%dma_start3A_216] : memref<10000xf32, #tpu.memory_space<hbm>> -> memref<400xf32, #tpu.memory_space<hbm>>
          %dma_start3A_218 = arith.constant 9600 : i32
          %dma_start3A_219 = tpu.memref_slice %arg3[%dma_start3A_218] : memref<10000xf32, #tpu.memory_space<hbm>> -> memref<400xf32, #tpu.memory_space<hbm>>
          %dma_start3A_220 = arith.constant 0 : i32
          %dma_start3A_221 = tpu.memref_slice %arg7[%dma_start3A_220] : memref<640xf32, #tpu.memory_space<vmem>> -> memref<400xf32, #tpu.memory_space<vmem>>
          tpu.enqueue_dma source(%dma_start3A_221 : memref<400xf32, #tpu.memory_space<vmem>>) target(%dma_start3A_219 : memref<400xf32, #tpu.memory_space<hbm>>) target_semaphore(%run_scoped3A : memref<!tpu.dma_semaphore, #tpu.memory_space<semaphore_mem>>)
          %dma_wait3A = arith.constant 0 : i32
          %dma_wait3A_222 = tpu.memref_slice %arg7[%dma_wait3A] : memref<640xf32, #tpu.memory_space<vmem>> -> memref<400xf32, #tpu.memory_space<vmem>>
          %dma_wait3A_223 = arith.constant 9600 : i32
          %dma_wait3A_224 = tpu.memref_slice %arg3[%dma_wait3A_223] : memref<10000xf32, #tpu.memory_space<hbm>> -> memref<400xf32, #tpu.memory_space<hbm>>
          %dma_wait3A_225 = arith.constant 9600 : i32
          %dma_wait3A_226 = tpu.memref_slice %arg3[%dma_wait3A_225] : memref<10000xf32, #tpu.memory_space<hbm>> -> memref<400xf32, #tpu.memory_space<hbm>>
          %dma_wait3A_227 = arith.constant 0 : i32
          %dma_wait3A_228 = tpu.memref_slice %arg7[%dma_wait3A_227] : memref<640xf32, #tpu.memory_space<vmem>> -> memref<400xf32, #tpu.memory_space<vmem>>
          tpu.wait_dma2 semaphore(%run_scoped3A : memref<!tpu.dma_semaphore, #tpu.memory_space<semaphore_mem>>) src(%dma_wait3A_228 : memref<400xf32, #tpu.memory_space<vmem>>) dst(%dma_wait3A_226 : memref<400xf32, #tpu.memory_space<hbm>>)
          tpu.yield
        }) : () -> ()
      } else {
      }
    } else {
    }
    %eq3A_200 = arith.constant 1 : i32
    %eq3A_201 = arith.cmpi eq, %arg0, %eq3A_200 : i32
    %convert_element_type3A_202 = arith.extui %eq3A_201 : i1 to i32
    %cond3A_203 = arith.constant 0 : i32
    %cond3A_204 = arith.cmpi ne, %convert_element_type3A_202, %cond3A_203 : i32
    scf.if %cond3A_204 {
      %lt3A_205 = arith.constant 15 : i32
      %lt3A_206 = arith.cmpi slt, %arg1, %lt3A_205 : i32
      %convert_element_type3A_207 = arith.extui %lt3A_206 : i1 to i32
      %cond3A_208 = arith.constant 0 : i32
      %cond3A_209 = arith.cmpi ne, %convert_element_type3A_207, %cond3A_208 : i32
      scf.if %cond3A_209 {
        %mul3A_215 = arith.constant 640 : i32
        %mul3A_216 = arith.muli %arg1, %mul3A_215 : i32
        "tpu.region"() ({
          %run_scoped3A = tpu.sem_alloc : memref<!tpu.dma_semaphore, #tpu.memory_space<semaphore_mem>>
          %dma_start3A = tpu.memref_slice %arg9[%mul3A_216] : memref<10000xf32, #tpu.memory_space<vmem_shared>> -> memref<640xf32, #tpu.memory_space<vmem_shared>>
          %dma_start3A_219 = tpu.memref_slice %arg9[%mul3A_216] : memref<10000xf32, #tpu.memory_space<vmem_shared>> -> memref<640xf32, #tpu.memory_space<vmem_shared>>
          tpu.enqueue_dma source(%dma_start3A_219 : memref<640xf32, #tpu.memory_space<vmem_shared>>) target(%arg7 : memref<640xf32, #tpu.memory_space<vmem>>) target_semaphore(%run_scoped3A : memref<!tpu.dma_semaphore, #tpu.memory_space<semaphore_mem>>)
          %dma_wait3A = tpu.memref_slice %arg9[%mul3A_216] : memref<10000xf32, #tpu.memory_space<vmem_shared>> -> memref<640xf32, #tpu.memory_space<vmem_shared>>
          %dma_wait3A_220 = tpu.memref_slice %arg9[%mul3A_216] : memref<10000xf32, #tpu.memory_space<vmem_shared>> -> memref<640xf32, #tpu.memory_space<vmem_shared>>
          tpu.wait_dma2 semaphore(%run_scoped3A : memref<!tpu.dma_semaphore, #tpu.memory_space<semaphore_mem>>) src(%dma_wait3A_220 : memref<640xf32, #tpu.memory_space<vmem_shared>>) dst(%arg7 : memref<640xf32, #tpu.memory_space<vmem>>)
          tpu.yield
        }) : () -> ()
        %mul3A_217 = arith.constant 640 : i32
        %mul3A_218 = arith.muli %arg1, %mul3A_217 : i32
        "tpu.region"() ({
          %run_scoped3A = tpu.sem_alloc : memref<!tpu.dma_semaphore, #tpu.memory_space<semaphore_mem>>
          %dma_start3A = tpu.memref_slice %arg4[%mul3A_218] : memref<10000xf32, #tpu.memory_space<hbm>> -> memref<640xf32, #tpu.memory_space<hbm>>
          %dma_start3A_219 = tpu.memref_slice %arg4[%mul3A_218] : memref<10000xf32, #tpu.memory_space<hbm>> -> memref<640xf32, #tpu.memory_space<hbm>>
          tpu.enqueue_dma source(%arg7 : memref<640xf32, #tpu.memory_space<vmem>>) target(%dma_start3A_219 : memref<640xf32, #tpu.memory_space<hbm>>) target_semaphore(%run_scoped3A : memref<!tpu.dma_semaphore, #tpu.memory_space<semaphore_mem>>)
          %dma_wait3A = tpu.memref_slice %arg4[%mul3A_218] : memref<10000xf32, #tpu.memory_space<hbm>> -> memref<640xf32, #tpu.memory_space<hbm>>
          %dma_wait3A_220 = tpu.memref_slice %arg4[%mul3A_218] : memref<10000xf32, #tpu.memory_space<hbm>> -> memref<640xf32, #tpu.memory_space<hbm>>
          tpu.wait_dma2 semaphore(%run_scoped3A : memref<!tpu.dma_semaphore, #tpu.memory_space<semaphore_mem>>) src(%arg7 : memref<640xf32, #tpu.memory_space<vmem>>) dst(%dma_wait3A_220 : memref<640xf32, #tpu.memory_space<hbm>>)
          tpu.yield
        }) : () -> ()
      } else {
      }
      %eq3A_210 = arith.constant 15 : i32
      %eq3A_211 = arith.cmpi eq, %arg1, %eq3A_210 : i32
      %convert_element_type3A_212 = arith.extui %eq3A_211 : i1 to i32
      %cond3A_213 = arith.constant 0 : i32
      %cond3A_214 = arith.cmpi ne, %convert_element_type3A_212, %cond3A_213 : i32
      scf.if %cond3A_214 {
        "tpu.region"() ({
          %run_scoped3A = tpu.sem_alloc : memref<!tpu.dma_semaphore, #tpu.memory_space<semaphore_mem>>
          %dma_start3A = arith.constant 0 : i32
          %dma_start3A_215 = tpu.memref_slice %arg7[%dma_start3A] : memref<640xf32, #tpu.memory_space<vmem>> -> memref<400xf32, #tpu.memory_space<vmem>>
          %dma_start3A_216 = arith.constant 9600 : i32
          %dma_start3A_217 = tpu.memref_slice %arg9[%dma_start3A_216] : memref<10000xf32, #tpu.memory_space<vmem_shared>> -> memref<400xf32, #tpu.memory_space<vmem_shared>>
          %dma_start3A_218 = arith.constant 0 : i32
          %dma_start3A_219 = tpu.memref_slice %arg7[%dma_start3A_218] : memref<640xf32, #tpu.memory_space<vmem>> -> memref<400xf32, #tpu.memory_space<vmem>>
          %dma_start3A_220 = arith.constant 9600 : i32
          %dma_start3A_221 = tpu.memref_slice %arg9[%dma_start3A_220] : memref<10000xf32, #tpu.memory_space<vmem_shared>> -> memref<400xf32, #tpu.memory_space<vmem_shared>>
          tpu.enqueue_dma source(%dma_start3A_221 : memref<400xf32, #tpu.memory_space<vmem_shared>>) target(%dma_start3A_219 : memref<400xf32, #tpu.memory_space<vmem>>) target_semaphore(%run_scoped3A : memref<!tpu.dma_semaphore, #tpu.memory_space<semaphore_mem>>)
          %dma_wait3A = arith.constant 0 : i32
          %dma_wait3A_222 = tpu.memref_slice %arg7[%dma_wait3A] : memref<640xf32, #tpu.memory_space<vmem>> -> memref<400xf32, #tpu.memory_space<vmem>>
          %dma_wait3A_223 = arith.constant 9600 : i32
          %dma_wait3A_224 = tpu.memref_slice %arg9[%dma_wait3A_223] : memref<10000xf32, #tpu.memory_space<vmem_shared>> -> memref<400xf32, #tpu.memory_space<vmem_shared>>
          %dma_wait3A_225 = arith.constant 0 : i32
          %dma_wait3A_226 = tpu.memref_slice %arg7[%dma_wait3A_225] : memref<640xf32, #tpu.memory_space<vmem>> -> memref<400xf32, #tpu.memory_space<vmem>>
          %dma_wait3A_227 = arith.constant 9600 : i32
          %dma_wait3A_228 = tpu.memref_slice %arg9[%dma_wait3A_227] : memref<10000xf32, #tpu.memory_space<vmem_shared>> -> memref<400xf32, #tpu.memory_space<vmem_shared>>
          tpu.wait_dma2 semaphore(%run_scoped3A : memref<!tpu.dma_semaphore, #tpu.memory_space<semaphore_mem>>) src(%dma_wait3A_228 : memref<400xf32, #tpu.memory_space<vmem_shared>>) dst(%dma_wait3A_226 : memref<400xf32, #tpu.memory_space<vmem>>)
          tpu.yield
        }) : () -> ()
        "tpu.region"() ({
          %run_scoped3A = tpu.sem_alloc : memref<!tpu.dma_semaphore, #tpu.memory_space<semaphore_mem>>
          %dma_start3A = arith.constant 0 : i32
          %dma_start3A_215 = tpu.memref_slice %arg7[%dma_start3A] : memref<640xf32, #tpu.memory_space<vmem>> -> memref<400xf32, #tpu.memory_space<vmem>>
          %dma_start3A_216 = arith.constant 9600 : i32
          %dma_start3A_217 = tpu.memref_slice %arg4[%dma_start3A_216] : memref<10000xf32, #tpu.memory_space<hbm>> -> memref<400xf32, #tpu.memory_space<hbm>>
          %dma_start3A_218 = arith.constant 9600 : i32
          %dma_start3A_219 = tpu.memref_slice %arg4[%dma_start3A_218] : memref<10000xf32, #tpu.memory_space<hbm>> -> memref<400xf32, #tpu.memory_space<hbm>>
          %dma_start3A_220 = arith.constant 0 : i32
          %dma_start3A_221 = tpu.memref_slice %arg7[%dma_start3A_220] : memref<640xf32, #tpu.memory_space<vmem>> -> memref<400xf32, #tpu.memory_space<vmem>>
          tpu.enqueue_dma source(%dma_start3A_221 : memref<400xf32, #tpu.memory_space<vmem>>) target(%dma_start3A_219 : memref<400xf32, #tpu.memory_space<hbm>>) target_semaphore(%run_scoped3A : memref<!tpu.dma_semaphore, #tpu.memory_space<semaphore_mem>>)
          %dma_wait3A = arith.constant 0 : i32
          %dma_wait3A_222 = tpu.memref_slice %arg7[%dma_wait3A] : memref<640xf32, #tpu.memory_space<vmem>> -> memref<400xf32, #tpu.memory_space<vmem>>
          %dma_wait3A_223 = arith.constant 9600 : i32
          %dma_wait3A_224 = tpu.memref_slice %arg4[%dma_wait3A_223] : memref<10000xf32, #tpu.memory_space<hbm>> -> memref<400xf32, #tpu.memory_space<hbm>>
          %dma_wait3A_225 = arith.constant 9600 : i32
          %dma_wait3A_226 = tpu.memref_slice %arg4[%dma_wait3A_225] : memref<10000xf32, #tpu.memory_space<hbm>> -> memref<400xf32, #tpu.memory_space<hbm>>
          %dma_wait3A_227 = arith.constant 0 : i32
          %dma_wait3A_228 = tpu.memref_slice %arg7[%dma_wait3A_227] : memref<640xf32, #tpu.memory_space<vmem>> -> memref<400xf32, #tpu.memory_space<vmem>>
          tpu.wait_dma2 semaphore(%run_scoped3A : memref<!tpu.dma_semaphore, #tpu.memory_space<semaphore_mem>>) src(%dma_wait3A_228 : memref<400xf32, #tpu.memory_space<vmem>>) dst(%dma_wait3A_226 : memref<400xf32, #tpu.memory_space<hbm>>)
          tpu.yield
        }) : () -> ()
      } else {
      }
    } else {
    }
    return
  }
}

#map = affine_map<(d0, d1) -> (0, 0)>
#map1 = affine_map<(d0, d1) -> (0, 0, 0, 0, 0)>
module attributes {stable_mosaic.version = 14 : i64} {
  func.func @body(%arg0: i32, %arg1: i32, %arg2: memref<20000x128xf32, #tpu.memory_space<hbm>>, %arg3: memref<2x16x10x25x80xi32, #tpu.memory_space<hbm>>, %arg4: memref<20000x128xf32, #tpu.memory_space<hbm>>, %arg5: memref<2x25x80xi32, #tpu.memory_space<vmem>>, %arg6: memref<2x25x80xi32, #tpu.memory_space<vmem>>, %arg7: memref<3x80x128xf32, #tpu.memory_space<vmem>>, %arg8: memref<3x!tpu.dma_semaphore, #tpu.memory_space<semaphore_mem>>, %arg9: memref<3x!tpu.dma_semaphore, #tpu.memory_space<semaphore_mem>>, %arg10: memref<!tpu.dma_semaphore, #tpu.memory_space<semaphore_mem>>, %arg11: memref<10000x128xf32, #tpu.memory_space<vmem_shared>>) attributes {dimension_semantics = [#tpu.dimension_semantics<core_parallel>, #tpu.dimension_semantics<subcore_parallel>], iteration_bounds = array<i64: 2, 16>, scalar_prefetch = 0 : i64, scratch_operands = 7 : i64, tpu.core_type = #tpu.core_type<sc_vector_subcore>, window_params = [{transform_indices = #map}, {transform_indices = #map1}, {transform_indices = #map}]} {
    %mul3A = arith.constant 10000 : i32
    %mul3A_0 = arith.muli %arg0, %mul3A : i32
    %dma_start3A = arith.constant 0 : i32
    %dma_start3A_1 = arith.constant 0 : i32
    %dma_start3A_2 = arith.constant 0 : i32
    %dma_start3A_3 = arith.constant 0 : i32
    %dma_start3A_4 = arith.constant 0 : i32
    %dma_start3A_5 = tpu.memref_slice %arg5[%dma_start3A_2, %dma_start3A_3, %dma_start3A_4] : memref<2x25x80xi32, #tpu.memory_space<vmem>> -> memref<1x25x80xi32, #tpu.memory_space<vmem>>
    %dma_start3A_6 = tpu.memref_squeeze %dma_start3A_5 : memref<1x25x80xi32, #tpu.memory_space<vmem>> -> memref<25x80xi32, #tpu.memory_space<vmem>>
    %dma_start3A_7 = arith.constant 0 : i32
    %dma_start3A_8 = arith.constant 0 : i32
    %dma_start3A_9 = tpu.memref_slice %arg3[%dma_start3A, %arg1, %dma_start3A_1, %dma_start3A_7, %dma_start3A_8] : memref<2x16x10x25x80xi32, #tpu.memory_space<hbm>> -> memref<1x1x1x25x80xi32, #tpu.memory_space<hbm>>
    %dma_start3A_10 = tpu.memref_squeeze %dma_start3A_9 : memref<1x1x1x25x80xi32, #tpu.memory_space<hbm>> -> memref<25x80xi32, #tpu.memory_space<hbm>>
    %dma_start3A_11 = arith.constant 0 : i32
    %dma_start3A_12 = arith.constant 0 : i32
    %dma_start3A_13 = tpu.memref_slice %arg5[%dma_start3A_2, %dma_start3A_11, %dma_start3A_12] : memref<2x25x80xi32, #tpu.memory_space<vmem>> -> memref<1x25x80xi32, #tpu.memory_space<vmem>>
    %dma_start3A_14 = tpu.memref_squeeze %dma_start3A_13 : memref<1x25x80xi32, #tpu.memory_space<vmem>> -> memref<25x80xi32, #tpu.memory_space<vmem>>
    %dma_start3A_15 = arith.constant 0 : i32
    %dma_start3A_16 = arith.constant 0 : i32
    %dma_start3A_17 = tpu.memref_slice %arg3[%dma_start3A, %arg1, %dma_start3A_1, %dma_start3A_15, %dma_start3A_16] : memref<2x16x10x25x80xi32, #tpu.memory_space<hbm>> -> memref<1x1x1x25x80xi32, #tpu.memory_space<hbm>>
    %dma_start3A_18 = tpu.memref_squeeze %dma_start3A_17 : memref<1x1x1x25x80xi32, #tpu.memory_space<hbm>> -> memref<25x80xi32, #tpu.memory_space<hbm>>
    tpu.enqueue_dma source(%dma_start3A_18 : memref<25x80xi32, #tpu.memory_space<hbm>>) target(%dma_start3A_14 : memref<25x80xi32, #tpu.memory_space<vmem>>) target_semaphore(%arg10 : memref<!tpu.dma_semaphore, #tpu.memory_space<semaphore_mem>>)
    %dma_start3A_19 = arith.constant 1 : i32
    %dma_start3A_20 = arith.constant 0 : i32
    %dma_start3A_21 = arith.constant 0 : i32
    %dma_start3A_22 = arith.constant 0 : i32
    %dma_start3A_23 = arith.constant 0 : i32
    %dma_start3A_24 = tpu.memref_slice %arg6[%dma_start3A_21, %dma_start3A_22, %dma_start3A_23] : memref<2x25x80xi32, #tpu.memory_space<vmem>> -> memref<1x25x80xi32, #tpu.memory_space<vmem>>
    %dma_start3A_25 = tpu.memref_squeeze %dma_start3A_24 : memref<1x25x80xi32, #tpu.memory_space<vmem>> -> memref<25x80xi32, #tpu.memory_space<vmem>>
    %dma_start3A_26 = arith.constant 0 : i32
    %dma_start3A_27 = arith.constant 0 : i32
    %dma_start3A_28 = tpu.memref_slice %arg3[%dma_start3A_19, %arg1, %dma_start3A_20, %dma_start3A_26, %dma_start3A_27] : memref<2x16x10x25x80xi32, #tpu.memory_space<hbm>> -> memref<1x1x1x25x80xi32, #tpu.memory_space<hbm>>
    %dma_start3A_29 = tpu.memref_squeeze %dma_start3A_28 : memref<1x1x1x25x80xi32, #tpu.memory_space<hbm>> -> memref<25x80xi32, #tpu.memory_space<hbm>>
    %dma_start3A_30 = arith.constant 0 : i32
    %dma_start3A_31 = arith.constant 0 : i32
    %dma_start3A_32 = tpu.memref_slice %arg6[%dma_start3A_21, %dma_start3A_30, %dma_start3A_31] : memref<2x25x80xi32, #tpu.memory_space<vmem>> -> memref<1x25x80xi32, #tpu.memory_space<vmem>>
    %dma_start3A_33 = tpu.memref_squeeze %dma_start3A_32 : memref<1x25x80xi32, #tpu.memory_space<vmem>> -> memref<25x80xi32, #tpu.memory_space<vmem>>
    %dma_start3A_34 = arith.constant 0 : i32
    %dma_start3A_35 = arith.constant 0 : i32
    %dma_start3A_36 = tpu.memref_slice %arg3[%dma_start3A_19, %arg1, %dma_start3A_20, %dma_start3A_34, %dma_start3A_35] : memref<2x16x10x25x80xi32, #tpu.memory_space<hbm>> -> memref<1x1x1x25x80xi32, #tpu.memory_space<hbm>>
    %dma_start3A_37 = tpu.memref_squeeze %dma_start3A_36 : memref<1x1x1x25x80xi32, #tpu.memory_space<hbm>> -> memref<25x80xi32, #tpu.memory_space<hbm>>
    tpu.enqueue_dma source(%dma_start3A_37 : memref<25x80xi32, #tpu.memory_space<hbm>>) target(%dma_start3A_33 : memref<25x80xi32, #tpu.memory_space<vmem>>) target_semaphore(%arg10 : memref<!tpu.dma_semaphore, #tpu.memory_space<semaphore_mem>>)
    %lt3A = arith.constant 15 : i32
    %lt3A_38 = arith.cmpi slt, %arg1, %lt3A : i32
    %convert_element_type3A = arith.extui %lt3A_38 : i1 to i32
    %cond3A = arith.constant 0 : i32
    %cond3A_39 = arith.cmpi ne, %convert_element_type3A, %cond3A : i32
    scf.if %cond3A_39 {
      %mul3A_107 = arith.constant 624 : i32
      %mul3A_108 = arith.muli %arg1, %mul3A_107 : i32
      %mul3A_109 = arith.constant 10000 : i32
      %mul3A_110 = arith.muli %arg0, %mul3A_109 : i32
      %add3A = arith.addi %mul3A_110, %mul3A_108 : i32
      "tpu.region"() ({
        %run_scoped3A = tpu.sem_alloc : memref<!tpu.dma_semaphore, #tpu.memory_space<semaphore_mem>>
        %dma_start3A_111 = arith.constant 0 : i32
        %dma_start3A_112 = tpu.memref_slice %arg11[%mul3A_108, %dma_start3A_111] : memref<10000x128xf32, #tpu.memory_space<vmem_shared>> -> memref<624x128xf32, #tpu.memory_space<vmem_shared>>
        %dma_start3A_113 = arith.constant 0 : i32
        %dma_start3A_114 = tpu.memref_slice %arg2[%add3A, %dma_start3A_113] : memref<20000x128xf32, #tpu.memory_space<hbm>> -> memref<624x128xf32, #tpu.memory_space<hbm>>
        tpu.enqueue_dma source(%dma_start3A_114 : memref<624x128xf32, #tpu.memory_space<hbm>>) target(%dma_start3A_112 : memref<624x128xf32, #tpu.memory_space<vmem_shared>>) target_semaphore(%run_scoped3A : memref<!tpu.dma_semaphore, #tpu.memory_space<semaphore_mem>>)
        %dma_wait3A_115 = arith.constant 0 : i32
        %dma_wait3A_116 = tpu.memref_slice %arg11[%mul3A_108, %dma_wait3A_115] : memref<10000x128xf32, #tpu.memory_space<vmem_shared>> -> memref<624x128xf32, #tpu.memory_space<vmem_shared>>
        %dma_wait3A_117 = arith.constant 0 : i32
        %dma_wait3A_118 = tpu.memref_slice %arg2[%add3A, %dma_wait3A_117] : memref<20000x128xf32, #tpu.memory_space<hbm>> -> memref<624x128xf32, #tpu.memory_space<hbm>>
        tpu.wait_dma2 semaphore(%run_scoped3A : memref<!tpu.dma_semaphore, #tpu.memory_space<semaphore_mem>>) src(%dma_wait3A_118 : memref<624x128xf32, #tpu.memory_space<hbm>>) dst(%dma_wait3A_116 : memref<624x128xf32, #tpu.memory_space<vmem_shared>>)
        tpu.yield
      }) : () -> ()
    } else {
    }
    %eq3A = arith.constant 15 : i32
    %eq3A_40 = arith.cmpi eq, %arg1, %eq3A : i32
    %convert_element_type3A_41 = arith.extui %eq3A_40 : i1 to i32
    %cond3A_42 = arith.constant 0 : i32
    %cond3A_43 = arith.cmpi ne, %convert_element_type3A_41, %cond3A_42 : i32
    scf.if %cond3A_43 {
      %mul3A_107 = arith.constant 10000 : i32
      %mul3A_108 = arith.muli %arg0, %mul3A_107 : i32
      %add3A = arith.constant 9360 : i32
      %add3A_109 = arith.addi %mul3A_108, %add3A : i32
      "tpu.region"() ({
        %run_scoped3A = tpu.sem_alloc : memref<!tpu.dma_semaphore, #tpu.memory_space<semaphore_mem>>
        %dma_start3A_110 = arith.constant 9360 : i32
        %dma_start3A_111 = arith.constant 0 : i32
        %dma_start3A_112 = tpu.memref_slice %arg11[%dma_start3A_110, %dma_start3A_111] : memref<10000x128xf32, #tpu.memory_space<vmem_shared>> -> memref<640x128xf32, #tpu.memory_space<vmem_shared>>
        %dma_start3A_113 = arith.constant 0 : i32
        %dma_start3A_114 = tpu.memref_slice %arg2[%add3A_109, %dma_start3A_113] : memref<20000x128xf32, #tpu.memory_space<hbm>> -> memref<640x128xf32, #tpu.memory_space<hbm>>
        tpu.enqueue_dma source(%dma_start3A_114 : memref<640x128xf32, #tpu.memory_space<hbm>>) target(%dma_start3A_112 : memref<640x128xf32, #tpu.memory_space<vmem_shared>>) target_semaphore(%run_scoped3A : memref<!tpu.dma_semaphore, #tpu.memory_space<semaphore_mem>>)
        %dma_wait3A_115 = arith.constant 9360 : i32
        %dma_wait3A_116 = arith.constant 0 : i32
        %dma_wait3A_117 = tpu.memref_slice %arg11[%dma_wait3A_115, %dma_wait3A_116] : memref<10000x128xf32, #tpu.memory_space<vmem_shared>> -> memref<640x128xf32, #tpu.memory_space<vmem_shared>>
        %dma_wait3A_118 = arith.constant 0 : i32
        %dma_wait3A_119 = tpu.memref_slice %arg2[%add3A_109, %dma_wait3A_118] : memref<20000x128xf32, #tpu.memory_space<hbm>> -> memref<640x128xf32, #tpu.memory_space<hbm>>
        tpu.wait_dma2 semaphore(%run_scoped3A : memref<!tpu.dma_semaphore, #tpu.memory_space<semaphore_mem>>) src(%dma_wait3A_119 : memref<640x128xf32, #tpu.memory_space<hbm>>) dst(%dma_wait3A_117 : memref<640x128xf32, #tpu.memory_space<vmem_shared>>)
        tpu.yield
      }) : () -> ()
    } else {
    }
    %barrier3A = arith.constant 0 : index
    tpu.barrier barrier_id(%barrier3A)
    %scan3A = arith.constant 0 : i32
    %scan3A_44 = arith.constant 0 : i32
    %scan3A_45 = arith.constant 10 : i32
    %scan3A_46 = arith.addi %scan3A_44, %scan3A_45 : i32
    %scan3A_47 = arith.constant 1 : i32
    scf.for %scan3A_107 = %scan3A_44 to %scan3A_46 step %scan3A_47  : i32 {
      %ge3A = arith.constant 1 : i32
      %ge3A_108 = arith.cmpi sge, %scan3A_107, %ge3A : i32
      %convert_element_type3A_109 = arith.extui %ge3A_108 : i1 to i32
      %cond3A_110 = arith.constant 0 : i32
      %cond3A_111 = arith.cmpi ne, %convert_element_type3A_109, %cond3A_110 : i32
      scf.if %cond3A_111 {
        %dma_wait3A_200 = arith.constant 0 : i32
        %dma_wait3A_201 = arith.constant 0 : i32
        %dma_wait3A_202 = arith.constant 0 : i32
        %dma_wait3A_203 = arith.constant 0 : i32
        %dma_wait3A_204 = arith.constant 0 : i32
        %dma_wait3A_205 = arith.constant 0 : i32
        %dma_wait3A_206 = tpu.memref_slice %arg7[%dma_wait3A_200, %dma_wait3A_204, %dma_wait3A_205] : memref<3x80x128xf32, #tpu.memory_space<vmem>> -> memref<1x80x128xf32, #tpu.memory_space<vmem>>
        %dma_wait3A_207 = tpu.memref_squeeze %dma_wait3A_206 : memref<1x80x128xf32, #tpu.memory_space<vmem>> -> memref<80x128xf32, #tpu.memory_space<vmem>>
        %dma_wait3A_208 = arith.constant 0 : i32
        %dma_wait3A_209 = tpu.memref_slice %arg6[%dma_wait3A_201, %dma_wait3A_202, %dma_wait3A_208] : memref<2x25x80xi32, #tpu.memory_space<vmem>> -> memref<1x1x80xi32, #tpu.memory_space<vmem>>
        %dma_wait3A_210 = tpu.memref_squeeze %dma_wait3A_209 : memref<1x1x80xi32, #tpu.memory_space<vmem>> -> memref<80xi32, #tpu.memory_space<vmem>>
        %dma_wait3A_211 = arith.constant 0 : i32
        %dma_wait3A_212 = arith.constant 0 : i32
        %dma_wait3A_213 = tpu.memref_slice %arg11[%dma_wait3A_211, %dma_wait3A_212] : memref<10000x128xf32, #tpu.memory_space<vmem_shared>> -> memref<10000x128xf32, #tpu.memory_space<vmem_shared>>
        %dma_wait3A_214 = tpu.memref_slice %arg9[%dma_wait3A_203] : memref<3x!tpu.dma_semaphore, #tpu.memory_space<semaphore_mem>> -> memref<1x!tpu.dma_semaphore, #tpu.memory_space<semaphore_mem>>
        %dma_wait3A_215 = tpu.memref_squeeze %dma_wait3A_214 : memref<1x!tpu.dma_semaphore, #tpu.memory_space<semaphore_mem>> -> memref<!tpu.dma_semaphore, #tpu.memory_space<semaphore_mem>>
        tpu.wait_indirect_dma semaphore(%dma_wait3A_215 : memref<!tpu.dma_semaphore, #tpu.memory_space<semaphore_mem>>) src(%dma_wait3A_207 : memref<80x128xf32, #tpu.memory_space<vmem>>) dst(%dma_wait3A_213 : memref<10000x128xf32, #tpu.memory_space<vmem_shared>>)
        %dma_wait3A_216 = arith.constant 1 : i32
        %dma_wait3A_217 = arith.constant 0 : i32
        %dma_wait3A_218 = arith.constant 0 : i32
        %dma_wait3A_219 = arith.constant 1 : i32
        %dma_wait3A_220 = arith.constant 0 : i32
        %dma_wait3A_221 = arith.constant 0 : i32
        %dma_wait3A_222 = tpu.memref_slice %arg7[%dma_wait3A_216, %dma_wait3A_220, %dma_wait3A_221] : memref<3x80x128xf32, #tpu.memory_space<vmem>> -> memref<1x80x128xf32, #tpu.memory_space<vmem>>
        %dma_wait3A_223 = tpu.memref_squeeze %dma_wait3A_222 : memref<1x80x128xf32, #tpu.memory_space<vmem>> -> memref<80x128xf32, #tpu.memory_space<vmem>>
        %dma_wait3A_224 = arith.constant 0 : i32
        %dma_wait3A_225 = tpu.memref_slice %arg6[%dma_wait3A_217, %dma_wait3A_218, %dma_wait3A_224] : memref<2x25x80xi32, #tpu.memory_space<vmem>> -> memref<1x1x80xi32, #tpu.memory_space<vmem>>
        %dma_wait3A_226 = tpu.memref_squeeze %dma_wait3A_225 : memref<1x1x80xi32, #tpu.memory_space<vmem>> -> memref<80xi32, #tpu.memory_space<vmem>>
        %dma_wait3A_227 = arith.constant 0 : i32
        %dma_wait3A_228 = arith.constant 0 : i32
        %dma_wait3A_229 = tpu.memref_slice %arg11[%dma_wait3A_227, %dma_wait3A_228] : memref<10000x128xf32, #tpu.memory_space<vmem_shared>> -> memref<10000x128xf32, #tpu.memory_space<vmem_shared>>
        %dma_wait3A_230 = tpu.memref_slice %arg9[%dma_wait3A_219] : memref<3x!tpu.dma_semaphore, #tpu.memory_space<semaphore_mem>> -> memref<1x!tpu.dma_semaphore, #tpu.memory_space<semaphore_mem>>
        %dma_wait3A_231 = tpu.memref_squeeze %dma_wait3A_230 : memref<1x!tpu.dma_semaphore, #tpu.memory_space<semaphore_mem>> -> memref<!tpu.dma_semaphore, #tpu.memory_space<semaphore_mem>>
        tpu.wait_indirect_dma semaphore(%dma_wait3A_231 : memref<!tpu.dma_semaphore, #tpu.memory_space<semaphore_mem>>) src(%dma_wait3A_223 : memref<80x128xf32, #tpu.memory_space<vmem>>) dst(%dma_wait3A_229 : memref<10000x128xf32, #tpu.memory_space<vmem_shared>>)
        %dma_wait3A_232 = arith.constant 2 : i32
        %dma_wait3A_233 = arith.constant 0 : i32
        %dma_wait3A_234 = arith.constant 0 : i32
        %dma_wait3A_235 = arith.constant 2 : i32
        %dma_wait3A_236 = arith.constant 0 : i32
        %dma_wait3A_237 = arith.constant 0 : i32
        %dma_wait3A_238 = tpu.memref_slice %arg7[%dma_wait3A_232, %dma_wait3A_236, %dma_wait3A_237] : memref<3x80x128xf32, #tpu.memory_space<vmem>> -> memref<1x80x128xf32, #tpu.memory_space<vmem>>
        %dma_wait3A_239 = tpu.memref_squeeze %dma_wait3A_238 : memref<1x80x128xf32, #tpu.memory_space<vmem>> -> memref<80x128xf32, #tpu.memory_space<vmem>>
        %dma_wait3A_240 = arith.constant 0 : i32
        %dma_wait3A_241 = tpu.memref_slice %arg6[%dma_wait3A_233, %dma_wait3A_234, %dma_wait3A_240] : memref<2x25x80xi32, #tpu.memory_space<vmem>> -> memref<1x1x80xi32, #tpu.memory_space<vmem>>
        %dma_wait3A_242 = tpu.memref_squeeze %dma_wait3A_241 : memref<1x1x80xi32, #tpu.memory_space<vmem>> -> memref<80xi32, #tpu.memory_space<vmem>>
        %dma_wait3A_243 = arith.constant 0 : i32
        %dma_wait3A_244 = arith.constant 0 : i32
        %dma_wait3A_245 = tpu.memref_slice %arg11[%dma_wait3A_243, %dma_wait3A_244] : memref<10000x128xf32, #tpu.memory_space<vmem_shared>> -> memref<10000x128xf32, #tpu.memory_space<vmem_shared>>
        %dma_wait3A_246 = tpu.memref_slice %arg9[%dma_wait3A_235] : memref<3x!tpu.dma_semaphore, #tpu.memory_space<semaphore_mem>> -> memref<1x!tpu.dma_semaphore, #tpu.memory_space<semaphore_mem>>
        %dma_wait3A_247 = tpu.memref_squeeze %dma_wait3A_246 : memref<1x!tpu.dma_semaphore, #tpu.memory_space<semaphore_mem>> -> memref<!tpu.dma_semaphore, #tpu.memory_space<semaphore_mem>>
        tpu.wait_indirect_dma semaphore(%dma_wait3A_247 : memref<!tpu.dma_semaphore, #tpu.memory_space<semaphore_mem>>) src(%dma_wait3A_239 : memref<80x128xf32, #tpu.memory_space<vmem>>) dst(%dma_wait3A_245 : memref<10000x128xf32, #tpu.memory_space<vmem_shared>>)
      } else {
      }
      %rem3A = arith.constant 2 : i32
      %rem3A_112 = arith.remsi %scan3A_107, %rem3A : i32
      %dma_wait3A_113 = arith.constant 0 : i32
      %dma_wait3A_114 = arith.constant 0 : i32
      %dma_wait3A_115 = arith.constant 0 : i32
      %dma_wait3A_116 = arith.constant 0 : i32
      %dma_wait3A_117 = tpu.memref_slice %arg5[%rem3A_112, %dma_wait3A_115, %dma_wait3A_116] : memref<2x25x80xi32, #tpu.memory_space<vmem>> -> memref<1x25x80xi32, #tpu.memory_space<vmem>>
      %dma_wait3A_118 = tpu.memref_squeeze %dma_wait3A_117 : memref<1x25x80xi32, #tpu.memory_space<vmem>> -> memref<25x80xi32, #tpu.memory_space<vmem>>
      %dma_wait3A_119 = arith.constant 0 : i32
      %dma_wait3A_120 = arith.constant 0 : i32
      %dma_wait3A_121 = tpu.memref_slice %arg3[%dma_wait3A_113, %arg1, %dma_wait3A_114, %dma_wait3A_119, %dma_wait3A_120] : memref<2x16x10x25x80xi32, #tpu.memory_space<hbm>> -> memref<1x1x1x25x80xi32, #tpu.memory_space<hbm>>
      %dma_wait3A_122 = tpu.memref_squeeze %dma_wait3A_121 : memref<1x1x1x25x80xi32, #tpu.memory_space<hbm>> -> memref<25x80xi32, #tpu.memory_space<hbm>>
      %dma_wait3A_123 = arith.constant 0 : i32
      %dma_wait3A_124 = arith.constant 0 : i32
      %dma_wait3A_125 = tpu.memref_slice %arg5[%rem3A_112, %dma_wait3A_123, %dma_wait3A_124] : memref<2x25x80xi32, #tpu.memory_space<vmem>> -> memref<1x25x80xi32, #tpu.memory_space<vmem>>
      %dma_wait3A_126 = tpu.memref_squeeze %dma_wait3A_125 : memref<1x25x80xi32, #tpu.memory_space<vmem>> -> memref<25x80xi32, #tpu.memory_space<vmem>>
      %dma_wait3A_127 = arith.constant 0 : i32
      %dma_wait3A_128 = arith.constant 0 : i32
      %dma_wait3A_129 = tpu.memref_slice %arg3[%dma_wait3A_113, %arg1, %dma_wait3A_114, %dma_wait3A_127, %dma_wait3A_128] : memref<2x16x10x25x80xi32, #tpu.memory_space<hbm>> -> memref<1x1x1x25x80xi32, #tpu.memory_space<hbm>>
      %dma_wait3A_130 = tpu.memref_squeeze %dma_wait3A_129 : memref<1x1x1x25x80xi32, #tpu.memory_space<hbm>> -> memref<25x80xi32, #tpu.memory_space<hbm>>
      tpu.wait_dma2 semaphore(%arg10 : memref<!tpu.dma_semaphore, #tpu.memory_space<semaphore_mem>>) src(%dma_wait3A_130 : memref<25x80xi32, #tpu.memory_space<hbm>>) dst(%dma_wait3A_126 : memref<25x80xi32, #tpu.memory_space<vmem>>)
      %dma_wait3A_131 = arith.constant 1 : i32
      %dma_wait3A_132 = arith.constant 0 : i32
      %dma_wait3A_133 = arith.constant 0 : i32
      %dma_wait3A_134 = arith.constant 0 : i32
      %dma_wait3A_135 = tpu.memref_slice %arg6[%rem3A_112, %dma_wait3A_133, %dma_wait3A_134] : memref<2x25x80xi32, #tpu.memory_space<vmem>> -> memref<1x25x80xi32, #tpu.memory_space<vmem>>
      %dma_wait3A_136 = tpu.memref_squeeze %dma_wait3A_135 : memref<1x25x80xi32, #tpu.memory_space<vmem>> -> memref<25x80xi32, #tpu.memory_space<vmem>>
      %dma_wait3A_137 = arith.constant 0 : i32
      %dma_wait3A_138 = arith.constant 0 : i32
      %dma_wait3A_139 = tpu.memref_slice %arg3[%dma_wait3A_131, %arg1, %dma_wait3A_132, %dma_wait3A_137, %dma_wait3A_138] : memref<2x16x10x25x80xi32, #tpu.memory_space<hbm>> -> memref<1x1x1x25x80xi32, #tpu.memory_space<hbm>>
      %dma_wait3A_140 = tpu.memref_squeeze %dma_wait3A_139 : memref<1x1x1x25x80xi32, #tpu.memory_space<hbm>> -> memref<25x80xi32, #tpu.memory_space<hbm>>
      %dma_wait3A_141 = arith.constant 0 : i32
      %dma_wait3A_142 = arith.constant 0 : i32
      %dma_wait3A_143 = tpu.memref_slice %arg6[%rem3A_112, %dma_wait3A_141, %dma_wait3A_142] : memref<2x25x80xi32, #tpu.memory_space<vmem>> -> memref<1x25x80xi32, #tpu.memory_space<vmem>>
      %dma_wait3A_144 = tpu.memref_squeeze %dma_wait3A_143 : memref<1x25x80xi32, #tpu.memory_space<vmem>> -> memref<25x80xi32, #tpu.memory_space<vmem>>
      %dma_wait3A_145 = arith.constant 0 : i32
      %dma_wait3A_146 = arith.constant 0 : i32
      %dma_wait3A_147 = tpu.memref_slice %arg3[%dma_wait3A_131, %arg1, %dma_wait3A_132, %dma_wait3A_145, %dma_wait3A_146] : memref<2x16x10x25x80xi32, #tpu.memory_space<hbm>> -> memref<1x1x1x25x80xi32, #tpu.memory_space<hbm>>
      %dma_wait3A_148 = tpu.memref_squeeze %dma_wait3A_147 : memref<1x1x1x25x80xi32, #tpu.memory_space<hbm>> -> memref<25x80xi32, #tpu.memory_space<hbm>>
      tpu.wait_dma2 semaphore(%arg10 : memref<!tpu.dma_semaphore, #tpu.memory_space<semaphore_mem>>) src(%dma_wait3A_148 : memref<25x80xi32, #tpu.memory_space<hbm>>) dst(%dma_wait3A_144 : memref<25x80xi32, #tpu.memory_space<vmem>>)
      %add3A = arith.constant 1 : i32
      %add3A_149 = arith.addi %scan3A_107, %add3A : i32
      %lt3A_150 = arith.constant 10 : i32
      %lt3A_151 = arith.cmpi slt, %add3A_149, %lt3A_150 : i32
      %convert_element_type3A_152 = arith.extui %lt3A_151 : i1 to i32
      %cond3A_153 = arith.constant 0 : i32
      %cond3A_154 = arith.cmpi ne, %convert_element_type3A_152, %cond3A_153 : i32
      scf.if %cond3A_154 {
        %add3A_200 = arith.constant 1 : i32
        %add3A_201 = arith.addi %scan3A_107, %add3A_200 : i32
        %add3A_202 = arith.constant 1 : i32
        %add3A_203 = arith.addi %scan3A_107, %add3A_202 : i32
        %rem3A_204 = arith.constant 2 : i32
        %rem3A_205 = arith.remsi %add3A_203, %rem3A_204 : i32
        %dma_start3A_206 = arith.constant 0 : i32
        %dma_start3A_207 = arith.constant 0 : i32
        %dma_start3A_208 = arith.constant 0 : i32
        %dma_start3A_209 = tpu.memref_slice %arg5[%rem3A_205, %dma_start3A_207, %dma_start3A_208] : memref<2x25x80xi32, #tpu.memory_space<vmem>> -> memref<1x25x80xi32, #tpu.memory_space<vmem>>
        %dma_start3A_210 = tpu.memref_squeeze %dma_start3A_209 : memref<1x25x80xi32, #tpu.memory_space<vmem>> -> memref<25x80xi32, #tpu.memory_space<vmem>>
        %dma_start3A_211 = arith.constant 0 : i32
        %dma_start3A_212 = arith.constant 0 : i32
        %dma_start3A_213 = tpu.memref_slice %arg3[%dma_start3A_206, %arg1, %add3A_201, %dma_start3A_211, %dma_start3A_212] : memref<2x16x10x25x80xi32, #tpu.memory_space<hbm>> -> memref<1x1x1x25x80xi32, #tpu.memory_space<hbm>>
        %dma_start3A_214 = tpu.memref_squeeze %dma_start3A_213 : memref<1x1x1x25x80xi32, #tpu.memory_space<hbm>> -> memref<25x80xi32, #tpu.memory_space<hbm>>
        %dma_start3A_215 = arith.constant 0 : i32
        %dma_start3A_216 = arith.constant 0 : i32
        %dma_start3A_217 = tpu.memref_slice %arg5[%rem3A_205, %dma_start3A_215, %dma_start3A_216] : memref<2x25x80xi32, #tpu.memory_space<vmem>> -> memref<1x25x80xi32, #tpu.memory_space<vmem>>
        %dma_start3A_218 = tpu.memref_squeeze %dma_start3A_217 : memref<1x25x80xi32, #tpu.memory_space<vmem>> -> memref<25x80xi32, #tpu.memory_space<vmem>>
        %dma_start3A_219 = arith.constant 0 : i32
        %dma_start3A_220 = arith.constant 0 : i32
        %dma_start3A_221 = tpu.memref_slice %arg3[%dma_start3A_206, %arg1, %add3A_201, %dma_start3A_219, %dma_start3A_220] : memref<2x16x10x25x80xi32, #tpu.memory_space<hbm>> -> memref<1x1x1x25x80xi32, #tpu.memory_space<hbm>>
        %dma_start3A_222 = tpu.memref_squeeze %dma_start3A_221 : memref<1x1x1x25x80xi32, #tpu.memory_space<hbm>> -> memref<25x80xi32, #tpu.memory_space<hbm>>
        tpu.enqueue_dma source(%dma_start3A_222 : memref<25x80xi32, #tpu.memory_space<hbm>>) target(%dma_start3A_218 : memref<25x80xi32, #tpu.memory_space<vmem>>) target_semaphore(%arg10 : memref<!tpu.dma_semaphore, #tpu.memory_space<semaphore_mem>>)
        %dma_start3A_223 = arith.constant 1 : i32
        %dma_start3A_224 = arith.constant 0 : i32
        %dma_start3A_225 = arith.constant 0 : i32
        %dma_start3A_226 = tpu.memref_slice %arg6[%rem3A_205, %dma_start3A_224, %dma_start3A_225] : memref<2x25x80xi32, #tpu.memory_space<vmem>> -> memref<1x25x80xi32, #tpu.memory_space<vmem>>
        %dma_start3A_227 = tpu.memref_squeeze %dma_start3A_226 : memref<1x25x80xi32, #tpu.memory_space<vmem>> -> memref<25x80xi32, #tpu.memory_space<vmem>>
        %dma_start3A_228 = arith.constant 0 : i32
        %dma_start3A_229 = arith.constant 0 : i32
        %dma_start3A_230 = tpu.memref_slice %arg3[%dma_start3A_223, %arg1, %add3A_201, %dma_start3A_228, %dma_start3A_229] : memref<2x16x10x25x80xi32, #tpu.memory_space<hbm>> -> memref<1x1x1x25x80xi32, #tpu.memory_space<hbm>>
        %dma_start3A_231 = tpu.memref_squeeze %dma_start3A_230 : memref<1x1x1x25x80xi32, #tpu.memory_space<hbm>> -> memref<25x80xi32, #tpu.memory_space<hbm>>
        %dma_start3A_232 = arith.constant 0 : i32
        %dma_start3A_233 = arith.constant 0 : i32
        %dma_start3A_234 = tpu.memref_slice %arg6[%rem3A_205, %dma_start3A_232, %dma_start3A_233] : memref<2x25x80xi32, #tpu.memory_space<vmem>> -> memref<1x25x80xi32, #tpu.memory_space<vmem>>
        %dma_start3A_235 = tpu.memref_squeeze %dma_start3A_234 : memref<1x25x80xi32, #tpu.memory_space<vmem>> -> memref<25x80xi32, #tpu.memory_space<vmem>>
        %dma_start3A_236 = arith.constant 0 : i32
        %dma_start3A_237 = arith.constant 0 : i32
        %dma_start3A_238 = tpu.memref_slice %arg3[%dma_start3A_223, %arg1, %add3A_201, %dma_start3A_236, %dma_start3A_237] : memref<2x16x10x25x80xi32, #tpu.memory_space<hbm>> -> memref<1x1x1x25x80xi32, #tpu.memory_space<hbm>>
        %dma_start3A_239 = tpu.memref_squeeze %dma_start3A_238 : memref<1x1x1x25x80xi32, #tpu.memory_space<hbm>> -> memref<25x80xi32, #tpu.memory_space<hbm>>
        tpu.enqueue_dma source(%dma_start3A_239 : memref<25x80xi32, #tpu.memory_space<hbm>>) target(%dma_start3A_235 : memref<25x80xi32, #tpu.memory_space<vmem>>) target_semaphore(%arg10 : memref<!tpu.dma_semaphore, #tpu.memory_space<semaphore_mem>>)
      } else {
      }
      %mul3A_155 = arith.constant 25 : i32
      %mul3A_156 = arith.muli %scan3A_107, %mul3A_155 : i32
      %add3A_157 = arith.constant 0 : i32
      %add3A_158 = arith.addi %mul3A_156, %add3A_157 : i32
      %rem3A_159 = arith.constant 3 : i32
      %rem3A_160 = arith.remsi %add3A_158, %rem3A_159 : i32
      %dma_start3A_161 = arith.constant 0 : i32
      %dma_start3A_162 = arith.constant 0 : i32
      %dma_start3A_163 = arith.constant 0 : i32
      %dma_start3A_164 = tpu.memref_slice %arg7[%rem3A_160, %dma_start3A_162, %dma_start3A_163] : memref<3x80x128xf32, #tpu.memory_space<vmem>> -> memref<1x80x128xf32, #tpu.memory_space<vmem>>
      %dma_start3A_165 = tpu.memref_squeeze %dma_start3A_164 : memref<1x80x128xf32, #tpu.memory_space<vmem>> -> memref<80x128xf32, #tpu.memory_space<vmem>>
      %dma_start3A_166 = arith.constant 0 : i32
      %dma_start3A_167 = tpu.memref_slice %arg5[%rem3A_112, %dma_start3A_161, %dma_start3A_166] : memref<2x25x80xi32, #tpu.memory_space<vmem>> -> memref<1x1x80xi32, #tpu.memory_space<vmem>>
      %dma_start3A_168 = tpu.memref_squeeze %dma_start3A_167 : memref<1x1x80xi32, #tpu.memory_space<vmem>> -> memref<80xi32, #tpu.memory_space<vmem>>
      %dma_start3A_169 = arith.constant 0 : i32
      %dma_start3A_170 = tpu.memref_slice %arg2[%mul3A_0, %dma_start3A_169] : memref<20000x128xf32, #tpu.memory_space<hbm>> -> memref<10000x128xf32, #tpu.memory_space<hbm>>
      %dma_start3A_171 = arith.constant 0 : i32
      %dma_start3A_172 = arith.constant 0 : i32
      %dma_start3A_173 = tpu.memref_slice %dma_start3A_170[%dma_start3A_171, %dma_start3A_172] : memref<10000x128xf32, #tpu.memory_space<hbm>> -> memref<10000x128xf32, #tpu.memory_space<hbm>>
      %dma_start3A_174 = tpu.memref_slice %arg8[%rem3A_160] : memref<3x!tpu.dma_semaphore, #tpu.memory_space<semaphore_mem>> -> memref<1x!tpu.dma_semaphore, #tpu.memory_space<semaphore_mem>>
      %dma_start3A_175 = tpu.memref_squeeze %dma_start3A_174 : memref<1x!tpu.dma_semaphore, #tpu.memory_space<semaphore_mem>> -> memref<!tpu.dma_semaphore, #tpu.memory_space<semaphore_mem>>
      tpu.enqueue_indirect_dma source(%dma_start3A_173 : memref<10000x128xf32, #tpu.memory_space<hbm>>) target(%dma_start3A_165 : memref<80x128xf32, #tpu.memory_space<vmem>>) offsets(%dma_start3A_168 : memref<80xi32, #tpu.memory_space<vmem>>) semaphore(%dma_start3A_175 : memref<!tpu.dma_semaphore, #tpu.memory_space<semaphore_mem>>)
      %add3A_176 = arith.constant 1 : i32
      %add3A_177 = arith.addi %mul3A_156, %add3A_176 : i32
      %rem3A_178 = arith.constant 3 : i32
      %rem3A_179 = arith.remsi %add3A_177, %rem3A_178 : i32
      %dma_start3A_180 = arith.constant 1 : i32
      %dma_start3A_181 = arith.constant 0 : i32
      %dma_start3A_182 = arith.constant 0 : i32
      %dma_start3A_183 = tpu.memref_slice %arg7[%rem3A_179, %dma_start3A_181, %dma_start3A_182] : memref<3x80x128xf32, #tpu.memory_space<vmem>> -> memref<1x80x128xf32, #tpu.memory_space<vmem>>
      %dma_start3A_184 = tpu.memref_squeeze %dma_start3A_183 : memref<1x80x128xf32, #tpu.memory_space<vmem>> -> memref<80x128xf32, #tpu.memory_space<vmem>>
      %dma_start3A_185 = arith.constant 0 : i32
      %dma_start3A_186 = tpu.memref_slice %arg5[%rem3A_112, %dma_start3A_180, %dma_start3A_185] : memref<2x25x80xi32, #tpu.memory_space<vmem>> -> memref<1x1x80xi32, #tpu.memory_space<vmem>>
      %dma_start3A_187 = tpu.memref_squeeze %dma_start3A_186 : memref<1x1x80xi32, #tpu.memory_space<vmem>> -> memref<80xi32, #tpu.memory_space<vmem>>
      %dma_start3A_188 = arith.constant 0 : i32
      %dma_start3A_189 = tpu.memref_slice %arg2[%mul3A_0, %dma_start3A_188] : memref<20000x128xf32, #tpu.memory_space<hbm>> -> memref<10000x128xf32, #tpu.memory_space<hbm>>
      %dma_start3A_190 = arith.constant 0 : i32
      %dma_start3A_191 = arith.constant 0 : i32
      %dma_start3A_192 = tpu.memref_slice %dma_start3A_189[%dma_start3A_190, %dma_start3A_191] : memref<10000x128xf32, #tpu.memory_space<hbm>> -> memref<10000x128xf32, #tpu.memory_space<hbm>>
      %dma_start3A_193 = tpu.memref_slice %arg8[%rem3A_179] : memref<3x!tpu.dma_semaphore, #tpu.memory_space<semaphore_mem>> -> memref<1x!tpu.dma_semaphore, #tpu.memory_space<semaphore_mem>>
      %dma_start3A_194 = tpu.memref_squeeze %dma_start3A_193 : memref<1x!tpu.dma_semaphore, #tpu.memory_space<semaphore_mem>> -> memref<!tpu.dma_semaphore, #tpu.memory_space<semaphore_mem>>
      tpu.enqueue_indirect_dma source(%dma_start3A_192 : memref<10000x128xf32, #tpu.memory_space<hbm>>) target(%dma_start3A_184 : memref<80x128xf32, #tpu.memory_space<vmem>>) offsets(%dma_start3A_187 : memref<80xi32, #tpu.memory_space<vmem>>) semaphore(%dma_start3A_194 : memref<!tpu.dma_semaphore, #tpu.memory_space<semaphore_mem>>)
      %scan3A_195 = arith.constant 0 : i32
      %scan3A_196 = arith.constant 25 : i32
      %scan3A_197 = arith.addi %scan3A_195, %scan3A_196 : i32
      %scan3A_198 = arith.constant 1 : i32
      scf.for %scan3A_200 = %scan3A_195 to %scan3A_197 step %scan3A_198  : i32 {
        %add3A_201 = arith.addi %mul3A_156, %scan3A_200 : i32
        %rem3A_202 = arith.constant 3 : i32
        %rem3A_203 = arith.remsi %add3A_201, %rem3A_202 : i32
        %add3A_204 = arith.constant 2 : i32
        %add3A_205 = arith.addi %scan3A_200, %add3A_204 : i32
        %lt3A_206 = arith.constant 25 : i32
        %lt3A_207 = arith.cmpi slt, %add3A_205, %lt3A_206 : i32
        %convert_element_type3A_208 = arith.extui %lt3A_207 : i1 to i32
        %cond3A_209 = arith.constant 0 : i32
        %cond3A_210 = arith.cmpi ne, %convert_element_type3A_208, %cond3A_209 : i32
        scf.if %cond3A_210 {
          %add3A_237 = arith.constant 2 : i32
          %add3A_238 = arith.addi %add3A_201, %add3A_237 : i32
          %rem3A_239 = arith.constant 3 : i32
          %rem3A_240 = arith.remsi %add3A_238, %rem3A_239 : i32
          %ge3A_241 = arith.constant 1 : i32
          %ge3A_242 = arith.cmpi sge, %scan3A_200, %ge3A_241 : i32
          %convert_element_type3A_243 = arith.extui %ge3A_242 : i1 to i32
          %cond3A_244 = arith.constant 0 : i32
          %cond3A_245 = arith.cmpi ne, %convert_element_type3A_243, %cond3A_244 : i32
          scf.if %cond3A_245 {
            %dma_wait3A_262 = arith.constant 0 : i32
            %dma_wait3A_263 = arith.constant 0 : i32
            %dma_wait3A_264 = arith.constant 0 : i32
            %dma_wait3A_265 = arith.constant 0 : i32
            %dma_wait3A_266 = tpu.memref_slice %arg7[%rem3A_240, %dma_wait3A_264, %dma_wait3A_265] : memref<3x80x128xf32, #tpu.memory_space<vmem>> -> memref<1x80x128xf32, #tpu.memory_space<vmem>>
            %dma_wait3A_267 = tpu.memref_squeeze %dma_wait3A_266 : memref<1x80x128xf32, #tpu.memory_space<vmem>> -> memref<80x128xf32, #tpu.memory_space<vmem>>
            %dma_wait3A_268 = arith.constant 0 : i32
            %dma_wait3A_269 = tpu.memref_slice %arg6[%dma_wait3A_262, %dma_wait3A_263, %dma_wait3A_268] : memref<2x25x80xi32, #tpu.memory_space<vmem>> -> memref<1x1x80xi32, #tpu.memory_space<vmem>>
            %dma_wait3A_270 = tpu.memref_squeeze %dma_wait3A_269 : memref<1x1x80xi32, #tpu.memory_space<vmem>> -> memref<80xi32, #tpu.memory_space<vmem>>
            %dma_wait3A_271 = arith.constant 0 : i32
            %dma_wait3A_272 = arith.constant 0 : i32
            %dma_wait3A_273 = tpu.memref_slice %arg11[%dma_wait3A_271, %dma_wait3A_272] : memref<10000x128xf32, #tpu.memory_space<vmem_shared>> -> memref<10000x128xf32, #tpu.memory_space<vmem_shared>>
            %dma_wait3A_274 = tpu.memref_slice %arg9[%rem3A_240] : memref<3x!tpu.dma_semaphore, #tpu.memory_space<semaphore_mem>> -> memref<1x!tpu.dma_semaphore, #tpu.memory_space<semaphore_mem>>
            %dma_wait3A_275 = tpu.memref_squeeze %dma_wait3A_274 : memref<1x!tpu.dma_semaphore, #tpu.memory_space<semaphore_mem>> -> memref<!tpu.dma_semaphore, #tpu.memory_space<semaphore_mem>>
            tpu.wait_indirect_dma semaphore(%dma_wait3A_275 : memref<!tpu.dma_semaphore, #tpu.memory_space<semaphore_mem>>) src(%dma_wait3A_267 : memref<80x128xf32, #tpu.memory_space<vmem>>) dst(%dma_wait3A_273 : memref<10000x128xf32, #tpu.memory_space<vmem_shared>>)
          } else {
          }
          %add3A_246 = arith.constant 2 : i32
          %add3A_247 = arith.addi %scan3A_200, %add3A_246 : i32
          %dma_start3A_248 = arith.constant 0 : i32
          %dma_start3A_249 = arith.constant 0 : i32
          %dma_start3A_250 = tpu.memref_slice %arg7[%rem3A_240, %dma_start3A_248, %dma_start3A_249] : memref<3x80x128xf32, #tpu.memory_space<vmem>> -> memref<1x80x128xf32, #tpu.memory_space<vmem>>
          %dma_start3A_251 = tpu.memref_squeeze %dma_start3A_250 : memref<1x80x128xf32, #tpu.memory_space<vmem>> -> memref<80x128xf32, #tpu.memory_space<vmem>>
          %dma_start3A_252 = arith.constant 0 : i32
          %dma_start3A_253 = tpu.memref_slice %arg5[%rem3A_112, %add3A_247, %dma_start3A_252] : memref<2x25x80xi32, #tpu.memory_space<vmem>> -> memref<1x1x80xi32, #tpu.memory_space<vmem>>
          %dma_start3A_254 = tpu.memref_squeeze %dma_start3A_253 : memref<1x1x80xi32, #tpu.memory_space<vmem>> -> memref<80xi32, #tpu.memory_space<vmem>>
          %dma_start3A_255 = arith.constant 0 : i32
          %dma_start3A_256 = tpu.memref_slice %arg2[%mul3A_0, %dma_start3A_255] : memref<20000x128xf32, #tpu.memory_space<hbm>> -> memref<10000x128xf32, #tpu.memory_space<hbm>>
          %dma_start3A_257 = arith.constant 0 : i32
          %dma_start3A_258 = arith.constant 0 : i32
          %dma_start3A_259 = tpu.memref_slice %dma_start3A_256[%dma_start3A_257, %dma_start3A_258] : memref<10000x128xf32, #tpu.memory_space<hbm>> -> memref<10000x128xf32, #tpu.memory_space<hbm>>
          %dma_start3A_260 = tpu.memref_slice %arg8[%rem3A_240] : memref<3x!tpu.dma_semaphore, #tpu.memory_space<semaphore_mem>> -> memref<1x!tpu.dma_semaphore, #tpu.memory_space<semaphore_mem>>
          %dma_start3A_261 = tpu.memref_squeeze %dma_start3A_260 : memref<1x!tpu.dma_semaphore, #tpu.memory_space<semaphore_mem>> -> memref<!tpu.dma_semaphore, #tpu.memory_space<semaphore_mem>>
          tpu.enqueue_indirect_dma source(%dma_start3A_259 : memref<10000x128xf32, #tpu.memory_space<hbm>>) target(%dma_start3A_251 : memref<80x128xf32, #tpu.memory_space<vmem>>) offsets(%dma_start3A_254 : memref<80xi32, #tpu.memory_space<vmem>>) semaphore(%dma_start3A_261 : memref<!tpu.dma_semaphore, #tpu.memory_space<semaphore_mem>>)
        } else {
        }
        %dma_wait3A_211 = arith.constant 0 : i32
        %dma_wait3A_212 = arith.constant 0 : i32
        %dma_wait3A_213 = tpu.memref_slice %arg7[%rem3A_203, %dma_wait3A_211, %dma_wait3A_212] : memref<3x80x128xf32, #tpu.memory_space<vmem>> -> memref<1x80x128xf32, #tpu.memory_space<vmem>>
        %dma_wait3A_214 = tpu.memref_squeeze %dma_wait3A_213 : memref<1x80x128xf32, #tpu.memory_space<vmem>> -> memref<80x128xf32, #tpu.memory_space<vmem>>
        %dma_wait3A_215 = arith.constant 0 : i32
        %dma_wait3A_216 = tpu.memref_slice %arg5[%rem3A_112, %scan3A_200, %dma_wait3A_215] : memref<2x25x80xi32, #tpu.memory_space<vmem>> -> memref<1x1x80xi32, #tpu.memory_space<vmem>>
        %dma_wait3A_217 = tpu.memref_squeeze %dma_wait3A_216 : memref<1x1x80xi32, #tpu.memory_space<vmem>> -> memref<80xi32, #tpu.memory_space<vmem>>
        %dma_wait3A_218 = arith.constant 0 : i32
        %dma_wait3A_219 = tpu.memref_slice %arg2[%mul3A_0, %dma_wait3A_218] : memref<20000x128xf32, #tpu.memory_space<hbm>> -> memref<10000x128xf32, #tpu.memory_space<hbm>>
        %dma_wait3A_220 = arith.constant 0 : i32
        %dma_wait3A_221 = arith.constant 0 : i32
        %dma_wait3A_222 = tpu.memref_slice %dma_wait3A_219[%dma_wait3A_220, %dma_wait3A_221] : memref<10000x128xf32, #tpu.memory_space<hbm>> -> memref<10000x128xf32, #tpu.memory_space<hbm>>
        %dma_wait3A_223 = tpu.memref_slice %arg8[%rem3A_203] : memref<3x!tpu.dma_semaphore, #tpu.memory_space<semaphore_mem>> -> memref<1x!tpu.dma_semaphore, #tpu.memory_space<semaphore_mem>>
        %dma_wait3A_224 = tpu.memref_squeeze %dma_wait3A_223 : memref<1x!tpu.dma_semaphore, #tpu.memory_space<semaphore_mem>> -> memref<!tpu.dma_semaphore, #tpu.memory_space<semaphore_mem>>
        tpu.wait_indirect_dma semaphore(%dma_wait3A_224 : memref<!tpu.dma_semaphore, #tpu.memory_space<semaphore_mem>>) src(%dma_wait3A_222 : memref<10000x128xf32, #tpu.memory_space<hbm>>) dst(%dma_wait3A_214 : memref<80x128xf32, #tpu.memory_space<vmem>>)
        %dma_start3A_225 = arith.constant 0 : i32
        %dma_start3A_226 = arith.constant 0 : i32
        %dma_start3A_227 = tpu.memref_slice %arg7[%rem3A_203, %dma_start3A_225, %dma_start3A_226] : memref<3x80x128xf32, #tpu.memory_space<vmem>> -> memref<1x80x128xf32, #tpu.memory_space<vmem>>
        %dma_start3A_228 = tpu.memref_squeeze %dma_start3A_227 : memref<1x80x128xf32, #tpu.memory_space<vmem>> -> memref<80x128xf32, #tpu.memory_space<vmem>>
        %dma_start3A_229 = arith.constant 0 : i32
        %dma_start3A_230 = tpu.memref_slice %arg6[%rem3A_112, %scan3A_200, %dma_start3A_229] : memref<2x25x80xi32, #tpu.memory_space<vmem>> -> memref<1x1x80xi32, #tpu.memory_space<vmem>>
        %dma_start3A_231 = tpu.memref_squeeze %dma_start3A_230 : memref<1x1x80xi32, #tpu.memory_space<vmem>> -> memref<80xi32, #tpu.memory_space<vmem>>
        %dma_start3A_232 = arith.constant 0 : i32
        %dma_start3A_233 = arith.constant 0 : i32
        %dma_start3A_234 = tpu.memref_slice %arg11[%dma_start3A_232, %dma_start3A_233] : memref<10000x128xf32, #tpu.memory_space<vmem_shared>> -> memref<10000x128xf32, #tpu.memory_space<vmem_shared>>
        %dma_start3A_235 = tpu.memref_slice %arg9[%rem3A_203] : memref<3x!tpu.dma_semaphore, #tpu.memory_space<semaphore_mem>> -> memref<1x!tpu.dma_semaphore, #tpu.memory_space<semaphore_mem>>
        %dma_start3A_236 = tpu.memref_squeeze %dma_start3A_235 : memref<1x!tpu.dma_semaphore, #tpu.memory_space<semaphore_mem>> -> memref<!tpu.dma_semaphore, #tpu.memory_space<semaphore_mem>>
        tpu.enqueue_indirect_dma source(%dma_start3A_228 : memref<80x128xf32, #tpu.memory_space<vmem>>) target(%dma_start3A_234 : memref<10000x128xf32, #tpu.memory_space<vmem_shared>>) offsets(%dma_start3A_231 : memref<80xi32, #tpu.memory_space<vmem>>) semaphore(%dma_start3A_236 : memref<!tpu.dma_semaphore, #tpu.memory_space<semaphore_mem>>) {add = true}
      }
      %scan3A_199 = arith.constant 25 : i32
    }
    %scan3A_48 = arith.constant 10 : i32
    %dma_wait3A = arith.constant 0 : i32
    %dma_wait3A_49 = arith.constant 0 : i32
    %dma_wait3A_50 = arith.constant 0 : i32
    %dma_wait3A_51 = arith.constant 0 : i32
    %dma_wait3A_52 = arith.constant 0 : i32
    %dma_wait3A_53 = arith.constant 0 : i32
    %dma_wait3A_54 = tpu.memref_slice %arg7[%dma_wait3A, %dma_wait3A_52, %dma_wait3A_53] : memref<3x80x128xf32, #tpu.memory_space<vmem>> -> memref<1x80x128xf32, #tpu.memory_space<vmem>>
    %dma_wait3A_55 = tpu.memref_squeeze %dma_wait3A_54 : memref<1x80x128xf32, #tpu.memory_space<vmem>> -> memref<80x128xf32, #tpu.memory_space<vmem>>
    %dma_wait3A_56 = arith.constant 0 : i32
    %dma_wait3A_57 = tpu.memref_slice %arg6[%dma_wait3A_49, %dma_wait3A_50, %dma_wait3A_56] : memref<2x25x80xi32, #tpu.memory_space<vmem>> -> memref<1x1x80xi32, #tpu.memory_space<vmem>>
    %dma_wait3A_58 = tpu.memref_squeeze %dma_wait3A_57 : memref<1x1x80xi32, #tpu.memory_space<vmem>> -> memref<80xi32, #tpu.memory_space<vmem>>
    %dma_wait3A_59 = arith.constant 0 : i32
    %dma_wait3A_60 = arith.constant 0 : i32
    %dma_wait3A_61 = tpu.memref_slice %arg11[%dma_wait3A_59, %dma_wait3A_60] : memref<10000x128xf32, #tpu.memory_space<vmem_shared>> -> memref<10000x128xf32, #tpu.memory_space<vmem_shared>>
    %dma_wait3A_62 = tpu.memref_slice %arg9[%dma_wait3A_51] : memref<3x!tpu.dma_semaphore, #tpu.memory_space<semaphore_mem>> -> memref<1x!tpu.dma_semaphore, #tpu.memory_space<semaphore_mem>>
    %dma_wait3A_63 = tpu.memref_squeeze %dma_wait3A_62 : memref<1x!tpu.dma_semaphore, #tpu.memory_space<semaphore_mem>> -> memref<!tpu.dma_semaphore, #tpu.memory_space<semaphore_mem>>
    tpu.wait_indirect_dma semaphore(%dma_wait3A_63 : memref<!tpu.dma_semaphore, #tpu.memory_space<semaphore_mem>>) src(%dma_wait3A_55 : memref<80x128xf32, #tpu.memory_space<vmem>>) dst(%dma_wait3A_61 : memref<10000x128xf32, #tpu.memory_space<vmem_shared>>)
    %dma_wait3A_64 = arith.constant 1 : i32
    %dma_wait3A_65 = arith.constant 0 : i32
    %dma_wait3A_66 = arith.constant 0 : i32
    %dma_wait3A_67 = arith.constant 1 : i32
    %dma_wait3A_68 = arith.constant 0 : i32
    %dma_wait3A_69 = arith.constant 0 : i32
    %dma_wait3A_70 = tpu.memref_slice %arg7[%dma_wait3A_64, %dma_wait3A_68, %dma_wait3A_69] : memref<3x80x128xf32, #tpu.memory_space<vmem>> -> memref<1x80x128xf32, #tpu.memory_space<vmem>>
    %dma_wait3A_71 = tpu.memref_squeeze %dma_wait3A_70 : memref<1x80x128xf32, #tpu.memory_space<vmem>> -> memref<80x128xf32, #tpu.memory_space<vmem>>
    %dma_wait3A_72 = arith.constant 0 : i32
    %dma_wait3A_73 = tpu.memref_slice %arg6[%dma_wait3A_65, %dma_wait3A_66, %dma_wait3A_72] : memref<2x25x80xi32, #tpu.memory_space<vmem>> -> memref<1x1x80xi32, #tpu.memory_space<vmem>>
    %dma_wait3A_74 = tpu.memref_squeeze %dma_wait3A_73 : memref<1x1x80xi32, #tpu.memory_space<vmem>> -> memref<80xi32, #tpu.memory_space<vmem>>
    %dma_wait3A_75 = arith.constant 0 : i32
    %dma_wait3A_76 = arith.constant 0 : i32
    %dma_wait3A_77 = tpu.memref_slice %arg11[%dma_wait3A_75, %dma_wait3A_76] : memref<10000x128xf32, #tpu.memory_space<vmem_shared>> -> memref<10000x128xf32, #tpu.memory_space<vmem_shared>>
    %dma_wait3A_78 = tpu.memref_slice %arg9[%dma_wait3A_67] : memref<3x!tpu.dma_semaphore, #tpu.memory_space<semaphore_mem>> -> memref<1x!tpu.dma_semaphore, #tpu.memory_space<semaphore_mem>>
    %dma_wait3A_79 = tpu.memref_squeeze %dma_wait3A_78 : memref<1x!tpu.dma_semaphore, #tpu.memory_space<semaphore_mem>> -> memref<!tpu.dma_semaphore, #tpu.memory_space<semaphore_mem>>
    tpu.wait_indirect_dma semaphore(%dma_wait3A_79 : memref<!tpu.dma_semaphore, #tpu.memory_space<semaphore_mem>>) src(%dma_wait3A_71 : memref<80x128xf32, #tpu.memory_space<vmem>>) dst(%dma_wait3A_77 : memref<10000x128xf32, #tpu.memory_space<vmem_shared>>)
    %dma_wait3A_80 = arith.constant 2 : i32
    %dma_wait3A_81 = arith.constant 0 : i32
    %dma_wait3A_82 = arith.constant 0 : i32
    %dma_wait3A_83 = arith.constant 2 : i32
    %dma_wait3A_84 = arith.constant 0 : i32
    %dma_wait3A_85 = arith.constant 0 : i32
    %dma_wait3A_86 = tpu.memref_slice %arg7[%dma_wait3A_80, %dma_wait3A_84, %dma_wait3A_85] : memref<3x80x128xf32, #tpu.memory_space<vmem>> -> memref<1x80x128xf32, #tpu.memory_space<vmem>>
    %dma_wait3A_87 = tpu.memref_squeeze %dma_wait3A_86 : memref<1x80x128xf32, #tpu.memory_space<vmem>> -> memref<80x128xf32, #tpu.memory_space<vmem>>
    %dma_wait3A_88 = arith.constant 0 : i32
    %dma_wait3A_89 = tpu.memref_slice %arg6[%dma_wait3A_81, %dma_wait3A_82, %dma_wait3A_88] : memref<2x25x80xi32, #tpu.memory_space<vmem>> -> memref<1x1x80xi32, #tpu.memory_space<vmem>>
    %dma_wait3A_90 = tpu.memref_squeeze %dma_wait3A_89 : memref<1x1x80xi32, #tpu.memory_space<vmem>> -> memref<80xi32, #tpu.memory_space<vmem>>
    %dma_wait3A_91 = arith.constant 0 : i32
    %dma_wait3A_92 = arith.constant 0 : i32
    %dma_wait3A_93 = tpu.memref_slice %arg11[%dma_wait3A_91, %dma_wait3A_92] : memref<10000x128xf32, #tpu.memory_space<vmem_shared>> -> memref<10000x128xf32, #tpu.memory_space<vmem_shared>>
    %dma_wait3A_94 = tpu.memref_slice %arg9[%dma_wait3A_83] : memref<3x!tpu.dma_semaphore, #tpu.memory_space<semaphore_mem>> -> memref<1x!tpu.dma_semaphore, #tpu.memory_space<semaphore_mem>>
    %dma_wait3A_95 = tpu.memref_squeeze %dma_wait3A_94 : memref<1x!tpu.dma_semaphore, #tpu.memory_space<semaphore_mem>> -> memref<!tpu.dma_semaphore, #tpu.memory_space<semaphore_mem>>
    tpu.wait_indirect_dma semaphore(%dma_wait3A_95 : memref<!tpu.dma_semaphore, #tpu.memory_space<semaphore_mem>>) src(%dma_wait3A_87 : memref<80x128xf32, #tpu.memory_space<vmem>>) dst(%dma_wait3A_93 : memref<10000x128xf32, #tpu.memory_space<vmem_shared>>)
    %barrier3A_96 = arith.constant 0 : index
    tpu.barrier barrier_id(%barrier3A_96)
    %lt3A_97 = arith.constant 15 : i32
    %lt3A_98 = arith.cmpi slt, %arg1, %lt3A_97 : i32
    %convert_element_type3A_99 = arith.extui %lt3A_98 : i1 to i32
    %cond3A_100 = arith.constant 0 : i32
    %cond3A_101 = arith.cmpi ne, %convert_element_type3A_99, %cond3A_100 : i32
    scf.if %cond3A_101 {
      %mul3A_107 = arith.constant 624 : i32
      %mul3A_108 = arith.muli %arg1, %mul3A_107 : i32
      %mul3A_109 = arith.constant 10000 : i32
      %mul3A_110 = arith.muli %arg0, %mul3A_109 : i32
      %add3A = arith.addi %mul3A_110, %mul3A_108 : i32
      "tpu.region"() ({
        %run_scoped3A = tpu.sem_alloc : memref<!tpu.dma_semaphore, #tpu.memory_space<semaphore_mem>>
        %dma_start3A_111 = arith.constant 0 : i32
        %dma_start3A_112 = tpu.memref_slice %arg4[%add3A, %dma_start3A_111] : memref<20000x128xf32, #tpu.memory_space<hbm>> -> memref<624x128xf32, #tpu.memory_space<hbm>>
        %dma_start3A_113 = arith.constant 0 : i32
        %dma_start3A_114 = tpu.memref_slice %arg11[%mul3A_108, %dma_start3A_113] : memref<10000x128xf32, #tpu.memory_space<vmem_shared>> -> memref<624x128xf32, #tpu.memory_space<vmem_shared>>
        tpu.enqueue_dma source(%dma_start3A_114 : memref<624x128xf32, #tpu.memory_space<vmem_shared>>) target(%dma_start3A_112 : memref<624x128xf32, #tpu.memory_space<hbm>>) target_semaphore(%run_scoped3A : memref<!tpu.dma_semaphore, #tpu.memory_space<semaphore_mem>>)
        %dma_wait3A_115 = arith.constant 0 : i32
        %dma_wait3A_116 = tpu.memref_slice %arg4[%add3A, %dma_wait3A_115] : memref<20000x128xf32, #tpu.memory_space<hbm>> -> memref<624x128xf32, #tpu.memory_space<hbm>>
        %dma_wait3A_117 = arith.constant 0 : i32
        %dma_wait3A_118 = tpu.memref_slice %arg11[%mul3A_108, %dma_wait3A_117] : memref<10000x128xf32, #tpu.memory_space<vmem_shared>> -> memref<624x128xf32, #tpu.memory_space<vmem_shared>>
        tpu.wait_dma2 semaphore(%run_scoped3A : memref<!tpu.dma_semaphore, #tpu.memory_space<semaphore_mem>>) src(%dma_wait3A_118 : memref<624x128xf32, #tpu.memory_space<vmem_shared>>) dst(%dma_wait3A_116 : memref<624x128xf32, #tpu.memory_space<hbm>>)
        tpu.yield
      }) : () -> ()
    } else {
    }
    %eq3A_102 = arith.constant 15 : i32
    %eq3A_103 = arith.cmpi eq, %arg1, %eq3A_102 : i32
    %convert_element_type3A_104 = arith.extui %eq3A_103 : i1 to i32
    %cond3A_105 = arith.constant 0 : i32
    %cond3A_106 = arith.cmpi ne, %convert_element_type3A_104, %cond3A_105 : i32
    scf.if %cond3A_106 {
      %mul3A_107 = arith.constant 10000 : i32
      %mul3A_108 = arith.muli %arg0, %mul3A_107 : i32
      %add3A = arith.constant 9360 : i32
      %add3A_109 = arith.addi %mul3A_108, %add3A : i32
      "tpu.region"() ({
        %run_scoped3A = tpu.sem_alloc : memref<!tpu.dma_semaphore, #tpu.memory_space<semaphore_mem>>
        %dma_start3A_110 = arith.constant 0 : i32
        %dma_start3A_111 = tpu.memref_slice %arg4[%add3A_109, %dma_start3A_110] : memref<20000x128xf32, #tpu.memory_space<hbm>> -> memref<640x128xf32, #tpu.memory_space<hbm>>
        %dma_start3A_112 = arith.constant 9360 : i32
        %dma_start3A_113 = arith.constant 0 : i32
        %dma_start3A_114 = tpu.memref_slice %arg11[%dma_start3A_112, %dma_start3A_113] : memref<10000x128xf32, #tpu.memory_space<vmem_shared>> -> memref<640x128xf32, #tpu.memory_space<vmem_shared>>
        tpu.enqueue_dma source(%dma_start3A_114 : memref<640x128xf32, #tpu.memory_space<vmem_shared>>) target(%dma_start3A_111 : memref<640x128xf32, #tpu.memory_space<hbm>>) target_semaphore(%run_scoped3A : memref<!tpu.dma_semaphore, #tpu.memory_space<semaphore_mem>>)
        %dma_wait3A_115 = arith.constant 0 : i32
        %dma_wait3A_116 = tpu.memref_slice %arg4[%add3A_109, %dma_wait3A_115] : memref<20000x128xf32, #tpu.memory_space<hbm>> -> memref<640x128xf32, #tpu.memory_space<hbm>>
        %dma_wait3A_117 = arith.constant 9360 : i32
        %dma_wait3A_118 = arith.constant 0 : i32
        %dma_wait3A_119 = tpu.memref_slice %arg11[%dma_wait3A_117, %dma_wait3A_118] : memref<10000x128xf32, #tpu.memory_space<vmem_shared>> -> memref<640x128xf32, #tpu.memory_space<vmem_shared>>
        tpu.wait_dma2 semaphore(%run_scoped3A : memref<!tpu.dma_semaphore, #tpu.memory_space<semaphore_mem>>) src(%dma_wait3A_119 : memref<640x128xf32, #tpu.memory_space<vmem_shared>>) dst(%dma_wait3A_116 : memref<640x128xf32, #tpu.memory_space<hbm>>)
        tpu.yield
      }) : () -> ()
    } else {
    }
    return
  }
}

#map = affine_map<(d0, d1) -> (0, 0)>
#map1 = affine_map<(d0, d1) -> (0, 0, 0, 0, 0)>
module attributes {stable_mosaic.version = 14 : i64} {
  func.func @body(%arg0: i32, %arg1: i32, %arg2: memref<20000x128xf32, #tpu.memory_space<hbm>>, %arg3: memref<2x16x10x25x80xi32, #tpu.memory_space<hbm>>, %arg4: memref<20000x128xf32, #tpu.memory_space<hbm>>, %arg5: memref<2x25x80xi32, #tpu.memory_space<vmem>>, %arg6: memref<2x25x80xi32, #tpu.memory_space<vmem>>, %arg7: memref<3x80x128xf32, #tpu.memory_space<vmem>>, %arg8: memref<3x!tpu.dma_semaphore, #tpu.memory_space<semaphore_mem>>, %arg9: memref<3x!tpu.dma_semaphore, #tpu.memory_space<semaphore_mem>>, %arg10: memref<!tpu.dma_semaphore, #tpu.memory_space<semaphore_mem>>, %arg11: memref<10000x128xf32, #tpu.memory_space<vmem_shared>>) attributes {dimension_semantics = [#tpu.dimension_semantics<core_parallel>, #tpu.dimension_semantics<subcore_parallel>], iteration_bounds = array<i64: 2, 16>, scalar_prefetch = 0 : i64, scratch_operands = 7 : i64, tpu.core_type = #tpu.core_type<sc_vector_subcore>, window_params = [{transform_indices = #map}, {transform_indices = #map1}, {transform_indices = #map}]} {
    %mul3A = arith.constant 10000 : i32
    %mul3A_0 = arith.muli %arg0, %mul3A : i32
    %dma_start3A = arith.constant 0 : i32
    %dma_start3A_1 = arith.constant 0 : i32
    %dma_start3A_2 = arith.constant 0 : i32
    %dma_start3A_3 = arith.constant 0 : i32
    %dma_start3A_4 = arith.constant 0 : i32
    %dma_start3A_5 = tpu.memref_slice %arg5[%dma_start3A_2, %dma_start3A_3, %dma_start3A_4] : memref<2x25x80xi32, #tpu.memory_space<vmem>> -> memref<1x25x80xi32, #tpu.memory_space<vmem>>
    %dma_start3A_6 = tpu.memref_squeeze %dma_start3A_5 : memref<1x25x80xi32, #tpu.memory_space<vmem>> -> memref<25x80xi32, #tpu.memory_space<vmem>>
    %dma_start3A_7 = arith.constant 0 : i32
    %dma_start3A_8 = arith.constant 0 : i32
    %dma_start3A_9 = tpu.memref_slice %arg3[%dma_start3A, %arg1, %dma_start3A_1, %dma_start3A_7, %dma_start3A_8] : memref<2x16x10x25x80xi32, #tpu.memory_space<hbm>> -> memref<1x1x1x25x80xi32, #tpu.memory_space<hbm>>
    %dma_start3A_10 = tpu.memref_squeeze %dma_start3A_9 : memref<1x1x1x25x80xi32, #tpu.memory_space<hbm>> -> memref<25x80xi32, #tpu.memory_space<hbm>>
    %dma_start3A_11 = arith.constant 0 : i32
    %dma_start3A_12 = arith.constant 0 : i32
    %dma_start3A_13 = tpu.memref_slice %arg5[%dma_start3A_2, %dma_start3A_11, %dma_start3A_12] : memref<2x25x80xi32, #tpu.memory_space<vmem>> -> memref<1x25x80xi32, #tpu.memory_space<vmem>>
    %dma_start3A_14 = tpu.memref_squeeze %dma_start3A_13 : memref<1x25x80xi32, #tpu.memory_space<vmem>> -> memref<25x80xi32, #tpu.memory_space<vmem>>
    %dma_start3A_15 = arith.constant 0 : i32
    %dma_start3A_16 = arith.constant 0 : i32
    %dma_start3A_17 = tpu.memref_slice %arg3[%dma_start3A, %arg1, %dma_start3A_1, %dma_start3A_15, %dma_start3A_16] : memref<2x16x10x25x80xi32, #tpu.memory_space<hbm>> -> memref<1x1x1x25x80xi32, #tpu.memory_space<hbm>>
    %dma_start3A_18 = tpu.memref_squeeze %dma_start3A_17 : memref<1x1x1x25x80xi32, #tpu.memory_space<hbm>> -> memref<25x80xi32, #tpu.memory_space<hbm>>
    tpu.enqueue_dma source(%dma_start3A_18 : memref<25x80xi32, #tpu.memory_space<hbm>>) target(%dma_start3A_14 : memref<25x80xi32, #tpu.memory_space<vmem>>) target_semaphore(%arg10 : memref<!tpu.dma_semaphore, #tpu.memory_space<semaphore_mem>>)
    %dma_start3A_19 = arith.constant 1 : i32
    %dma_start3A_20 = arith.constant 0 : i32
    %dma_start3A_21 = arith.constant 0 : i32
    %dma_start3A_22 = arith.constant 0 : i32
    %dma_start3A_23 = arith.constant 0 : i32
    %dma_start3A_24 = tpu.memref_slice %arg6[%dma_start3A_21, %dma_start3A_22, %dma_start3A_23] : memref<2x25x80xi32, #tpu.memory_space<vmem>> -> memref<1x25x80xi32, #tpu.memory_space<vmem>>
    %dma_start3A_25 = tpu.memref_squeeze %dma_start3A_24 : memref<1x25x80xi32, #tpu.memory_space<vmem>> -> memref<25x80xi32, #tpu.memory_space<vmem>>
    %dma_start3A_26 = arith.constant 0 : i32
    %dma_start3A_27 = arith.constant 0 : i32
    %dma_start3A_28 = tpu.memref_slice %arg3[%dma_start3A_19, %arg1, %dma_start3A_20, %dma_start3A_26, %dma_start3A_27] : memref<2x16x10x25x80xi32, #tpu.memory_space<hbm>> -> memref<1x1x1x25x80xi32, #tpu.memory_space<hbm>>
    %dma_start3A_29 = tpu.memref_squeeze %dma_start3A_28 : memref<1x1x1x25x80xi32, #tpu.memory_space<hbm>> -> memref<25x80xi32, #tpu.memory_space<hbm>>
    %dma_start3A_30 = arith.constant 0 : i32
    %dma_start3A_31 = arith.constant 0 : i32
    %dma_start3A_32 = tpu.memref_slice %arg6[%dma_start3A_21, %dma_start3A_30, %dma_start3A_31] : memref<2x25x80xi32, #tpu.memory_space<vmem>> -> memref<1x25x80xi32, #tpu.memory_space<vmem>>
    %dma_start3A_33 = tpu.memref_squeeze %dma_start3A_32 : memref<1x25x80xi32, #tpu.memory_space<vmem>> -> memref<25x80xi32, #tpu.memory_space<vmem>>
    %dma_start3A_34 = arith.constant 0 : i32
    %dma_start3A_35 = arith.constant 0 : i32
    %dma_start3A_36 = tpu.memref_slice %arg3[%dma_start3A_19, %arg1, %dma_start3A_20, %dma_start3A_34, %dma_start3A_35] : memref<2x16x10x25x80xi32, #tpu.memory_space<hbm>> -> memref<1x1x1x25x80xi32, #tpu.memory_space<hbm>>
    %dma_start3A_37 = tpu.memref_squeeze %dma_start3A_36 : memref<1x1x1x25x80xi32, #tpu.memory_space<hbm>> -> memref<25x80xi32, #tpu.memory_space<hbm>>
    tpu.enqueue_dma source(%dma_start3A_37 : memref<25x80xi32, #tpu.memory_space<hbm>>) target(%dma_start3A_33 : memref<25x80xi32, #tpu.memory_space<vmem>>) target_semaphore(%arg10 : memref<!tpu.dma_semaphore, #tpu.memory_space<semaphore_mem>>)
    %lt3A = arith.constant 15 : i32
    %lt3A_38 = arith.cmpi slt, %arg1, %lt3A : i32
    %convert_element_type3A = arith.extui %lt3A_38 : i1 to i32
    %cond3A = arith.constant 0 : i32
    %cond3A_39 = arith.cmpi ne, %convert_element_type3A, %cond3A : i32
    scf.if %cond3A_39 {
      %mul3A_107 = arith.constant 624 : i32
      %mul3A_108 = arith.muli %arg1, %mul3A_107 : i32
      %mul3A_109 = arith.constant 10000 : i32
      %mul3A_110 = arith.muli %arg0, %mul3A_109 : i32
      %add3A = arith.addi %mul3A_110, %mul3A_108 : i32
      "tpu.region"() ({
        %run_scoped3A = tpu.sem_alloc : memref<!tpu.dma_semaphore, #tpu.memory_space<semaphore_mem>>
        %dma_start3A_111 = arith.constant 0 : i32
        %dma_start3A_112 = tpu.memref_slice %arg11[%mul3A_108, %dma_start3A_111] : memref<10000x128xf32, #tpu.memory_space<vmem_shared>> -> memref<624x128xf32, #tpu.memory_space<vmem_shared>>
        %dma_start3A_113 = arith.constant 0 : i32
        %dma_start3A_114 = tpu.memref_slice %arg2[%add3A, %dma_start3A_113] : memref<20000x128xf32, #tpu.memory_space<hbm>> -> memref<624x128xf32, #tpu.memory_space<hbm>>
        tpu.enqueue_dma source(%dma_start3A_114 : memref<624x128xf32, #tpu.memory_space<hbm>>) target(%dma_start3A_112 : memref<624x128xf32, #tpu.memory_space<vmem_shared>>) target_semaphore(%run_scoped3A : memref<!tpu.dma_semaphore, #tpu.memory_space<semaphore_mem>>)
        %dma_wait3A_115 = arith.constant 0 : i32
        %dma_wait3A_116 = tpu.memref_slice %arg11[%mul3A_108, %dma_wait3A_115] : memref<10000x128xf32, #tpu.memory_space<vmem_shared>> -> memref<624x128xf32, #tpu.memory_space<vmem_shared>>
        %dma_wait3A_117 = arith.constant 0 : i32
        %dma_wait3A_118 = tpu.memref_slice %arg2[%add3A, %dma_wait3A_117] : memref<20000x128xf32, #tpu.memory_space<hbm>> -> memref<624x128xf32, #tpu.memory_space<hbm>>
        tpu.wait_dma2 semaphore(%run_scoped3A : memref<!tpu.dma_semaphore, #tpu.memory_space<semaphore_mem>>) src(%dma_wait3A_118 : memref<624x128xf32, #tpu.memory_space<hbm>>) dst(%dma_wait3A_116 : memref<624x128xf32, #tpu.memory_space<vmem_shared>>)
        tpu.yield
      }) : () -> ()
    } else {
    }
    %eq3A = arith.constant 15 : i32
    %eq3A_40 = arith.cmpi eq, %arg1, %eq3A : i32
    %convert_element_type3A_41 = arith.extui %eq3A_40 : i1 to i32
    %cond3A_42 = arith.constant 0 : i32
    %cond3A_43 = arith.cmpi ne, %convert_element_type3A_41, %cond3A_42 : i32
    scf.if %cond3A_43 {
      %mul3A_107 = arith.constant 10000 : i32
      %mul3A_108 = arith.muli %arg0, %mul3A_107 : i32
      %add3A = arith.constant 9360 : i32
      %add3A_109 = arith.addi %mul3A_108, %add3A : i32
      "tpu.region"() ({
        %run_scoped3A = tpu.sem_alloc : memref<!tpu.dma_semaphore, #tpu.memory_space<semaphore_mem>>
        %dma_start3A_110 = arith.constant 9360 : i32
        %dma_start3A_111 = arith.constant 0 : i32
        %dma_start3A_112 = tpu.memref_slice %arg11[%dma_start3A_110, %dma_start3A_111] : memref<10000x128xf32, #tpu.memory_space<vmem_shared>> -> memref<640x128xf32, #tpu.memory_space<vmem_shared>>
        %dma_start3A_113 = arith.constant 0 : i32
        %dma_start3A_114 = tpu.memref_slice %arg2[%add3A_109, %dma_start3A_113] : memref<20000x128xf32, #tpu.memory_space<hbm>> -> memref<640x128xf32, #tpu.memory_space<hbm>>
        tpu.enqueue_dma source(%dma_start3A_114 : memref<640x128xf32, #tpu.memory_space<hbm>>) target(%dma_start3A_112 : memref<640x128xf32, #tpu.memory_space<vmem_shared>>) target_semaphore(%run_scoped3A : memref<!tpu.dma_semaphore, #tpu.memory_space<semaphore_mem>>)
        %dma_wait3A_115 = arith.constant 9360 : i32
        %dma_wait3A_116 = arith.constant 0 : i32
        %dma_wait3A_117 = tpu.memref_slice %arg11[%dma_wait3A_115, %dma_wait3A_116] : memref<10000x128xf32, #tpu.memory_space<vmem_shared>> -> memref<640x128xf32, #tpu.memory_space<vmem_shared>>
        %dma_wait3A_118 = arith.constant 0 : i32
        %dma_wait3A_119 = tpu.memref_slice %arg2[%add3A_109, %dma_wait3A_118] : memref<20000x128xf32, #tpu.memory_space<hbm>> -> memref<640x128xf32, #tpu.memory_space<hbm>>
        tpu.wait_dma2 semaphore(%run_scoped3A : memref<!tpu.dma_semaphore, #tpu.memory_space<semaphore_mem>>) src(%dma_wait3A_119 : memref<640x128xf32, #tpu.memory_space<hbm>>) dst(%dma_wait3A_117 : memref<640x128xf32, #tpu.memory_space<vmem_shared>>)
        tpu.yield
      }) : () -> ()
    } else {
    }
    %barrier3A = arith.constant 0 : index
    tpu.barrier barrier_id(%barrier3A)
    %scan3A = arith.constant 0 : i32
    %scan3A_44 = arith.constant 0 : i32
    %scan3A_45 = arith.constant 10 : i32
    %scan3A_46 = arith.addi %scan3A_44, %scan3A_45 : i32
    %scan3A_47 = arith.constant 1 : i32
    scf.for %scan3A_107 = %scan3A_44 to %scan3A_46 step %scan3A_47  : i32 {
      %ge3A = arith.constant 1 : i32
      %ge3A_108 = arith.cmpi sge, %scan3A_107, %ge3A : i32
      %convert_element_type3A_109 = arith.extui %ge3A_108 : i1 to i32
      %cond3A_110 = arith.constant 0 : i32
      %cond3A_111 = arith.cmpi ne, %convert_element_type3A_109, %cond3A_110 : i32
      scf.if %cond3A_111 {
        %dma_wait3A_200 = arith.constant 0 : i32
        %dma_wait3A_201 = arith.constant 0 : i32
        %dma_wait3A_202 = arith.constant 0 : i32
        %dma_wait3A_203 = arith.constant 0 : i32
        %dma_wait3A_204 = arith.constant 0 : i32
        %dma_wait3A_205 = arith.constant 0 : i32
        %dma_wait3A_206 = tpu.memref_slice %arg7[%dma_wait3A_200, %dma_wait3A_204, %dma_wait3A_205] : memref<3x80x128xf32, #tpu.memory_space<vmem>> -> memref<1x80x128xf32, #tpu.memory_space<vmem>>
        %dma_wait3A_207 = tpu.memref_squeeze %dma_wait3A_206 : memref<1x80x128xf32, #tpu.memory_space<vmem>> -> memref<80x128xf32, #tpu.memory_space<vmem>>
        %dma_wait3A_208 = arith.constant 0 : i32
        %dma_wait3A_209 = tpu.memref_slice %arg6[%dma_wait3A_201, %dma_wait3A_202, %dma_wait3A_208] : memref<2x25x80xi32, #tpu.memory_space<vmem>> -> memref<1x1x80xi32, #tpu.memory_space<vmem>>
        %dma_wait3A_210 = tpu.memref_squeeze %dma_wait3A_209 : memref<1x1x80xi32, #tpu.memory_space<vmem>> -> memref<80xi32, #tpu.memory_space<vmem>>
        %dma_wait3A_211 = arith.constant 0 : i32
        %dma_wait3A_212 = arith.constant 0 : i32
        %dma_wait3A_213 = tpu.memref_slice %arg11[%dma_wait3A_211, %dma_wait3A_212] : memref<10000x128xf32, #tpu.memory_space<vmem_shared>> -> memref<10000x128xf32, #tpu.memory_space<vmem_shared>>
        %dma_wait3A_214 = tpu.memref_slice %arg9[%dma_wait3A_203] : memref<3x!tpu.dma_semaphore, #tpu.memory_space<semaphore_mem>> -> memref<1x!tpu.dma_semaphore, #tpu.memory_space<semaphore_mem>>
        %dma_wait3A_215 = tpu.memref_squeeze %dma_wait3A_214 : memref<1x!tpu.dma_semaphore, #tpu.memory_space<semaphore_mem>> -> memref<!tpu.dma_semaphore, #tpu.memory_space<semaphore_mem>>
        tpu.wait_indirect_dma semaphore(%dma_wait3A_215 : memref<!tpu.dma_semaphore, #tpu.memory_space<semaphore_mem>>) src(%dma_wait3A_207 : memref<80x128xf32, #tpu.memory_space<vmem>>) dst(%dma_wait3A_213 : memref<10000x128xf32, #tpu.memory_space<vmem_shared>>)
        %dma_wait3A_216 = arith.constant 1 : i32
        %dma_wait3A_217 = arith.constant 0 : i32
        %dma_wait3A_218 = arith.constant 0 : i32
        %dma_wait3A_219 = arith.constant 1 : i32
        %dma_wait3A_220 = arith.constant 0 : i32
        %dma_wait3A_221 = arith.constant 0 : i32
        %dma_wait3A_222 = tpu.memref_slice %arg7[%dma_wait3A_216, %dma_wait3A_220, %dma_wait3A_221] : memref<3x80x128xf32, #tpu.memory_space<vmem>> -> memref<1x80x128xf32, #tpu.memory_space<vmem>>
        %dma_wait3A_223 = tpu.memref_squeeze %dma_wait3A_222 : memref<1x80x128xf32, #tpu.memory_space<vmem>> -> memref<80x128xf32, #tpu.memory_space<vmem>>
        %dma_wait3A_224 = arith.constant 0 : i32
        %dma_wait3A_225 = tpu.memref_slice %arg6[%dma_wait3A_217, %dma_wait3A_218, %dma_wait3A_224] : memref<2x25x80xi32, #tpu.memory_space<vmem>> -> memref<1x1x80xi32, #tpu.memory_space<vmem>>
        %dma_wait3A_226 = tpu.memref_squeeze %dma_wait3A_225 : memref<1x1x80xi32, #tpu.memory_space<vmem>> -> memref<80xi32, #tpu.memory_space<vmem>>
        %dma_wait3A_227 = arith.constant 0 : i32
        %dma_wait3A_228 = arith.constant 0 : i32
        %dma_wait3A_229 = tpu.memref_slice %arg11[%dma_wait3A_227, %dma_wait3A_228] : memref<10000x128xf32, #tpu.memory_space<vmem_shared>> -> memref<10000x128xf32, #tpu.memory_space<vmem_shared>>
        %dma_wait3A_230 = tpu.memref_slice %arg9[%dma_wait3A_219] : memref<3x!tpu.dma_semaphore, #tpu.memory_space<semaphore_mem>> -> memref<1x!tpu.dma_semaphore, #tpu.memory_space<semaphore_mem>>
        %dma_wait3A_231 = tpu.memref_squeeze %dma_wait3A_230 : memref<1x!tpu.dma_semaphore, #tpu.memory_space<semaphore_mem>> -> memref<!tpu.dma_semaphore, #tpu.memory_space<semaphore_mem>>
        tpu.wait_indirect_dma semaphore(%dma_wait3A_231 : memref<!tpu.dma_semaphore, #tpu.memory_space<semaphore_mem>>) src(%dma_wait3A_223 : memref<80x128xf32, #tpu.memory_space<vmem>>) dst(%dma_wait3A_229 : memref<10000x128xf32, #tpu.memory_space<vmem_shared>>)
        %dma_wait3A_232 = arith.constant 2 : i32
        %dma_wait3A_233 = arith.constant 0 : i32
        %dma_wait3A_234 = arith.constant 0 : i32
        %dma_wait3A_235 = arith.constant 2 : i32
        %dma_wait3A_236 = arith.constant 0 : i32
        %dma_wait3A_237 = arith.constant 0 : i32
        %dma_wait3A_238 = tpu.memref_slice %arg7[%dma_wait3A_232, %dma_wait3A_236, %dma_wait3A_237] : memref<3x80x128xf32, #tpu.memory_space<vmem>> -> memref<1x80x128xf32, #tpu.memory_space<vmem>>
        %dma_wait3A_239 = tpu.memref_squeeze %dma_wait3A_238 : memref<1x80x128xf32, #tpu.memory_space<vmem>> -> memref<80x128xf32, #tpu.memory_space<vmem>>
        %dma_wait3A_240 = arith.constant 0 : i32
        %dma_wait3A_241 = tpu.memref_slice %arg6[%dma_wait3A_233, %dma_wait3A_234, %dma_wait3A_240] : memref<2x25x80xi32, #tpu.memory_space<vmem>> -> memref<1x1x80xi32, #tpu.memory_space<vmem>>
        %dma_wait3A_242 = tpu.memref_squeeze %dma_wait3A_241 : memref<1x1x80xi32, #tpu.memory_space<vmem>> -> memref<80xi32, #tpu.memory_space<vmem>>
        %dma_wait3A_243 = arith.constant 0 : i32
        %dma_wait3A_244 = arith.constant 0 : i32
        %dma_wait3A_245 = tpu.memref_slice %arg11[%dma_wait3A_243, %dma_wait3A_244] : memref<10000x128xf32, #tpu.memory_space<vmem_shared>> -> memref<10000x128xf32, #tpu.memory_space<vmem_shared>>
        %dma_wait3A_246 = tpu.memref_slice %arg9[%dma_wait3A_235] : memref<3x!tpu.dma_semaphore, #tpu.memory_space<semaphore_mem>> -> memref<1x!tpu.dma_semaphore, #tpu.memory_space<semaphore_mem>>
        %dma_wait3A_247 = tpu.memref_squeeze %dma_wait3A_246 : memref<1x!tpu.dma_semaphore, #tpu.memory_space<semaphore_mem>> -> memref<!tpu.dma_semaphore, #tpu.memory_space<semaphore_mem>>
        tpu.wait_indirect_dma semaphore(%dma_wait3A_247 : memref<!tpu.dma_semaphore, #tpu.memory_space<semaphore_mem>>) src(%dma_wait3A_239 : memref<80x128xf32, #tpu.memory_space<vmem>>) dst(%dma_wait3A_245 : memref<10000x128xf32, #tpu.memory_space<vmem_shared>>)
      } else {
      }
      %rem3A = arith.constant 2 : i32
      %rem3A_112 = arith.remsi %scan3A_107, %rem3A : i32
      %dma_wait3A_113 = arith.constant 0 : i32
      %dma_wait3A_114 = arith.constant 0 : i32
      %dma_wait3A_115 = arith.constant 0 : i32
      %dma_wait3A_116 = arith.constant 0 : i32
      %dma_wait3A_117 = tpu.memref_slice %arg5[%rem3A_112, %dma_wait3A_115, %dma_wait3A_116] : memref<2x25x80xi32, #tpu.memory_space<vmem>> -> memref<1x25x80xi32, #tpu.memory_space<vmem>>
      %dma_wait3A_118 = tpu.memref_squeeze %dma_wait3A_117 : memref<1x25x80xi32, #tpu.memory_space<vmem>> -> memref<25x80xi32, #tpu.memory_space<vmem>>
      %dma_wait3A_119 = arith.constant 0 : i32
      %dma_wait3A_120 = arith.constant 0 : i32
      %dma_wait3A_121 = tpu.memref_slice %arg3[%dma_wait3A_113, %arg1, %dma_wait3A_114, %dma_wait3A_119, %dma_wait3A_120] : memref<2x16x10x25x80xi32, #tpu.memory_space<hbm>> -> memref<1x1x1x25x80xi32, #tpu.memory_space<hbm>>
      %dma_wait3A_122 = tpu.memref_squeeze %dma_wait3A_121 : memref<1x1x1x25x80xi32, #tpu.memory_space<hbm>> -> memref<25x80xi32, #tpu.memory_space<hbm>>
      %dma_wait3A_123 = arith.constant 0 : i32
      %dma_wait3A_124 = arith.constant 0 : i32
      %dma_wait3A_125 = tpu.memref_slice %arg5[%rem3A_112, %dma_wait3A_123, %dma_wait3A_124] : memref<2x25x80xi32, #tpu.memory_space<vmem>> -> memref<1x25x80xi32, #tpu.memory_space<vmem>>
      %dma_wait3A_126 = tpu.memref_squeeze %dma_wait3A_125 : memref<1x25x80xi32, #tpu.memory_space<vmem>> -> memref<25x80xi32, #tpu.memory_space<vmem>>
      %dma_wait3A_127 = arith.constant 0 : i32
      %dma_wait3A_128 = arith.constant 0 : i32
      %dma_wait3A_129 = tpu.memref_slice %arg3[%dma_wait3A_113, %arg1, %dma_wait3A_114, %dma_wait3A_127, %dma_wait3A_128] : memref<2x16x10x25x80xi32, #tpu.memory_space<hbm>> -> memref<1x1x1x25x80xi32, #tpu.memory_space<hbm>>
      %dma_wait3A_130 = tpu.memref_squeeze %dma_wait3A_129 : memref<1x1x1x25x80xi32, #tpu.memory_space<hbm>> -> memref<25x80xi32, #tpu.memory_space<hbm>>
      tpu.wait_dma2 semaphore(%arg10 : memref<!tpu.dma_semaphore, #tpu.memory_space<semaphore_mem>>) src(%dma_wait3A_130 : memref<25x80xi32, #tpu.memory_space<hbm>>) dst(%dma_wait3A_126 : memref<25x80xi32, #tpu.memory_space<vmem>>)
      %dma_wait3A_131 = arith.constant 1 : i32
      %dma_wait3A_132 = arith.constant 0 : i32
      %dma_wait3A_133 = arith.constant 0 : i32
      %dma_wait3A_134 = arith.constant 0 : i32
      %dma_wait3A_135 = tpu.memref_slice %arg6[%rem3A_112, %dma_wait3A_133, %dma_wait3A_134] : memref<2x25x80xi32, #tpu.memory_space<vmem>> -> memref<1x25x80xi32, #tpu.memory_space<vmem>>
      %dma_wait3A_136 = tpu.memref_squeeze %dma_wait3A_135 : memref<1x25x80xi32, #tpu.memory_space<vmem>> -> memref<25x80xi32, #tpu.memory_space<vmem>>
      %dma_wait3A_137 = arith.constant 0 : i32
      %dma_wait3A_138 = arith.constant 0 : i32
      %dma_wait3A_139 = tpu.memref_slice %arg3[%dma_wait3A_131, %arg1, %dma_wait3A_132, %dma_wait3A_137, %dma_wait3A_138] : memref<2x16x10x25x80xi32, #tpu.memory_space<hbm>> -> memref<1x1x1x25x80xi32, #tpu.memory_space<hbm>>
      %dma_wait3A_140 = tpu.memref_squeeze %dma_wait3A_139 : memref<1x1x1x25x80xi32, #tpu.memory_space<hbm>> -> memref<25x80xi32, #tpu.memory_space<hbm>>
      %dma_wait3A_141 = arith.constant 0 : i32
      %dma_wait3A_142 = arith.constant 0 : i32
      %dma_wait3A_143 = tpu.memref_slice %arg6[%rem3A_112, %dma_wait3A_141, %dma_wait3A_142] : memref<2x25x80xi32, #tpu.memory_space<vmem>> -> memref<1x25x80xi32, #tpu.memory_space<vmem>>
      %dma_wait3A_144 = tpu.memref_squeeze %dma_wait3A_143 : memref<1x25x80xi32, #tpu.memory_space<vmem>> -> memref<25x80xi32, #tpu.memory_space<vmem>>
      %dma_wait3A_145 = arith.constant 0 : i32
      %dma_wait3A_146 = arith.constant 0 : i32
      %dma_wait3A_147 = tpu.memref_slice %arg3[%dma_wait3A_131, %arg1, %dma_wait3A_132, %dma_wait3A_145, %dma_wait3A_146] : memref<2x16x10x25x80xi32, #tpu.memory_space<hbm>> -> memref<1x1x1x25x80xi32, #tpu.memory_space<hbm>>
      %dma_wait3A_148 = tpu.memref_squeeze %dma_wait3A_147 : memref<1x1x1x25x80xi32, #tpu.memory_space<hbm>> -> memref<25x80xi32, #tpu.memory_space<hbm>>
      tpu.wait_dma2 semaphore(%arg10 : memref<!tpu.dma_semaphore, #tpu.memory_space<semaphore_mem>>) src(%dma_wait3A_148 : memref<25x80xi32, #tpu.memory_space<hbm>>) dst(%dma_wait3A_144 : memref<25x80xi32, #tpu.memory_space<vmem>>)
      %add3A = arith.constant 1 : i32
      %add3A_149 = arith.addi %scan3A_107, %add3A : i32
      %lt3A_150 = arith.constant 10 : i32
      %lt3A_151 = arith.cmpi slt, %add3A_149, %lt3A_150 : i32
      %convert_element_type3A_152 = arith.extui %lt3A_151 : i1 to i32
      %cond3A_153 = arith.constant 0 : i32
      %cond3A_154 = arith.cmpi ne, %convert_element_type3A_152, %cond3A_153 : i32
      scf.if %cond3A_154 {
        %add3A_200 = arith.constant 1 : i32
        %add3A_201 = arith.addi %scan3A_107, %add3A_200 : i32
        %add3A_202 = arith.constant 1 : i32
        %add3A_203 = arith.addi %scan3A_107, %add3A_202 : i32
        %rem3A_204 = arith.constant 2 : i32
        %rem3A_205 = arith.remsi %add3A_203, %rem3A_204 : i32
        %dma_start3A_206 = arith.constant 0 : i32
        %dma_start3A_207 = arith.constant 0 : i32
        %dma_start3A_208 = arith.constant 0 : i32
        %dma_start3A_209 = tpu.memref_slice %arg5[%rem3A_205, %dma_start3A_207, %dma_start3A_208] : memref<2x25x80xi32, #tpu.memory_space<vmem>> -> memref<1x25x80xi32, #tpu.memory_space<vmem>>
        %dma_start3A_210 = tpu.memref_squeeze %dma_start3A_209 : memref<1x25x80xi32, #tpu.memory_space<vmem>> -> memref<25x80xi32, #tpu.memory_space<vmem>>
        %dma_start3A_211 = arith.constant 0 : i32
        %dma_start3A_212 = arith.constant 0 : i32
        %dma_start3A_213 = tpu.memref_slice %arg3[%dma_start3A_206, %arg1, %add3A_201, %dma_start3A_211, %dma_start3A_212] : memref<2x16x10x25x80xi32, #tpu.memory_space<hbm>> -> memref<1x1x1x25x80xi32, #tpu.memory_space<hbm>>
        %dma_start3A_214 = tpu.memref_squeeze %dma_start3A_213 : memref<1x1x1x25x80xi32, #tpu.memory_space<hbm>> -> memref<25x80xi32, #tpu.memory_space<hbm>>
        %dma_start3A_215 = arith.constant 0 : i32
        %dma_start3A_216 = arith.constant 0 : i32
        %dma_start3A_217 = tpu.memref_slice %arg5[%rem3A_205, %dma_start3A_215, %dma_start3A_216] : memref<2x25x80xi32, #tpu.memory_space<vmem>> -> memref<1x25x80xi32, #tpu.memory_space<vmem>>
        %dma_start3A_218 = tpu.memref_squeeze %dma_start3A_217 : memref<1x25x80xi32, #tpu.memory_space<vmem>> -> memref<25x80xi32, #tpu.memory_space<vmem>>
        %dma_start3A_219 = arith.constant 0 : i32
        %dma_start3A_220 = arith.constant 0 : i32
        %dma_start3A_221 = tpu.memref_slice %arg3[%dma_start3A_206, %arg1, %add3A_201, %dma_start3A_219, %dma_start3A_220] : memref<2x16x10x25x80xi32, #tpu.memory_space<hbm>> -> memref<1x1x1x25x80xi32, #tpu.memory_space<hbm>>
        %dma_start3A_222 = tpu.memref_squeeze %dma_start3A_221 : memref<1x1x1x25x80xi32, #tpu.memory_space<hbm>> -> memref<25x80xi32, #tpu.memory_space<hbm>>
        tpu.enqueue_dma source(%dma_start3A_222 : memref<25x80xi32, #tpu.memory_space<hbm>>) target(%dma_start3A_218 : memref<25x80xi32, #tpu.memory_space<vmem>>) target_semaphore(%arg10 : memref<!tpu.dma_semaphore, #tpu.memory_space<semaphore_mem>>)
        %dma_start3A_223 = arith.constant 1 : i32
        %dma_start3A_224 = arith.constant 0 : i32
        %dma_start3A_225 = arith.constant 0 : i32
        %dma_start3A_226 = tpu.memref_slice %arg6[%rem3A_205, %dma_start3A_224, %dma_start3A_225] : memref<2x25x80xi32, #tpu.memory_space<vmem>> -> memref<1x25x80xi32, #tpu.memory_space<vmem>>
        %dma_start3A_227 = tpu.memref_squeeze %dma_start3A_226 : memref<1x25x80xi32, #tpu.memory_space<vmem>> -> memref<25x80xi32, #tpu.memory_space<vmem>>
        %dma_start3A_228 = arith.constant 0 : i32
        %dma_start3A_229 = arith.constant 0 : i32
        %dma_start3A_230 = tpu.memref_slice %arg3[%dma_start3A_223, %arg1, %add3A_201, %dma_start3A_228, %dma_start3A_229] : memref<2x16x10x25x80xi32, #tpu.memory_space<hbm>> -> memref<1x1x1x25x80xi32, #tpu.memory_space<hbm>>
        %dma_start3A_231 = tpu.memref_squeeze %dma_start3A_230 : memref<1x1x1x25x80xi32, #tpu.memory_space<hbm>> -> memref<25x80xi32, #tpu.memory_space<hbm>>
        %dma_start3A_232 = arith.constant 0 : i32
        %dma_start3A_233 = arith.constant 0 : i32
        %dma_start3A_234 = tpu.memref_slice %arg6[%rem3A_205, %dma_start3A_232, %dma_start3A_233] : memref<2x25x80xi32, #tpu.memory_space<vmem>> -> memref<1x25x80xi32, #tpu.memory_space<vmem>>
        %dma_start3A_235 = tpu.memref_squeeze %dma_start3A_234 : memref<1x25x80xi32, #tpu.memory_space<vmem>> -> memref<25x80xi32, #tpu.memory_space<vmem>>
        %dma_start3A_236 = arith.constant 0 : i32
        %dma_start3A_237 = arith.constant 0 : i32
        %dma_start3A_238 = tpu.memref_slice %arg3[%dma_start3A_223, %arg1, %add3A_201, %dma_start3A_236, %dma_start3A_237] : memref<2x16x10x25x80xi32, #tpu.memory_space<hbm>> -> memref<1x1x1x25x80xi32, #tpu.memory_space<hbm>>
        %dma_start3A_239 = tpu.memref_squeeze %dma_start3A_238 : memref<1x1x1x25x80xi32, #tpu.memory_space<hbm>> -> memref<25x80xi32, #tpu.memory_space<hbm>>
        tpu.enqueue_dma source(%dma_start3A_239 : memref<25x80xi32, #tpu.memory_space<hbm>>) target(%dma_start3A_235 : memref<25x80xi32, #tpu.memory_space<vmem>>) target_semaphore(%arg10 : memref<!tpu.dma_semaphore, #tpu.memory_space<semaphore_mem>>)
      } else {
      }
      %mul3A_155 = arith.constant 25 : i32
      %mul3A_156 = arith.muli %scan3A_107, %mul3A_155 : i32
      %add3A_157 = arith.constant 0 : i32
      %add3A_158 = arith.addi %mul3A_156, %add3A_157 : i32
      %rem3A_159 = arith.constant 3 : i32
      %rem3A_160 = arith.remsi %add3A_158, %rem3A_159 : i32
      %dma_start3A_161 = arith.constant 0 : i32
      %dma_start3A_162 = arith.constant 0 : i32
      %dma_start3A_163 = arith.constant 0 : i32
      %dma_start3A_164 = tpu.memref_slice %arg7[%rem3A_160, %dma_start3A_162, %dma_start3A_163] : memref<3x80x128xf32, #tpu.memory_space<vmem>> -> memref<1x80x128xf32, #tpu.memory_space<vmem>>
      %dma_start3A_165 = tpu.memref_squeeze %dma_start3A_164 : memref<1x80x128xf32, #tpu.memory_space<vmem>> -> memref<80x128xf32, #tpu.memory_space<vmem>>
      %dma_start3A_166 = arith.constant 0 : i32
      %dma_start3A_167 = tpu.memref_slice %arg5[%rem3A_112, %dma_start3A_161, %dma_start3A_166] : memref<2x25x80xi32, #tpu.memory_space<vmem>> -> memref<1x1x80xi32, #tpu.memory_space<vmem>>
      %dma_start3A_168 = tpu.memref_squeeze %dma_start3A_167 : memref<1x1x80xi32, #tpu.memory_space<vmem>> -> memref<80xi32, #tpu.memory_space<vmem>>
      %dma_start3A_169 = arith.constant 0 : i32
      %dma_start3A_170 = tpu.memref_slice %arg2[%mul3A_0, %dma_start3A_169] : memref<20000x128xf32, #tpu.memory_space<hbm>> -> memref<10000x128xf32, #tpu.memory_space<hbm>>
      %dma_start3A_171 = arith.constant 0 : i32
      %dma_start3A_172 = arith.constant 0 : i32
      %dma_start3A_173 = tpu.memref_slice %dma_start3A_170[%dma_start3A_171, %dma_start3A_172] : memref<10000x128xf32, #tpu.memory_space<hbm>> -> memref<10000x128xf32, #tpu.memory_space<hbm>>
      %dma_start3A_174 = tpu.memref_slice %arg8[%rem3A_160] : memref<3x!tpu.dma_semaphore, #tpu.memory_space<semaphore_mem>> -> memref<1x!tpu.dma_semaphore, #tpu.memory_space<semaphore_mem>>
      %dma_start3A_175 = tpu.memref_squeeze %dma_start3A_174 : memref<1x!tpu.dma_semaphore, #tpu.memory_space<semaphore_mem>> -> memref<!tpu.dma_semaphore, #tpu.memory_space<semaphore_mem>>
      tpu.enqueue_indirect_dma source(%dma_start3A_173 : memref<10000x128xf32, #tpu.memory_space<hbm>>) target(%dma_start3A_165 : memref<80x128xf32, #tpu.memory_space<vmem>>) offsets(%dma_start3A_168 : memref<80xi32, #tpu.memory_space<vmem>>) semaphore(%dma_start3A_175 : memref<!tpu.dma_semaphore, #tpu.memory_space<semaphore_mem>>)
      %add3A_176 = arith.constant 1 : i32
      %add3A_177 = arith.addi %mul3A_156, %add3A_176 : i32
      %rem3A_178 = arith.constant 3 : i32
      %rem3A_179 = arith.remsi %add3A_177, %rem3A_178 : i32
      %dma_start3A_180 = arith.constant 1 : i32
      %dma_start3A_181 = arith.constant 0 : i32
      %dma_start3A_182 = arith.constant 0 : i32
      %dma_start3A_183 = tpu.memref_slice %arg7[%rem3A_179, %dma_start3A_181, %dma_start3A_182] : memref<3x80x128xf32, #tpu.memory_space<vmem>> -> memref<1x80x128xf32, #tpu.memory_space<vmem>>
      %dma_start3A_184 = tpu.memref_squeeze %dma_start3A_183 : memref<1x80x128xf32, #tpu.memory_space<vmem>> -> memref<80x128xf32, #tpu.memory_space<vmem>>
      %dma_start3A_185 = arith.constant 0 : i32
      %dma_start3A_186 = tpu.memref_slice %arg5[%rem3A_112, %dma_start3A_180, %dma_start3A_185] : memref<2x25x80xi32, #tpu.memory_space<vmem>> -> memref<1x1x80xi32, #tpu.memory_space<vmem>>
      %dma_start3A_187 = tpu.memref_squeeze %dma_start3A_186 : memref<1x1x80xi32, #tpu.memory_space<vmem>> -> memref<80xi32, #tpu.memory_space<vmem>>
      %dma_start3A_188 = arith.constant 0 : i32
      %dma_start3A_189 = tpu.memref_slice %arg2[%mul3A_0, %dma_start3A_188] : memref<20000x128xf32, #tpu.memory_space<hbm>> -> memref<10000x128xf32, #tpu.memory_space<hbm>>
      %dma_start3A_190 = arith.constant 0 : i32
      %dma_start3A_191 = arith.constant 0 : i32
      %dma_start3A_192 = tpu.memref_slice %dma_start3A_189[%dma_start3A_190, %dma_start3A_191] : memref<10000x128xf32, #tpu.memory_space<hbm>> -> memref<10000x128xf32, #tpu.memory_space<hbm>>
      %dma_start3A_193 = tpu.memref_slice %arg8[%rem3A_179] : memref<3x!tpu.dma_semaphore, #tpu.memory_space<semaphore_mem>> -> memref<1x!tpu.dma_semaphore, #tpu.memory_space<semaphore_mem>>
      %dma_start3A_194 = tpu.memref_squeeze %dma_start3A_193 : memref<1x!tpu.dma_semaphore, #tpu.memory_space<semaphore_mem>> -> memref<!tpu.dma_semaphore, #tpu.memory_space<semaphore_mem>>
      tpu.enqueue_indirect_dma source(%dma_start3A_192 : memref<10000x128xf32, #tpu.memory_space<hbm>>) target(%dma_start3A_184 : memref<80x128xf32, #tpu.memory_space<vmem>>) offsets(%dma_start3A_187 : memref<80xi32, #tpu.memory_space<vmem>>) semaphore(%dma_start3A_194 : memref<!tpu.dma_semaphore, #tpu.memory_space<semaphore_mem>>)
      %scan3A_195 = arith.constant 0 : i32
      %scan3A_196 = arith.constant 25 : i32
      %scan3A_197 = arith.addi %scan3A_195, %scan3A_196 : i32
      %scan3A_198 = arith.constant 1 : i32
      scf.for %scan3A_200 = %scan3A_195 to %scan3A_197 step %scan3A_198  : i32 {
        %add3A_201 = arith.addi %mul3A_156, %scan3A_200 : i32
        %rem3A_202 = arith.constant 3 : i32
        %rem3A_203 = arith.remsi %add3A_201, %rem3A_202 : i32
        %add3A_204 = arith.constant 2 : i32
        %add3A_205 = arith.addi %scan3A_200, %add3A_204 : i32
        %lt3A_206 = arith.constant 25 : i32
        %lt3A_207 = arith.cmpi slt, %add3A_205, %lt3A_206 : i32
        %convert_element_type3A_208 = arith.extui %lt3A_207 : i1 to i32
        %cond3A_209 = arith.constant 0 : i32
        %cond3A_210 = arith.cmpi ne, %convert_element_type3A_208, %cond3A_209 : i32
        scf.if %cond3A_210 {
          %add3A_237 = arith.constant 2 : i32
          %add3A_238 = arith.addi %add3A_201, %add3A_237 : i32
          %rem3A_239 = arith.constant 3 : i32
          %rem3A_240 = arith.remsi %add3A_238, %rem3A_239 : i32
          %ge3A_241 = arith.constant 1 : i32
          %ge3A_242 = arith.cmpi sge, %scan3A_200, %ge3A_241 : i32
          %convert_element_type3A_243 = arith.extui %ge3A_242 : i1 to i32
          %cond3A_244 = arith.constant 0 : i32
          %cond3A_245 = arith.cmpi ne, %convert_element_type3A_243, %cond3A_244 : i32
          scf.if %cond3A_245 {
            %dma_wait3A_262 = arith.constant 0 : i32
            %dma_wait3A_263 = arith.constant 0 : i32
            %dma_wait3A_264 = arith.constant 0 : i32
            %dma_wait3A_265 = arith.constant 0 : i32
            %dma_wait3A_266 = tpu.memref_slice %arg7[%rem3A_240, %dma_wait3A_264, %dma_wait3A_265] : memref<3x80x128xf32, #tpu.memory_space<vmem>> -> memref<1x80x128xf32, #tpu.memory_space<vmem>>
            %dma_wait3A_267 = tpu.memref_squeeze %dma_wait3A_266 : memref<1x80x128xf32, #tpu.memory_space<vmem>> -> memref<80x128xf32, #tpu.memory_space<vmem>>
            %dma_wait3A_268 = arith.constant 0 : i32
            %dma_wait3A_269 = tpu.memref_slice %arg6[%dma_wait3A_262, %dma_wait3A_263, %dma_wait3A_268] : memref<2x25x80xi32, #tpu.memory_space<vmem>> -> memref<1x1x80xi32, #tpu.memory_space<vmem>>
            %dma_wait3A_270 = tpu.memref_squeeze %dma_wait3A_269 : memref<1x1x80xi32, #tpu.memory_space<vmem>> -> memref<80xi32, #tpu.memory_space<vmem>>
            %dma_wait3A_271 = arith.constant 0 : i32
            %dma_wait3A_272 = arith.constant 0 : i32
            %dma_wait3A_273 = tpu.memref_slice %arg11[%dma_wait3A_271, %dma_wait3A_272] : memref<10000x128xf32, #tpu.memory_space<vmem_shared>> -> memref<10000x128xf32, #tpu.memory_space<vmem_shared>>
            %dma_wait3A_274 = tpu.memref_slice %arg9[%rem3A_240] : memref<3x!tpu.dma_semaphore, #tpu.memory_space<semaphore_mem>> -> memref<1x!tpu.dma_semaphore, #tpu.memory_space<semaphore_mem>>
            %dma_wait3A_275 = tpu.memref_squeeze %dma_wait3A_274 : memref<1x!tpu.dma_semaphore, #tpu.memory_space<semaphore_mem>> -> memref<!tpu.dma_semaphore, #tpu.memory_space<semaphore_mem>>
            tpu.wait_indirect_dma semaphore(%dma_wait3A_275 : memref<!tpu.dma_semaphore, #tpu.memory_space<semaphore_mem>>) src(%dma_wait3A_267 : memref<80x128xf32, #tpu.memory_space<vmem>>) dst(%dma_wait3A_273 : memref<10000x128xf32, #tpu.memory_space<vmem_shared>>)
          } else {
          }
          %add3A_246 = arith.constant 2 : i32
          %add3A_247 = arith.addi %scan3A_200, %add3A_246 : i32
          %dma_start3A_248 = arith.constant 0 : i32
          %dma_start3A_249 = arith.constant 0 : i32
          %dma_start3A_250 = tpu.memref_slice %arg7[%rem3A_240, %dma_start3A_248, %dma_start3A_249] : memref<3x80x128xf32, #tpu.memory_space<vmem>> -> memref<1x80x128xf32, #tpu.memory_space<vmem>>
          %dma_start3A_251 = tpu.memref_squeeze %dma_start3A_250 : memref<1x80x128xf32, #tpu.memory_space<vmem>> -> memref<80x128xf32, #tpu.memory_space<vmem>>
          %dma_start3A_252 = arith.constant 0 : i32
          %dma_start3A_253 = tpu.memref_slice %arg5[%rem3A_112, %add3A_247, %dma_start3A_252] : memref<2x25x80xi32, #tpu.memory_space<vmem>> -> memref<1x1x80xi32, #tpu.memory_space<vmem>>
          %dma_start3A_254 = tpu.memref_squeeze %dma_start3A_253 : memref<1x1x80xi32, #tpu.memory_space<vmem>> -> memref<80xi32, #tpu.memory_space<vmem>>
          %dma_start3A_255 = arith.constant 0 : i32
          %dma_start3A_256 = tpu.memref_slice %arg2[%mul3A_0, %dma_start3A_255] : memref<20000x128xf32, #tpu.memory_space<hbm>> -> memref<10000x128xf32, #tpu.memory_space<hbm>>
          %dma_start3A_257 = arith.constant 0 : i32
          %dma_start3A_258 = arith.constant 0 : i32
          %dma_start3A_259 = tpu.memref_slice %dma_start3A_256[%dma_start3A_257, %dma_start3A_258] : memref<10000x128xf32, #tpu.memory_space<hbm>> -> memref<10000x128xf32, #tpu.memory_space<hbm>>
          %dma_start3A_260 = tpu.memref_slice %arg8[%rem3A_240] : memref<3x!tpu.dma_semaphore, #tpu.memory_space<semaphore_mem>> -> memref<1x!tpu.dma_semaphore, #tpu.memory_space<semaphore_mem>>
          %dma_start3A_261 = tpu.memref_squeeze %dma_start3A_260 : memref<1x!tpu.dma_semaphore, #tpu.memory_space<semaphore_mem>> -> memref<!tpu.dma_semaphore, #tpu.memory_space<semaphore_mem>>
          tpu.enqueue_indirect_dma source(%dma_start3A_259 : memref<10000x128xf32, #tpu.memory_space<hbm>>) target(%dma_start3A_251 : memref<80x128xf32, #tpu.memory_space<vmem>>) offsets(%dma_start3A_254 : memref<80xi32, #tpu.memory_space<vmem>>) semaphore(%dma_start3A_261 : memref<!tpu.dma_semaphore, #tpu.memory_space<semaphore_mem>>)
        } else {
        }
        %dma_wait3A_211 = arith.constant 0 : i32
        %dma_wait3A_212 = arith.constant 0 : i32
        %dma_wait3A_213 = tpu.memref_slice %arg7[%rem3A_203, %dma_wait3A_211, %dma_wait3A_212] : memref<3x80x128xf32, #tpu.memory_space<vmem>> -> memref<1x80x128xf32, #tpu.memory_space<vmem>>
        %dma_wait3A_214 = tpu.memref_squeeze %dma_wait3A_213 : memref<1x80x128xf32, #tpu.memory_space<vmem>> -> memref<80x128xf32, #tpu.memory_space<vmem>>
        %dma_wait3A_215 = arith.constant 0 : i32
        %dma_wait3A_216 = tpu.memref_slice %arg5[%rem3A_112, %scan3A_200, %dma_wait3A_215] : memref<2x25x80xi32, #tpu.memory_space<vmem>> -> memref<1x1x80xi32, #tpu.memory_space<vmem>>
        %dma_wait3A_217 = tpu.memref_squeeze %dma_wait3A_216 : memref<1x1x80xi32, #tpu.memory_space<vmem>> -> memref<80xi32, #tpu.memory_space<vmem>>
        %dma_wait3A_218 = arith.constant 0 : i32
        %dma_wait3A_219 = tpu.memref_slice %arg2[%mul3A_0, %dma_wait3A_218] : memref<20000x128xf32, #tpu.memory_space<hbm>> -> memref<10000x128xf32, #tpu.memory_space<hbm>>
        %dma_wait3A_220 = arith.constant 0 : i32
        %dma_wait3A_221 = arith.constant 0 : i32
        %dma_wait3A_222 = tpu.memref_slice %dma_wait3A_219[%dma_wait3A_220, %dma_wait3A_221] : memref<10000x128xf32, #tpu.memory_space<hbm>> -> memref<10000x128xf32, #tpu.memory_space<hbm>>
        %dma_wait3A_223 = tpu.memref_slice %arg8[%rem3A_203] : memref<3x!tpu.dma_semaphore, #tpu.memory_space<semaphore_mem>> -> memref<1x!tpu.dma_semaphore, #tpu.memory_space<semaphore_mem>>
        %dma_wait3A_224 = tpu.memref_squeeze %dma_wait3A_223 : memref<1x!tpu.dma_semaphore, #tpu.memory_space<semaphore_mem>> -> memref<!tpu.dma_semaphore, #tpu.memory_space<semaphore_mem>>
        tpu.wait_indirect_dma semaphore(%dma_wait3A_224 : memref<!tpu.dma_semaphore, #tpu.memory_space<semaphore_mem>>) src(%dma_wait3A_222 : memref<10000x128xf32, #tpu.memory_space<hbm>>) dst(%dma_wait3A_214 : memref<80x128xf32, #tpu.memory_space<vmem>>)
        %dma_start3A_225 = arith.constant 0 : i32
        %dma_start3A_226 = arith.constant 0 : i32
        %dma_start3A_227 = tpu.memref_slice %arg7[%rem3A_203, %dma_start3A_225, %dma_start3A_226] : memref<3x80x128xf32, #tpu.memory_space<vmem>> -> memref<1x80x128xf32, #tpu.memory_space<vmem>>
        %dma_start3A_228 = tpu.memref_squeeze %dma_start3A_227 : memref<1x80x128xf32, #tpu.memory_space<vmem>> -> memref<80x128xf32, #tpu.memory_space<vmem>>
        %dma_start3A_229 = arith.constant 0 : i32
        %dma_start3A_230 = tpu.memref_slice %arg6[%rem3A_112, %scan3A_200, %dma_start3A_229] : memref<2x25x80xi32, #tpu.memory_space<vmem>> -> memref<1x1x80xi32, #tpu.memory_space<vmem>>
        %dma_start3A_231 = tpu.memref_squeeze %dma_start3A_230 : memref<1x1x80xi32, #tpu.memory_space<vmem>> -> memref<80xi32, #tpu.memory_space<vmem>>
        %dma_start3A_232 = arith.constant 0 : i32
        %dma_start3A_233 = arith.constant 0 : i32
        %dma_start3A_234 = tpu.memref_slice %arg11[%dma_start3A_232, %dma_start3A_233] : memref<10000x128xf32, #tpu.memory_space<vmem_shared>> -> memref<10000x128xf32, #tpu.memory_space<vmem_shared>>
        %dma_start3A_235 = tpu.memref_slice %arg9[%rem3A_203] : memref<3x!tpu.dma_semaphore, #tpu.memory_space<semaphore_mem>> -> memref<1x!tpu.dma_semaphore, #tpu.memory_space<semaphore_mem>>
        %dma_start3A_236 = tpu.memref_squeeze %dma_start3A_235 : memref<1x!tpu.dma_semaphore, #tpu.memory_space<semaphore_mem>> -> memref<!tpu.dma_semaphore, #tpu.memory_space<semaphore_mem>>
        tpu.enqueue_indirect_dma source(%dma_start3A_228 : memref<80x128xf32, #tpu.memory_space<vmem>>) target(%dma_start3A_234 : memref<10000x128xf32, #tpu.memory_space<vmem_shared>>) offsets(%dma_start3A_231 : memref<80xi32, #tpu.memory_space<vmem>>) semaphore(%dma_start3A_236 : memref<!tpu.dma_semaphore, #tpu.memory_space<semaphore_mem>>) {add = true}
      }
      %scan3A_199 = arith.constant 25 : i32
    }
    %scan3A_48 = arith.constant 10 : i32
    %dma_wait3A = arith.constant 0 : i32
    %dma_wait3A_49 = arith.constant 0 : i32
    %dma_wait3A_50 = arith.constant 0 : i32
    %dma_wait3A_51 = arith.constant 0 : i32
    %dma_wait3A_52 = arith.constant 0 : i32
    %dma_wait3A_53 = arith.constant 0 : i32
    %dma_wait3A_54 = tpu.memref_slice %arg7[%dma_wait3A, %dma_wait3A_52, %dma_wait3A_53] : memref<3x80x128xf32, #tpu.memory_space<vmem>> -> memref<1x80x128xf32, #tpu.memory_space<vmem>>
    %dma_wait3A_55 = tpu.memref_squeeze %dma_wait3A_54 : memref<1x80x128xf32, #tpu.memory_space<vmem>> -> memref<80x128xf32, #tpu.memory_space<vmem>>
    %dma_wait3A_56 = arith.constant 0 : i32
    %dma_wait3A_57 = tpu.memref_slice %arg6[%dma_wait3A_49, %dma_wait3A_50, %dma_wait3A_56] : memref<2x25x80xi32, #tpu.memory_space<vmem>> -> memref<1x1x80xi32, #tpu.memory_space<vmem>>
    %dma_wait3A_58 = tpu.memref_squeeze %dma_wait3A_57 : memref<1x1x80xi32, #tpu.memory_space<vmem>> -> memref<80xi32, #tpu.memory_space<vmem>>
    %dma_wait3A_59 = arith.constant 0 : i32
    %dma_wait3A_60 = arith.constant 0 : i32
    %dma_wait3A_61 = tpu.memref_slice %arg11[%dma_wait3A_59, %dma_wait3A_60] : memref<10000x128xf32, #tpu.memory_space<vmem_shared>> -> memref<10000x128xf32, #tpu.memory_space<vmem_shared>>
    %dma_wait3A_62 = tpu.memref_slice %arg9[%dma_wait3A_51] : memref<3x!tpu.dma_semaphore, #tpu.memory_space<semaphore_mem>> -> memref<1x!tpu.dma_semaphore, #tpu.memory_space<semaphore_mem>>
    %dma_wait3A_63 = tpu.memref_squeeze %dma_wait3A_62 : memref<1x!tpu.dma_semaphore, #tpu.memory_space<semaphore_mem>> -> memref<!tpu.dma_semaphore, #tpu.memory_space<semaphore_mem>>
    tpu.wait_indirect_dma semaphore(%dma_wait3A_63 : memref<!tpu.dma_semaphore, #tpu.memory_space<semaphore_mem>>) src(%dma_wait3A_55 : memref<80x128xf32, #tpu.memory_space<vmem>>) dst(%dma_wait3A_61 : memref<10000x128xf32, #tpu.memory_space<vmem_shared>>)
    %dma_wait3A_64 = arith.constant 1 : i32
    %dma_wait3A_65 = arith.constant 0 : i32
    %dma_wait3A_66 = arith.constant 0 : i32
    %dma_wait3A_67 = arith.constant 1 : i32
    %dma_wait3A_68 = arith.constant 0 : i32
    %dma_wait3A_69 = arith.constant 0 : i32
    %dma_wait3A_70 = tpu.memref_slice %arg7[%dma_wait3A_64, %dma_wait3A_68, %dma_wait3A_69] : memref<3x80x128xf32, #tpu.memory_space<vmem>> -> memref<1x80x128xf32, #tpu.memory_space<vmem>>
    %dma_wait3A_71 = tpu.memref_squeeze %dma_wait3A_70 : memref<1x80x128xf32, #tpu.memory_space<vmem>> -> memref<80x128xf32, #tpu.memory_space<vmem>>
    %dma_wait3A_72 = arith.constant 0 : i32
    %dma_wait3A_73 = tpu.memref_slice %arg6[%dma_wait3A_65, %dma_wait3A_66, %dma_wait3A_72] : memref<2x25x80xi32, #tpu.memory_space<vmem>> -> memref<1x1x80xi32, #tpu.memory_space<vmem>>
    %dma_wait3A_74 = tpu.memref_squeeze %dma_wait3A_73 : memref<1x1x80xi32, #tpu.memory_space<vmem>> -> memref<80xi32, #tpu.memory_space<vmem>>
    %dma_wait3A_75 = arith.constant 0 : i32
    %dma_wait3A_76 = arith.constant 0 : i32
    %dma_wait3A_77 = tpu.memref_slice %arg11[%dma_wait3A_75, %dma_wait3A_76] : memref<10000x128xf32, #tpu.memory_space<vmem_shared>> -> memref<10000x128xf32, #tpu.memory_space<vmem_shared>>
    %dma_wait3A_78 = tpu.memref_slice %arg9[%dma_wait3A_67] : memref<3x!tpu.dma_semaphore, #tpu.memory_space<semaphore_mem>> -> memref<1x!tpu.dma_semaphore, #tpu.memory_space<semaphore_mem>>
    %dma_wait3A_79 = tpu.memref_squeeze %dma_wait3A_78 : memref<1x!tpu.dma_semaphore, #tpu.memory_space<semaphore_mem>> -> memref<!tpu.dma_semaphore, #tpu.memory_space<semaphore_mem>>
    tpu.wait_indirect_dma semaphore(%dma_wait3A_79 : memref<!tpu.dma_semaphore, #tpu.memory_space<semaphore_mem>>) src(%dma_wait3A_71 : memref<80x128xf32, #tpu.memory_space<vmem>>) dst(%dma_wait3A_77 : memref<10000x128xf32, #tpu.memory_space<vmem_shared>>)
    %dma_wait3A_80 = arith.constant 2 : i32
    %dma_wait3A_81 = arith.constant 0 : i32
    %dma_wait3A_82 = arith.constant 0 : i32
    %dma_wait3A_83 = arith.constant 2 : i32
    %dma_wait3A_84 = arith.constant 0 : i32
    %dma_wait3A_85 = arith.constant 0 : i32
    %dma_wait3A_86 = tpu.memref_slice %arg7[%dma_wait3A_80, %dma_wait3A_84, %dma_wait3A_85] : memref<3x80x128xf32, #tpu.memory_space<vmem>> -> memref<1x80x128xf32, #tpu.memory_space<vmem>>
    %dma_wait3A_87 = tpu.memref_squeeze %dma_wait3A_86 : memref<1x80x128xf32, #tpu.memory_space<vmem>> -> memref<80x128xf32, #tpu.memory_space<vmem>>
    %dma_wait3A_88 = arith.constant 0 : i32
    %dma_wait3A_89 = tpu.memref_slice %arg6[%dma_wait3A_81, %dma_wait3A_82, %dma_wait3A_88] : memref<2x25x80xi32, #tpu.memory_space<vmem>> -> memref<1x1x80xi32, #tpu.memory_space<vmem>>
    %dma_wait3A_90 = tpu.memref_squeeze %dma_wait3A_89 : memref<1x1x80xi32, #tpu.memory_space<vmem>> -> memref<80xi32, #tpu.memory_space<vmem>>
    %dma_wait3A_91 = arith.constant 0 : i32
    %dma_wait3A_92 = arith.constant 0 : i32
    %dma_wait3A_93 = tpu.memref_slice %arg11[%dma_wait3A_91, %dma_wait3A_92] : memref<10000x128xf32, #tpu.memory_space<vmem_shared>> -> memref<10000x128xf32, #tpu.memory_space<vmem_shared>>
    %dma_wait3A_94 = tpu.memref_slice %arg9[%dma_wait3A_83] : memref<3x!tpu.dma_semaphore, #tpu.memory_space<semaphore_mem>> -> memref<1x!tpu.dma_semaphore, #tpu.memory_space<semaphore_mem>>
    %dma_wait3A_95 = tpu.memref_squeeze %dma_wait3A_94 : memref<1x!tpu.dma_semaphore, #tpu.memory_space<semaphore_mem>> -> memref<!tpu.dma_semaphore, #tpu.memory_space<semaphore_mem>>
    tpu.wait_indirect_dma semaphore(%dma_wait3A_95 : memref<!tpu.dma_semaphore, #tpu.memory_space<semaphore_mem>>) src(%dma_wait3A_87 : memref<80x128xf32, #tpu.memory_space<vmem>>) dst(%dma_wait3A_93 : memref<10000x128xf32, #tpu.memory_space<vmem_shared>>)
    %barrier3A_96 = arith.constant 0 : index
    tpu.barrier barrier_id(%barrier3A_96)
    %lt3A_97 = arith.constant 15 : i32
    %lt3A_98 = arith.cmpi slt, %arg1, %lt3A_97 : i32
    %convert_element_type3A_99 = arith.extui %lt3A_98 : i1 to i32
    %cond3A_100 = arith.constant 0 : i32
    %cond3A_101 = arith.cmpi ne, %convert_element_type3A_99, %cond3A_100 : i32
    scf.if %cond3A_101 {
      %mul3A_107 = arith.constant 624 : i32
      %mul3A_108 = arith.muli %arg1, %mul3A_107 : i32
      %mul3A_109 = arith.constant 10000 : i32
      %mul3A_110 = arith.muli %arg0, %mul3A_109 : i32
      %add3A = arith.addi %mul3A_110, %mul3A_108 : i32
      "tpu.region"() ({
        %run_scoped3A = tpu.sem_alloc : memref<!tpu.dma_semaphore, #tpu.memory_space<semaphore_mem>>
        %dma_start3A_111 = arith.constant 0 : i32
        %dma_start3A_112 = tpu.memref_slice %arg4[%add3A, %dma_start3A_111] : memref<20000x128xf32, #tpu.memory_space<hbm>> -> memref<624x128xf32, #tpu.memory_space<hbm>>
        %dma_start3A_113 = arith.constant 0 : i32
        %dma_start3A_114 = tpu.memref_slice %arg11[%mul3A_108, %dma_start3A_113] : memref<10000x128xf32, #tpu.memory_space<vmem_shared>> -> memref<624x128xf32, #tpu.memory_space<vmem_shared>>
        tpu.enqueue_dma source(%dma_start3A_114 : memref<624x128xf32, #tpu.memory_space<vmem_shared>>) target(%dma_start3A_112 : memref<624x128xf32, #tpu.memory_space<hbm>>) target_semaphore(%run_scoped3A : memref<!tpu.dma_semaphore, #tpu.memory_space<semaphore_mem>>)
        %dma_wait3A_115 = arith.constant 0 : i32
        %dma_wait3A_116 = tpu.memref_slice %arg4[%add3A, %dma_wait3A_115] : memref<20000x128xf32, #tpu.memory_space<hbm>> -> memref<624x128xf32, #tpu.memory_space<hbm>>
        %dma_wait3A_117 = arith.constant 0 : i32
        %dma_wait3A_118 = tpu.memref_slice %arg11[%mul3A_108, %dma_wait3A_117] : memref<10000x128xf32, #tpu.memory_space<vmem_shared>> -> memref<624x128xf32, #tpu.memory_space<vmem_shared>>
        tpu.wait_dma2 semaphore(%run_scoped3A : memref<!tpu.dma_semaphore, #tpu.memory_space<semaphore_mem>>) src(%dma_wait3A_118 : memref<624x128xf32, #tpu.memory_space<vmem_shared>>) dst(%dma_wait3A_116 : memref<624x128xf32, #tpu.memory_space<hbm>>)
        tpu.yield
      }) : () -> ()
    } else {
    }
    %eq3A_102 = arith.constant 15 : i32
    %eq3A_103 = arith.cmpi eq, %arg1, %eq3A_102 : i32
    %convert_element_type3A_104 = arith.extui %eq3A_103 : i1 to i32
    %cond3A_105 = arith.constant 0 : i32
    %cond3A_106 = arith.cmpi ne, %convert_element_type3A_104, %cond3A_105 : i32
    scf.if %cond3A_106 {
      %mul3A_107 = arith.constant 10000 : i32
      %mul3A_108 = arith.muli %arg0, %mul3A_107 : i32
      %add3A = arith.constant 9360 : i32
      %add3A_109 = arith.addi %mul3A_108, %add3A : i32
      "tpu.region"() ({
        %run_scoped3A = tpu.sem_alloc : memref<!tpu.dma_semaphore, #tpu.memory_space<semaphore_mem>>
        %dma_start3A_110 = arith.constant 0 : i32
        %dma_start3A_111 = tpu.memref_slice %arg4[%add3A_109, %dma_start3A_110] : memref<20000x128xf32, #tpu.memory_space<hbm>> -> memref<640x128xf32, #tpu.memory_space<hbm>>
        %dma_start3A_112 = arith.constant 9360 : i32
        %dma_start3A_113 = arith.constant 0 : i32
        %dma_start3A_114 = tpu.memref_slice %arg11[%dma_start3A_112, %dma_start3A_113] : memref<10000x128xf32, #tpu.memory_space<vmem_shared>> -> memref<640x128xf32, #tpu.memory_space<vmem_shared>>
        tpu.enqueue_dma source(%dma_start3A_114 : memref<640x128xf32, #tpu.memory_space<vmem_shared>>) target(%dma_start3A_111 : memref<640x128xf32, #tpu.memory_space<hbm>>) target_semaphore(%run_scoped3A : memref<!tpu.dma_semaphore, #tpu.memory_space<semaphore_mem>>)
        %dma_wait3A_115 = arith.constant 0 : i32
        %dma_wait3A_116 = tpu.memref_slice %arg4[%add3A_109, %dma_wait3A_115] : memref<20000x128xf32, #tpu.memory_space<hbm>> -> memref<640x128xf32, #tpu.memory_space<hbm>>
        %dma_wait3A_117 = arith.constant 9360 : i32
        %dma_wait3A_118 = arith.constant 0 : i32
        %dma_wait3A_119 = tpu.memref_slice %arg11[%dma_wait3A_117, %dma_wait3A_118] : memref<10000x128xf32, #tpu.memory_space<vmem_shared>> -> memref<640x128xf32, #tpu.memory_space<vmem_shared>>
        tpu.wait_dma2 semaphore(%run_scoped3A : memref<!tpu.dma_semaphore, #tpu.memory_space<semaphore_mem>>) src(%dma_wait3A_119 : memref<640x128xf32, #tpu.memory_space<vmem_shared>>) dst(%dma_wait3A_116 : memref<640x128xf32, #tpu.memory_space<hbm>>)
        tpu.yield
      }) : () -> ()
    } else {
    }
    return
  }
}

#map = affine_map<(d0, d1) -> (0, 0)>
#map1 = affine_map<(d0, d1) -> (0, 0, 0, 0, 0)>
module attributes {stable_mosaic.version = 14 : i64} {
  func.func @body(%arg0: i32, %arg1: i32, %arg2: memref<20000x128xf32, #tpu.memory_space<hbm>>, %arg3: memref<2x32x5x25x80xi32, #tpu.memory_space<hbm>>, %arg4: memref<20000x128xf32, #tpu.memory_space<hbm>>, %arg5: memref<2x25x80xi32, #tpu.memory_space<vmem>>, %arg6: memref<2x25x80xi32, #tpu.memory_space<vmem>>, %arg7: memref<3x80x128xf32, #tpu.memory_space<vmem>>, %arg8: memref<3x!tpu.dma_semaphore, #tpu.memory_space<semaphore_mem>>, %arg9: memref<3x!tpu.dma_semaphore, #tpu.memory_space<semaphore_mem>>, %arg10: memref<!tpu.dma_semaphore, #tpu.memory_space<semaphore_mem>>, %arg11: memref<10000x128xf32, #tpu.memory_space<vmem_shared>>) attributes {dimension_semantics = [#tpu.dimension_semantics<core_parallel>, #tpu.dimension_semantics<subcore_parallel>], iteration_bounds = array<i64: 2, 16>, scalar_prefetch = 0 : i64, scratch_operands = 7 : i64, tpu.core_type = #tpu.core_type<sc_vector_subcore>, window_params = [{transform_indices = #map}, {transform_indices = #map1}, {transform_indices = #map}]} {
    %mul3A = arith.constant 16 : i32
    %mul3A_0 = arith.muli %arg0, %mul3A : i32
    %add3A = arith.addi %mul3A_0, %arg1 : i32
    %dma_start3A = arith.constant 0 : i32
    %dma_start3A_1 = arith.constant 0 : i32
    %dma_start3A_2 = arith.constant 0 : i32
    %dma_start3A_3 = arith.constant 0 : i32
    %dma_start3A_4 = arith.constant 0 : i32
    %dma_start3A_5 = tpu.memref_slice %arg5[%dma_start3A_2, %dma_start3A_3, %dma_start3A_4] : memref<2x25x80xi32, #tpu.memory_space<vmem>> -> memref<1x25x80xi32, #tpu.memory_space<vmem>>
    %dma_start3A_6 = tpu.memref_squeeze %dma_start3A_5 : memref<1x25x80xi32, #tpu.memory_space<vmem>> -> memref<25x80xi32, #tpu.memory_space<vmem>>
    %dma_start3A_7 = arith.constant 0 : i32
    %dma_start3A_8 = arith.constant 0 : i32
    %dma_start3A_9 = tpu.memref_slice %arg3[%dma_start3A, %add3A, %dma_start3A_1, %dma_start3A_7, %dma_start3A_8] : memref<2x32x5x25x80xi32, #tpu.memory_space<hbm>> -> memref<1x1x1x25x80xi32, #tpu.memory_space<hbm>>
    %dma_start3A_10 = tpu.memref_squeeze %dma_start3A_9 : memref<1x1x1x25x80xi32, #tpu.memory_space<hbm>> -> memref<25x80xi32, #tpu.memory_space<hbm>>
    %dma_start3A_11 = arith.constant 0 : i32
    %dma_start3A_12 = arith.constant 0 : i32
    %dma_start3A_13 = tpu.memref_slice %arg5[%dma_start3A_2, %dma_start3A_11, %dma_start3A_12] : memref<2x25x80xi32, #tpu.memory_space<vmem>> -> memref<1x25x80xi32, #tpu.memory_space<vmem>>
    %dma_start3A_14 = tpu.memref_squeeze %dma_start3A_13 : memref<1x25x80xi32, #tpu.memory_space<vmem>> -> memref<25x80xi32, #tpu.memory_space<vmem>>
    %dma_start3A_15 = arith.constant 0 : i32
    %dma_start3A_16 = arith.constant 0 : i32
    %dma_start3A_17 = tpu.memref_slice %arg3[%dma_start3A, %add3A, %dma_start3A_1, %dma_start3A_15, %dma_start3A_16] : memref<2x32x5x25x80xi32, #tpu.memory_space<hbm>> -> memref<1x1x1x25x80xi32, #tpu.memory_space<hbm>>
    %dma_start3A_18 = tpu.memref_squeeze %dma_start3A_17 : memref<1x1x1x25x80xi32, #tpu.memory_space<hbm>> -> memref<25x80xi32, #tpu.memory_space<hbm>>
    tpu.enqueue_dma source(%dma_start3A_18 : memref<25x80xi32, #tpu.memory_space<hbm>>) target(%dma_start3A_14 : memref<25x80xi32, #tpu.memory_space<vmem>>) target_semaphore(%arg10 : memref<!tpu.dma_semaphore, #tpu.memory_space<semaphore_mem>>)
    %dma_start3A_19 = arith.constant 1 : i32
    %dma_start3A_20 = arith.constant 0 : i32
    %dma_start3A_21 = arith.constant 0 : i32
    %dma_start3A_22 = arith.constant 0 : i32
    %dma_start3A_23 = arith.constant 0 : i32
    %dma_start3A_24 = tpu.memref_slice %arg6[%dma_start3A_21, %dma_start3A_22, %dma_start3A_23] : memref<2x25x80xi32, #tpu.memory_space<vmem>> -> memref<1x25x80xi32, #tpu.memory_space<vmem>>
    %dma_start3A_25 = tpu.memref_squeeze %dma_start3A_24 : memref<1x25x80xi32, #tpu.memory_space<vmem>> -> memref<25x80xi32, #tpu.memory_space<vmem>>
    %dma_start3A_26 = arith.constant 0 : i32
    %dma_start3A_27 = arith.constant 0 : i32
    %dma_start3A_28 = tpu.memref_slice %arg3[%dma_start3A_19, %add3A, %dma_start3A_20, %dma_start3A_26, %dma_start3A_27] : memref<2x32x5x25x80xi32, #tpu.memory_space<hbm>> -> memref<1x1x1x25x80xi32, #tpu.memory_space<hbm>>
    %dma_start3A_29 = tpu.memref_squeeze %dma_start3A_28 : memref<1x1x1x25x80xi32, #tpu.memory_space<hbm>> -> memref<25x80xi32, #tpu.memory_space<hbm>>
    %dma_start3A_30 = arith.constant 0 : i32
    %dma_start3A_31 = arith.constant 0 : i32
    %dma_start3A_32 = tpu.memref_slice %arg6[%dma_start3A_21, %dma_start3A_30, %dma_start3A_31] : memref<2x25x80xi32, #tpu.memory_space<vmem>> -> memref<1x25x80xi32, #tpu.memory_space<vmem>>
    %dma_start3A_33 = tpu.memref_squeeze %dma_start3A_32 : memref<1x25x80xi32, #tpu.memory_space<vmem>> -> memref<25x80xi32, #tpu.memory_space<vmem>>
    %dma_start3A_34 = arith.constant 0 : i32
    %dma_start3A_35 = arith.constant 0 : i32
    %dma_start3A_36 = tpu.memref_slice %arg3[%dma_start3A_19, %add3A, %dma_start3A_20, %dma_start3A_34, %dma_start3A_35] : memref<2x32x5x25x80xi32, #tpu.memory_space<hbm>> -> memref<1x1x1x25x80xi32, #tpu.memory_space<hbm>>
    %dma_start3A_37 = tpu.memref_squeeze %dma_start3A_36 : memref<1x1x1x25x80xi32, #tpu.memory_space<hbm>> -> memref<25x80xi32, #tpu.memory_space<hbm>>
    tpu.enqueue_dma source(%dma_start3A_37 : memref<25x80xi32, #tpu.memory_space<hbm>>) target(%dma_start3A_33 : memref<25x80xi32, #tpu.memory_space<vmem>>) target_semaphore(%arg10 : memref<!tpu.dma_semaphore, #tpu.memory_space<semaphore_mem>>)
    %lt3A = arith.constant 15 : i32
    %lt3A_38 = arith.cmpi slt, %arg1, %lt3A : i32
    %convert_element_type3A = arith.extui %lt3A_38 : i1 to i32
    %cond3A = arith.constant 0 : i32
    %cond3A_39 = arith.cmpi ne, %convert_element_type3A, %cond3A : i32
    scf.if %cond3A_39 {
      %mul3A_107 = arith.constant 624 : i32
      %mul3A_108 = arith.muli %arg1, %mul3A_107 : i32
      %mul3A_109 = arith.constant 10000 : i32
      %mul3A_110 = arith.muli %arg0, %mul3A_109 : i32
      %add3A_111 = arith.addi %mul3A_110, %mul3A_108 : i32
      "tpu.region"() ({
        %run_scoped3A = tpu.sem_alloc : memref<!tpu.dma_semaphore, #tpu.memory_space<semaphore_mem>>
        %dma_start3A_112 = arith.constant 0 : i32
        %dma_start3A_113 = tpu.memref_slice %arg11[%mul3A_108, %dma_start3A_112] : memref<10000x128xf32, #tpu.memory_space<vmem_shared>> -> memref<624x128xf32, #tpu.memory_space<vmem_shared>>
        %dma_start3A_114 = arith.constant 0 : i32
        %dma_start3A_115 = tpu.memref_slice %arg2[%add3A_111, %dma_start3A_114] : memref<20000x128xf32, #tpu.memory_space<hbm>> -> memref<624x128xf32, #tpu.memory_space<hbm>>
        tpu.enqueue_dma source(%dma_start3A_115 : memref<624x128xf32, #tpu.memory_space<hbm>>) target(%dma_start3A_113 : memref<624x128xf32, #tpu.memory_space<vmem_shared>>) target_semaphore(%run_scoped3A : memref<!tpu.dma_semaphore, #tpu.memory_space<semaphore_mem>>)
        %dma_wait3A_116 = arith.constant 0 : i32
        %dma_wait3A_117 = tpu.memref_slice %arg11[%mul3A_108, %dma_wait3A_116] : memref<10000x128xf32, #tpu.memory_space<vmem_shared>> -> memref<624x128xf32, #tpu.memory_space<vmem_shared>>
        %dma_wait3A_118 = arith.constant 0 : i32
        %dma_wait3A_119 = tpu.memref_slice %arg2[%add3A_111, %dma_wait3A_118] : memref<20000x128xf32, #tpu.memory_space<hbm>> -> memref<624x128xf32, #tpu.memory_space<hbm>>
        tpu.wait_dma2 semaphore(%run_scoped3A : memref<!tpu.dma_semaphore, #tpu.memory_space<semaphore_mem>>) src(%dma_wait3A_119 : memref<624x128xf32, #tpu.memory_space<hbm>>) dst(%dma_wait3A_117 : memref<624x128xf32, #tpu.memory_space<vmem_shared>>)
        tpu.yield
      }) : () -> ()
    } else {
    }
    %eq3A = arith.constant 15 : i32
    %eq3A_40 = arith.cmpi eq, %arg1, %eq3A : i32
    %convert_element_type3A_41 = arith.extui %eq3A_40 : i1 to i32
    %cond3A_42 = arith.constant 0 : i32
    %cond3A_43 = arith.cmpi ne, %convert_element_type3A_41, %cond3A_42 : i32
    scf.if %cond3A_43 {
      %mul3A_107 = arith.constant 10000 : i32
      %mul3A_108 = arith.muli %arg0, %mul3A_107 : i32
      %add3A_109 = arith.constant 9360 : i32
      %add3A_110 = arith.addi %mul3A_108, %add3A_109 : i32
      "tpu.region"() ({
        %run_scoped3A = tpu.sem_alloc : memref<!tpu.dma_semaphore, #tpu.memory_space<semaphore_mem>>
        %dma_start3A_111 = arith.constant 9360 : i32
        %dma_start3A_112 = arith.constant 0 : i32
        %dma_start3A_113 = tpu.memref_slice %arg11[%dma_start3A_111, %dma_start3A_112] : memref<10000x128xf32, #tpu.memory_space<vmem_shared>> -> memref<640x128xf32, #tpu.memory_space<vmem_shared>>
        %dma_start3A_114 = arith.constant 0 : i32
        %dma_start3A_115 = tpu.memref_slice %arg2[%add3A_110, %dma_start3A_114] : memref<20000x128xf32, #tpu.memory_space<hbm>> -> memref<640x128xf32, #tpu.memory_space<hbm>>
        tpu.enqueue_dma source(%dma_start3A_115 : memref<640x128xf32, #tpu.memory_space<hbm>>) target(%dma_start3A_113 : memref<640x128xf32, #tpu.memory_space<vmem_shared>>) target_semaphore(%run_scoped3A : memref<!tpu.dma_semaphore, #tpu.memory_space<semaphore_mem>>)
        %dma_wait3A_116 = arith.constant 9360 : i32
        %dma_wait3A_117 = arith.constant 0 : i32
        %dma_wait3A_118 = tpu.memref_slice %arg11[%dma_wait3A_116, %dma_wait3A_117] : memref<10000x128xf32, #tpu.memory_space<vmem_shared>> -> memref<640x128xf32, #tpu.memory_space<vmem_shared>>
        %dma_wait3A_119 = arith.constant 0 : i32
        %dma_wait3A_120 = tpu.memref_slice %arg2[%add3A_110, %dma_wait3A_119] : memref<20000x128xf32, #tpu.memory_space<hbm>> -> memref<640x128xf32, #tpu.memory_space<hbm>>
        tpu.wait_dma2 semaphore(%run_scoped3A : memref<!tpu.dma_semaphore, #tpu.memory_space<semaphore_mem>>) src(%dma_wait3A_120 : memref<640x128xf32, #tpu.memory_space<hbm>>) dst(%dma_wait3A_118 : memref<640x128xf32, #tpu.memory_space<vmem_shared>>)
        tpu.yield
      }) : () -> ()
    } else {
    }
    %barrier3A = arith.constant 0 : index
    tpu.barrier barrier_id(%barrier3A)
    %scan3A = arith.constant 0 : i32
    %scan3A_44 = arith.constant 0 : i32
    %scan3A_45 = arith.constant 5 : i32
    %scan3A_46 = arith.addi %scan3A_44, %scan3A_45 : i32
    %scan3A_47 = arith.constant 1 : i32
    scf.for %scan3A_107 = %scan3A_44 to %scan3A_46 step %scan3A_47  : i32 {
      %ge3A = arith.constant 1 : i32
      %ge3A_108 = arith.cmpi sge, %scan3A_107, %ge3A : i32
      %convert_element_type3A_109 = arith.extui %ge3A_108 : i1 to i32
      %cond3A_110 = arith.constant 0 : i32
      %cond3A_111 = arith.cmpi ne, %convert_element_type3A_109, %cond3A_110 : i32
      scf.if %cond3A_111 {
        %dma_wait3A_197 = arith.constant 0 : i32
        %dma_wait3A_198 = arith.constant 0 : i32
        %dma_wait3A_199 = arith.constant 0 : i32
        %dma_wait3A_200 = arith.constant 0 : i32
        %dma_wait3A_201 = arith.constant 0 : i32
        %dma_wait3A_202 = arith.constant 0 : i32
        %dma_wait3A_203 = tpu.memref_slice %arg7[%dma_wait3A_197, %dma_wait3A_201, %dma_wait3A_202] : memref<3x80x128xf32, #tpu.memory_space<vmem>> -> memref<1x80x128xf32, #tpu.memory_space<vmem>>
        %dma_wait3A_204 = tpu.memref_squeeze %dma_wait3A_203 : memref<1x80x128xf32, #tpu.memory_space<vmem>> -> memref<80x128xf32, #tpu.memory_space<vmem>>
        %dma_wait3A_205 = arith.constant 0 : i32
        %dma_wait3A_206 = tpu.memref_slice %arg6[%dma_wait3A_198, %dma_wait3A_199, %dma_wait3A_205] : memref<2x25x80xi32, #tpu.memory_space<vmem>> -> memref<1x1x80xi32, #tpu.memory_space<vmem>>
        %dma_wait3A_207 = tpu.memref_squeeze %dma_wait3A_206 : memref<1x1x80xi32, #tpu.memory_space<vmem>> -> memref<80xi32, #tpu.memory_space<vmem>>
        %dma_wait3A_208 = arith.constant 0 : i32
        %dma_wait3A_209 = arith.constant 0 : i32
        %dma_wait3A_210 = tpu.memref_slice %arg11[%dma_wait3A_208, %dma_wait3A_209] : memref<10000x128xf32, #tpu.memory_space<vmem_shared>> -> memref<10000x128xf32, #tpu.memory_space<vmem_shared>>
        %dma_wait3A_211 = tpu.memref_slice %arg9[%dma_wait3A_200] : memref<3x!tpu.dma_semaphore, #tpu.memory_space<semaphore_mem>> -> memref<1x!tpu.dma_semaphore, #tpu.memory_space<semaphore_mem>>
        %dma_wait3A_212 = tpu.memref_squeeze %dma_wait3A_211 : memref<1x!tpu.dma_semaphore, #tpu.memory_space<semaphore_mem>> -> memref<!tpu.dma_semaphore, #tpu.memory_space<semaphore_mem>>
        tpu.wait_indirect_dma semaphore(%dma_wait3A_212 : memref<!tpu.dma_semaphore, #tpu.memory_space<semaphore_mem>>) src(%dma_wait3A_204 : memref<80x128xf32, #tpu.memory_space<vmem>>) dst(%dma_wait3A_210 : memref<10000x128xf32, #tpu.memory_space<vmem_shared>>)
        %dma_wait3A_213 = arith.constant 1 : i32
        %dma_wait3A_214 = arith.constant 0 : i32
        %dma_wait3A_215 = arith.constant 0 : i32
        %dma_wait3A_216 = arith.constant 1 : i32
        %dma_wait3A_217 = arith.constant 0 : i32
        %dma_wait3A_218 = arith.constant 0 : i32
        %dma_wait3A_219 = tpu.memref_slice %arg7[%dma_wait3A_213, %dma_wait3A_217, %dma_wait3A_218] : memref<3x80x128xf32, #tpu.memory_space<vmem>> -> memref<1x80x128xf32, #tpu.memory_space<vmem>>
        %dma_wait3A_220 = tpu.memref_squeeze %dma_wait3A_219 : memref<1x80x128xf32, #tpu.memory_space<vmem>> -> memref<80x128xf32, #tpu.memory_space<vmem>>
        %dma_wait3A_221 = arith.constant 0 : i32
        %dma_wait3A_222 = tpu.memref_slice %arg6[%dma_wait3A_214, %dma_wait3A_215, %dma_wait3A_221] : memref<2x25x80xi32, #tpu.memory_space<vmem>> -> memref<1x1x80xi32, #tpu.memory_space<vmem>>
        %dma_wait3A_223 = tpu.memref_squeeze %dma_wait3A_222 : memref<1x1x80xi32, #tpu.memory_space<vmem>> -> memref<80xi32, #tpu.memory_space<vmem>>
        %dma_wait3A_224 = arith.constant 0 : i32
        %dma_wait3A_225 = arith.constant 0 : i32
        %dma_wait3A_226 = tpu.memref_slice %arg11[%dma_wait3A_224, %dma_wait3A_225] : memref<10000x128xf32, #tpu.memory_space<vmem_shared>> -> memref<10000x128xf32, #tpu.memory_space<vmem_shared>>
        %dma_wait3A_227 = tpu.memref_slice %arg9[%dma_wait3A_216] : memref<3x!tpu.dma_semaphore, #tpu.memory_space<semaphore_mem>> -> memref<1x!tpu.dma_semaphore, #tpu.memory_space<semaphore_mem>>
        %dma_wait3A_228 = tpu.memref_squeeze %dma_wait3A_227 : memref<1x!tpu.dma_semaphore, #tpu.memory_space<semaphore_mem>> -> memref<!tpu.dma_semaphore, #tpu.memory_space<semaphore_mem>>
        tpu.wait_indirect_dma semaphore(%dma_wait3A_228 : memref<!tpu.dma_semaphore, #tpu.memory_space<semaphore_mem>>) src(%dma_wait3A_220 : memref<80x128xf32, #tpu.memory_space<vmem>>) dst(%dma_wait3A_226 : memref<10000x128xf32, #tpu.memory_space<vmem_shared>>)
        %dma_wait3A_229 = arith.constant 2 : i32
        %dma_wait3A_230 = arith.constant 0 : i32
        %dma_wait3A_231 = arith.constant 0 : i32
        %dma_wait3A_232 = arith.constant 2 : i32
        %dma_wait3A_233 = arith.constant 0 : i32
        %dma_wait3A_234 = arith.constant 0 : i32
        %dma_wait3A_235 = tpu.memref_slice %arg7[%dma_wait3A_229, %dma_wait3A_233, %dma_wait3A_234] : memref<3x80x128xf32, #tpu.memory_space<vmem>> -> memref<1x80x128xf32, #tpu.memory_space<vmem>>
        %dma_wait3A_236 = tpu.memref_squeeze %dma_wait3A_235 : memref<1x80x128xf32, #tpu.memory_space<vmem>> -> memref<80x128xf32, #tpu.memory_space<vmem>>
        %dma_wait3A_237 = arith.constant 0 : i32
        %dma_wait3A_238 = tpu.memref_slice %arg6[%dma_wait3A_230, %dma_wait3A_231, %dma_wait3A_237] : memref<2x25x80xi32, #tpu.memory_space<vmem>> -> memref<1x1x80xi32, #tpu.memory_space<vmem>>
        %dma_wait3A_239 = tpu.memref_squeeze %dma_wait3A_238 : memref<1x1x80xi32, #tpu.memory_space<vmem>> -> memref<80xi32, #tpu.memory_space<vmem>>
        %dma_wait3A_240 = arith.constant 0 : i32
        %dma_wait3A_241 = arith.constant 0 : i32
        %dma_wait3A_242 = tpu.memref_slice %arg11[%dma_wait3A_240, %dma_wait3A_241] : memref<10000x128xf32, #tpu.memory_space<vmem_shared>> -> memref<10000x128xf32, #tpu.memory_space<vmem_shared>>
        %dma_wait3A_243 = tpu.memref_slice %arg9[%dma_wait3A_232] : memref<3x!tpu.dma_semaphore, #tpu.memory_space<semaphore_mem>> -> memref<1x!tpu.dma_semaphore, #tpu.memory_space<semaphore_mem>>
        %dma_wait3A_244 = tpu.memref_squeeze %dma_wait3A_243 : memref<1x!tpu.dma_semaphore, #tpu.memory_space<semaphore_mem>> -> memref<!tpu.dma_semaphore, #tpu.memory_space<semaphore_mem>>
        tpu.wait_indirect_dma semaphore(%dma_wait3A_244 : memref<!tpu.dma_semaphore, #tpu.memory_space<semaphore_mem>>) src(%dma_wait3A_236 : memref<80x128xf32, #tpu.memory_space<vmem>>) dst(%dma_wait3A_242 : memref<10000x128xf32, #tpu.memory_space<vmem_shared>>)
      } else {
      }
      %rem3A = arith.constant 2 : i32
      %rem3A_112 = arith.remsi %scan3A_107, %rem3A : i32
      %dma_wait3A_113 = arith.constant 0 : i32
      %dma_wait3A_114 = arith.constant 0 : i32
      %dma_wait3A_115 = arith.constant 0 : i32
      %dma_wait3A_116 = arith.constant 0 : i32
      %dma_wait3A_117 = tpu.memref_slice %arg5[%rem3A_112, %dma_wait3A_115, %dma_wait3A_116] : memref<2x25x80xi32, #tpu.memory_space<vmem>> -> memref<1x25x80xi32, #tpu.memory_space<vmem>>
      %dma_wait3A_118 = tpu.memref_squeeze %dma_wait3A_117 : memref<1x25x80xi32, #tpu.memory_space<vmem>> -> memref<25x80xi32, #tpu.memory_space<vmem>>
      %dma_wait3A_119 = arith.constant 0 : i32
      %dma_wait3A_120 = arith.constant 0 : i32
      %dma_wait3A_121 = tpu.memref_slice %arg3[%dma_wait3A_113, %add3A, %dma_wait3A_114, %dma_wait3A_119, %dma_wait3A_120] : memref<2x32x5x25x80xi32, #tpu.memory_space<hbm>> -> memref<1x1x1x25x80xi32, #tpu.memory_space<hbm>>
      %dma_wait3A_122 = tpu.memref_squeeze %dma_wait3A_121 : memref<1x1x1x25x80xi32, #tpu.memory_space<hbm>> -> memref<25x80xi32, #tpu.memory_space<hbm>>
      %dma_wait3A_123 = arith.constant 0 : i32
      %dma_wait3A_124 = arith.constant 0 : i32
      %dma_wait3A_125 = tpu.memref_slice %arg5[%rem3A_112, %dma_wait3A_123, %dma_wait3A_124] : memref<2x25x80xi32, #tpu.memory_space<vmem>> -> memref<1x25x80xi32, #tpu.memory_space<vmem>>
      %dma_wait3A_126 = tpu.memref_squeeze %dma_wait3A_125 : memref<1x25x80xi32, #tpu.memory_space<vmem>> -> memref<25x80xi32, #tpu.memory_space<vmem>>
      %dma_wait3A_127 = arith.constant 0 : i32
      %dma_wait3A_128 = arith.constant 0 : i32
      %dma_wait3A_129 = tpu.memref_slice %arg3[%dma_wait3A_113, %add3A, %dma_wait3A_114, %dma_wait3A_127, %dma_wait3A_128] : memref<2x32x5x25x80xi32, #tpu.memory_space<hbm>> -> memref<1x1x1x25x80xi32, #tpu.memory_space<hbm>>
      %dma_wait3A_130 = tpu.memref_squeeze %dma_wait3A_129 : memref<1x1x1x25x80xi32, #tpu.memory_space<hbm>> -> memref<25x80xi32, #tpu.memory_space<hbm>>
      tpu.wait_dma2 semaphore(%arg10 : memref<!tpu.dma_semaphore, #tpu.memory_space<semaphore_mem>>) src(%dma_wait3A_130 : memref<25x80xi32, #tpu.memory_space<hbm>>) dst(%dma_wait3A_126 : memref<25x80xi32, #tpu.memory_space<vmem>>)
      %dma_wait3A_131 = arith.constant 1 : i32
      %dma_wait3A_132 = arith.constant 0 : i32
      %dma_wait3A_133 = arith.constant 0 : i32
      %dma_wait3A_134 = arith.constant 0 : i32
      %dma_wait3A_135 = tpu.memref_slice %arg6[%rem3A_112, %dma_wait3A_133, %dma_wait3A_134] : memref<2x25x80xi32, #tpu.memory_space<vmem>> -> memref<1x25x80xi32, #tpu.memory_space<vmem>>
      %dma_wait3A_136 = tpu.memref_squeeze %dma_wait3A_135 : memref<1x25x80xi32, #tpu.memory_space<vmem>> -> memref<25x80xi32, #tpu.memory_space<vmem>>
      %dma_wait3A_137 = arith.constant 0 : i32
      %dma_wait3A_138 = arith.constant 0 : i32
      %dma_wait3A_139 = tpu.memref_slice %arg3[%dma_wait3A_131, %add3A, %dma_wait3A_132, %dma_wait3A_137, %dma_wait3A_138] : memref<2x32x5x25x80xi32, #tpu.memory_space<hbm>> -> memref<1x1x1x25x80xi32, #tpu.memory_space<hbm>>
      %dma_wait3A_140 = tpu.memref_squeeze %dma_wait3A_139 : memref<1x1x1x25x80xi32, #tpu.memory_space<hbm>> -> memref<25x80xi32, #tpu.memory_space<hbm>>
      %dma_wait3A_141 = arith.constant 0 : i32
      %dma_wait3A_142 = arith.constant 0 : i32
      %dma_wait3A_143 = tpu.memref_slice %arg6[%rem3A_112, %dma_wait3A_141, %dma_wait3A_142] : memref<2x25x80xi32, #tpu.memory_space<vmem>> -> memref<1x25x80xi32, #tpu.memory_space<vmem>>
      %dma_wait3A_144 = tpu.memref_squeeze %dma_wait3A_143 : memref<1x25x80xi32, #tpu.memory_space<vmem>> -> memref<25x80xi32, #tpu.memory_space<vmem>>
      %dma_wait3A_145 = arith.constant 0 : i32
      %dma_wait3A_146 = arith.constant 0 : i32
      %dma_wait3A_147 = tpu.memref_slice %arg3[%dma_wait3A_131, %add3A, %dma_wait3A_132, %dma_wait3A_145, %dma_wait3A_146] : memref<2x32x5x25x80xi32, #tpu.memory_space<hbm>> -> memref<1x1x1x25x80xi32, #tpu.memory_space<hbm>>
      %dma_wait3A_148 = tpu.memref_squeeze %dma_wait3A_147 : memref<1x1x1x25x80xi32, #tpu.memory_space<hbm>> -> memref<25x80xi32, #tpu.memory_space<hbm>>
      tpu.wait_dma2 semaphore(%arg10 : memref<!tpu.dma_semaphore, #tpu.memory_space<semaphore_mem>>) src(%dma_wait3A_148 : memref<25x80xi32, #tpu.memory_space<hbm>>) dst(%dma_wait3A_144 : memref<25x80xi32, #tpu.memory_space<vmem>>)
      %add3A_149 = arith.constant 1 : i32
      %add3A_150 = arith.addi %scan3A_107, %add3A_149 : i32
      %lt3A_151 = arith.constant 5 : i32
      %lt3A_152 = arith.cmpi slt, %add3A_150, %lt3A_151 : i32
      %convert_element_type3A_153 = arith.extui %lt3A_152 : i1 to i32
      %cond3A_154 = arith.constant 0 : i32
      %cond3A_155 = arith.cmpi ne, %convert_element_type3A_153, %cond3A_154 : i32
      scf.if %cond3A_155 {
        %add3A_197 = arith.constant 1 : i32
        %add3A_198 = arith.addi %scan3A_107, %add3A_197 : i32
        %add3A_199 = arith.constant 1 : i32
        %add3A_200 = arith.addi %scan3A_107, %add3A_199 : i32
        %rem3A_201 = arith.constant 2 : i32
        %rem3A_202 = arith.remsi %add3A_200, %rem3A_201 : i32
        %dma_start3A_203 = arith.constant 0 : i32
        %dma_start3A_204 = arith.constant 0 : i32
        %dma_start3A_205 = arith.constant 0 : i32
        %dma_start3A_206 = tpu.memref_slice %arg5[%rem3A_202, %dma_start3A_204, %dma_start3A_205] : memref<2x25x80xi32, #tpu.memory_space<vmem>> -> memref<1x25x80xi32, #tpu.memory_space<vmem>>
        %dma_start3A_207 = tpu.memref_squeeze %dma_start3A_206 : memref<1x25x80xi32, #tpu.memory_space<vmem>> -> memref<25x80xi32, #tpu.memory_space<vmem>>
        %dma_start3A_208 = arith.constant 0 : i32
        %dma_start3A_209 = arith.constant 0 : i32
        %dma_start3A_210 = tpu.memref_slice %arg3[%dma_start3A_203, %add3A, %add3A_198, %dma_start3A_208, %dma_start3A_209] : memref<2x32x5x25x80xi32, #tpu.memory_space<hbm>> -> memref<1x1x1x25x80xi32, #tpu.memory_space<hbm>>
        %dma_start3A_211 = tpu.memref_squeeze %dma_start3A_210 : memref<1x1x1x25x80xi32, #tpu.memory_space<hbm>> -> memref<25x80xi32, #tpu.memory_space<hbm>>
        %dma_start3A_212 = arith.constant 0 : i32
        %dma_start3A_213 = arith.constant 0 : i32
        %dma_start3A_214 = tpu.memref_slice %arg5[%rem3A_202, %dma_start3A_212, %dma_start3A_213] : memref<2x25x80xi32, #tpu.memory_space<vmem>> -> memref<1x25x80xi32, #tpu.memory_space<vmem>>
        %dma_start3A_215 = tpu.memref_squeeze %dma_start3A_214 : memref<1x25x80xi32, #tpu.memory_space<vmem>> -> memref<25x80xi32, #tpu.memory_space<vmem>>
        %dma_start3A_216 = arith.constant 0 : i32
        %dma_start3A_217 = arith.constant 0 : i32
        %dma_start3A_218 = tpu.memref_slice %arg3[%dma_start3A_203, %add3A, %add3A_198, %dma_start3A_216, %dma_start3A_217] : memref<2x32x5x25x80xi32, #tpu.memory_space<hbm>> -> memref<1x1x1x25x80xi32, #tpu.memory_space<hbm>>
        %dma_start3A_219 = tpu.memref_squeeze %dma_start3A_218 : memref<1x1x1x25x80xi32, #tpu.memory_space<hbm>> -> memref<25x80xi32, #tpu.memory_space<hbm>>
        tpu.enqueue_dma source(%dma_start3A_219 : memref<25x80xi32, #tpu.memory_space<hbm>>) target(%dma_start3A_215 : memref<25x80xi32, #tpu.memory_space<vmem>>) target_semaphore(%arg10 : memref<!tpu.dma_semaphore, #tpu.memory_space<semaphore_mem>>)
        %dma_start3A_220 = arith.constant 1 : i32
        %dma_start3A_221 = arith.constant 0 : i32
        %dma_start3A_222 = arith.constant 0 : i32
        %dma_start3A_223 = tpu.memref_slice %arg6[%rem3A_202, %dma_start3A_221, %dma_start3A_222] : memref<2x25x80xi32, #tpu.memory_space<vmem>> -> memref<1x25x80xi32, #tpu.memory_space<vmem>>
        %dma_start3A_224 = tpu.memref_squeeze %dma_start3A_223 : memref<1x25x80xi32, #tpu.memory_space<vmem>> -> memref<25x80xi32, #tpu.memory_space<vmem>>
        %dma_start3A_225 = arith.constant 0 : i32
        %dma_start3A_226 = arith.constant 0 : i32
        %dma_start3A_227 = tpu.memref_slice %arg3[%dma_start3A_220, %add3A, %add3A_198, %dma_start3A_225, %dma_start3A_226] : memref<2x32x5x25x80xi32, #tpu.memory_space<hbm>> -> memref<1x1x1x25x80xi32, #tpu.memory_space<hbm>>
        %dma_start3A_228 = tpu.memref_squeeze %dma_start3A_227 : memref<1x1x1x25x80xi32, #tpu.memory_space<hbm>> -> memref<25x80xi32, #tpu.memory_space<hbm>>
        %dma_start3A_229 = arith.constant 0 : i32
        %dma_start3A_230 = arith.constant 0 : i32
        %dma_start3A_231 = tpu.memref_slice %arg6[%rem3A_202, %dma_start3A_229, %dma_start3A_230] : memref<2x25x80xi32, #tpu.memory_space<vmem>> -> memref<1x25x80xi32, #tpu.memory_space<vmem>>
        %dma_start3A_232 = tpu.memref_squeeze %dma_start3A_231 : memref<1x25x80xi32, #tpu.memory_space<vmem>> -> memref<25x80xi32, #tpu.memory_space<vmem>>
        %dma_start3A_233 = arith.constant 0 : i32
        %dma_start3A_234 = arith.constant 0 : i32
        %dma_start3A_235 = tpu.memref_slice %arg3[%dma_start3A_220, %add3A, %add3A_198, %dma_start3A_233, %dma_start3A_234] : memref<2x32x5x25x80xi32, #tpu.memory_space<hbm>> -> memref<1x1x1x25x80xi32, #tpu.memory_space<hbm>>
        %dma_start3A_236 = tpu.memref_squeeze %dma_start3A_235 : memref<1x1x1x25x80xi32, #tpu.memory_space<hbm>> -> memref<25x80xi32, #tpu.memory_space<hbm>>
        tpu.enqueue_dma source(%dma_start3A_236 : memref<25x80xi32, #tpu.memory_space<hbm>>) target(%dma_start3A_232 : memref<25x80xi32, #tpu.memory_space<vmem>>) target_semaphore(%arg10 : memref<!tpu.dma_semaphore, #tpu.memory_space<semaphore_mem>>)
      } else {
      }
      %mul3A_156 = arith.constant 25 : i32
      %mul3A_157 = arith.muli %scan3A_107, %mul3A_156 : i32
      %add3A_158 = arith.constant 0 : i32
      %add3A_159 = arith.addi %mul3A_157, %add3A_158 : i32
      %rem3A_160 = arith.constant 3 : i32
      %rem3A_161 = arith.remsi %add3A_159, %rem3A_160 : i32
      %dma_start3A_162 = arith.constant 0 : i32
      %dma_start3A_163 = arith.constant 0 : i32
      %dma_start3A_164 = arith.constant 0 : i32
      %dma_start3A_165 = tpu.memref_slice %arg7[%rem3A_161, %dma_start3A_163, %dma_start3A_164] : memref<3x80x128xf32, #tpu.memory_space<vmem>> -> memref<1x80x128xf32, #tpu.memory_space<vmem>>
      %dma_start3A_166 = tpu.memref_squeeze %dma_start3A_165 : memref<1x80x128xf32, #tpu.memory_space<vmem>> -> memref<80x128xf32, #tpu.memory_space<vmem>>
      %dma_start3A_167 = arith.constant 0 : i32
      %dma_start3A_168 = tpu.memref_slice %arg5[%rem3A_112, %dma_start3A_162, %dma_start3A_167] : memref<2x25x80xi32, #tpu.memory_space<vmem>> -> memref<1x1x80xi32, #tpu.memory_space<vmem>>
      %dma_start3A_169 = tpu.memref_squeeze %dma_start3A_168 : memref<1x1x80xi32, #tpu.memory_space<vmem>> -> memref<80xi32, #tpu.memory_space<vmem>>
      %dma_start3A_170 = arith.constant 0 : i32
      %dma_start3A_171 = arith.constant 0 : i32
      %dma_start3A_172 = tpu.memref_slice %arg2[%dma_start3A_170, %dma_start3A_171] : memref<20000x128xf32, #tpu.memory_space<hbm>> -> memref<20000x128xf32, #tpu.memory_space<hbm>>
      %dma_start3A_173 = tpu.memref_slice %arg8[%rem3A_161] : memref<3x!tpu.dma_semaphore, #tpu.memory_space<semaphore_mem>> -> memref<1x!tpu.dma_semaphore, #tpu.memory_space<semaphore_mem>>
      %dma_start3A_174 = tpu.memref_squeeze %dma_start3A_173 : memref<1x!tpu.dma_semaphore, #tpu.memory_space<semaphore_mem>> -> memref<!tpu.dma_semaphore, #tpu.memory_space<semaphore_mem>>
      tpu.enqueue_indirect_dma source(%dma_start3A_172 : memref<20000x128xf32, #tpu.memory_space<hbm>>) target(%dma_start3A_166 : memref<80x128xf32, #tpu.memory_space<vmem>>) offsets(%dma_start3A_169 : memref<80xi32, #tpu.memory_space<vmem>>) semaphore(%dma_start3A_174 : memref<!tpu.dma_semaphore, #tpu.memory_space<semaphore_mem>>)
      %add3A_175 = arith.constant 1 : i32
      %add3A_176 = arith.addi %mul3A_157, %add3A_175 : i32
      %rem3A_177 = arith.constant 3 : i32
      %rem3A_178 = arith.remsi %add3A_176, %rem3A_177 : i32
      %dma_start3A_179 = arith.constant 1 : i32
      %dma_start3A_180 = arith.constant 0 : i32
      %dma_start3A_181 = arith.constant 0 : i32
      %dma_start3A_182 = tpu.memref_slice %arg7[%rem3A_178, %dma_start3A_180, %dma_start3A_181] : memref<3x80x128xf32, #tpu.memory_space<vmem>> -> memref<1x80x128xf32, #tpu.memory_space<vmem>>
      %dma_start3A_183 = tpu.memref_squeeze %dma_start3A_182 : memref<1x80x128xf32, #tpu.memory_space<vmem>> -> memref<80x128xf32, #tpu.memory_space<vmem>>
      %dma_start3A_184 = arith.constant 0 : i32
      %dma_start3A_185 = tpu.memref_slice %arg5[%rem3A_112, %dma_start3A_179, %dma_start3A_184] : memref<2x25x80xi32, #tpu.memory_space<vmem>> -> memref<1x1x80xi32, #tpu.memory_space<vmem>>
      %dma_start3A_186 = tpu.memref_squeeze %dma_start3A_185 : memref<1x1x80xi32, #tpu.memory_space<vmem>> -> memref<80xi32, #tpu.memory_space<vmem>>
      %dma_start3A_187 = arith.constant 0 : i32
      %dma_start3A_188 = arith.constant 0 : i32
      %dma_start3A_189 = tpu.memref_slice %arg2[%dma_start3A_187, %dma_start3A_188] : memref<20000x128xf32, #tpu.memory_space<hbm>> -> memref<20000x128xf32, #tpu.memory_space<hbm>>
      %dma_start3A_190 = tpu.memref_slice %arg8[%rem3A_178] : memref<3x!tpu.dma_semaphore, #tpu.memory_space<semaphore_mem>> -> memref<1x!tpu.dma_semaphore, #tpu.memory_space<semaphore_mem>>
      %dma_start3A_191 = tpu.memref_squeeze %dma_start3A_190 : memref<1x!tpu.dma_semaphore, #tpu.memory_space<semaphore_mem>> -> memref<!tpu.dma_semaphore, #tpu.memory_space<semaphore_mem>>
      tpu.enqueue_indirect_dma source(%dma_start3A_189 : memref<20000x128xf32, #tpu.memory_space<hbm>>) target(%dma_start3A_183 : memref<80x128xf32, #tpu.memory_space<vmem>>) offsets(%dma_start3A_186 : memref<80xi32, #tpu.memory_space<vmem>>) semaphore(%dma_start3A_191 : memref<!tpu.dma_semaphore, #tpu.memory_space<semaphore_mem>>)
      %scan3A_192 = arith.constant 0 : i32
      %scan3A_193 = arith.constant 25 : i32
      %scan3A_194 = arith.addi %scan3A_192, %scan3A_193 : i32
      %scan3A_195 = arith.constant 1 : i32
      scf.for %scan3A_197 = %scan3A_192 to %scan3A_194 step %scan3A_195  : i32 {
        %add3A_198 = arith.addi %mul3A_157, %scan3A_197 : i32
        %rem3A_199 = arith.constant 3 : i32
        %rem3A_200 = arith.remsi %add3A_198, %rem3A_199 : i32
        %add3A_201 = arith.constant 2 : i32
        %add3A_202 = arith.addi %scan3A_197, %add3A_201 : i32
        %lt3A_203 = arith.constant 25 : i32
        %lt3A_204 = arith.cmpi slt, %add3A_202, %lt3A_203 : i32
        %convert_element_type3A_205 = arith.extui %lt3A_204 : i1 to i32
        %cond3A_206 = arith.constant 0 : i32
        %cond3A_207 = arith.cmpi ne, %convert_element_type3A_205, %cond3A_206 : i32
        scf.if %cond3A_207 {
          %add3A_232 = arith.constant 2 : i32
          %add3A_233 = arith.addi %add3A_198, %add3A_232 : i32
          %rem3A_234 = arith.constant 3 : i32
          %rem3A_235 = arith.remsi %add3A_233, %rem3A_234 : i32
          %ge3A_236 = arith.constant 1 : i32
          %ge3A_237 = arith.cmpi sge, %scan3A_197, %ge3A_236 : i32
          %convert_element_type3A_238 = arith.extui %ge3A_237 : i1 to i32
          %cond3A_239 = arith.constant 0 : i32
          %cond3A_240 = arith.cmpi ne, %convert_element_type3A_238, %cond3A_239 : i32
          scf.if %cond3A_240 {
            %dma_wait3A_255 = arith.constant 0 : i32
            %dma_wait3A_256 = arith.constant 0 : i32
            %dma_wait3A_257 = arith.constant 0 : i32
            %dma_wait3A_258 = arith.constant 0 : i32
            %dma_wait3A_259 = tpu.memref_slice %arg7[%rem3A_235, %dma_wait3A_257, %dma_wait3A_258] : memref<3x80x128xf32, #tpu.memory_space<vmem>> -> memref<1x80x128xf32, #tpu.memory_space<vmem>>
            %dma_wait3A_260 = tpu.memref_squeeze %dma_wait3A_259 : memref<1x80x128xf32, #tpu.memory_space<vmem>> -> memref<80x128xf32, #tpu.memory_space<vmem>>
            %dma_wait3A_261 = arith.constant 0 : i32
            %dma_wait3A_262 = tpu.memref_slice %arg6[%dma_wait3A_255, %dma_wait3A_256, %dma_wait3A_261] : memref<2x25x80xi32, #tpu.memory_space<vmem>> -> memref<1x1x80xi32, #tpu.memory_space<vmem>>
            %dma_wait3A_263 = tpu.memref_squeeze %dma_wait3A_262 : memref<1x1x80xi32, #tpu.memory_space<vmem>> -> memref<80xi32, #tpu.memory_space<vmem>>
            %dma_wait3A_264 = arith.constant 0 : i32
            %dma_wait3A_265 = arith.constant 0 : i32
            %dma_wait3A_266 = tpu.memref_slice %arg11[%dma_wait3A_264, %dma_wait3A_265] : memref<10000x128xf32, #tpu.memory_space<vmem_shared>> -> memref<10000x128xf32, #tpu.memory_space<vmem_shared>>
            %dma_wait3A_267 = tpu.memref_slice %arg9[%rem3A_235] : memref<3x!tpu.dma_semaphore, #tpu.memory_space<semaphore_mem>> -> memref<1x!tpu.dma_semaphore, #tpu.memory_space<semaphore_mem>>
            %dma_wait3A_268 = tpu.memref_squeeze %dma_wait3A_267 : memref<1x!tpu.dma_semaphore, #tpu.memory_space<semaphore_mem>> -> memref<!tpu.dma_semaphore, #tpu.memory_space<semaphore_mem>>
            tpu.wait_indirect_dma semaphore(%dma_wait3A_268 : memref<!tpu.dma_semaphore, #tpu.memory_space<semaphore_mem>>) src(%dma_wait3A_260 : memref<80x128xf32, #tpu.memory_space<vmem>>) dst(%dma_wait3A_266 : memref<10000x128xf32, #tpu.memory_space<vmem_shared>>)
          } else {
          }
          %add3A_241 = arith.constant 2 : i32
          %add3A_242 = arith.addi %scan3A_197, %add3A_241 : i32
          %dma_start3A_243 = arith.constant 0 : i32
          %dma_start3A_244 = arith.constant 0 : i32
          %dma_start3A_245 = tpu.memref_slice %arg7[%rem3A_235, %dma_start3A_243, %dma_start3A_244] : memref<3x80x128xf32, #tpu.memory_space<vmem>> -> memref<1x80x128xf32, #tpu.memory_space<vmem>>
          %dma_start3A_246 = tpu.memref_squeeze %dma_start3A_245 : memref<1x80x128xf32, #tpu.memory_space<vmem>> -> memref<80x128xf32, #tpu.memory_space<vmem>>
          %dma_start3A_247 = arith.constant 0 : i32
          %dma_start3A_248 = tpu.memref_slice %arg5[%rem3A_112, %add3A_242, %dma_start3A_247] : memref<2x25x80xi32, #tpu.memory_space<vmem>> -> memref<1x1x80xi32, #tpu.memory_space<vmem>>
          %dma_start3A_249 = tpu.memref_squeeze %dma_start3A_248 : memref<1x1x80xi32, #tpu.memory_space<vmem>> -> memref<80xi32, #tpu.memory_space<vmem>>
          %dma_start3A_250 = arith.constant 0 : i32
          %dma_start3A_251 = arith.constant 0 : i32
          %dma_start3A_252 = tpu.memref_slice %arg2[%dma_start3A_250, %dma_start3A_251] : memref<20000x128xf32, #tpu.memory_space<hbm>> -> memref<20000x128xf32, #tpu.memory_space<hbm>>
          %dma_start3A_253 = tpu.memref_slice %arg8[%rem3A_235] : memref<3x!tpu.dma_semaphore, #tpu.memory_space<semaphore_mem>> -> memref<1x!tpu.dma_semaphore, #tpu.memory_space<semaphore_mem>>
          %dma_start3A_254 = tpu.memref_squeeze %dma_start3A_253 : memref<1x!tpu.dma_semaphore, #tpu.memory_space<semaphore_mem>> -> memref<!tpu.dma_semaphore, #tpu.memory_space<semaphore_mem>>
          tpu.enqueue_indirect_dma source(%dma_start3A_252 : memref<20000x128xf32, #tpu.memory_space<hbm>>) target(%dma_start3A_246 : memref<80x128xf32, #tpu.memory_space<vmem>>) offsets(%dma_start3A_249 : memref<80xi32, #tpu.memory_space<vmem>>) semaphore(%dma_start3A_254 : memref<!tpu.dma_semaphore, #tpu.memory_space<semaphore_mem>>)
        } else {
        }
        %dma_wait3A_208 = arith.constant 0 : i32
        %dma_wait3A_209 = arith.constant 0 : i32
        %dma_wait3A_210 = tpu.memref_slice %arg7[%rem3A_200, %dma_wait3A_208, %dma_wait3A_209] : memref<3x80x128xf32, #tpu.memory_space<vmem>> -> memref<1x80x128xf32, #tpu.memory_space<vmem>>
        %dma_wait3A_211 = tpu.memref_squeeze %dma_wait3A_210 : memref<1x80x128xf32, #tpu.memory_space<vmem>> -> memref<80x128xf32, #tpu.memory_space<vmem>>
        %dma_wait3A_212 = arith.constant 0 : i32
        %dma_wait3A_213 = tpu.memref_slice %arg5[%rem3A_112, %scan3A_197, %dma_wait3A_212] : memref<2x25x80xi32, #tpu.memory_space<vmem>> -> memref<1x1x80xi32, #tpu.memory_space<vmem>>
        %dma_wait3A_214 = tpu.memref_squeeze %dma_wait3A_213 : memref<1x1x80xi32, #tpu.memory_space<vmem>> -> memref<80xi32, #tpu.memory_space<vmem>>
        %dma_wait3A_215 = arith.constant 0 : i32
        %dma_wait3A_216 = arith.constant 0 : i32
        %dma_wait3A_217 = tpu.memref_slice %arg2[%dma_wait3A_215, %dma_wait3A_216] : memref<20000x128xf32, #tpu.memory_space<hbm>> -> memref<20000x128xf32, #tpu.memory_space<hbm>>
        %dma_wait3A_218 = tpu.memref_slice %arg8[%rem3A_200] : memref<3x!tpu.dma_semaphore, #tpu.memory_space<semaphore_mem>> -> memref<1x!tpu.dma_semaphore, #tpu.memory_space<semaphore_mem>>
        %dma_wait3A_219 = tpu.memref_squeeze %dma_wait3A_218 : memref<1x!tpu.dma_semaphore, #tpu.memory_space<semaphore_mem>> -> memref<!tpu.dma_semaphore, #tpu.memory_space<semaphore_mem>>
        tpu.wait_indirect_dma semaphore(%dma_wait3A_219 : memref<!tpu.dma_semaphore, #tpu.memory_space<semaphore_mem>>) src(%dma_wait3A_217 : memref<20000x128xf32, #tpu.memory_space<hbm>>) dst(%dma_wait3A_211 : memref<80x128xf32, #tpu.memory_space<vmem>>)
        %dma_start3A_220 = arith.constant 0 : i32
        %dma_start3A_221 = arith.constant 0 : i32
        %dma_start3A_222 = tpu.memref_slice %arg7[%rem3A_200, %dma_start3A_220, %dma_start3A_221] : memref<3x80x128xf32, #tpu.memory_space<vmem>> -> memref<1x80x128xf32, #tpu.memory_space<vmem>>
        %dma_start3A_223 = tpu.memref_squeeze %dma_start3A_222 : memref<1x80x128xf32, #tpu.memory_space<vmem>> -> memref<80x128xf32, #tpu.memory_space<vmem>>
        %dma_start3A_224 = arith.constant 0 : i32
        %dma_start3A_225 = tpu.memref_slice %arg6[%rem3A_112, %scan3A_197, %dma_start3A_224] : memref<2x25x80xi32, #tpu.memory_space<vmem>> -> memref<1x1x80xi32, #tpu.memory_space<vmem>>
        %dma_start3A_226 = tpu.memref_squeeze %dma_start3A_225 : memref<1x1x80xi32, #tpu.memory_space<vmem>> -> memref<80xi32, #tpu.memory_space<vmem>>
        %dma_start3A_227 = arith.constant 0 : i32
        %dma_start3A_228 = arith.constant 0 : i32
        %dma_start3A_229 = tpu.memref_slice %arg11[%dma_start3A_227, %dma_start3A_228] : memref<10000x128xf32, #tpu.memory_space<vmem_shared>> -> memref<10000x128xf32, #tpu.memory_space<vmem_shared>>
        %dma_start3A_230 = tpu.memref_slice %arg9[%rem3A_200] : memref<3x!tpu.dma_semaphore, #tpu.memory_space<semaphore_mem>> -> memref<1x!tpu.dma_semaphore, #tpu.memory_space<semaphore_mem>>
        %dma_start3A_231 = tpu.memref_squeeze %dma_start3A_230 : memref<1x!tpu.dma_semaphore, #tpu.memory_space<semaphore_mem>> -> memref<!tpu.dma_semaphore, #tpu.memory_space<semaphore_mem>>
        tpu.enqueue_indirect_dma source(%dma_start3A_223 : memref<80x128xf32, #tpu.memory_space<vmem>>) target(%dma_start3A_229 : memref<10000x128xf32, #tpu.memory_space<vmem_shared>>) offsets(%dma_start3A_226 : memref<80xi32, #tpu.memory_space<vmem>>) semaphore(%dma_start3A_231 : memref<!tpu.dma_semaphore, #tpu.memory_space<semaphore_mem>>) {add = true}
      }
      %scan3A_196 = arith.constant 25 : i32
    }
    %scan3A_48 = arith.constant 5 : i32
    %dma_wait3A = arith.constant 0 : i32
    %dma_wait3A_49 = arith.constant 0 : i32
    %dma_wait3A_50 = arith.constant 0 : i32
    %dma_wait3A_51 = arith.constant 0 : i32
    %dma_wait3A_52 = arith.constant 0 : i32
    %dma_wait3A_53 = arith.constant 0 : i32
    %dma_wait3A_54 = tpu.memref_slice %arg7[%dma_wait3A, %dma_wait3A_52, %dma_wait3A_53] : memref<3x80x128xf32, #tpu.memory_space<vmem>> -> memref<1x80x128xf32, #tpu.memory_space<vmem>>
    %dma_wait3A_55 = tpu.memref_squeeze %dma_wait3A_54 : memref<1x80x128xf32, #tpu.memory_space<vmem>> -> memref<80x128xf32, #tpu.memory_space<vmem>>
    %dma_wait3A_56 = arith.constant 0 : i32
    %dma_wait3A_57 = tpu.memref_slice %arg6[%dma_wait3A_49, %dma_wait3A_50, %dma_wait3A_56] : memref<2x25x80xi32, #tpu.memory_space<vmem>> -> memref<1x1x80xi32, #tpu.memory_space<vmem>>
    %dma_wait3A_58 = tpu.memref_squeeze %dma_wait3A_57 : memref<1x1x80xi32, #tpu.memory_space<vmem>> -> memref<80xi32, #tpu.memory_space<vmem>>
    %dma_wait3A_59 = arith.constant 0 : i32
    %dma_wait3A_60 = arith.constant 0 : i32
    %dma_wait3A_61 = tpu.memref_slice %arg11[%dma_wait3A_59, %dma_wait3A_60] : memref<10000x128xf32, #tpu.memory_space<vmem_shared>> -> memref<10000x128xf32, #tpu.memory_space<vmem_shared>>
    %dma_wait3A_62 = tpu.memref_slice %arg9[%dma_wait3A_51] : memref<3x!tpu.dma_semaphore, #tpu.memory_space<semaphore_mem>> -> memref<1x!tpu.dma_semaphore, #tpu.memory_space<semaphore_mem>>
    %dma_wait3A_63 = tpu.memref_squeeze %dma_wait3A_62 : memref<1x!tpu.dma_semaphore, #tpu.memory_space<semaphore_mem>> -> memref<!tpu.dma_semaphore, #tpu.memory_space<semaphore_mem>>
    tpu.wait_indirect_dma semaphore(%dma_wait3A_63 : memref<!tpu.dma_semaphore, #tpu.memory_space<semaphore_mem>>) src(%dma_wait3A_55 : memref<80x128xf32, #tpu.memory_space<vmem>>) dst(%dma_wait3A_61 : memref<10000x128xf32, #tpu.memory_space<vmem_shared>>)
    %dma_wait3A_64 = arith.constant 1 : i32
    %dma_wait3A_65 = arith.constant 0 : i32
    %dma_wait3A_66 = arith.constant 0 : i32
    %dma_wait3A_67 = arith.constant 1 : i32
    %dma_wait3A_68 = arith.constant 0 : i32
    %dma_wait3A_69 = arith.constant 0 : i32
    %dma_wait3A_70 = tpu.memref_slice %arg7[%dma_wait3A_64, %dma_wait3A_68, %dma_wait3A_69] : memref<3x80x128xf32, #tpu.memory_space<vmem>> -> memref<1x80x128xf32, #tpu.memory_space<vmem>>
    %dma_wait3A_71 = tpu.memref_squeeze %dma_wait3A_70 : memref<1x80x128xf32, #tpu.memory_space<vmem>> -> memref<80x128xf32, #tpu.memory_space<vmem>>
    %dma_wait3A_72 = arith.constant 0 : i32
    %dma_wait3A_73 = tpu.memref_slice %arg6[%dma_wait3A_65, %dma_wait3A_66, %dma_wait3A_72] : memref<2x25x80xi32, #tpu.memory_space<vmem>> -> memref<1x1x80xi32, #tpu.memory_space<vmem>>
    %dma_wait3A_74 = tpu.memref_squeeze %dma_wait3A_73 : memref<1x1x80xi32, #tpu.memory_space<vmem>> -> memref<80xi32, #tpu.memory_space<vmem>>
    %dma_wait3A_75 = arith.constant 0 : i32
    %dma_wait3A_76 = arith.constant 0 : i32
    %dma_wait3A_77 = tpu.memref_slice %arg11[%dma_wait3A_75, %dma_wait3A_76] : memref<10000x128xf32, #tpu.memory_space<vmem_shared>> -> memref<10000x128xf32, #tpu.memory_space<vmem_shared>>
    %dma_wait3A_78 = tpu.memref_slice %arg9[%dma_wait3A_67] : memref<3x!tpu.dma_semaphore, #tpu.memory_space<semaphore_mem>> -> memref<1x!tpu.dma_semaphore, #tpu.memory_space<semaphore_mem>>
    %dma_wait3A_79 = tpu.memref_squeeze %dma_wait3A_78 : memref<1x!tpu.dma_semaphore, #tpu.memory_space<semaphore_mem>> -> memref<!tpu.dma_semaphore, #tpu.memory_space<semaphore_mem>>
    tpu.wait_indirect_dma semaphore(%dma_wait3A_79 : memref<!tpu.dma_semaphore, #tpu.memory_space<semaphore_mem>>) src(%dma_wait3A_71 : memref<80x128xf32, #tpu.memory_space<vmem>>) dst(%dma_wait3A_77 : memref<10000x128xf32, #tpu.memory_space<vmem_shared>>)
    %dma_wait3A_80 = arith.constant 2 : i32
    %dma_wait3A_81 = arith.constant 0 : i32
    %dma_wait3A_82 = arith.constant 0 : i32
    %dma_wait3A_83 = arith.constant 2 : i32
    %dma_wait3A_84 = arith.constant 0 : i32
    %dma_wait3A_85 = arith.constant 0 : i32
    %dma_wait3A_86 = tpu.memref_slice %arg7[%dma_wait3A_80, %dma_wait3A_84, %dma_wait3A_85] : memref<3x80x128xf32, #tpu.memory_space<vmem>> -> memref<1x80x128xf32, #tpu.memory_space<vmem>>
    %dma_wait3A_87 = tpu.memref_squeeze %dma_wait3A_86 : memref<1x80x128xf32, #tpu.memory_space<vmem>> -> memref<80x128xf32, #tpu.memory_space<vmem>>
    %dma_wait3A_88 = arith.constant 0 : i32
    %dma_wait3A_89 = tpu.memref_slice %arg6[%dma_wait3A_81, %dma_wait3A_82, %dma_wait3A_88] : memref<2x25x80xi32, #tpu.memory_space<vmem>> -> memref<1x1x80xi32, #tpu.memory_space<vmem>>
    %dma_wait3A_90 = tpu.memref_squeeze %dma_wait3A_89 : memref<1x1x80xi32, #tpu.memory_space<vmem>> -> memref<80xi32, #tpu.memory_space<vmem>>
    %dma_wait3A_91 = arith.constant 0 : i32
    %dma_wait3A_92 = arith.constant 0 : i32
    %dma_wait3A_93 = tpu.memref_slice %arg11[%dma_wait3A_91, %dma_wait3A_92] : memref<10000x128xf32, #tpu.memory_space<vmem_shared>> -> memref<10000x128xf32, #tpu.memory_space<vmem_shared>>
    %dma_wait3A_94 = tpu.memref_slice %arg9[%dma_wait3A_83] : memref<3x!tpu.dma_semaphore, #tpu.memory_space<semaphore_mem>> -> memref<1x!tpu.dma_semaphore, #tpu.memory_space<semaphore_mem>>
    %dma_wait3A_95 = tpu.memref_squeeze %dma_wait3A_94 : memref<1x!tpu.dma_semaphore, #tpu.memory_space<semaphore_mem>> -> memref<!tpu.dma_semaphore, #tpu.memory_space<semaphore_mem>>
    tpu.wait_indirect_dma semaphore(%dma_wait3A_95 : memref<!tpu.dma_semaphore, #tpu.memory_space<semaphore_mem>>) src(%dma_wait3A_87 : memref<80x128xf32, #tpu.memory_space<vmem>>) dst(%dma_wait3A_93 : memref<10000x128xf32, #tpu.memory_space<vmem_shared>>)
    %barrier3A_96 = arith.constant 0 : index
    tpu.barrier barrier_id(%barrier3A_96)
    %lt3A_97 = arith.constant 15 : i32
    %lt3A_98 = arith.cmpi slt, %arg1, %lt3A_97 : i32
    %convert_element_type3A_99 = arith.extui %lt3A_98 : i1 to i32
    %cond3A_100 = arith.constant 0 : i32
    %cond3A_101 = arith.cmpi ne, %convert_element_type3A_99, %cond3A_100 : i32
    scf.if %cond3A_101 {
      %mul3A_107 = arith.constant 624 : i32
      %mul3A_108 = arith.muli %arg1, %mul3A_107 : i32
      %mul3A_109 = arith.constant 10000 : i32
      %mul3A_110 = arith.muli %arg0, %mul3A_109 : i32
      %add3A_111 = arith.addi %mul3A_110, %mul3A_108 : i32
      "tpu.region"() ({
        %run_scoped3A = tpu.sem_alloc : memref<!tpu.dma_semaphore, #tpu.memory_space<semaphore_mem>>
        %dma_start3A_112 = arith.constant 0 : i32
        %dma_start3A_113 = tpu.memref_slice %arg4[%add3A_111, %dma_start3A_112] : memref<20000x128xf32, #tpu.memory_space<hbm>> -> memref<624x128xf32, #tpu.memory_space<hbm>>
        %dma_start3A_114 = arith.constant 0 : i32
        %dma_start3A_115 = tpu.memref_slice %arg11[%mul3A_108, %dma_start3A_114] : memref<10000x128xf32, #tpu.memory_space<vmem_shared>> -> memref<624x128xf32, #tpu.memory_space<vmem_shared>>
        tpu.enqueue_dma source(%dma_start3A_115 : memref<624x128xf32, #tpu.memory_space<vmem_shared>>) target(%dma_start3A_113 : memref<624x128xf32, #tpu.memory_space<hbm>>) target_semaphore(%run_scoped3A : memref<!tpu.dma_semaphore, #tpu.memory_space<semaphore_mem>>)
        %dma_wait3A_116 = arith.constant 0 : i32
        %dma_wait3A_117 = tpu.memref_slice %arg4[%add3A_111, %dma_wait3A_116] : memref<20000x128xf32, #tpu.memory_space<hbm>> -> memref<624x128xf32, #tpu.memory_space<hbm>>
        %dma_wait3A_118 = arith.constant 0 : i32
        %dma_wait3A_119 = tpu.memref_slice %arg11[%mul3A_108, %dma_wait3A_118] : memref<10000x128xf32, #tpu.memory_space<vmem_shared>> -> memref<624x128xf32, #tpu.memory_space<vmem_shared>>
        tpu.wait_dma2 semaphore(%run_scoped3A : memref<!tpu.dma_semaphore, #tpu.memory_space<semaphore_mem>>) src(%dma_wait3A_119 : memref<624x128xf32, #tpu.memory_space<vmem_shared>>) dst(%dma_wait3A_117 : memref<624x128xf32, #tpu.memory_space<hbm>>)
        tpu.yield
      }) : () -> ()
    } else {
    }
    %eq3A_102 = arith.constant 15 : i32
    %eq3A_103 = arith.cmpi eq, %arg1, %eq3A_102 : i32
    %convert_element_type3A_104 = arith.extui %eq3A_103 : i1 to i32
    %cond3A_105 = arith.constant 0 : i32
    %cond3A_106 = arith.cmpi ne, %convert_element_type3A_104, %cond3A_105 : i32
    scf.if %cond3A_106 {
      %mul3A_107 = arith.constant 10000 : i32
      %mul3A_108 = arith.muli %arg0, %mul3A_107 : i32
      %add3A_109 = arith.constant 9360 : i32
      %add3A_110 = arith.addi %mul3A_108, %add3A_109 : i32
      "tpu.region"() ({
        %run_scoped3A = tpu.sem_alloc : memref<!tpu.dma_semaphore, #tpu.memory_space<semaphore_mem>>
        %dma_start3A_111 = arith.constant 0 : i32
        %dma_start3A_112 = tpu.memref_slice %arg4[%add3A_110, %dma_start3A_111] : memref<20000x128xf32, #tpu.memory_space<hbm>> -> memref<640x128xf32, #tpu.memory_space<hbm>>
        %dma_start3A_113 = arith.constant 9360 : i32
        %dma_start3A_114 = arith.constant 0 : i32
        %dma_start3A_115 = tpu.memref_slice %arg11[%dma_start3A_113, %dma_start3A_114] : memref<10000x128xf32, #tpu.memory_space<vmem_shared>> -> memref<640x128xf32, #tpu.memory_space<vmem_shared>>
        tpu.enqueue_dma source(%dma_start3A_115 : memref<640x128xf32, #tpu.memory_space<vmem_shared>>) target(%dma_start3A_112 : memref<640x128xf32, #tpu.memory_space<hbm>>) target_semaphore(%run_scoped3A : memref<!tpu.dma_semaphore, #tpu.memory_space<semaphore_mem>>)
        %dma_wait3A_116 = arith.constant 0 : i32
        %dma_wait3A_117 = tpu.memref_slice %arg4[%add3A_110, %dma_wait3A_116] : memref<20000x128xf32, #tpu.memory_space<hbm>> -> memref<640x128xf32, #tpu.memory_space<hbm>>
        %dma_wait3A_118 = arith.constant 9360 : i32
        %dma_wait3A_119 = arith.constant 0 : i32
        %dma_wait3A_120 = tpu.memref_slice %arg11[%dma_wait3A_118, %dma_wait3A_119] : memref<10000x128xf32, #tpu.memory_space<vmem_shared>> -> memref<640x128xf32, #tpu.memory_space<vmem_shared>>
        tpu.wait_dma2 semaphore(%run_scoped3A : memref<!tpu.dma_semaphore, #tpu.memory_space<semaphore_mem>>) src(%dma_wait3A_120 : memref<640x128xf32, #tpu.memory_space<vmem_shared>>) dst(%dma_wait3A_117 : memref<640x128xf32, #tpu.memory_space<hbm>>)
        tpu.yield
      }) : () -> ()
    } else {
    }
    return
  }
}

module attributes {stable_mosaic.version = 14 : i64} {
  func.func @_tc1_body(%arg0: i32, %arg1: memref<1000x1xf32, #tpu.memory_space<vmem>>, %arg2: memref<1000x1xf32, #tpu.memory_space<vmem>>, %arg3: memref<1000x128xf32, #tpu.memory_space<vmem>>, %arg4: memref<128x256xf32, #tpu.memory_space<vmem>>, %arg5: memref<2x1000x128xf32, #tpu.memory_space<vmem>>) attributes {dimension_semantics = [#tpu.dimension_semantics<arbitrary>], iteration_bounds = array<i64: 10>, scalar_prefetch = 0 : i64, scratch_operands = 0 : i64, tpu.core_type = #tpu.core_type<tc>, window_params = [{transform_indices = @transform_0, window_bounds = array<i64: 1000, 1>}, {transform_indices = @transform_1, window_bounds = array<i64: 1000, 1>}, {transform_indices = @transform_2, window_bounds = array<i64: 1000, 128>}, {pipeline_mode = #tpu.pipeline_mode<synchronous>, transform_indices = @transform_3, window_bounds = array<i64: 128, 256>}, {transform_indices = @transform_4, window_bounds = array<i64: 2, 1000, 128>}]} {
    %get3A = arith.constant 0 : index
    %get3A_0 = arith.constant 0 : index
    %get3A_1 = vector.load %arg1[%get3A, %get3A_0] : memref<1000x1xf32, #tpu.memory_space<vmem>>, vector<1000x1xf32>
    %get3A_2 = arith.constant 0 : index
    %get3A_3 = arith.constant 0 : index
    %get3A_4 = vector.load %arg2[%get3A_2, %get3A_3] : memref<1000x1xf32, #tpu.memory_space<vmem>>, vector<1000x1xf32>
    %add3A = arith.addf %get3A_1, %get3A_4 : vector<1000x1xf32>
    %add3A_5 = arith.constant 1.000000e+00 : f32
    %add3A_6 = vector.broadcast %add3A_5 : f32 to vector<1000x1xf32>
    %add3A_7 = arith.addf %add3A, %add3A_6 : vector<1000x1xf32>
    %rsqrt3A = math.rsqrt %add3A_7 : vector<1000x1xf32>
    %get3A_8 = arith.constant 0 : index
    %get3A_9 = arith.constant 0 : index
    %get3A_10 = vector.load %arg3[%get3A_8, %get3A_9] : memref<1000x128xf32, #tpu.memory_space<vmem>>, vector<1000x128xf32>
    %get3A_11 = arith.constant 0 : index
    %get3A_12 = arith.constant 0 : index
    %get3A_13 = vector.load %arg4[%get3A_11, %get3A_12] : memref<128x256xf32, #tpu.memory_space<vmem>>, vector<128x256xf32>
    %dot_general3A = arith.constant dense<0.000000e+00> : vector<1000x256xf32>
    %dot_general3A_14 = tpu.matmul %get3A_10, %get3A_13, %dot_general3A {dimension_numbers = #tpu.dot_dimension_numbers<[1], [0], [0], [1], [0, 0, 1, 1], [], []>, transpose_lhs_hint = false} : vector<1000x128xf32>, vector<128x256xf32>, vector<1000x256xf32> -> vector<1000x256xf32>
    %mul3A = vector.broadcast %rsqrt3A : vector<1000x1xf32> to vector<1000x256xf32>
    %mul3A_15 = arith.mulf %mul3A, %dot_general3A_14 : vector<1000x256xf32>
    %slice3A = vector.extract_strided_slice %mul3A_15 {offsets = [0, 0], sizes = [1000, 128], strides = [1, 1]} : vector<1000x256xf32> to vector<1000x128xf32>
    %swap3A = arith.constant 0 : index
    %swap3A_16 = arith.constant 0 : index
    %swap3A_17 = arith.constant 0 : index
    %swap3A_18 = vector.load %arg5[%swap3A, %swap3A_16, %swap3A_17] : memref<2x1000x128xf32, #tpu.memory_space<vmem>>, vector<1x1000x128xf32>
    %swap3A_19 = vector.shape_cast %swap3A_18 : vector<1x1000x128xf32> to vector<1000x128xf32>
    %swap3A_20 = vector.shape_cast %slice3A : vector<1000x128xf32> to vector<1x1000x128xf32>
    tpu.vector_store %arg5[%swap3A, %swap3A_16, %swap3A_17], %swap3A_20 {strides = array<i32>} : memref<2x1000x128xf32, #tpu.memory_space<vmem>>, vector<1x1000x128xf32>,
    %slice3A_21 = vector.extract_strided_slice %mul3A_15 {offsets = [0, 128], sizes = [1000, 128], strides = [1, 1]} : vector<1000x256xf32> to vector<1000x128xf32>
    %swap3A_22 = arith.constant 1 : index
    %swap3A_23 = arith.constant 0 : index
    %swap3A_24 = arith.constant 0 : index
    %swap3A_25 = vector.load %arg5[%swap3A_22, %swap3A_23, %swap3A_24] : memref<2x1000x128xf32, #tpu.memory_space<vmem>>, vector<1x1000x128xf32>
    %swap3A_26 = vector.shape_cast %swap3A_25 : vector<1x1000x128xf32> to vector<1000x128xf32>
    %swap3A_27 = vector.shape_cast %slice3A_21 : vector<1000x128xf32> to vector<1x1000x128xf32>
    tpu.vector_store %arg5[%swap3A_22, %swap3A_23, %swap3A_24], %swap3A_27 {strides = array<i32>} : memref<2x1000x128xf32, #tpu.memory_space<vmem>>, vector<1x1000x128xf32>,
    return
  }
  func.func @transform_0(%arg0: i32) -> (i32, i32) {
    %c0_i32 = arith.constant 0 : i32
    %c0_i32_0 = arith.constant 0 : i32
    return %arg0, %c0_i32 : i32, i32
  }
  func.func @transform_1(%arg0: i32) -> (i32, i32) {
    %c0_i32 = arith.constant 0 : i32
    %c0_i32_0 = arith.constant 0 : i32
    return %arg0, %c0_i32 : i32, i32
  }
  func.func @transform_2(%arg0: i32) -> (i32, i32) {
    %c0_i32 = arith.constant 0 : i32
    %c0_i32_0 = arith.constant 0 : i32
    return %arg0, %c0_i32 : i32, i32
  }
  func.func @transform_3(%arg0: i32) -> (i32, i32) {
    %c0_i32 = arith.constant 0 : i32
    %c0_i32_0 = arith.constant 0 : i32
    %c0_i32_1 = arith.constant 0 : i32
    return %c0_i32, %c0_i32_0 : i32, i32
  }
  func.func @transform_4(%arg0: i32) -> (i32, i32, i32) {
    %c0_i32 = arith.constant 0 : i32
    %c0_i32_0 = arith.constant 0 : i32
    %c0_i32_1 = arith.constant 0 : i32
    return %c0_i32, %arg0, %c0_i32_0 : i32, i32, i32
  }
}

module attributes {stable_mosaic.version = 14 : i64} {
  func.func @_tcmid_body(%arg0: i32, %arg1: memref<1000x1xf32, #tpu.memory_space<vmem>>, %arg2: memref<1000x1xf32, #tpu.memory_space<vmem>>, %arg3: memref<2x1000x128xf32, #tpu.memory_space<vmem>>, %arg4: memref<1x256xf32, #tpu.memory_space<vmem>>, %arg5: memref<256x256xf32, #tpu.memory_space<vmem>>, %arg6: memref<2x1000x128xf32, #tpu.memory_space<vmem>>) attributes {dimension_semantics = [#tpu.dimension_semantics<arbitrary>], iteration_bounds = array<i64: 10>, scalar_prefetch = 0 : i64, scratch_operands = 0 : i64, tpu.core_type = #tpu.core_type<tc>, window_params = [{transform_indices = @transform_0, window_bounds = array<i64: 1000, 1>}, {transform_indices = @transform_1, window_bounds = array<i64: 1000, 1>}, {transform_indices = @transform_2, window_bounds = array<i64: 2, 1000, 128>}, {pipeline_mode = #tpu.pipeline_mode<synchronous>, transform_indices = @transform_3, window_bounds = array<i64: 1, 256>}, {pipeline_mode = #tpu.pipeline_mode<synchronous>, transform_indices = @transform_4, window_bounds = array<i64: 256, 256>}, {transform_indices = @transform_5, window_bounds = array<i64: 2, 1000, 128>}]} {
    %get3A = arith.constant 0 : index
    %get3A_0 = arith.constant 0 : index
    %get3A_1 = vector.load %arg1[%get3A, %get3A_0] : memref<1000x1xf32, #tpu.memory_space<vmem>>, vector<1000x1xf32>
    %get3A_2 = arith.constant 0 : index
    %get3A_3 = arith.constant 0 : index
    %get3A_4 = vector.load %arg2[%get3A_2, %get3A_3] : memref<1000x1xf32, #tpu.memory_space<vmem>>, vector<1000x1xf32>
    %add3A = arith.addf %get3A_1, %get3A_4 : vector<1000x1xf32>
    %add3A_5 = arith.constant 1.000000e+00 : f32
    %add3A_6 = vector.broadcast %add3A_5 : f32 to vector<1000x1xf32>
    %add3A_7 = arith.addf %add3A, %add3A_6 : vector<1000x1xf32>
    %rsqrt3A = math.rsqrt %add3A_7 : vector<1000x1xf32>
    %get3A_8 = arith.constant 0 : index
    %get3A_9 = arith.constant 0 : index
    %get3A_10 = arith.constant 0 : index
    %get3A_11 = vector.load %arg3[%get3A_8, %get3A_9, %get3A_10] : memref<2x1000x128xf32, #tpu.memory_space<vmem>>, vector<1x1000x128xf32>
    %get3A_12 = vector.shape_cast %get3A_11 : vector<1x1000x128xf32> to vector<1000x128xf32>
    %get3A_13 = arith.constant 1 : index
    %get3A_14 = arith.constant 0 : index
    %get3A_15 = arith.constant 0 : index
    %get3A_16 = vector.load %arg3[%get3A_13, %get3A_14, %get3A_15] : memref<2x1000x128xf32, #tpu.memory_space<vmem>>, vector<1x1000x128xf32>
    %get3A_17 = vector.shape_cast %get3A_16 : vector<1x1000x128xf32> to vector<1000x128xf32>
    %concatenate3A = tpu.concatenate %get3A_12, %get3A_17 in 1 : vector<1000x128xf32>, vector<1000x128xf32> -> vector<1000x256xf32>
    %mul3A = vector.broadcast %rsqrt3A : vector<1000x1xf32> to vector<1000x256xf32>
    %mul3A_18 = arith.mulf %mul3A, %concatenate3A : vector<1000x256xf32>
    %get3A_19 = arith.constant 0 : index
    %get3A_20 = arith.constant 0 : index
    %get3A_21 = vector.load %arg4[%get3A_19, %get3A_20] : memref<1x256xf32, #tpu.memory_space<vmem>>, vector<1x256xf32>
    %add3A_22 = vector.broadcast %get3A_21 : vector<1x256xf32> to vector<1000x256xf32>
    %add3A_23 = arith.addf %mul3A_18, %add3A_22 : vector<1000x256xf32>
    %max3A = arith.constant 0.000000e+00 : f32
    %max3A_24 = vector.broadcast %max3A : f32 to vector<1000x256xf32>
    %max3A_25 = arith.maximumf %add3A_23, %max3A_24 : vector<1000x256xf32>
    %get3A_26 = arith.constant 0 : index
    %get3A_27 = arith.constant 0 : index
    %get3A_28 = vector.load %arg5[%get3A_26, %get3A_27] : memref<256x256xf32, #tpu.memory_space<vmem>>, vector<256x256xf32>
    %dot_general3A = arith.constant dense<0.000000e+00> : vector<1000x256xf32>
    %dot_general3A_29 = tpu.matmul %max3A_25, %get3A_28, %dot_general3A {dimension_numbers = #tpu.dot_dimension_numbers<[1], [0], [0], [1], [0, 0, 1, 1], [], []>, transpose_lhs_hint = false} : vector<1000x256xf32>, vector<256x256xf32>, vector<1000x256xf32> -> vector<1000x256xf32>
    %mul3A_30 = vector.broadcast %rsqrt3A : vector<1000x1xf32> to vector<1000x256xf32>
    %mul3A_31 = arith.mulf %mul3A_30, %dot_general3A_29 : vector<1000x256xf32>
    %slice3A = vector.extract_strided_slice %mul3A_31 {offsets = [0, 0], sizes = [1000, 128], strides = [1, 1]} : vector<1000x256xf32> to vector<1000x128xf32>
    %swap3A = arith.constant 0 : index
    %swap3A_32 = arith.constant 0 : index
    %swap3A_33 = arith.constant 0 : index
    %swap3A_34 = vector.load %arg6[%swap3A, %swap3A_32, %swap3A_33] : memref<2x1000x128xf32, #tpu.memory_space<vmem>>, vector<1x1000x128xf32>
    %swap3A_35 = vector.shape_cast %swap3A_34 : vector<1x1000x128xf32> to vector<1000x128xf32>
    %swap3A_36 = vector.shape_cast %slice3A : vector<1000x128xf32> to vector<1x1000x128xf32>
    tpu.vector_store %arg6[%swap3A, %swap3A_32, %swap3A_33], %swap3A_36 {strides = array<i32>} : memref<2x1000x128xf32, #tpu.memory_space<vmem>>, vector<1x1000x128xf32>,
    %slice3A_37 = vector.extract_strided_slice %mul3A_31 {offsets = [0, 128], sizes = [1000, 128], strides = [1, 1]} : vector<1000x256xf32> to vector<1000x128xf32>
    %swap3A_38 = arith.constant 1 : index
    %swap3A_39 = arith.constant 0 : index
    %swap3A_40 = arith.constant 0 : index
    %swap3A_41 = vector.load %arg6[%swap3A_38, %swap3A_39, %swap3A_40] : memref<2x1000x128xf32, #tpu.memory_space<vmem>>, vector<1x1000x128xf32>
    %swap3A_42 = vector.shape_cast %swap3A_41 : vector<1x1000x128xf32> to vector<1000x128xf32>
    %swap3A_43 = vector.shape_cast %slice3A_37 : vector<1000x128xf32> to vector<1x1000x128xf32>
    tpu.vector_store %arg6[%swap3A_38, %swap3A_39, %swap3A_40], %swap3A_43 {strides = array<i32>} : memref<2x1000x128xf32, #tpu.memory_space<vmem>>, vector<1x1000x128xf32>,
    return
  }
  func.func @transform_0(%arg0: i32) -> (i32, i32) {
    %c0_i32 = arith.constant 0 : i32
    %c0_i32_0 = arith.constant 0 : i32
    return %arg0, %c0_i32 : i32, i32
  }
  func.func @transform_1(%arg0: i32) -> (i32, i32) {
    %c0_i32 = arith.constant 0 : i32
    %c0_i32_0 = arith.constant 0 : i32
    return %arg0, %c0_i32 : i32, i32
  }
  func.func @transform_2(%arg0: i32) -> (i32, i32, i32) {
    %c0_i32 = arith.constant 0 : i32
    %c0_i32_0 = arith.constant 0 : i32
    %c0_i32_1 = arith.constant 0 : i32
    return %c0_i32, %arg0, %c0_i32_0 : i32, i32, i32
  }
  func.func @transform_3(%arg0: i32) -> (i32, i32) {
    %c0_i32 = arith.constant 0 : i32
    %c0_i32_0 = arith.constant 0 : i32
    %c0_i32_1 = arith.constant 0 : i32
    return %c0_i32, %c0_i32_0 : i32, i32
  }
  func.func @transform_4(%arg0: i32) -> (i32, i32) {
    %c0_i32 = arith.constant 0 : i32
    %c0_i32_0 = arith.constant 0 : i32
    %c0_i32_1 = arith.constant 0 : i32
    return %c0_i32, %c0_i32_0 : i32, i32
  }
  func.func @transform_5(%arg0: i32) -> (i32, i32, i32) {
    %c0_i32 = arith.constant 0 : i32
    %c0_i32_0 = arith.constant 0 : i32
    %c0_i32_1 = arith.constant 0 : i32
    return %c0_i32, %arg0, %c0_i32_0 : i32, i32, i32
  }
}

module attributes {stable_mosaic.version = 14 : i64} {
  func.func @_tc3_body(%arg0: i32, %arg1: memref<1000x1xf32, #tpu.memory_space<vmem>>, %arg2: memref<1000x1xf32, #tpu.memory_space<vmem>>, %arg3: memref<2x1000x128xf32, #tpu.memory_space<vmem>>, %arg4: memref<1x256xf32, #tpu.memory_space<vmem>>, %arg5: memref<256x128xf32, #tpu.memory_space<vmem>>, %arg6: memref<2x1000x128xf32, #tpu.memory_space<vmem>>) attributes {dimension_semantics = [#tpu.dimension_semantics<arbitrary>], iteration_bounds = array<i64: 10>, scalar_prefetch = 0 : i64, scratch_operands = 0 : i64, tpu.core_type = #tpu.core_type<tc>, window_params = [{transform_indices = @transform_0, window_bounds = array<i64: 1000, 1>}, {transform_indices = @transform_1, window_bounds = array<i64: 1000, 1>}, {transform_indices = @transform_2, window_bounds = array<i64: 2, 1000, 128>}, {pipeline_mode = #tpu.pipeline_mode<synchronous>, transform_indices = @transform_3, window_bounds = array<i64: 1, 256>}, {pipeline_mode = #tpu.pipeline_mode<synchronous>, transform_indices = @transform_4, window_bounds = array<i64: 256, 128>}, {transform_indices = @transform_5, window_bounds = array<i64: 2, 1000, 128>}]} {
    %get3A = arith.constant 0 : index
    %get3A_0 = arith.constant 0 : index
    %get3A_1 = vector.load %arg1[%get3A, %get3A_0] : memref<1000x1xf32, #tpu.memory_space<vmem>>, vector<1000x1xf32>
    %get3A_2 = arith.constant 0 : index
    %get3A_3 = arith.constant 0 : index
    %get3A_4 = vector.load %arg2[%get3A_2, %get3A_3] : memref<1000x1xf32, #tpu.memory_space<vmem>>, vector<1000x1xf32>
    %add3A = arith.addf %get3A_1, %get3A_4 : vector<1000x1xf32>
    %add3A_5 = arith.constant 1.000000e+00 : f32
    %add3A_6 = vector.broadcast %add3A_5 : f32 to vector<1000x1xf32>
    %add3A_7 = arith.addf %add3A, %add3A_6 : vector<1000x1xf32>
    %rsqrt3A = math.rsqrt %add3A_7 : vector<1000x1xf32>
    %get3A_8 = arith.constant 0 : index
    %get3A_9 = arith.constant 0 : index
    %get3A_10 = arith.constant 0 : index
    %get3A_11 = vector.load %arg3[%get3A_8, %get3A_9, %get3A_10] : memref<2x1000x128xf32, #tpu.memory_space<vmem>>, vector<1x1000x128xf32>
    %get3A_12 = vector.shape_cast %get3A_11 : vector<1x1000x128xf32> to vector<1000x128xf32>
    %get3A_13 = arith.constant 1 : index
    %get3A_14 = arith.constant 0 : index
    %get3A_15 = arith.constant 0 : index
    %get3A_16 = vector.load %arg3[%get3A_13, %get3A_14, %get3A_15] : memref<2x1000x128xf32, #tpu.memory_space<vmem>>, vector<1x1000x128xf32>
    %get3A_17 = vector.shape_cast %get3A_16 : vector<1x1000x128xf32> to vector<1000x128xf32>
    %concatenate3A = tpu.concatenate %get3A_12, %get3A_17 in 1 : vector<1000x128xf32>, vector<1000x128xf32> -> vector<1000x256xf32>
    %mul3A = vector.broadcast %rsqrt3A : vector<1000x1xf32> to vector<1000x256xf32>
    %mul3A_18 = arith.mulf %mul3A, %concatenate3A : vector<1000x256xf32>
    %get3A_19 = arith.constant 0 : index
    %get3A_20 = arith.constant 0 : index
    %get3A_21 = vector.load %arg4[%get3A_19, %get3A_20] : memref<1x256xf32, #tpu.memory_space<vmem>>, vector<1x256xf32>
    %add3A_22 = vector.broadcast %get3A_21 : vector<1x256xf32> to vector<1000x256xf32>
    %add3A_23 = arith.addf %mul3A_18, %add3A_22 : vector<1000x256xf32>
    %max3A = arith.constant 0.000000e+00 : f32
    %max3A_24 = vector.broadcast %max3A : f32 to vector<1000x256xf32>
    %max3A_25 = arith.maximumf %add3A_23, %max3A_24 : vector<1000x256xf32>
    %get3A_26 = arith.constant 0 : index
    %get3A_27 = arith.constant 0 : index
    %get3A_28 = vector.load %arg5[%get3A_26, %get3A_27] : memref<256x128xf32, #tpu.memory_space<vmem>>, vector<256x128xf32>
    %dot_general3A = arith.constant dense<0.000000e+00> : vector<1000x128xf32>
    %dot_general3A_29 = tpu.matmul %max3A_25, %get3A_28, %dot_general3A {dimension_numbers = #tpu.dot_dimension_numbers<[1], [0], [0], [1], [0, 0, 1, 1], [], []>, transpose_lhs_hint = false} : vector<1000x256xf32>, vector<256x128xf32>, vector<1000x128xf32> -> vector<1000x128xf32>
    %mul3A_30 = vector.broadcast %rsqrt3A : vector<1000x1xf32> to vector<1000x128xf32>
    %mul3A_31 = arith.mulf %mul3A_30, %dot_general3A_29 : vector<1000x128xf32>
    %swap3A = arith.constant 0 : index
    %swap3A_32 = arith.constant 0 : index
    %swap3A_33 = arith.constant 0 : index
    %swap3A_34 = vector.load %arg6[%swap3A, %swap3A_32, %swap3A_33] : memref<2x1000x128xf32, #tpu.memory_space<vmem>>, vector<1x1000x128xf32>
    %swap3A_35 = vector.shape_cast %swap3A_34 : vector<1x1000x128xf32> to vector<1000x128xf32>
    %swap3A_36 = vector.shape_cast %mul3A_31 : vector<1000x128xf32> to vector<1x1000x128xf32>
    tpu.vector_store %arg6[%swap3A, %swap3A_32, %swap3A_33], %swap3A_36 {strides = array<i32>} : memref<2x1000x128xf32, #tpu.memory_space<vmem>>, vector<1x1000x128xf32>,
    %broadcast_in_dim3A = arith.constant 0.000000e+00 : f32
    %broadcast_in_dim3A_37 = vector.broadcast %broadcast_in_dim3A : f32 to vector<1000x128xf32>
    %swap3A_38 = arith.constant 1 : index
    %swap3A_39 = arith.constant 0 : index
    %swap3A_40 = arith.constant 0 : index
    %swap3A_41 = vector.load %arg6[%swap3A_38, %swap3A_39, %swap3A_40] : memref<2x1000x128xf32, #tpu.memory_space<vmem>>, vector<1x1000x128xf32>
    %swap3A_42 = vector.shape_cast %swap3A_41 : vector<1x1000x128xf32> to vector<1000x128xf32>
    %swap3A_43 = vector.shape_cast %broadcast_in_dim3A_37 : vector<1000x128xf32> to vector<1x1000x128xf32>
    tpu.vector_store %arg6[%swap3A_38, %swap3A_39, %swap3A_40], %swap3A_43 {strides = array<i32>} : memref<2x1000x128xf32, #tpu.memory_space<vmem>>, vector<1x1000x128xf32>,
    return
  }
  func.func @transform_0(%arg0: i32) -> (i32, i32) {
    %c0_i32 = arith.constant 0 : i32
    %c0_i32_0 = arith.constant 0 : i32
    return %arg0, %c0_i32 : i32, i32
  }
  func.func @transform_1(%arg0: i32) -> (i32, i32) {
    %c0_i32 = arith.constant 0 : i32
    %c0_i32_0 = arith.constant 0 : i32
    return %arg0, %c0_i32 : i32, i32
  }
  func.func @transform_2(%arg0: i32) -> (i32, i32, i32) {
    %c0_i32 = arith.constant 0 : i32
    %c0_i32_0 = arith.constant 0 : i32
    %c0_i32_1 = arith.constant 0 : i32
    return %c0_i32, %arg0, %c0_i32_0 : i32, i32, i32
  }
  func.func @transform_3(%arg0: i32) -> (i32, i32) {
    %c0_i32 = arith.constant 0 : i32
    %c0_i32_0 = arith.constant 0 : i32
    %c0_i32_1 = arith.constant 0 : i32
    return %c0_i32, %c0_i32_0 : i32, i32
  }
  func.func @transform_4(%arg0: i32) -> (i32, i32) {
    %c0_i32 = arith.constant 0 : i32
    %c0_i32_0 = arith.constant 0 : i32
    %c0_i32_1 = arith.constant 0 : i32
    return %c0_i32, %c0_i32_0 : i32, i32
  }
  func.func @transform_5(%arg0: i32) -> (i32, i32, i32) {
    %c0_i32 = arith.constant 0 : i32
    %c0_i32_0 = arith.constant 0 : i32
    %c0_i32_1 = arith.constant 0 : i32
    return %c0_i32, %arg0, %c0_i32_0 : i32, i32, i32
  }
}

module attributes {stable_mosaic.version = 14 : i64} {
  func.func @_tc4_body(%arg0: i32, %arg1: memref<1000x1xf32, #tpu.memory_space<vmem>>, %arg2: memref<1000x1xf32, #tpu.memory_space<vmem>>, %arg3: memref<2x1000x128xf32, #tpu.memory_space<vmem>>, %arg4: memref<1x128xf32, #tpu.memory_space<vmem>>, %arg5: memref<1000x128xf32, #tpu.memory_space<vmem>>) attributes {dimension_semantics = [#tpu.dimension_semantics<arbitrary>], iteration_bounds = array<i64: 10>, scalar_prefetch = 0 : i64, scratch_operands = 0 : i64, tpu.core_type = #tpu.core_type<tc>, window_params = [{transform_indices = @transform_0, window_bounds = array<i64: 1000, 1>}, {transform_indices = @transform_1, window_bounds = array<i64: 1000, 1>}, {transform_indices = @transform_2, window_bounds = array<i64: 2, 1000, 128>}, {pipeline_mode = #tpu.pipeline_mode<synchronous>, transform_indices = @transform_3, window_bounds = array<i64: 1, 128>}, {transform_indices = @transform_4, window_bounds = array<i64: 1000, 128>}]} {
    %get3A = arith.constant 0 : index
    %get3A_0 = arith.constant 0 : index
    %get3A_1 = vector.load %arg1[%get3A, %get3A_0] : memref<1000x1xf32, #tpu.memory_space<vmem>>, vector<1000x1xf32>
    %get3A_2 = arith.constant 0 : index
    %get3A_3 = arith.constant 0 : index
    %get3A_4 = vector.load %arg2[%get3A_2, %get3A_3] : memref<1000x1xf32, #tpu.memory_space<vmem>>, vector<1000x1xf32>
    %add3A = arith.addf %get3A_1, %get3A_4 : vector<1000x1xf32>
    %add3A_5 = arith.constant 1.000000e+00 : f32
    %add3A_6 = vector.broadcast %add3A_5 : f32 to vector<1000x1xf32>
    %add3A_7 = arith.addf %add3A, %add3A_6 : vector<1000x1xf32>
    %rsqrt3A = math.rsqrt %add3A_7 : vector<1000x1xf32>
    %get3A_8 = arith.constant 0 : index
    %get3A_9 = arith.constant 0 : index
    %get3A_10 = arith.constant 0 : index
    %get3A_11 = vector.load %arg3[%get3A_8, %get3A_9, %get3A_10] : memref<2x1000x128xf32, #tpu.memory_space<vmem>>, vector<1x1000x128xf32>
    %get3A_12 = vector.shape_cast %get3A_11 : vector<1x1000x128xf32> to vector<1000x128xf32>
    %get3A_13 = arith.constant 1 : index
    %get3A_14 = arith.constant 0 : index
    %get3A_15 = arith.constant 0 : index
    %get3A_16 = vector.load %arg3[%get3A_13, %get3A_14, %get3A_15] : memref<2x1000x128xf32, #tpu.memory_space<vmem>>, vector<1x1000x128xf32>
    %get3A_17 = vector.shape_cast %get3A_16 : vector<1x1000x128xf32> to vector<1000x128xf32>
    %add3A_18 = arith.addf %get3A_12, %get3A_17 : vector<1000x128xf32>
    %mul3A = vector.broadcast %rsqrt3A : vector<1000x1xf32> to vector<1000x128xf32>
    %mul3A_19 = arith.mulf %mul3A, %add3A_18 : vector<1000x128xf32>
    %get3A_20 = arith.constant 0 : index
    %get3A_21 = arith.constant 0 : index
    %get3A_22 = vector.load %arg4[%get3A_20, %get3A_21] : memref<1x128xf32, #tpu.memory_space<vmem>>, vector<1x128xf32>
    %add3A_23 = vector.broadcast %get3A_22 : vector<1x128xf32> to vector<1000x128xf32>
    %add3A_24 = arith.addf %mul3A_19, %add3A_23 : vector<1000x128xf32>
    %swap3A = arith.constant 0 : index
    %swap3A_25 = arith.constant 0 : index
    %swap3A_26 = vector.load %arg5[%swap3A, %swap3A_25] : memref<1000x128xf32, #tpu.memory_space<vmem>>, vector<1000x128xf32>
    tpu.vector_store %arg5[%swap3A, %swap3A_25], %add3A_24 {strides = array<i32>} : memref<1000x128xf32, #tpu.memory_space<vmem>>, vector<1000x128xf32>,
    return
  }
  func.func @transform_0(%arg0: i32) -> (i32, i32) {
    %c0_i32 = arith.constant 0 : i32
    %c0_i32_0 = arith.constant 0 : i32
    return %arg0, %c0_i32 : i32, i32
  }
  func.func @transform_1(%arg0: i32) -> (i32, i32) {
    %c0_i32 = arith.constant 0 : i32
    %c0_i32_0 = arith.constant 0 : i32
    return %arg0, %c0_i32 : i32, i32
  }
  func.func @transform_2(%arg0: i32) -> (i32, i32, i32) {
    %c0_i32 = arith.constant 0 : i32
    %c0_i32_0 = arith.constant 0 : i32
    %c0_i32_1 = arith.constant 0 : i32
    return %c0_i32, %arg0, %c0_i32_0 : i32, i32, i32
  }
  func.func @transform_3(%arg0: i32) -> (i32, i32) {
    %c0_i32 = arith.constant 0 : i32
    %c0_i32_0 = arith.constant 0 : i32
    %c0_i32_1 = arith.constant 0 : i32
    return %c0_i32, %c0_i32_0 : i32, i32
  }
  func.func @transform_4(%arg0: i32) -> (i32, i32) {
    %c0_i32 = arith.constant 0 : i32
    %c0_i32_0 = arith.constant 0 : i32
    return %arg0, %c0_i32 : i32, i32
  }
}

</mosaic_0001>

<sc_bundles>
// kernel: kernel.10.cloned.1.call-start
scs
__scs_entry_jumppad:
0x0: {  	(pc) =	sbr.rel $0x88, $3  }
0x1: {  	(tag) =	ssettag $0x0;
	lr =	simm.s32 $0x1  }
0x2: {  	[smem:$0x3F99] =	sst lr;
	_ =	strace $0xD0000000  }
0x3: {  	_ = 	snop  }
0x4: {  	_ = 	snop  }
0x5: {  	_ = 	snop  }
0x6: {  	_ = 	snop  }
0x7: {  	_ = 	snop  }
__scs_overlays_trampoline_lowered:
0x8: {  	[smem:$0x3FA8] =	sst s0  }
0x9: {  	[smem:$0x3FA9] =	sst s1  }
0xa: {  	[smem:$0x3FAA] =	sst s2  }
0xb: {  	[smem:$0x3FAB] =	sst s3  }
0xc: {  	[smem:$0x3FAC] =	sst s4  }
0xd: {  	[smem:$0x3FAD] =	sst s5  }
0xe: {  	[smem:$0x3FAE] =	sst s6  }
0xf: {  	[smem:$0x3FAF] =	sst s7  }
0x10: {  	[smem:$0x3FB0] =	sst s8  }
0x11: {  	[smem:$0x3FB1] =	sst s9;
	s0 =	simm.s32 @!p0 $0x0  }
0x12: {  	s1 =	sld [smem:$0x3F97];
	s0 =	simm.s32 @p0 $0x1  }
0x13: {  	[smem:$0x3FB2] =	sst s0;
	s0 =	simm.s32 @!p1 $0x0  }
0x14: {  	s2 =	sld [smem:$0x3F96];
	s0 =	simm.s32 @p1 $0x1  }
0x15: {  	[smem:$0x3FB3] =	sst s0;
	s0 =	simm.s32 @!p2 $0x0  }
0x16: {  	s3 =	sld [smem:$0x3FDB];
	s0 =	simm.s32 @p2 $0x1  }
0x17: {  	s4 =	simm.s32 $0x1BF5;
	[smem:$0x3FB5] =	sst s0  }
0x18: {  	s0 =	sld [smem:$0x3F98];
	_ =	swait.ge [sflag:s4], $0x0  }
0x19: {  	s7 =	sld [smem:$0x3F99]  }
0x1a: {  	s8 =	sadd.s32 $0xFFFFE003, lr  }
0x1b: {  	s9 =	sadd.s32 $0xFFFFFEF7, lr;
	s5 =	simm.s32 $0xFFFFFFFF;
	p2 =	slt.u32 s8, $0xFFFFF086  }
0x1c: {  	p1 =	slt.u32 s9, $0xF7A;
	s5 =	simm.s32 @!p2 $0x0  }
0x1d: {  	s5 =	simm.s32 @p1 $0x1;
	p0 =	seq.s32 s7, s2  }
0x1e: {  	s7 =	smul.u32 @!p0 $0xF7A, s2;
	p2 =	seq.s32 @!p0 s5, $0x0  }
0x1f: {  	s9 =	smul.u32 $0xF7A, s1;
	s8 =	simm.s32 @!p0 $0x1BF5;
	p2 =	por !p2, p0  }
0x20: {  	[sflag:s8] =	ssyncset.s32 @!p0 $0xFFFFF086;
	s6 =	sadd.s32 @!p0 s3, s7;
	s7 =	simm.s32 @!p0 $0x108  }
0x21: {  	s3 =	sadd.s32 s3, s9;
	s6 =	sadd.s32 @!p0 $0x88, s6;
	s7 =	simm.s32 @p2 $0x1082  }
0x22: {  	[simem:s7], [sflag:s8] =	dma.local @!p0 [hbm:s6], $0xF7A  }
0x23: {  	s9 =	sor.u32 $0xD0000000, s2;
	s6 =	simm.s32 $0x108;
	_ =	swait.ge @!p0 [sflag:s8], $0x0  }
0x24: {  	s3 =	sadd.s32 $0x88, s3;
	s6 =	simm.s32 @!p1 $0x1082;
	[sflag:s4] =	ssyncset.s32 $0xFFFFF086  }
0x25: {  	[simem:s6], [sflag:s4] =	dma.local [hbm:s3], $0xF7A  }
0x26: {  	[smem:$0x3F99] =	sst s1;
	(tag) =	ssettag s2;
	_ =	strace s9  }
0x27: {  	s1 =	sld [smem:$0x3FA9]  }
0x28: {  	s2 =	sld [smem:$0x3FAA]  }
0x29: {  	s4 =	sld [smem:$0x3FAC]  }
0x2a: {  	p0 =	seq.s32 s5, $0x0;
	s5 =	sld [smem:$0x3FAD]  }
0x2b: {  	s6 =	sld [smem:$0x3FAE]  }
0x2c: {  	s7 =	sld [smem:$0x3FAF]  }
0x2d: {  	s3 =	simm.s32 $0x108;
	s8 =	sld [smem:$0x3FB0]  }
0x2e: {  	s3 =	simm.s32 @!p0 $0x1082;
	s9 =	sld [smem:$0x3FB1]  }
0x2f: {  	lr =	sadd.s32 s0, s3;
	s0 =	sld [smem:$0x3FA8]  }
0x30: {  	s3 =	sld [smem:$0x3FAB]  }
0x31: {  	[smem:$0x3FB4] =	sst s10  }
0x32: {  	s10 =	sld [smem:$0x3FB2];
	_ =	sdelay $0x3  }
0x33: {  	p0 =	seq.s32 s10, $0x1;
	s10 =	sld [smem:$0x3FB4];
	_ =	sdelay $0x3  }
0x34: {  	[smem:$0x3FB4] =	sst s10  }
0x35: {  	s10 =	sld [smem:$0x3FB3];
	_ =	sdelay $0x3  }
0x36: {  	p1 =	seq.s32 s10, $0x1;
	s10 =	sld [smem:$0x3FB4];
	_ =	sdelay $0x3  }
0x37: {  	[smem:$0x3FB4] =	sst s10  }
0x38: {  	s10 =	sld [smem:$0x3FB5]  }
0x39: {  	_ = 	snop;
	(pc) =	sbr.ind lr, $3  }
0x3a: {  	_ = 	snop  }
0x3b: {  	_ = 	snop  }
0x3c: {  	p2 =	seq.s32 s10, $0x1;
	s10 =	sld [smem:$0x3FB4]  }
0x3d: {  	_ =	shalt  }
0x3e: {  	_ =	shalt  }
0x3f: {  	_ =	shalt  }
0x40: {  	_ =	shalt  }
0x41: {  	_ =	shalt  }
0x42: {  	_ =	shalt  }
0x43: {  	_ =	shalt  }
0x44: {  	_ =	shalt  }
0x45: {  	_ =	shalt  }
0x46: {  	_ =	shalt  }
0x47: {  	_ =	shalt  }
0x48: {  	_ =	shalt  }
0x49: {  	_ =	shalt  }
0x4a: {  	_ =	shalt  }
0x4b: {  	_ =	shalt  }
0x4c: {  	_ =	shalt  }
0x4d: {  	_ =	shalt  }
0x4e: {  	_ =	shalt  }
0x4f: {  	_ =	shalt  }
0x50: {  	_ =	shalt  }
0x51: {  	_ =	shalt  }
0x52: {  	_ =	shalt  }
0x53: {  	_ =	shalt  }
0x54: {  	_ =	shalt  }
0x55: {  	_ =	shalt  }
0x56: {  	_ =	shalt  }
0x57: {  	_ =	shalt  }
0x58: {  	_ =	shalt  }
0x59: {  	_ =	shalt  }
0x5a: {  	_ =	shalt  }
0x5b: {  	_ =	shalt  }
0x5c: {  	_ =	shalt  }
0x5d: {  	_ =	shalt  }
0x5e: {  	_ =	shalt  }
0x5f: {  	_ =	shalt  }
0x60: {  	_ =	shalt  }
0x61: {  	_ =	shalt  }
0x62: {  	_ =	shalt  }
0x63: {  	_ =	shalt  }
0x64: {  	_ =	shalt  }
0x65: {  	_ =	shalt  }
0x66: {  	_ =	shalt  }
0x67: {  	_ =	shalt  }
0x68: {  	_ =	shalt  }
0x69: {  	_ =	shalt  }
0x6a: {  	_ =	shalt  }
0x6b: {  	_ =	shalt  }
0x6c: {  	_ =	shalt  }
0x6d: {  	_ =	shalt  }
0x6e: {  	_ =	shalt  }
0x6f: {  	_ =	shalt  }
0x70: {  	_ =	shalt  }
0x71: {  	_ =	shalt  }
0x72: {  	_ =	shalt  }
0x73: {  	_ =	shalt  }
0x74: {  	_ =	shalt  }
0x75: {  	_ =	shalt  }
0x76: {  	_ =	shalt  }
0x77: {  	_ =	shalt  }
0x78: {  	_ =	shalt  }
0x79: {  	_ =	shalt  }
0x7a: {  	_ =	shalt  }
0x7b: {  	_ =	shalt  }
0x7c: {  	_ =	shalt  }
0x7d: {  	_ =	shalt  }
0x7e: {  	_ =	shalt  }
0x7f: {  	_ =	shalt  }
0x80: {  	_ =	shalt  }
0x81: {  	_ =	shalt  }
0x82: {  	_ =	shalt  }
0x83: {  	_ =	shalt  }
0x84: {  	_ =	shalt  }
0x85: {  	_ =	shalt  }
0x86: {  	_ =	shalt  }
0x87: {  	_ =	shalt  }
.Lfunc_end0:
.L_simem_size_0:
called_computation_lowered:
.L_overlay_start_0:
0x88: {  	s2 =	sld [smem:$0x3FD9]  }
0x89: {  	s3 =	sld [smem:$0x3FFE];
	_ =	sdelay $0x1  }
0x8a: {  	s1 =	srdreg.scid  }
0x8b: {  	s0 =	sand.u32 $0x1, s1  }
0x8c: {  	s17 =	sshll.u32 s0, $0xA;
	s2 =	sadd.s32 s3, s2  }
0x8d: {  	s2 =	sadd.s32 s2, s17  }
0x8e: {  	[smem:$0x3FC0] =	sst s2  }
0x8f: {  	_ = 	snop  }
0x90: {  	s2 =	sld [smem:$0x3FD0];
	(tm) =	ssettm $0x1  }
0x91: {  	s18 =	sld [smem:$0x3FFB];
	_ =	sdelay $0x3  }
0x92: {  	_ =	strace s18  }
0x93: {  	s3 =	sld [smem:$0x3FFC];
	_ =	sdelay $0x3  }
0x94: {  	_ =	strace s3  }
0x95: {  	s3 =	sld [smem:$0x3FFD];
	_ =	sdelay $0x3  }
0x96: {  	_ =	strace s3  }
0x97: {  	_ =	strace $0x8FFFFFFF  }
0x98: {  	s19 =	sld [smem:$0x3FDB];
	_ =	sdelay $0x1  }
0x99: {  	s4 =	simm.s32 $_scs_section_size  }
0x9a: {  	s5 =	simm.s32 $_size__tile_overlayer_lowered;
	s6 =	simm.s32 $_tile_overlayer_lowered  }
0x9b: {  	s22 =	simm.s32 $0x1BFF;
	s21 =	sshll.u32 s6, $0x1;
	s3 =	sadd.s32 s4, s19  }
0x9c: {  	s7 =	simm.s32 $0x0;
	s20 =	sshll.u32 s5, $0x1;
	s5 =	sadd.s32 s21, s3  }
0x9d: {  	[timem:s7], [sflag:s22] =	dma.local [hbm:s5], s20  }
0x9e: {  	_ =	swait.ge [sflag:s22], s20  }
0x9f: {  	s4 =	ssub.s32 $0x0, s20;
	[sflag:s22] =	ssyncset.done $0x0  }
0xa0: {  	[sflag:s22] =	ssyncadd.s32 s4;
	_ =	sdelay $0x1  }
0xa1: {  	s23 =	simm.s32 $0x1B8B  }
0xa2: {  	_ =	swait.ge [sflag:s23], $0x1  }
0xa3: {  	[sflag:s23] =	ssyncset.done $0x0  }
0xa4: {  	s25 =	simm.s32 $0x1B8E;
	s24 =	sld [smem:$0x3FFE];
	[sflag:s23] =	ssyncadd.s32 $0xFFFFFFFF  }
0xa5: {  	s26 =	simm.s32 $execute0_lowered;
	[smem:$0x3FD2] =	sst s25  }
0xa6: {  	s5 =	sshll.u32 s26, $0x1;
	_ =	strace $0x80000046;
	[dreg:$0x1] =	wrdreg $0xFFFFFFFF  }
0xa7: {  	s28 =	simm.s32 $_size_execute0_lowered;
	s3 =	sadd.s32 s3, s5;
	[dreg:$0x0] =	wrdreg $0x0  }
0xa8: {  	s5 =	sshll.u32 s28, $0x1;
	[dreg:$0x2] =	wrdreg s3  }
0xa9: {  	[dreg:$0x3] =	wrdreg s5  }
0xaa: {  	[dreg:$0x4] =	wrdreg $0xC0  }
0xab: {  	_ =	task [dreg:s7], $0x5FFFF  }
0xac: {  	[dreg:$0x1] =	wrdreg $0xFFFFFFFF  }
0xad: {  	[dreg:$0x0] =	wrdreg $0x60  }
0xae: {  	[dreg:$0x2] =	wrdreg s24  }
0xaf: {  	[dreg:$0x3] =	wrdreg s2  }
0xb0: {  	[dreg:$0x4] =	wrdreg $0x13000  }
0xb1: {  	[dreg:$0x5] =	wrdreg $0x9  }
0xb2: {  	_ =	task.clear_ibuf [dreg:s7], $0x6FFFF;
	_ =	strace $0x90000046  }
0xb3: {  	s29 =	simm.s32 $0x9;
	_ =	strace $0x80000048  }
0xb4: {  	_ =	swait.ge [sflag:s29], $0x1  }
0xb5: {  	[sflag:s29] =	ssyncadd.s32 $0xFFFFFFFF  }
0xb6: {  	_ =	strace $0x90000048  }
0xb7: {  	_ =	sfence  }
0xb8: {  	s30 =	sld [smem:$0x0];
	_ =	sdelay $0x2  }
0xb9: {  	s31 =	sshll.u32 s1, $0xD;
	s1 =	sshrl.u32 s1, $0x2  }
0xba: {  	s3 =	sand.u32 $0x4000, s31;
	s1 =	sadd.s32 s1, s30  }
0xbb: {  	s0 =	sor.u32 s3, s0;
	s1 =	sshll.u32 s1, $0x11  }
0xbc: {  	s0 =	sor.u32 s1, s0  }
0xbd: {  	s0 =	sadd.s32 $0x8F2B, s0  }
0xbe: {  	[sflag:s0] =	ssyncadd.remote.s32 $0x1  }
0xbf: {  	_ =	sfence.sel $0xFFFF  }
0xc0: {  	[dreg:$0x0] =	wrdreg $0xFFFFFFFF;
	(pc) =	sbr.abs _section_cstart, $3  }
0xc1: {  	[dreg:$0x1] =	wrdreg $0xFFFFFFFF  }
0xc2: {  	_ =	task.clear_ibuf [dreg:s7], $0x2FFFF;
	_ =	strace $0x9FFFFFFF  }
0xc3: {  	(tm) =	ssettm $0x7FFFFFFF  }
tec
execute0_lowered:
.L_overlay_start_1:
0x0: {  	(tag) =	ssettag $0x1  }
0x1: {  	s1 =	rddreg [dreg:$0x0]  }
0x2: {  	s0 =	srdreg.scid;
	s4 =	rddreg [dreg:$0x1]  }
0x3: {  	s15 =	stileid.u32;
	s2 =	rddreg [dreg:$0x2]  }
0x4: {  	s25 =	simm.s32 $0x80;
	s12 =	simm.s32 $0x2;
	s26 =	simm.s32 $0x100  }
0x5: {  	s13 =	simm.s32 $0x50;
	s14 =	simm.s32 $0x1000;
	s16 =	simm.s32 $0x200  }
0x6: {  	s17 =	simm.s32 $0x280;
	s28 =	simm.s32 $0x780;
	s5 =	smul.u32 $0x5000, s15  }
0x7: {  	s29 =	simm.s32 $0x800;
	s30 =	simm.s32 $0x880;
	s6 =	smul.u32 $0x280, s15  }
0x8: {  	s31 =	simm.s32 $0x900;
	s0 =	sand.u32 $0x1, s0;
	s7 =	smul.u32 $0xA00, s15  }
0x9: {  	s20 =	sadd.s32 $0x4B0, s4;
	s22 =	sadd.s32 $0x2B4B0, s1;
	p0 =	seq.s32 s15, $0xF  }
0xa: {  	s3 =	smul.u32 $0x50000, s0;
	s8 =	ssub.s32 $0x2, s0;
	p4 =	seq.s32 s0, $0x1  }
0xb: {  	s0 =	simm.s32 $0xA00;
	s9 =	sshrl.u32 s6, $0x3;
	s10 =	sshrl.u32 s8, $0x1  }
0xc: {  	s7 =	sshrl.u32 s7, $0x2;
	s18 =	sadd.s32 s6, s2;
	p2 =	seq.s32 @p4 s15, $0xF  }
0xd: {  	p5 =	seq.s32 @!p4 s15, $0xF;
	s5 =	sadd.s32 s5, s3;
	s3 =	simm.s32 $0x0  }
0xe: {  	s11 =	sadd.s32 s9, s1;
	s7 =	sadd.s32 s7, s2;
	[smem:$0x7FF] =	sst s3  }
0xf: {  	s8 =	ssub.s32 s8, s10;
	_ =	strace $0x80000047;
	[dreg:$0x7] =	wrdreg s7  }
0x10: {  	s10 =	sadd.s32 $0x2580, s2;
	s19 =	sadd.s32 s4, s9;
	[dreg:$0x9] =	wrdreg s18  }
0x11: {  	p1 =	por !p2, !p4;
	p2 =	por p2, !p4;
	[dreg:$0xa] =	wrdreg s19  }
0x12: {  	p3 =	por !p5, p4;
	s21 =	sadd.s32 $0x2B000, s11;
	[dreg:$0xb] =	wrdreg s20  }
0x13: {  	p4 =	por p5, p4;
	s4 =	simm.s32 $0xA80;
	[dreg:$0xc] =	wrdreg s21  }
0x14: {  	s9 =	simm.s32 $0xC00;
	s23 =	smax.u32 s8, $0x1;
	[dreg:$0xd] =	wrdreg s22  }
0x15: {  	s5 =	sadd.s32 $0xA0000, s5;
	s6 =	smov.u32 s10;
	[dreg:$0xe] =	wrdreg s23  }
0x16: {  	s8 =	simm.s32 $0xB80;
	s10 =	simm.s32 $0x1;
	[dreg:$0x5] =	wrdreg s25  }
0x17: {  	s11 =	simm.s32 $0x0;
	s5 =	sshrl.u32 s5, $0x3;
	[dreg:$0x6] =	wrdreg s26  }
0x18: {  	s18 =	simm.s32 $0x300;
	s19 =	simm.s32 $0x380;
	s20 =	simm.s32 $0x400  }
0x19: {  	s21 =	simm.s32 $0x480;
	s22 =	simm.s32 $0x500;
	s23 =	simm.s32 $0x580  }
0x1a: {  	s25 =	simm.s32 $0x680;
	s26 =	simm.s32 $0x700;
	s5 =	sadd.s32 s5, s1  }
0x1b: {  	s7 =	simm.s32 $0xB00;
	[dreg:$0x8] =	wrdreg s6;
	s24 =	sadd.s32 $0x3000, s5  }
0x1c: {  	v0 =	vimm.f32 $0.0e+00;
	v1 =	vimm.f32 $1.000000000e+00;
	s1 =	simm.s32 $0x980;
	[dreg:$0x4] =	wrdreg s24;
	s24 =	simm.s32 $0x600  }
.LBB2_1:
0x1d: {  	[tilespmem:$0x1080] =	vst v0  }
0x1e: {  	[tilespmem:$0x1090] =	vst v0  }
0x1f: {  	[tilespmem:$0x10A0] =	vst v0  }
0x20: {  	[tilespmem:$0x10B0] =	vst v0  }
0x21: {  	[tilespmem:$0x10C0] =	vst v0  }
0x22: {  	[tilespmem:$0x10D0] =	vst v0  }
0x23: {  	[tilespmem:$0x10E0] =	vst v0  }
0x24: {  	[tilespmem:$0x10F0] =	vst v0  }
0x25: {  	[tilespmem:$0x1100] =	vst v0  }
0x26: {  	[tilespmem:$0x1110] =	vst v0  }
0x27: {  	[tilespmem:$0x1120] =	vst v0  }
0x28: {  	[tilespmem:$0x1130] =	vst v0  }
0x29: {  	[tilespmem:$0x1140] =	vst v0  }
0x2a: {  	[tilespmem:$0x1150] =	vst v0  }
0x2b: {  	[tilespmem:$0x1160] =	vst v0  }
0x2c: {  	[tilespmem:$0x1170] =	vst v0  }
0x2d: {  	[tilespmem:$0x1180] =	vst v0  }
0x2e: {  	[tilespmem:$0x1190] =	vst v0  }
0x2f: {  	[tilespmem:$0x11A0] =	vst v0  }
0x30: {  	[tilespmem:$0x11B0] =	vst v0  }
0x31: {  	[tilespmem:$0x11C0] =	vst v0  }
0x32: {  	[tilespmem:$0x11D0] =	vst v0  }
0x33: {  	[tilespmem:$0x11E0] =	vst v0  }
0x34: {  	[tilespmem:$0x11F0] =	vst v0  }
0x35: {  	[tilespmem:$0x1200] =	vst v0  }
0x36: {  	[tilespmem:$0x1210] =	vst v0  }
0x37: {  	[tilespmem:$0x1220] =	vst v0  }
0x38: {  	[tilespmem:$0x1230] =	vst v0  }
0x39: {  	[tilespmem:$0x1240] =	vst v0  }
0x3a: {  	[tilespmem:$0x1250] =	vst v0  }
0x3b: {  	[tilespmem:$0x1260] =	vst v0  }
0x3c: {  	[tilespmem:$0x1270] =	vst v0  }
0x3d: {  	[tilespmem:$0x1280] =	vst v0  }
0x3e: {  	[tilespmem:$0x1290] =	vst v0  }
0x3f: {  	[tilespmem:$0x12A0] =	vst v0  }
0x40: {  	[tilespmem:$0x12B0] =	vst v0  }
0x41: {  	[tilespmem:$0x12C0] =	vst v0  }
0x42: {  	[tilespmem:$0x12D0] =	vst v0  }
0x43: {  	[tilespmem:$0x12E0] =	vst v0  }
0x44: {  	[tilespmem:$0x12F0] =	vst v0  }
0x45: {  	[tilespmem:$0x1000] =	vst v1  }
0x46: {  	[tilespmem:$0x1010] =	vst v1  }
0x47: {  	[tilespmem:$0x1020] =	vst v1  }
0x48: {  	[tilespmem:$0x1030] =	vst v1  }
0x49: {  	[tilespmem:$0x1040] =	vst v1;
	s5 =	simm.s32 @p0 $0x1080  }
0x4a: {  	[spmem:s6] =	stream.linear.scatter @p0 [tilespmem:s5], [sflag:$0x2], $0x190, $0x38;
	[tilespmem:$0x1578] =	vst v63  }
0x4b: {  	[dreg:$0xf] =	wrdreg s11;
	s5 =	simm.s32 @p0 $0x2  }
0x4c: {  	_ =	swait.ge @p0 [sflag:s5], $0x190  }
0x4d: {  	[sflag:s5] =	ssyncset.done @p0 $0x0  }
0x4e: {  	s6 =	rddreg [dreg:$0x7];
	[sflag:s5] =	ssyncadd.s32 @p0 $0xFFFFFE70;
	s5 =	simm.s32 @!p0 $0x1080  }
0x4f: {  	[spmem:s6] =	stream.linear.scatter @!p0 [tilespmem:s5], [sflag:$0x2], $0x280, $0x38;
	[tilespmem:$0x1578] =	vst v63  }
0x50: {  	s5 =	simm.s32 @!p0 $0x2  }
0x51: {  	_ =	swait.ge @!p0 [sflag:s5], $0x280  }
0x52: {  	[sflag:s5] =	ssyncset.done @!p0 $0x0  }
0x53: {  	[sflag:s5] =	ssyncadd.s32 @!p0 $0xFFFFFD80  }
0x54: {  	[bflag:$0x0] =	sbarrier.arrive $0xFFFF  }
0x55: {  	s15 =	rddreg [dreg:$0x4]  }
0x56: {  	s5 =	sadd.s32 $0x0, s15  }
0x57: {  	[tilespmem:s3], [sflag:$0x2] =	stream.linear.gather [hbm4b:s5+s3], $0xC80, $0x38;
	[tilespmem:$0x1578] =	vst v63  }
0x58: {  	_ =	swait.ge [sflag:s12], $0xC80  }
0x59: {  	[sflag:s12] =	ssyncset.done $0x0  }
0x5a: {  	[sflag:s12] =	ssyncadd.s32 $0xFFFFF380  }
0x5b: {  	[spmem:s2] =	stream.indirect.scatter.add.f32 [tilespmem:s14], [sflag:$0x1], $0x1, s3, s13, $0xb8;
	[tilespmem:$0x1578] =	vst v63  }
0x5c: {  	s6 =	rddreg [dreg:$0x5]  }
0x5d: {  	[spmem:s2] =	stream.indirect.scatter.add.f32 [tilespmem:s14], [sflag:$0x1], $0x1, s6, s13, $0xb8;
	[tilespmem:$0x1578] =	vst v63  }
0x5e: {  	s11 =	rddreg [dreg:$0x6]  }
0x5f: {  	[spmem:s2] =	stream.indirect.scatter.add.f32 [tilespmem:s14], [sflag:$0x1], $0x1, s11, s13, $0xb8;
	[tilespmem:$0x1578] =	vst v63  }
0x60: {  	s15 =	simm.s32 $0x180  }
0x61: {  	[spmem:s2] =	stream.indirect.scatter.add.f32 [tilespmem:s14], [sflag:$0x1], $0x1, s15, s13, $0xb8;
	[tilespmem:$0x1578] =	vst v63  }
0x62: {  	_ = 	snop  }
0x63: {  	[spmem:s2] =	stream.indirect.scatter.add.f32 [tilespmem:s14], [sflag:$0x1], $0x1, s16, s13, $0xb8;
	[tilespmem:$0x1578] =	vst v63  }
0x64: {  	_ = 	snop  }
0x65: {  	[spmem:s2] =	stream.indirect.scatter.add.f32 [tilespmem:s14], [sflag:$0x1], $0x1, s17, s13, $0xb8;
	[tilespmem:$0x1578] =	vst v63  }
0x66: {  	_ = 	snop  }
0x67: {  	[spmem:s2] =	stream.indirect.scatter.add.f32 [tilespmem:s14], [sflag:$0x1], $0x1, s18, s13, $0xb8;
	[tilespmem:$0x1578] =	vst v63  }
0x68: {  	_ = 	snop  }
0x69: {  	[spmem:s2] =	stream.indirect.scatter.add.f32 [tilespmem:s14], [sflag:$0x1], $0x1, s19, s13, $0xb8;
	[tilespmem:$0x1578] =	vst v63  }
0x6a: {  	_ = 	snop  }
0x6b: {  	[spmem:s2] =	stream.indirect.scatter.add.f32 [tilespmem:s14], [sflag:$0x1], $0x1, s20, s13, $0xb8;
	[tilespmem:$0x1578] =	vst v63  }
0x6c: {  	_ = 	snop  }
0x6d: {  	[spmem:s2] =	stream.indirect.scatter.add.f32 [tilespmem:s14], [sflag:$0x1], $0x1, s21, s13, $0xb8;
	[tilespmem:$0x1578] =	vst v63  }
0x6e: {  	_ = 	snop  }
0x6f: {  	[spmem:s2] =	stream.indirect.scatter.add.f32 [tilespmem:s14], [sflag:$0x1], $0x1, s22, s13, $0xb8;
	[tilespmem:$0x1578] =	vst v63  }
0x70: {  	_ = 	snop  }
0x71: {  	[spmem:s2] =	stream.indirect.scatter.add.f32 [tilespmem:s14], [sflag:$0x1], $0x1, s23, s13, $0xb8;
	[tilespmem:$0x1578] =	vst v63  }
0x72: {  	_ = 	snop  }
0x73: {  	[spmem:s2] =	stream.indirect.scatter.add.f32 [tilespmem:s14], [sflag:$0x1], $0x1, s24, s13, $0xb8;
	[tilespmem:$0x1578] =	vst v63  }
0x74: {  	_ = 	snop  }
0x75: {  	[spmem:s2] =	stream.indirect.scatter.add.f32 [tilespmem:s14], [sflag:$0x1], $0x1, s25, s13, $0xb8;
	[tilespmem:$0x1578] =	vst v63  }
0x76: {  	_ = 	snop  }
0x77: {  	[spmem:s2] =	stream.indirect.scatter.add.f32 [tilespmem:s14], [sflag:$0x1], $0x1, s26, s13, $0xb8;
	[tilespmem:$0x1578] =	vst v63  }
0x78: {  	_ = 	snop  }
0x79: {  	[spmem:s2] =	stream.indirect.scatter.add.f32 [tilespmem:s14], [sflag:$0x1], $0x1, s28, s13, $0xb8;
	[tilespmem:$0x1578] =	vst v63  }
0x7a: {  	_ = 	snop  }
0x7b: {  	[spmem:s2] =	stream.indirect.scatter.add.f32 [tilespmem:s14], [sflag:$0x1], $0x1, s29, s13, $0xb8;
	[tilespmem:$0x1578] =	vst v63  }
0x7c: {  	_ = 	snop  }
0x7d: {  	[spmem:s2] =	stream.indirect.scatter.add.f32 [tilespmem:s14], [sflag:$0x1], $0x1, s30, s13, $0xb8;
	[tilespmem:$0x1578] =	vst v63  }
0x7e: {  	_ = 	snop  }
0x7f: {  	[spmem:s2] =	stream.indirect.scatter.add.f32 [tilespmem:s14], [sflag:$0x1], $0x1, s31, s13, $0xb8;
	[tilespmem:$0x1578] =	vst v63  }
0x80: {  	_ = 	snop  }
0x81: {  	[spmem:s2] =	stream.indirect.scatter.add.f32 [tilespmem:s14], [sflag:$0x1], $0x1, s1, s13, $0xb8;
	[tilespmem:$0x1578] =	vst v63  }
0x82: {  	_ = 	snop  }
0x83: {  	[spmem:s2] =	stream.indirect.scatter.add.f32 [tilespmem:s14], [sflag:$0x1], $0x1, s0, s13, $0xb8;
	[tilespmem:$0x1578] =	vst v63  }
0x84: {  	_ = 	snop  }
0x85: {  	[spmem:s2] =	stream.indirect.scatter.add.f32 [tilespmem:s14], [sflag:$0x1], $0x1, s4, s13, $0xb8;
	[tilespmem:$0x1578] =	vst v63  }
0x86: {  	_ = 	snop  }
0x87: {  	[spmem:s2] =	stream.indirect.scatter.add.f32 [tilespmem:s14], [sflag:$0x1], $0x1, s7, s13, $0xb8;
	[tilespmem:$0x1578] =	vst v63  }
0x88: {  	_ = 	snop  }
0x89: {  	[spmem:s2] =	stream.indirect.scatter.add.f32 [tilespmem:s14], [sflag:$0x1], $0x1, s8, s13, $0xb8;
	[tilespmem:$0x1578] =	vst v63  }
0x8a: {  	_ = 	snop  }
0x8b: {  	[spmem:s2] =	stream.indirect.scatter.add.f32 [tilespmem:s14], [sflag:$0x1], $0x1, s9, s13, $0xb8;
	[tilespmem:$0x1578] =	vst v63  }
0x8c: {  	_ =	swait.ge [sflag:s10], $0x50  }
0x8d: {  	[sflag:s10] =	ssyncset.done $0x0  }
0x8e: {  	[sflag:s10] =	ssyncadd.s32 $0xFFFFFFB0  }
0x8f: {  	_ =	swait.ge [sflag:s10], $0x50  }
0x90: {  	[sflag:s10] =	ssyncset.done $0x0  }
0x91: {  	[sflag:s10] =	ssyncadd.s32 $0xFFFFFFB0  }
0x92: {  	_ =	swait.ge [sflag:s10], $0x50  }
0x93: {  	[sflag:s10] =	ssyncset.done $0x0  }
0x94: {  	[sflag:s10] =	ssyncadd.s32 $0xFFFFFFB0  }
0x95: {  	_ =	swait.ge [sflag:s10], $0x50  }
0x96: {  	[sflag:s10] =	ssyncset.done $0x0  }
0x97: {  	[sflag:s10] =	ssyncadd.s32 $0xFFFFFFB0  }
0x98: {  	_ =	swait.ge [sflag:s10], $0x50  }
0x99: {  	[sflag:s10] =	ssyncset.done $0x0  }
0x9a: {  	[sflag:s10] =	ssyncadd.s32 $0xFFFFFFB0  }
0x9b: {  	_ =	swait.ge [sflag:s10], $0x50  }
0x9c: {  	[sflag:s10] =	ssyncset.done $0x0  }
0x9d: {  	[sflag:s10] =	ssyncadd.s32 $0xFFFFFFB0  }
0x9e: {  	_ =	swait.ge [sflag:s10], $0x50  }
0x9f: {  	[sflag:s10] =	ssyncset.done $0x0  }
0xa0: {  	[sflag:s10] =	ssyncadd.s32 $0xFFFFFFB0  }
0xa1: {  	_ =	swait.ge [sflag:s10], $0x50  }
0xa2: {  	[sflag:s10] =	ssyncset.done $0x0  }
0xa3: {  	[sflag:s10] =	ssyncadd.s32 $0xFFFFFFB0  }
0xa4: {  	_ =	swait.ge [sflag:s10], $0x50  }
0xa5: {  	[sflag:s10] =	ssyncset.done $0x0  }
0xa6: {  	[sflag:s10] =	ssyncadd.s32 $0xFFFFFFB0  }
0xa7: {  	_ =	swait.ge [sflag:s10], $0x50  }
0xa8: {  	[sflag:s10] =	ssyncset.done $0x0  }
0xa9: {  	[sflag:s10] =	ssyncadd.s32 $0xFFFFFFB0  }
0xaa: {  	_ =	swait.ge [sflag:s10], $0x50  }
0xab: {  	[sflag:s10] =	ssyncset.done $0x0  }
0xac: {  	[sflag:s10] =	ssyncadd.s32 $0xFFFFFFB0  }
0xad: {  	_ =	swait.ge [sflag:s10], $0x50  }
0xae: {  	[sflag:s10] =	ssyncset.done $0x0  }
0xaf: {  	[sflag:s10] =	ssyncadd.s32 $0xFFFFFFB0  }
0xb0: {  	_ =	swait.ge [sflag:s10], $0x50  }
0xb1: {  	[sflag:s10] =	ssyncset.done $0x0  }
0xb2: {  	[sflag:s10] =	ssyncadd.s32 $0xFFFFFFB0  }
0xb3: {  	_ =	swait.ge [sflag:s10], $0x50  }
0xb4: {  	[sflag:s10] =	ssyncset.done $0x0  }
0xb5: {  	[sflag:s10] =	ssyncadd.s32 $0xFFFFFFB0  }
0xb6: {  	_ =	swait.ge [sflag:s10], $0x50  }
0xb7: {  	[sflag:s10] =	ssyncset.done $0x0  }
0xb8: {  	[sflag:s10] =	ssyncadd.s32 $0xFFFFFFB0  }
0xb9: {  	_ =	swait.ge [sflag:s10], $0x50  }
0xba: {  	[sflag:s10] =	ssyncset.done $0x0  }
0xbb: {  	[sflag:s10] =	ssyncadd.s32 $0xFFFFFFB0  }
0xbc: {  	_ =	swait.ge [sflag:s10], $0x50  }
0xbd: {  	[sflag:s10] =	ssyncset.done $0x0  }
0xbe: {  	[sflag:s10] =	ssyncadd.s32 $0xFFFFFFB0  }
0xbf: {  	_ =	swait.ge [sflag:s10], $0x50  }
0xc0: {  	[sflag:s10] =	ssyncset.done $0x0  }
0xc1: {  	[sflag:s10] =	ssyncadd.s32 $0xFFFFFFB0  }
0xc2: {  	_ =	swait.ge [sflag:s10], $0x50  }
0xc3: {  	[sflag:s10] =	ssyncset.done $0x0  }
0xc4: {  	[sflag:s10] =	ssyncadd.s32 $0xFFFFFFB0  }
0xc5: {  	_ =	swait.ge [sflag:s10], $0x50  }
0xc6: {  	[sflag:s10] =	ssyncset.done $0x0  }
0xc7: {  	[sflag:s10] =	ssyncadd.s32 $0xFFFFFFB0  }
0xc8: {  	_ =	swait.ge [sflag:s10], $0x50  }
0xc9: {  	[sflag:s10] =	ssyncset.done $0x0  }
0xca: {  	[sflag:s10] =	ssyncadd.s32 $0xFFFFFFB0  }
0xcb: {  	_ =	swait.ge [sflag:s10], $0x50  }
0xcc: {  	[sflag:s10] =	ssyncset.done $0x0  }
0xcd: {  	[sflag:s10] =	ssyncadd.s32 $0xFFFFFFB0  }
0xce: {  	_ =	swait.ge [sflag:s10], $0x50  }
0xcf: {  	[sflag:s10] =	ssyncset.done $0x0  }
0xd0: {  	[sflag:s10] =	ssyncadd.s32 $0xFFFFFFB0  }
0xd1: {  	_ =	swait.ge [sflag:s10], $0x50  }
0xd2: {  	[sflag:s10] =	ssyncset.done $0x0  }
0xd3: {  	[sflag:s10] =	ssyncadd.s32 $0xFFFFFFB0  }
0xd4: {  	s5 =	simm.s32 $0x400;
	_ =	swait.ge [sflag:s10], $0x50  }
0xd5: {  	s6 =	simm.s32 $0x200;
	s11 =	rddreg [dreg:$0x4];
	[sflag:s10] =	ssyncset.done $0x0  }
.LBB2_2:
0xd6: {  	[sflag:s10] =	ssyncadd.s32 $0xFFFFFFB0;
	s11 =	sadd.s32 s6, s11  }
0xd7: {  	[tilespmem:s3], [sflag:$0x2] =	stream.linear.gather [hbm4b:s11+s3], $0xC80, $0x38;
	[tilespmem:$0x1578] =	vst v63  }
0xd8: {  	_ =	swait.ge [sflag:s12], $0xC80  }
0xd9: {  	[sflag:s12] =	ssyncset.done $0x0  }
0xda: {  	[sflag:s12] =	ssyncadd.s32 $0xFFFFF380  }
0xdb: {  	[spmem:s2] =	stream.indirect.scatter.add.f32 [tilespmem:s14], [sflag:$0x1], $0x1, s3, s13, $0xb8;
	[tilespmem:$0x1578] =	vst v63  }
0xdc: {  	s15 =	smov.u32 s5;
	s11 =	rddreg [dreg:$0x5]  }
0xdd: {  	[spmem:s2] =	stream.indirect.scatter.add.f32 [tilespmem:s14], [sflag:$0x1], $0x1, s11, s13, $0xb8;
	[tilespmem:$0x1578] =	vst v63  }
0xde: {  	s6 =	smov.u32 s15;
	s15 =	rddreg [dreg:$0x6]  }
0xdf: {  	[spmem:s2] =	stream.indirect.scatter.add.f32 [tilespmem:s14], [sflag:$0x1], $0x1, s15, s13, $0xb8;
	[tilespmem:$0x1578] =	vst v63  }
0xe0: {  	s15 =	simm.s32 $0x180  }
0xe1: {  	[spmem:s2] =	stream.indirect.scatter.add.f32 [tilespmem:s14], [sflag:$0x1], $0x1, s15, s13, $0xb8;
	[tilespmem:$0x1578] =	vst v63  }
0xe2: {  	_ = 	snop  }
0xe3: {  	[spmem:s2] =	stream.indirect.scatter.add.f32 [tilespmem:s14], [sflag:$0x1], $0x1, s16, s13, $0xb8;
	[tilespmem:$0x1578] =	vst v63  }
0xe4: {  	_ = 	snop  }
0xe5: {  	[spmem:s2] =	stream.indirect.scatter.add.f32 [tilespmem:s14], [sflag:$0x1], $0x1, s17, s13, $0xb8;
	[tilespmem:$0x1578] =	vst v63  }
0xe6: {  	_ = 	snop  }
0xe7: {  	[spmem:s2] =	stream.indirect.scatter.add.f32 [tilespmem:s14], [sflag:$0x1], $0x1, s18, s13, $0xb8;
	[tilespmem:$0x1578] =	vst v63  }
0xe8: {  	_ = 	snop  }
0xe9: {  	[spmem:s2] =	stream.indirect.scatter.add.f32 [tilespmem:s14], [sflag:$0x1], $0x1, s19, s13, $0xb8;
	[tilespmem:$0x1578] =	vst v63  }
0xea: {  	_ = 	snop  }
0xeb: {  	[spmem:s2] =	stream.indirect.scatter.add.f32 [tilespmem:s14], [sflag:$0x1], $0x1, s20, s13, $0xb8;
	[tilespmem:$0x1578] =	vst v63  }
0xec: {  	_ = 	snop  }
0xed: {  	[spmem:s2] =	stream.indirect.scatter.add.f32 [tilespmem:s14], [sflag:$0x1], $0x1, s21, s13, $0xb8;
	[tilespmem:$0x1578] =	vst v63  }
0xee: {  	_ = 	snop  }
0xef: {  	[spmem:s2] =	stream.indirect.scatter.add.f32 [tilespmem:s14], [sflag:$0x1], $0x1, s22, s13, $0xb8;
	[tilespmem:$0x1578] =	vst v63  }
0xf0: {  	_ = 	snop  }
0xf1: {  	[spmem:s2] =	stream.indirect.scatter.add.f32 [tilespmem:s14], [sflag:$0x1], $0x1, s23, s13, $0xb8;
	[tilespmem:$0x1578] =	vst v63  }
0xf2: {  	_ = 	snop  }
0xf3: {  	[spmem:s2] =	stream.indirect.scatter.add.f32 [tilespmem:s14], [sflag:$0x1], $0x1, s24, s13, $0xb8;
	[tilespmem:$0x1578] =	vst v63  }
0xf4: {  	_ = 	snop  }
0xf5: {  	[spmem:s2] =	stream.indirect.scatter.add.f32 [tilespmem:s14], [sflag:$0x1], $0x1, s25, s13, $0xb8;
	[tilespmem:$0x1578] =	vst v63  }
0xf6: {  	_ = 	snop  }
0xf7: {  	[spmem:s2] =	stream.indirect.scatter.add.f32 [tilespmem:s14], [sflag:$0x1], $0x1, s26, s13, $0xb8;
	[tilespmem:$0x1578] =	vst v63  }
0xf8: {  	_ = 	snop  }
0xf9: {  	[spmem:s2] =	stream.indirect.scatter.add.f32 [tilespmem:s14], [sflag:$0x1], $0x1, s28, s13, $0xb8;
	[tilespmem:$0x1578] =	vst v63  }
0xfa: {  	_ = 	snop  }
0xfb: {  	[spmem:s2] =	stream.indirect.scatter.add.f32 [tilespmem:s14], [sflag:$0x1], $0x1, s29, s13, $0xb8;
	[tilespmem:$0x1578] =	vst v63  }
0xfc: {  	_ = 	snop  }
0xfd: {  	[spmem:s2] =	stream.indirect.scatter.add.f32 [tilespmem:s14], [sflag:$0x1], $0x1, s30, s13, $0xb8;
	[tilespmem:$0x1578] =	vst v63  }
0xfe: {  	_ = 	snop  }
0xff: {  	[spmem:s2] =	stream.indirect.scatter.add.f32 [tilespmem:s14], [sflag:$0x1], $0x1, s31, s13, $0xb8;
	[tilespmem:$0x1578] =	vst v63  }
0x100: {  	_ = 	snop  }
0x101: {  	[spmem:s2] =	stream.indirect.scatter.add.f32 [tilespmem:s14], [sflag:$0x1], $0x1, s1, s13, $0xb8;
	[tilespmem:$0x1578] =	vst v63  }
0x102: {  	_ = 	snop  }
0x103: {  	[spmem:s2] =	stream.indirect.scatter.add.f32 [tilespmem:s14], [sflag:$0x1], $0x1, s0, s13, $0xb8;
	[tilespmem:$0x1578] =	vst v63  }
0x104: {  	_ = 	snop  }
0x105: {  	[spmem:s2] =	stream.indirect.scatter.add.f32 [tilespmem:s14], [sflag:$0x1], $0x1, s4, s13, $0xb8;
	[tilespmem:$0x1578] =	vst v63  }
0x106: {  	_ = 	snop  }
0x107: {  	[spmem:s2] =	stream.indirect.scatter.add.f32 [tilespmem:s14], [sflag:$0x1], $0x1, s7, s13, $0xb8;
	[tilespmem:$0x1578] =	vst v63  }
0x108: {  	_ = 	snop  }
0x109: {  	[spmem:s2] =	stream.indirect.scatter.add.f32 [tilespmem:s14], [sflag:$0x1], $0x1, s8, s13, $0xb8;
	[tilespmem:$0x1578] =	vst v63  }
0x10a: {  	_ = 	snop  }
0x10b: {  	[spmem:s2] =	stream.indirect.scatter.add.f32 [tilespmem:s14], [sflag:$0x1], $0x1, s9, s13, $0xb8;
	[tilespmem:$0x1578] =	vst v63  }
0x10c: {  	_ =	swait.ge [sflag:s10], $0x50  }
0x10d: {  	[sflag:s10] =	ssyncset.done $0x0  }
0x10e: {  	[sflag:s10] =	ssyncadd.s32 $0xFFFFFFB0  }
0x10f: {  	_ =	swait.ge [sflag:s10], $0x50  }
0x110: {  	[sflag:s10] =	ssyncset.done $0x0  }
0x111: {  	[sflag:s10] =	ssyncadd.s32 $0xFFFFFFB0  }
0x112: {  	_ =	swait.ge [sflag:s10], $0x50  }
0x113: {  	[sflag:s10] =	ssyncset.done $0x0  }
0x114: {  	[sflag:s10] =	ssyncadd.s32 $0xFFFFFFB0  }
0x115: {  	_ =	swait.ge [sflag:s10], $0x50  }
0x116: {  	[sflag:s10] =	ssyncset.done $0x0  }
0x117: {  	[sflag:s10] =	ssyncadd.s32 $0xFFFFFFB0  }
0x118: {  	_ =	swait.ge [sflag:s10], $0x50  }
0x119: {  	[sflag:s10] =	ssyncset.done $0x0  }
0x11a: {  	[sflag:s10] =	ssyncadd.s32 $0xFFFFFFB0  }
0x11b: {  	_ =	swait.ge [sflag:s10], $0x50  }
0x11c: {  	[sflag:s10] =	ssyncset.done $0x0  }
0x11d: {  	[sflag:s10] =	ssyncadd.s32 $0xFFFFFFB0  }
0x11e: {  	_ =	swait.ge [sflag:s10], $0x50  }
0x11f: {  	[sflag:s10] =	ssyncset.done $0x0  }
0x120: {  	[sflag:s10] =	ssyncadd.s32 $0xFFFFFFB0  }
0x121: {  	_ =	swait.ge [sflag:s10], $0x50  }
0x122: {  	[sflag:s10] =	ssyncset.done $0x0  }
0x123: {  	[sflag:s10] =	ssyncadd.s32 $0xFFFFFFB0  }
0x124: {  	_ =	swait.ge [sflag:s10], $0x50  }
0x125: {  	[sflag:s10] =	ssyncset.done $0x0  }
0x126: {  	[sflag:s10] =	ssyncadd.s32 $0xFFFFFFB0  }
0x127: {  	_ =	swait.ge [sflag:s10], $0x50  }
0x128: {  	[sflag:s10] =	ssyncset.done $0x0  }
0x129: {  	[sflag:s10] =	ssyncadd.s32 $0xFFFFFFB0  }
0x12a: {  	_ =	swait.ge [sflag:s10], $0x50  }
0x12b: {  	[sflag:s10] =	ssyncset.done $0x0  }
0x12c: {  	[sflag:s10] =	ssyncadd.s32 $0xFFFFFFB0  }
0x12d: {  	_ =	swait.ge [sflag:s10], $0x50  }
0x12e: {  	[sflag:s10] =	ssyncset.done $0x0  }
0x12f: {  	[sflag:s10] =	ssyncadd.s32 $0xFFFFFFB0  }
0x130: {  	_ =	swait.ge [sflag:s10], $0x50  }
0x131: {  	[sflag:s10] =	ssyncset.done $0x0  }
0x132: {  	[sflag:s10] =	ssyncadd.s32 $0xFFFFFFB0  }
0x133: {  	_ =	swait.ge [sflag:s10], $0x50  }
0x134: {  	[sflag:s10] =	ssyncset.done $0x0  }
0x135: {  	[sflag:s10] =	ssyncadd.s32 $0xFFFFFFB0  }
0x136: {  	_ =	swait.ge [sflag:s10], $0x50  }
0x137: {  	[sflag:s10] =	ssyncset.done $0x0  }
0x138: {  	[sflag:s10] =	ssyncadd.s32 $0xFFFFFFB0  }
0x139: {  	_ =	swait.ge [sflag:s10], $0x50  }
0x13a: {  	[sflag:s10] =	ssyncset.done $0x0  }
0x13b: {  	[sflag:s10] =	ssyncadd.s32 $0xFFFFFFB0  }
0x13c: {  	_ =	swait.ge [sflag:s10], $0x50  }
0x13d: {  	[sflag:s10] =	ssyncset.done $0x0  }
0x13e: {  	[sflag:s10] =	ssyncadd.s32 $0xFFFFFFB0  }
0x13f: {  	_ =	swait.ge [sflag:s10], $0x50  }
0x140: {  	[sflag:s10] =	ssyncset.done $0x0  }
0x141: {  	[sflag:s10] =	ssyncadd.s32 $0xFFFFFFB0  }
0x142: {  	_ =	swait.ge [sflag:s10], $0x50  }
0x143: {  	[sflag:s10] =	ssyncset.done $0x0  }
0x144: {  	[sflag:s10] =	ssyncadd.s32 $0xFFFFFFB0  }
0x145: {  	_ =	swait.ge [sflag:s10], $0x50  }
0x146: {  	[sflag:s10] =	ssyncset.done $0x0  }
0x147: {  	[sflag:s10] =	ssyncadd.s32 $0xFFFFFFB0  }
0x148: {  	_ =	swait.ge [sflag:s10], $0x50  }
0x149: {  	[sflag:s10] =	ssyncset.done $0x0  }
0x14a: {  	[sflag:s10] =	ssyncadd.s32 $0xFFFFFFB0  }
0x14b: {  	_ =	swait.ge [sflag:s10], $0x50  }
0x14c: {  	[sflag:s10] =	ssyncset.done $0x0  }
0x14d: {  	[sflag:s10] =	ssyncadd.s32 $0xFFFFFFB0  }
0x14e: {  	_ =	swait.ge [sflag:s10], $0x50  }
0x14f: {  	[sflag:s10] =	ssyncset.done $0x0  }
0x150: {  	p5 =	sne.s32 s5, $0x800;
	[sflag:s10] =	ssyncadd.s32 $0xFFFFFFB0  }
.Ltmp0:
0x151: {  	_ =	swait.ge [sflag:s10], $0x50;
	(pc) =	sbr.rel @p5 .LBB2_2-.Ltmp0, $4  }
0x152: {  	[sflag:s10] =	ssyncset.done $0x0  }
0x153: {  	[sflag:s10] =	ssyncadd.s32 $0xFFFFFFB0  }
0x154: {  	_ =	swait.ge [sflag:s10], $0x50  }
0x155: {  	s5 =	sadd.s32 $0x200, s5;
	s11 =	rddreg [dreg:$0x4];
	[sflag:s10] =	ssyncset.done $0x0  }
0x156: {  	[sflag:s10] =	ssyncadd.s32 $0xFFFFFFB0;
	s5 =	sadd.s32 s6, s11  }
0x157: {  	[tilespmem:s3], [sflag:$0x2] =	stream.linear.gather [hbm4b:s5+s3], $0xC80, $0x38;
	[tilespmem:$0x1578] =	vst v63  }
0x158: {  	_ =	swait.ge [sflag:s12], $0xC80  }
0x159: {  	[sflag:s12] =	ssyncset.done $0x0  }
0x15a: {  	[sflag:s12] =	ssyncadd.s32 $0xFFFFF380  }
0x15b: {  	[spmem:s2] =	stream.indirect.scatter.add.f32 [tilespmem:s14], [sflag:$0x1], $0x1, s3, s13, $0xb8;
	[tilespmem:$0x1578] =	vst v63  }
0x15c: {  	s6 =	rddreg [dreg:$0x5]  }
0x15d: {  	[spmem:s2] =	stream.indirect.scatter.add.f32 [tilespmem:s14], [sflag:$0x1], $0x1, s6, s13, $0xb8;
	[tilespmem:$0x1578] =	vst v63  }
0x15e: {  	s11 =	rddreg [dreg:$0x6]  }
0x15f: {  	[spmem:s2] =	stream.indirect.scatter.add.f32 [tilespmem:s14], [sflag:$0x1], $0x1, s11, s13, $0xb8;
	[tilespmem:$0x1578] =	vst v63  }
0x160: {  	s15 =	simm.s32 $0x180  }
0x161: {  	[spmem:s2] =	stream.indirect.scatter.add.f32 [tilespmem:s14], [sflag:$0x1], $0x1, s15, s13, $0xb8;
	[tilespmem:$0x1578] =	vst v63  }
0x162: {  	_ = 	snop  }
0x163: {  	[spmem:s2] =	stream.indirect.scatter.add.f32 [tilespmem:s14], [sflag:$0x1], $0x1, s16, s13, $0xb8;
	[tilespmem:$0x1578] =	vst v63  }
0x164: {  	_ = 	snop  }
0x165: {  	[spmem:s2] =	stream.indirect.scatter.add.f32 [tilespmem:s14], [sflag:$0x1], $0x1, s17, s13, $0xb8;
	[tilespmem:$0x1578] =	vst v63  }
0x166: {  	_ = 	snop  }
0x167: {  	[spmem:s2] =	stream.indirect.scatter.add.f32 [tilespmem:s14], [sflag:$0x1], $0x1, s18, s13, $0xb8;
	[tilespmem:$0x1578] =	vst v63  }
0x168: {  	_ = 	snop  }
0x169: {  	[spmem:s2] =	stream.indirect.scatter.add.f32 [tilespmem:s14], [sflag:$0x1], $0x1, s19, s13, $0xb8;
	[tilespmem:$0x1578] =	vst v63  }
0x16a: {  	_ = 	snop  }
0x16b: {  	[spmem:s2] =	stream.indirect.scatter.add.f32 [tilespmem:s14], [sflag:$0x1], $0x1, s20, s13, $0xb8;
	[tilespmem:$0x1578] =	vst v63  }
0x16c: {  	_ = 	snop  }
0x16d: {  	[spmem:s2] =	stream.indirect.scatter.add.f32 [tilespmem:s14], [sflag:$0x1], $0x1, s21, s13, $0xb8;
	[tilespmem:$0x1578] =	vst v63  }
0x16e: {  	_ = 	snop  }
0x16f: {  	[spmem:s2] =	stream.indirect.scatter.add.f32 [tilespmem:s14], [sflag:$0x1], $0x1, s22, s13, $0xb8;
	[tilespmem:$0x1578] =	vst v63  }
0x170: {  	_ = 	snop  }
0x171: {  	[spmem:s2] =	stream.indirect.scatter.add.f32 [tilespmem:s14], [sflag:$0x1], $0x1, s23, s13, $0xb8;
	[tilespmem:$0x1578] =	vst v63  }
0x172: {  	_ = 	snop  }
0x173: {  	[spmem:s2] =	stream.indirect.scatter.add.f32 [tilespmem:s14], [sflag:$0x1], $0x1, s24, s13, $0xb8;
	[tilespmem:$0x1578] =	vst v63  }
0x174: {  	_ = 	snop  }
0x175: {  	[spmem:s2] =	stream.indirect.scatter.add.f32 [tilespmem:s14], [sflag:$0x1], $0x1, s25, s13, $0xb8;
	[tilespmem:$0x1578] =	vst v63  }
0x176: {  	_ = 	snop  }
0x177: {  	[spmem:s2] =	stream.indirect.scatter.add.f32 [tilespmem:s14], [sflag:$0x1], $0x1, s26, s13, $0xb8;
	[tilespmem:$0x1578] =	vst v63  }
0x178: {  	_ = 	snop  }
0x179: {  	[spmem:s2] =	stream.indirect.scatter.add.f32 [tilespmem:s14], [sflag:$0x1], $0x1, s28, s13, $0xb8;
	[tilespmem:$0x1578] =	vst v63  }
0x17a: {  	_ = 	snop  }
0x17b: {  	[spmem:s2] =	stream.indirect.scatter.add.f32 [tilespmem:s14], [sflag:$0x1], $0x1, s29, s13, $0xb8;
	[tilespmem:$0x1578] =	vst v63  }
0x17c: {  	_ = 	snop  }
0x17d: {  	[spmem:s2] =	stream.indirect.scatter.add.f32 [tilespmem:s14], [sflag:$0x1], $0x1, s30, s13, $0xb8;
	[tilespmem:$0x1578] =	vst v63  }
0x17e: {  	_ = 	snop  }
0x17f: {  	[spmem:s2] =	stream.indirect.scatter.add.f32 [tilespmem:s14], [sflag:$0x1], $0x1, s31, s13, $0xb8;
	[tilespmem:$0x1578] =	vst v63  }
0x180: {  	_ = 	snop  }
0x181: {  	[spmem:s2] =	stream.indirect.scatter.add.f32 [tilespmem:s14], [sflag:$0x1], $0x1, s1, s13, $0xb8;
	[tilespmem:$0x1578] =	vst v63  }
0x182: {  	_ = 	snop  }
0x183: {  	[spmem:s2] =	stream.indirect.scatter.add.f32 [tilespmem:s14], [sflag:$0x1], $0x1, s0, s13, $0xb8;
	[tilespmem:$0x1578] =	vst v63  }
0x184: {  	_ = 	snop  }
0x185: {  	[spmem:s2] =	stream.indirect.scatter.add.f32 [tilespmem:s14], [sflag:$0x1], $0x1, s4, s13, $0xb8;
	[tilespmem:$0x1578] =	vst v63  }
0x186: {  	_ = 	snop  }
0x187: {  	[spmem:s2] =	stream.indirect.scatter.add.f32 [tilespmem:s14], [sflag:$0x1], $0x1, s7, s13, $0xb8;
	[tilespmem:$0x1578] =	vst v63  }
0x188: {  	_ = 	snop  }
0x189: {  	[spmem:s2] =	stream.indirect.scatter.add.f32 [tilespmem:s14], [sflag:$0x1], $0x1, s8, s13, $0xb8;
	[tilespmem:$0x1578] =	vst v63  }
0x18a: {  	_ = 	snop  }
0x18b: {  	[spmem:s2] =	stream.indirect.scatter.add.f32 [tilespmem:s14], [sflag:$0x1], $0x1, s9, s13, $0xb8;
	[tilespmem:$0x1578] =	vst v63  }
0x18c: {  	_ =	swait.ge [sflag:s10], $0x50  }
0x18d: {  	[sflag:s10] =	ssyncset.done $0x0  }
0x18e: {  	[sflag:s10] =	ssyncadd.s32 $0xFFFFFFB0  }
0x18f: {  	_ =	swait.ge [sflag:s10], $0x50  }
0x190: {  	[sflag:s10] =	ssyncset.done $0x0  }
0x191: {  	[sflag:s10] =	ssyncadd.s32 $0xFFFFFFB0  }
0x192: {  	_ =	swait.ge [sflag:s10], $0x50  }
0x193: {  	[sflag:s10] =	ssyncset.done $0x0  }
0x194: {  	[sflag:s10] =	ssyncadd.s32 $0xFFFFFFB0  }
0x195: {  	_ =	swait.ge [sflag:s10], $0x50  }
0x196: {  	[sflag:s10] =	ssyncset.done $0x0  }
0x197: {  	[sflag:s10] =	ssyncadd.s32 $0xFFFFFFB0  }
0x198: {  	_ =	swait.ge [sflag:s10], $0x50  }
0x199: {  	[sflag:s10] =	ssyncset.done $0x0  }
0x19a: {  	[sflag:s10] =	ssyncadd.s32 $0xFFFFFFB0  }
0x19b: {  	_ =	swait.ge [sflag:s10], $0x50  }
0x19c: {  	[sflag:s10] =	ssyncset.done $0x0  }
0x19d: {  	[sflag:s10] =	ssyncadd.s32 $0xFFFFFFB0  }
0x19e: {  	_ =	swait.ge [sflag:s10], $0x50  }
0x19f: {  	[sflag:s10] =	ssyncset.done $0x0  }
0x1a0: {  	[sflag:s10] =	ssyncadd.s32 $0xFFFFFFB0  }
0x1a1: {  	_ =	swait.ge [sflag:s10], $0x50  }
0x1a2: {  	[sflag:s10] =	ssyncset.done $0x0  }
0x1a3: {  	[sflag:s10] =	ssyncadd.s32 $0xFFFFFFB0  }
0x1a4: {  	_ =	swait.ge [sflag:s10], $0x50  }
0x1a5: {  	[sflag:s10] =	ssyncset.done $0x0  }
0x1a6: {  	[sflag:s10] =	ssyncadd.s32 $0xFFFFFFB0  }
0x1a7: {  	_ =	swait.ge [sflag:s10], $0x50  }
0x1a8: {  	[sflag:s10] =	ssyncset.done $0x0  }
0x1a9: {  	[sflag:s10] =	ssyncadd.s32 $0xFFFFFFB0  }
0x1aa: {  	_ =	swait.ge [sflag:s10], $0x50  }
0x1ab: {  	[sflag:s10] =	ssyncset.done $0x0  }
0x1ac: {  	[sflag:s10] =	ssyncadd.s32 $0xFFFFFFB0  }
0x1ad: {  	_ =	swait.ge [sflag:s10], $0x50  }
0x1ae: {  	[sflag:s10] =	ssyncset.done $0x0  }
0x1af: {  	[sflag:s10] =	ssyncadd.s32 $0xFFFFFFB0  }
0x1b0: {  	_ =	swait.ge [sflag:s10], $0x50  }
0x1b1: {  	[sflag:s10] =	ssyncset.done $0x0  }
0x1b2: {  	[sflag:s10] =	ssyncadd.s32 $0xFFFFFFB0  }
0x1b3: {  	_ =	swait.ge [sflag:s10], $0x50  }
0x1b4: {  	[sflag:s10] =	ssyncset.done $0x0  }
0x1b5: {  	[sflag:s10] =	ssyncadd.s32 $0xFFFFFFB0  }
0x1b6: {  	_ =	swait.ge [sflag:s10], $0x50  }
0x1b7: {  	[sflag:s10] =	ssyncset.done $0x0  }
0x1b8: {  	[sflag:s10] =	ssyncadd.s32 $0xFFFFFFB0  }
0x1b9: {  	_ =	swait.ge [sflag:s10], $0x50  }
0x1ba: {  	[sflag:s10] =	ssyncset.done $0x0  }
0x1bb: {  	[sflag:s10] =	ssyncadd.s32 $0xFFFFFFB0  }
0x1bc: {  	_ =	swait.ge [sflag:s10], $0x50  }
0x1bd: {  	[sflag:s10] =	ssyncset.done $0x0  }
0x1be: {  	[sflag:s10] =	ssyncadd.s32 $0xFFFFFFB0  }
0x1bf: {  	_ =	swait.ge [sflag:s10], $0x50  }
0x1c0: {  	[sflag:s10] =	ssyncset.done $0x0  }
0x1c1: {  	[sflag:s10] =	ssyncadd.s32 $0xFFFFFFB0  }
0x1c2: {  	_ =	swait.ge [sflag:s10], $0x50  }
0x1c3: {  	[sflag:s10] =	ssyncset.done $0x0  }
0x1c4: {  	[sflag:s10] =	ssyncadd.s32 $0xFFFFFFB0  }
0x1c5: {  	_ =	swait.ge [sflag:s10], $0x50  }
0x1c6: {  	[sflag:s10] =	ssyncset.done $0x0  }
0x1c7: {  	[sflag:s10] =	ssyncadd.s32 $0xFFFFFFB0  }
0x1c8: {  	_ =	swait.ge [sflag:s10], $0x50  }
0x1c9: {  	[sflag:s10] =	ssyncset.done $0x0  }
0x1ca: {  	[sflag:s10] =	ssyncadd.s32 $0xFFFFFFB0  }
0x1cb: {  	_ =	swait.ge [sflag:s10], $0x50  }
0x1cc: {  	[sflag:s10] =	ssyncset.done $0x0  }
0x1cd: {  	[sflag:s10] =	ssyncadd.s32 $0xFFFFFFB0  }
0x1ce: {  	_ =	swait.ge [sflag:s10], $0x50  }
0x1cf: {  	[sflag:s10] =	ssyncset.done $0x0  }
0x1d0: {  	[sflag:s10] =	ssyncadd.s32 $0xFFFFFFB0  }
0x1d1: {  	_ =	swait.ge [sflag:s10], $0x50  }
0x1d2: {  	[sflag:s10] =	ssyncset.done $0x0  }
0x1d3: {  	[sflag:s10] =	ssyncadd.s32 $0xFFFFFFB0  }
0x1d4: {  	_ =	swait.ge [sflag:s10], $0x50  }
0x1d5: {  	[sflag:s10] =	ssyncset.done $0x0  }
0x1d6: {  	[sflag:s10] =	ssyncadd.s32 $0xFFFFFFB0  }
0x1d7: {  	[bflag:$0x0] =	sbarrier.arrive $0xFFFF  }
0x1d8: {  	s5 =	simm.s32 @!p1 $0x1080;
	s6 =	rddreg [dreg:$0x8]  }
0x1d9: {  	[tilespmem:s5], [sflag:$0x2] =	stream.linear.gather @!p1 [spmem:s6], $0x190, $0x38;
	[tilespmem:$0x1578] =	vst v63  }
0x1da: {  	s6 =	simm.s32 @!p1 $0x2  }
0x1db: {  	_ =	swait.ge @!p1 [sflag:s6], $0x190  }
0x1dc: {  	[sflag:s6] =	ssyncset.done @!p1 $0x0  }
0x1dd: {  	s11 =	simm.s32 @!p1 $0x0;
	s15 =	rddreg [dreg:$0xd];
	[sflag:s6] =	ssyncadd.s32 @!p1 $0xFFFFFE70  }
0x1de: {  	[hbm4b:s15+s11] =	stream.linear.scatter @!p1 [tilespmem:s5], [sflag:$0x2], $0x190, $0x38;
	[tilespmem:$0x1578] =	vst v63  }
0x1df: {  	_ =	swait.ge @!p1 [sflag:s6], $0x190  }
0x1e0: {  	[sflag:s6] =	ssyncset.done @!p1 $0x0  }
0x1e1: {  	s5 =	rddreg [dreg:$0x9];
	[sflag:s6] =	ssyncadd.s32 @!p1 $0xFFFFFE70;
	s6 =	simm.s32 @!p2 $0x1080  }
0x1e2: {  	[tilespmem:s6], [sflag:$0x2] =	stream.linear.gather @!p2 [spmem:s5], $0x280, $0x38;
	[tilespmem:$0x1578] =	vst v63  }
0x1e3: {  	s6 =	simm.s32 @!p2 $0x2  }
0x1e4: {  	_ =	swait.ge @!p2 [sflag:s6], $0x280  }
0x1e5: {  	s11 =	simm.s32 @!p2 $0x0;
	[sflag:s6] =	ssyncset.done @!p2 $0x0  }
0x1e6: {  	s5 =	simm.s32 @!p2 $0x1080;
	s15 =	rddreg [dreg:$0xc];
	[sflag:s6] =	ssyncadd.s32 @!p2 $0xFFFFFD80  }
0x1e7: {  	[hbm4b:s15+s11] =	stream.linear.scatter @!p2 [tilespmem:s5], [sflag:$0x2], $0x280, $0x38;
	[tilespmem:$0x1578] =	vst v63  }
0x1e8: {  	_ =	swait.ge @!p2 [sflag:s6], $0x280  }
0x1e9: {  	[sflag:s6] =	ssyncset.done @!p2 $0x0  }
0x1ea: {  	s11 =	simm.s32 @!p3 $0x1080;
	[sflag:s6] =	ssyncadd.s32 @!p2 $0xFFFFFD80;
	s6 =	rddreg [dreg:$0x8]  }
0x1eb: {  	[tilespmem:s11], [sflag:$0x2] =	stream.linear.gather @!p3 [spmem:s6], $0x190, $0x38;
	[tilespmem:$0x1578] =	vst v63  }
0x1ec: {  	s6 =	simm.s32 @!p3 $0x2  }
0x1ed: {  	_ =	swait.ge @!p3 [sflag:s6], $0x190  }
0x1ee: {  	s5 =	simm.s32 @!p3 $0x1080;
	[sflag:s6] =	ssyncset.done @!p3 $0x0  }
0x1ef: {  	s11 =	simm.s32 @!p3 $0x0;
	s15 =	rddreg [dreg:$0xb];
	[sflag:s6] =	ssyncadd.s32 @!p3 $0xFFFFFE70  }
0x1f0: {  	[hbm4b:s15+s11] =	stream.linear.scatter @!p3 [tilespmem:s5], [sflag:$0x2], $0x190, $0x38;
	[tilespmem:$0x1578] =	vst v63  }
0x1f1: {  	_ =	swait.ge @!p3 [sflag:s6], $0x190  }
0x1f2: {  	s15 =	simm.s32 @!p4 $0x1080;
	[sflag:s6] =	ssyncset.done @!p3 $0x0  }
0x1f3: {  	s5 =	rddreg [dreg:$0x9];
	[sflag:s6] =	ssyncadd.s32 @!p3 $0xFFFFFE70;
	s6 =	simm.s32 @!p4 $0x2  }
0x1f4: {  	[tilespmem:s15], [sflag:$0x2] =	stream.linear.gather @!p4 [spmem:s5], $0x280, $0x38;
	[tilespmem:$0x1578] =	vst v63  }
0x1f5: {  	_ =	swait.ge @!p4 [sflag:s6], $0x280  }
0x1f6: {  	[sflag:s6] =	ssyncset.done @!p4 $0x0  }
0x1f7: {  	s11 =	simm.s32 @!p4 $0x0;
	s5 =	rddreg [dreg:$0xa];
	[sflag:s6] =	ssyncadd.s32 @!p4 $0xFFFFFD80  }
0x1f8: {  	[hbm4b:s5+s11] =	stream.linear.scatter @!p4 [tilespmem:s15], [sflag:$0x2], $0x280, $0x38;
	[tilespmem:$0x1578] =	vst v63  }
0x1f9: {  	_ =	swait.ge @!p4 [sflag:s6], $0x280  }
0x1fa: {  	s5 =	rddreg [dreg:$0xf]  }
0x1fb: {  	s15 =	rddreg [dreg:$0xe];
	s11 =	sadd.s32 $0x1, s5  }
0x1fc: {  	p5 =	sne.s32 s11, s15  }
.Ltmp1:
0x1fd: {  	_ = 	snop;
	(pc) =	sbr.rel @p5 .LBB2_1-.Ltmp1, $3  }
0x1fe: {  	_ =	sdelay $0x1  }
0x1ff: {  	[sflag:s6] =	ssyncset.done @!p4 $0x0  }
0x200: {  	[sflag:s6] =	ssyncadd.s32 @!p4 $0xFFFFFD80;
	s6 =	rddreg [dreg:$0x8]  }
0x201: {  	_ =	sfence.sel $0x180000  }
0x202: {  	[bflag:$0x0] =	sbarrier.arrive $0xFFFF  }
0x203: {  	_ =	strace $0x90000047  }
0x204: {  	s0 =	stileid.u32;
	[bflag:$0x2] =	sbarrier.arrive $0xFFFF  }
0x205: {  	p0 =	sne.s32 s0, $0x0;
	s0 =	rddreg [dreg:$0x3]  }
0x206: {  	s0 =	sadd.s32 @!p0 $0x100000, s0  }
0x207: {  	[sflag:s0] =	ssyncadd.tile.s32 @!p0 $0x1;
	_ =	shalt  }
.Lfunc_end2:
_tile_overlayer_lowered:
.L_overlay_start_2:
0x208: {  	(tag) =	ssettag $0x2  }
0x209: {  	s0 =	rddreg [dreg:$0x0];
	s2 =	stileid.u32  }
0x20a: {  	s1 =	rddreg [dreg:$0x1];
	p0 =	sne.s32 s2, $0x0  }
0x20b: {  	s3 =	rddreg [dreg:$0x2];
	[bflag:$0x3] =	sbarrier.arrive $0xFFFF;
	s2 =	simm.s32 @!p0 $0x1C02  }
0x20c: {  	[timem:s3], [sflag:s2] =	dma.local @!p0 [hbm:s0], s1  }
0x20d: {  	s0 =	simm.s32 @!p0 $0x2  }
0x20e: {  	_ =	swait.ge @!p0 [sflag:s0], s1  }
0x20f: {  	s1 =	ssub.s32 @!p0 $0x0, s1;
	[sflag:s0] =	ssyncset.done @!p0 $0x0  }
0x210: {  	[sflag:s0] =	ssyncadd.s32 @!p0 s1  }
0x211: {  	[bflag:$0x3] =	sbarrier.arrive $0xFFFF  }
0x212: {  	_ =	shalt  }

// kernel: kernel.13.cloned.1.call-start
scs
__scs_entry_jumppad:
0x0: {  	(pc) =	sbr.rel $0x88, $3  }
0x1: {  	(tag) =	ssettag $0x0;
	lr =	simm.s32 $0x1  }
0x2: {  	[smem:$0x3F99] =	sst lr;
	_ =	strace $0xD0000000  }
0x3: {  	_ = 	snop  }
0x4: {  	_ = 	snop  }
0x5: {  	_ = 	snop  }
0x6: {  	_ = 	snop  }
0x7: {  	_ = 	snop  }
__scs_overlays_trampoline_lowered:
0x8: {  	[smem:$0x3FA8] =	sst s0  }
0x9: {  	[smem:$0x3FA9] =	sst s1  }
0xa: {  	[smem:$0x3FAA] =	sst s2  }
0xb: {  	[smem:$0x3FAB] =	sst s3  }
0xc: {  	[smem:$0x3FAC] =	sst s4  }
0xd: {  	[smem:$0x3FAD] =	sst s5  }
0xe: {  	[smem:$0x3FAE] =	sst s6  }
0xf: {  	[smem:$0x3FAF] =	sst s7  }
0x10: {  	[smem:$0x3FB0] =	sst s8  }
0x11: {  	[smem:$0x3FB1] =	sst s9;
	s0 =	simm.s32 @!p0 $0x0  }
0x12: {  	s1 =	sld [smem:$0x3F97];
	s0 =	simm.s32 @p0 $0x1  }
0x13: {  	[smem:$0x3FB2] =	sst s0;
	s0 =	simm.s32 @!p1 $0x0  }
0x14: {  	s2 =	sld [smem:$0x3F96];
	s0 =	simm.s32 @p1 $0x1  }
0x15: {  	[smem:$0x3FB3] =	sst s0;
	s0 =	simm.s32 @!p2 $0x0  }
0x16: {  	s3 =	sld [smem:$0x3FDB];
	s0 =	simm.s32 @p2 $0x1  }
0x17: {  	s4 =	simm.s32 $0x1BF5;
	[smem:$0x3FB5] =	sst s0  }
0x18: {  	s0 =	sld [smem:$0x3F98];
	_ =	swait.ge [sflag:s4], $0x0  }
0x19: {  	s7 =	sld [smem:$0x3F99]  }
0x1a: {  	s8 =	sadd.s32 $0xFFFFE003, lr  }
0x1b: {  	s9 =	sadd.s32 $0xFFFFFEF7, lr;
	s5 =	simm.s32 $0xFFFFFFFF;
	p2 =	slt.u32 s8, $0xFFFFF086  }
0x1c: {  	p1 =	slt.u32 s9, $0xF7A;
	s5 =	simm.s32 @!p2 $0x0  }
0x1d: {  	s5 =	simm.s32 @p1 $0x1;
	p0 =	seq.s32 s7, s2  }
0x1e: {  	s7 =	smul.u32 @!p0 $0xF7A, s2;
	p2 =	seq.s32 @!p0 s5, $0x0  }
0x1f: {  	s9 =	smul.u32 $0xF7A, s1;
	s8 =	simm.s32 @!p0 $0x1BF5;
	p2 =	por !p2, p0  }
0x20: {  	[sflag:s8] =	ssyncset.s32 @!p0 $0xFFFFF086;
	s6 =	sadd.s32 @!p0 s3, s7;
	s7 =	simm.s32 @!p0 $0x108  }
0x21: {  	s3 =	sadd.s32 s3, s9;
	s6 =	sadd.s32 @!p0 $0x88, s6;
	s7 =	simm.s32 @p2 $0x1082  }
0x22: {  	[simem:s7], [sflag:s8] =	dma.local @!p0 [hbm:s6], $0xF7A  }
0x23: {  	s9 =	sor.u32 $0xD0000000, s2;
	s6 =	simm.s32 $0x108;
	_ =	swait.ge @!p0 [sflag:s8], $0x0  }
0x24: {  	s3 =	sadd.s32 $0x88, s3;
	s6 =	simm.s32 @!p1 $0x1082;
	[sflag:s4] =	ssyncset.s32 $0xFFFFF086  }
0x25: {  	[simem:s6], [sflag:s4] =	dma.local [hbm:s3], $0xF7A  }
0x26: {  	[smem:$0x3F99] =	sst s1;
	(tag) =	ssettag s2;
	_ =	strace s9  }
0x27: {  	s1 =	sld [smem:$0x3FA9]  }
0x28: {  	s2 =	sld [smem:$0x3FAA]  }
0x29: {  	s4 =	sld [smem:$0x3FAC]  }
0x2a: {  	p0 =	seq.s32 s5, $0x0;
	s5 =	sld [smem:$0x3FAD]  }
0x2b: {  	s6 =	sld [smem:$0x3FAE]  }
0x2c: {  	s7 =	sld [smem:$0x3FAF]  }
0x2d: {  	s3 =	simm.s32 $0x108;
	s8 =	sld [smem:$0x3FB0]  }
0x2e: {  	s3 =	simm.s32 @!p0 $0x1082;
	s9 =	sld [smem:$0x3FB1]  }
0x2f: {  	lr =	sadd.s32 s0, s3;
	s0 =	sld [smem:$0x3FA8]  }
0x30: {  	s3 =	sld [smem:$0x3FAB]  }
0x31: {  	[smem:$0x3FB4] =	sst s10  }
0x32: {  	s10 =	sld [smem:$0x3FB2];
	_ =	sdelay $0x3  }
0x33: {  	p0 =	seq.s32 s10, $0x1;
	s10 =	sld [smem:$0x3FB4];
	_ =	sdelay $0x3  }
0x34: {  	[smem:$0x3FB4] =	sst s10  }
0x35: {  	s10 =	sld [smem:$0x3FB3];
	_ =	sdelay $0x3  }
0x36: {  	p1 =	seq.s32 s10, $0x1;
	s10 =	sld [smem:$0x3FB4];
	_ =	sdelay $0x3  }
0x37: {  	[smem:$0x3FB4] =	sst s10  }
0x38: {  	s10 =	sld [smem:$0x3FB5]  }
0x39: {  	_ = 	snop;
	(pc) =	sbr.ind lr, $3  }
0x3a: {  	_ = 	snop  }
0x3b: {  	_ = 	snop  }
0x3c: {  	p2 =	seq.s32 s10, $0x1;
	s10 =	sld [smem:$0x3FB4]  }
0x3d: {  	_ =	shalt  }
0x3e: {  	_ =	shalt  }
0x3f: {  	_ =	shalt  }
0x40: {  	_ =	shalt  }
0x41: {  	_ =	shalt  }
0x42: {  	_ =	shalt  }
0x43: {  	_ =	shalt  }
0x44: {  	_ =	shalt  }
0x45: {  	_ =	shalt  }
0x46: {  	_ =	shalt  }
0x47: {  	_ =	shalt  }
0x48: {  	_ =	shalt  }
0x49: {  	_ =	shalt  }
0x4a: {  	_ =	shalt  }
0x4b: {  	_ =	shalt  }
0x4c: {  	_ =	shalt  }
0x4d: {  	_ =	shalt  }
0x4e: {  	_ =	shalt  }
0x4f: {  	_ =	shalt  }
0x50: {  	_ =	shalt  }
0x51: {  	_ =	shalt  }
0x52: {  	_ =	shalt  }
0x53: {  	_ =	shalt  }
0x54: {  	_ =	shalt  }
0x55: {  	_ =	shalt  }
0x56: {  	_ =	shalt  }
0x57: {  	_ =	shalt  }
0x58: {  	_ =	shalt  }
0x59: {  	_ =	shalt  }
0x5a: {  	_ =	shalt  }
0x5b: {  	_ =	shalt  }
0x5c: {  	_ =	shalt  }
0x5d: {  	_ =	shalt  }
0x5e: {  	_ =	shalt  }
0x5f: {  	_ =	shalt  }
0x60: {  	_ =	shalt  }
0x61: {  	_ =	shalt  }
0x62: {  	_ =	shalt  }
0x63: {  	_ =	shalt  }
0x64: {  	_ =	shalt  }
0x65: {  	_ =	shalt  }
0x66: {  	_ =	shalt  }
0x67: {  	_ =	shalt  }
0x68: {  	_ =	shalt  }
0x69: {  	_ =	shalt  }
0x6a: {  	_ =	shalt  }
0x6b: {  	_ =	shalt  }
0x6c: {  	_ =	shalt  }
0x6d: {  	_ =	shalt  }
0x6e: {  	_ =	shalt  }
0x6f: {  	_ =	shalt  }
0x70: {  	_ =	shalt  }
0x71: {  	_ =	shalt  }
0x72: {  	_ =	shalt  }
0x73: {  	_ =	shalt  }
0x74: {  	_ =	shalt  }
0x75: {  	_ =	shalt  }
0x76: {  	_ =	shalt  }
0x77: {  	_ =	shalt  }
0x78: {  	_ =	shalt  }
0x79: {  	_ =	shalt  }
0x7a: {  	_ =	shalt  }
0x7b: {  	_ =	shalt  }
0x7c: {  	_ =	shalt  }
0x7d: {  	_ =	shalt  }
0x7e: {  	_ =	shalt  }
0x7f: {  	_ =	shalt  }
0x80: {  	_ =	shalt  }
0x81: {  	_ =	shalt  }
0x82: {  	_ =	shalt  }
0x83: {  	_ =	shalt  }
0x84: {  	_ =	shalt  }
0x85: {  	_ =	shalt  }
0x86: {  	_ =	shalt  }
0x87: {  	_ =	shalt  }
.Lfunc_end0:
.L_simem_size_0:
called_computation.1_lowered:
.L_overlay_start_0:
0x88: {  	s2 =	sld [smem:$0x3FD9]  }
0x89: {  	s3 =	sld [smem:$0x3FFE];
	_ =	sdelay $0x1  }
0x8a: {  	s1 =	srdreg.scid  }
0x8b: {  	s0 =	sand.u32 $0x1, s1  }
0x8c: {  	s16 =	sshll.u32 s0, $0xA;
	s2 =	sadd.s32 s3, s2  }
0x8d: {  	s2 =	sadd.s32 s2, s16  }
0x8e: {  	[smem:$0x3FC0] =	sst s2  }
0x8f: {  	_ = 	snop  }
0x90: {  	(tm) =	ssettm $0x1  }
0x91: {  	s17 =	sld [smem:$0x3FFB];
	_ =	sdelay $0x3  }
0x92: {  	_ =	strace s17  }
0x93: {  	s2 =	sld [smem:$0x3FFC];
	_ =	sdelay $0x3  }
0x94: {  	_ =	strace s2  }
0x95: {  	s2 =	sld [smem:$0x3FFD];
	_ =	sdelay $0x3  }
0x96: {  	_ =	strace s2  }
0x97: {  	_ =	strace $0x8FFFFFFF  }
0x98: {  	s18 =	sld [smem:$0x3FDB];
	_ =	sdelay $0x1  }
0x99: {  	s19 =	simm.s32 $_scs_section_size  }
0x9a: {  	s4 =	simm.s32 $_size__tile_overlayer_lowered;
	s5 =	simm.s32 $_tile_overlayer_lowered  }
0x9b: {  	s22 =	simm.s32 $0x1BFF;
	s21 =	sshll.u32 s5, $0x1;
	s2 =	sadd.s32 s19, s18  }
0x9c: {  	s6 =	simm.s32 $0x0;
	s20 =	sshll.u32 s4, $0x1;
	s4 =	sadd.s32 s21, s2  }
0x9d: {  	[timem:s6], [sflag:s22] =	dma.local [hbm:s4], s20  }
0x9e: {  	_ =	swait.ge [sflag:s22], s20  }
0x9f: {  	s3 =	ssub.s32 $0x0, s20;
	[sflag:s22] =	ssyncset.done $0x0  }
0xa0: {  	[sflag:s22] =	ssyncadd.s32 s3;
	_ =	sdelay $0x1  }
0xa1: {  	s23 =	simm.s32 $0x1B8B  }
0xa2: {  	_ =	swait.ge [sflag:s23], $0x1  }
0xa3: {  	[sflag:s23] =	ssyncset.done $0x0  }
0xa4: {  	s25 =	simm.s32 $0x1B8E;
	s24 =	sld [smem:$0x3FFE];
	[sflag:s23] =	ssyncadd.s32 $0xFFFFFFFF  }
0xa5: {  	s26 =	simm.s32 $execute0_lowered;
	[smem:$0x3FD2] =	sst s25  }
0xa6: {  	s4 =	sshll.u32 s26, $0x1;
	_ =	strace $0x80000049;
	[dreg:$0x1] =	wrdreg $0xFFFFFFFF  }
0xa7: {  	s28 =	simm.s32 $_size_execute0_lowered;
	s2 =	sadd.s32 s2, s4;
	[dreg:$0x0] =	wrdreg $0x0  }
0xa8: {  	s4 =	sshll.u32 s28, $0x1;
	[dreg:$0x2] =	wrdreg s2  }
0xa9: {  	[dreg:$0x3] =	wrdreg s4  }
0xaa: {  	[dreg:$0x4] =	wrdreg $0xC0  }
0xab: {  	_ =	task [dreg:s6], $0x5FFFF  }
0xac: {  	[dreg:$0x1] =	wrdreg $0xFFFFFFFF  }
0xad: {  	[dreg:$0x0] =	wrdreg $0x60  }
0xae: {  	[dreg:$0x2] =	wrdreg s24  }
0xaf: {  	[dreg:$0x3] =	wrdreg $0xB8000  }
0xb0: {  	[dreg:$0x4] =	wrdreg $0x9  }
0xb1: {  	_ =	task.clear_ibuf [dreg:s6], $0x5FFFF;
	_ =	strace $0x90000049  }
0xb2: {  	s29 =	simm.s32 $0x9;
	_ =	strace $0x8000004B  }
0xb3: {  	_ =	swait.ge [sflag:s29], $0x1  }
0xb4: {  	[sflag:s29] =	ssyncadd.s32 $0xFFFFFFFF  }
0xb5: {  	_ =	strace $0x9000004B  }
0xb6: {  	_ =	sfence  }
0xb7: {  	s30 =	sld [smem:$0x0];
	_ =	sdelay $0x2  }
0xb8: {  	s31 =	sshll.u32 s1, $0xD;
	s1 =	sshrl.u32 s1, $0x2  }
0xb9: {  	s3 =	sand.u32 $0x4000, s31;
	s1 =	sadd.s32 s1, s30  }
0xba: {  	s0 =	sor.u32 s3, s0;
	s1 =	sshll.u32 s1, $0x11  }
0xbb: {  	s0 =	sor.u32 s1, s0  }
0xbc: {  	s0 =	sadd.s32 $0x8F2B, s0  }
0xbd: {  	[sflag:s0] =	ssyncadd.remote.s32 $0x1  }
0xbe: {  	_ =	sfence.sel $0xFFFF  }
0xbf: {  	[dreg:$0x0] =	wrdreg $0xFFFFFFFF;
	(pc) =	sbr.abs _section_cstart, $3  }
0xc0: {  	[dreg:$0x1] =	wrdreg $0xFFFFFFFF  }
0xc1: {  	_ =	task.clear_ibuf [dreg:s6], $0x2FFFF;
	_ =	strace $0x9FFFFFFF  }
0xc2: {  	(tm) =	ssettm $0x7FFFFFFF  }
0xc3: {  	_ =	shalt  }
tec
execute0_lowered:
.L_overlay_start_1:
0x0: {  	(tag) =	ssettag $0x1  }
0x1: {  	s0 =	rddreg [dreg:$0x0];
	s4 =	stileid.u32  }
0x2: {  	s3 =	simm.s32 $0x0;
	s2 =	srdreg.scid;
	s10 =	smul.u32 $0xA000, s4  }
0x3: {  	[smem:$0x7FF] =	sst s3;
	s2 =	sand.u32 $0x1, s2;
	s8 =	smul.u32 $0x4E000, s4  }
0x4: {  	s6 =	sadd.s32 $0x53600, s0;
	s5 =	sadd.s32 $0x2B600, s0;
	s11 =	smul.u32 $0x270, s4  }
0x5: {  	s0 =	sadd.s32 $0xA1800, s0;
	p0 =	seq.s32 s4, $0xF;
	s25 =	smul.u32 $0x2710, s2  }
0x6: {  	s1 =	rddreg [dreg:$0x1];
	_ =	strace $0x8000004A;
	s26 =	smul.u32 $0x138800, s2  }
0x7: {  	s7 =	ssub.s32 $0x2, s2;
	[dreg:$0x3] =	wrdreg s5;
	s2 =	smul.u32 $0x27100, s2  }
0x8: {  	s9 =	sshrl.u32 s7, $0x1;
	[dreg:$0x4] =	wrdreg s10;
	s10 =	sshrl.u32 s10, $0x3  }
0x9: {  	s7 =	ssub.s32 s7, s9;
	s5 =	sadd.s32 s5, s10;
	s3 =	sadd.s32 s11, s25  }
0xa: {  	s9 =	sshrl.u32 s26, $0x3;
	[dreg:$0x5] =	wrdreg s5;
	s5 =	sadd.s32 $0x14000, s5  }
0xb: {  	s3 =	sshll.u32 s3, $0x4;
	s31 =	smax.u32 s7, $0x1;
	[dreg:$0x6] =	wrdreg s5  }
0xc: {  	s9 =	sadd.s32 $0x24900, s9;
	s28 =	sadd.s32 s6, s3;
	[dreg:$0xb] =	wrdreg s31  }
0xd: {  	s8 =	sshrl.u32 s8, $0x2;
	s29 =	sadd.s32 s6, s9;
	[dreg:$0x7] =	wrdreg s28  }
0xe: {  	s8 =	sadd.s32 s8, s1;
	s30 =	sadd.s32 s0, s3;
	[dreg:$0x8] =	wrdreg s29  }
0xf: {  	s11 =	sadd.s32 $0x124800, s1;
	s0 =	sadd.s32 s0, s9;
	[dreg:$0x9] =	wrdreg s30  }
0x10: {  	s10 =	sadd.s32 s6, s2;
	s6 =	sshrl.u32 @!p0 s8, $0x3;
	[dreg:$0xa] =	wrdreg s0  }
0x11: {  	s0 =	sshll.u32 @!p0 s4, $0x6;
	s4 =	sshrl.u32 @p0 s11, $0x3;
	[dreg:$0xe] =	wrdreg s6  }
0x12: {  	s5 =	sor.u32 @!p0 $0x1C08, s0;
	[dreg:$0xc] =	wrdreg s4  }
0x13: {  	s19 =	simm.s32 $0x50;
	s3 =	simm.s32 $0x0;
	[dreg:$0xd] =	wrdreg s5  }
.LBB2_1:
0x14: {  	[dreg:$0xf] =	wrdreg s3  }
0x15: {  	s0 =	simm.s32 $0x0;
	s2 =	rddreg [dreg:$0x5]  }
0x16: {  	[tilespmem:s0], [sflag:$0x7] =	stream.linear.gather [hbm4b:s2+s0], $0xC80, $0x38;
	[tilespmem:$0x1F080] =	vst v63  }
0x17: {  	s26 =	rddreg [dreg:$0x6];
	s31 =	simm.s32 $0x2000  }
0x18: {  	[tilespmem:s31], [sflag:$0x7] =	stream.linear.gather [hbm4b:s26+s0], $0xC80, $0x38;
	[tilespmem:$0x1F080] =	vst v63  }
0x19: {  	s2 =	rddreg [dreg:$0x8];
	s0 =	simm.s32 @p0 $0x1FC8  }
0x1a: {  	[spmem:s4], [sflag:s0] =	dma.local @p0 [hbm:s2], $0x2800  }
0x1b: {  	s0 =	simm.s32 @p0 $0x8  }
0x1c: {  	_ =	swait.ge @p0 [sflag:s0], $0x2800  }
0x1d: {  	[sflag:s0] =	ssyncset.done @p0 $0x0  }
0x1e: {  	[sflag:s0] =	ssyncadd.s32 @p0 $0xFFFFD800;
	s0 =	rddreg [dreg:$0x7]  }
0x1f: {  	[spmem:s6], [sflag:s5] =	dma.local @!p0 [hbm:s0], $0x2700  }
0x20: {  	s0 =	simm.s32 @!p0 $0x8  }
0x21: {  	p1 =	por $0x0, $0x0;
	_ =	swait.ge @!p0 [sflag:s0], $0x2700  }
0x22: {  	s12 =	simm.s32 $0x4000;
	s25 =	simm.s32 $0x2;
	[sflag:s0] =	ssyncset.done @!p0 $0x0  }
0x23: {  	s28 =	simm.s32 $0x0;
	s29 =	simm.s32 $0x0;
	[sflag:s0] =	ssyncadd.s32 @!p0 $0xFFFFD900  }
0x24: {  	s30 =	simm.s32 $0x0;
	s26 =	simm.s32 $0x9000;
	[bflag:$0x0] =	sbarrier.arrive $0xFFFF  }
.LBB2_3:
0x25: {  	p2 =	seq.s32 s30, $0x0  }
0x26: {  	s2 =	simm.s32 @!p2 $0x4  }
0x27: {  	_ =	swait.ge @!p2 [sflag:s2], $0x2800  }
0x28: {  	[sflag:s2] =	ssyncset.done @!p2 $0x0  }
0x29: {  	[sflag:s2] =	ssyncadd.s32 @!p2 $0xFFFFD800;
	s2 =	simm.s32 @!p2 $0x5  }
0x2a: {  	_ =	swait.ge @!p2 [sflag:s2], $0x2800  }
0x2b: {  	[sflag:s2] =	ssyncset.done @!p2 $0x0  }
0x2c: {  	[sflag:s2] =	ssyncadd.s32 @!p2 $0xFFFFD800;
	s2 =	simm.s32 @!p2 $0x6  }
0x2d: {  	_ =	swait.ge @!p2 [sflag:s2], $0x2800  }
0x2e: {  	s0 =	smov.u32 s30;
	s17 =	smulhi.u32 $0xAAAAAAAB, s25;
	[sflag:s2] =	ssyncset.done @!p2 $0x0  }
0x2f: {  	s4 =	simm.s32 $0x7;
	s3 =	smul.u32 $0x19, s0;
	[sflag:s2] =	ssyncadd.s32 @!p2 $0xFFFFD800  }
0x30: {  	s18 =	smulhi.u32 $0xAAAAAAAB, s28;
	_ =	swait.ge [sflag:s4], $0xC80  }
0x31: {  	s7 =	sand.u32 $0xFF, s3;
	s9 =	sadd.s32 $0x1, s3;
	[sflag:s4] =	ssyncset.done $0x0  }
0x32: {  	s7 =	smul.u32 $0xAB, s7;
	s11 =	sand.u32 $0xFF, s9;
	[sflag:s4] =	ssyncadd.s32 $0xFFFFF380  }
0x33: {  	s30 =	sadd.s32 $0x1, s30;
	s11 =	smul.u32 $0xAB, s11;
	_ =	swait.ge [sflag:s4], $0xC80  }
0x34: {  	s7 =	sshrl.u32 s7, $0x9;
	p2 =	seq.s32 s0, $0x9;
	[sflag:s4] =	ssyncset.done $0x0  }
0x35: {  	s2 =	sshll.u32 @!p2 s30, $0xC;
	[sflag:s4] =	ssyncadd.s32 $0xFFFFF380;
	s4 =	rddreg [dreg:$0x4]  }
0x36: {  	s7 =	smul.u32 $0x3, s7;
	s11 =	sshrl.u32 s11, $0x9;
	s6 =	sadd.s32 @!p2 s4, s2  }
0x37: {  	s0 =	sshll.u32 s0, $0xC;
	s4 =	rddreg [dreg:$0x3];
	s6 =	sshrl.u32 @!p2 s6, $0x3  }
0x38: {  	s8 =	simm.s32 @!p2 $0x0;
	s2 =	sand.u32 @!p2 $0x1000, s2;
	s6 =	sadd.s32 @!p2 s4, s6  }
0x39: {  	[tilespmem:s2], [sflag:$0x7] =	stream.linear.gather @!p2 [hbm4b:s6+s8], $0xC80, $0x38;
	[tilespmem:$0x1F080] =	vst v63  }
0x3a: {  	s0 =	sand.u32 $0x1000, s0;
	s2 =	sor.u32 @!p2 $0x2000, s2;
	s6 =	sadd.s32 @!p2 $0x14000, s6  }
0x3b: {  	[tilespmem:s2], [sflag:$0x7] =	stream.linear.gather @!p2 [hbm4b:s6+s8], $0xC80, $0x38;
	[tilespmem:$0x1F080] =	vst v63  }
0x3c: {  	s8 =	ssub.s32 s3, s7;
	s3 =	smul.u32 $0x3, s11;
	s6 =	simm.s32 $0x1  }
0x3d: {  	p2 =	por $0x0, $0x0;
	s2 =	sand.u32 $0xFF, s8;
	s6 =	simm.s32 @!p1 $0x0  }
0x3e: {  	s8 =	sadd.s32 $0x1, s28;
	p3 =	por @!p2 $0x1, $0x1;
	s13 =	smul.u32 $0xA000, s2  }
0x3f: {  	s3 =	ssub.s32 s9, s3;
	s2 =	sadd.s32 $0x1, s2;
	s15 =	sshll.u32 s6, $0xC  }
0x40: {  	p3 =	por p3, p2;
	s3 =	sand.u32 $0xFF, s3;
	s7 =	sshrl.u32 s13, $0x2  }
0x41: {  	s9 =	sshrl.u32 s18, $0x1;
	s14 =	smul.u32 $0xA000, s3;
	s7 =	sadd.s32 $0x4000, s7  }
0x42: {  	[tilespmem:s7], [sflag:s2] =	stream.indirect.gather [hbm4b:s10+s19], $0x80, s0, s19, $0xb8;
	[tilespmem:$0x1F080] =	vst v63  }
0x43: {  	s31 =	sor.u32 $0x2000, s15;
	s22 =	smul.u32 $0xFFFFFFF4, s9;
	s16 =	sshrl.u32 s14, $0x2  }
0x44: {  	s3 =	sadd.s32 $0x1, s3;
	s0 =	sor.u32 $0x80, s0;
	s6 =	sadd.s32 $0x4000, s16  }
0x45: {  	[tilespmem:s6], [sflag:s3] =	stream.indirect.gather [hbm4b:s10+s19], $0x80, s0, s19, $0xb8;
	[tilespmem:$0x1F080] =	vst v63  }
0x46: {  	s11 =	sor.u32 $0x100, s15;
	s21 =	smul.u32 $0xFFFE2000, s9;
	s6 =	sshrl.u32 s17, $0x1  }
0x47: {  	s15 =	sshra.s32 @!p2 s29, $0x2;
	s20 =	sshra.s32 @!p3 s29, $0x2;
	s13 =	smul.u32 $0xFFFFFFF4, s6  }
0x48: {  	s9 =	sadd.s32 $0x80, s31;
	s21 =	sshra.s32 s21, $0x2;
	s14 =	sadd.s32 $0x1, s25  }
0x49: {  	s2 =	sadd.s32 $0x2800, s26;
	s7 =	sadd.s32 $0x2800, s12;
	s13 =	sshra.s32 s13, $0x2  }
0x4a: {  	s0 =	simm.s32 $0x0;
	s6 =	smul.u32 $0xFFFE2000, s6;
	s16 =	sadd.s32 $0x6, s13  }
0x4b: {  	s3 =	simm.s32 $0x4;
	s13 =	sadd.s32 $0x3, s13;
	s16 =	sadd.s32 @!p3 s20, s16  }
0x4c: {  	s13 =	sadd.s32 @!p2 s15, s13;
	s20 =	sshra.s32 s6, $0x2;
	s16 =	sadd.s32 @!p3 $0x0, s16  }
0x4d: {  	s6 =	sadd.s32 $0x80, s11;
	s13 =	sadd.s32 @!p2 $0x0, s13;
	_ =	swait.ge @!p3 [sflag:s16], $0x2800  }
0x4e: {  	s15 =	sadd.s32 s20, s26;
	s20 =	sshra.s32 s22, $0x2;
	[sflag:s16] =	ssyncset.done @!p3 $0x0  }
0x4f: {  	s22 =	simm.s32 $0x0;
	[sflag:s16] =	ssyncadd.s32 @!p3 $0xFFFFD800;
	s16 =	simm.s32 @!p2 $0x50  }
0x50: {  	[tilespmem:s15], [sflag:s13] =	stream.indirect.gather @!p2 [hbm4b:s10+s16], $0x80, s11, s16, $0xb8;
	[tilespmem:$0x1F080] =	vst v63  }
0x51: {  	s23 =	sadd.s32 $0x1, s20;
	s24 =	sadd.s32 $0x4, s20;
	s11 =	sshra.s32 s29, $0x2  }
0x52: {  	s16 =	sadd.s32 s11, s23;
	s15 =	sadd.s32 s11, s24;
	s24 =	smov.u32 s12  }
.LBB2_4:
0x53: {  	s16 =	sadd.s32 s22, s16;
	s0 =	sadd.s32 $0x1, s0;
	s13 =	smov.u32 s3  }
0x54: {  	s3 =	sadd.s32 $0x4, s3;
	s17 =	smov.u32 s2;
	s20 =	smov.u32 s6  }
0x55: {  	p2 =	seq.s32 s3, $0x64;
	_ =	swait.ge [sflag:s16], $0x2800  }
0x56: {  	s21 =	sadd.s32 s21, s24;
	s15 =	sadd.s32 s22, s15;
	[sflag:s16] =	ssyncset.done $0x0  }
0x57: {  	s24 =	smov.u32 s7;
	[sflag:s16] =	ssyncadd.s32 $0xFFFFD800  }
0x58: {  	[spmem:s1] =	stream.indirect.scatter.add.f32 [tilespmem:s21], [sflag:s15], $0x80, s31, s19, $0xb8;
	[tilespmem:$0x1F080] =	vst v63  }
0x59: {  	s15 =	smulhi.u32 $0xAAAAAAAB, s14;
	s31 =	smov.u32 s9  }
0x5a: {  	s2 =	sadd.s32 $0x2800, s2;
	s7 =	sadd.s32 $0x2800, s7;
	s14 =	sadd.s32 $0x1, s14  }
0x5b: {  	s6 =	sadd.s32 $0x80, s6;
	s16 =	smulhi.u32 $0xAAAAAAAB, s8;
	s15 =	sshrl.u32 s15, $0x1  }
0x5c: {  	p3 =	sgt.u32 s0, $0x16;
	s8 =	sadd.s32 $0x1, s8;
	s21 =	smul.u32 $0xFFFFFFF4, s15  }
0x5d: {  	p4 =	seq.s32 @!p3 s13, $0x0;
	s22 =	sshra.s32 @!p3 s13, $0x2;
	s15 =	smul.u32 $0xFFFE2000, s15  }
0x5e: {  	s23 =	sshra.s32 @!p3 s29, $0x2;
	p4 =	por p4, p3;
	s21 =	sshra.s32 s21, $0x2  }
0x5f: {  	s5 =	sshra.s32 @!p4 s13, $0x2;
	s4 =	sadd.s32 $0x6, s21;
	s21 =	sadd.s32 $0x3, s21  }
0x60: {  	s18 =	sshra.s32 @!p4 s29, $0x2;
	s16 =	sshrl.u32 s16, $0x1;
	s21 =	sadd.s32 @!p3 s23, s21  }
0x61: {  	s15 =	sshra.s32 s15, $0x2;
	s4 =	sadd.s32 @!p4 s18, s4;
	s18 =	sadd.s32 @!p3 s22, s21  }
0x62: {  	s9 =	sadd.s32 $0x80, s9;
	s21 =	smul.u32 $0xFFFFFFF4, s16;
	s4 =	sadd.s32 @!p4 s5, s4  }
0x63: {  	s17 =	sadd.s32 s15, s17;
	s5 =	smul.u32 $0xFFFE2000, s16;
	_ =	swait.ge @!p4 [sflag:s4], $0x2800  }
.Ltmp0:
0x64: {  	s23 =	simm.s32 @!p3 $0x50;
	[sflag:s4] =	ssyncset.done @!p4 $0x0;
	(pc) =	sbr.rel @!p2 .LBB2_4-.Ltmp0, $4  }
0x65: {  	s15 =	sshra.s32 s21, $0x2;
	s21 =	sshra.s32 s5, $0x2;
	[sflag:s4] =	ssyncadd.s32 @!p4 $0xFFFFD800  }
0x66: {  	s5 =	sadd.s32 $0x4, s15;
	s4 =	sadd.s32 $0x1, s15  }
0x67: {  	s22 =	sshra.s32 s13, $0x2;
	s15 =	sadd.s32 s11, s5;
	s16 =	sadd.s32 s11, s4  }
0x68: {  	[tilespmem:s17], [sflag:s18] =	stream.indirect.gather @!p3 [hbm4b:s10+s23], $0x80, s20, s23, $0xb8;
	[tilespmem:$0x1F080] =	vst v63  }
0x69: {  	s0 =	sadd.s32 s22, s16  }
0x6a: {  	_ =	swait.ge [sflag:s0], $0x2800  }
0x6b: {  	[sflag:s0] =	ssyncset.done $0x0  }
0x6c: {  	s2 =	sadd.s32 s21, s24;
	s3 =	sadd.s32 s22, s15;
	[sflag:s0] =	ssyncadd.s32 $0xFFFFD800  }
0x6d: {  	[spmem:s1] =	stream.indirect.scatter.add.f32 [tilespmem:s2], [sflag:s3], $0x80, s31, s19, $0xb8;
	[tilespmem:$0x1F080] =	vst v63  }
0x6e: {  	p2 =	seq.s32 s30, $0xA  }
.Ltmp1:
0x6f: {  	_ = 	snop;
	(pc) =	sbr.rel @!p2 .LBB2_3-.Ltmp1, $3  }
0x70: {  	_ =	sdelay $0x1  }
0x71: {  	p1 =	por !p1, !p1;
	s29 =	sadd.s32 $0x64, s29;
	s28 =	sadd.s32 $0x19, s28  }
0x72: {  	s12 =	sadd.s32 $0x3E800, s12;
	s25 =	sadd.s32 $0x19, s25;
	s26 =	sadd.s32 $0x3E800, s26  }
0x73: {  	s0 =	simm.s32 $0x4  }
0x74: {  	_ =	swait.ge [sflag:s0], $0x2800  }
0x75: {  	[sflag:s0] =	ssyncset.done $0x0  }
0x76: {  	s29 =	simm.s32 $0x5;
	[sflag:s0] =	ssyncadd.s32 $0xFFFFD800  }
0x77: {  	_ =	swait.ge [sflag:s29], $0x2800  }
0x78: {  	[sflag:s29] =	ssyncset.done $0x0  }
0x79: {  	s30 =	simm.s32 $0x6;
	[sflag:s29] =	ssyncadd.s32 $0xFFFFD800  }
0x7a: {  	_ =	swait.ge [sflag:s30], $0x2800  }
0x7b: {  	[sflag:s30] =	ssyncset.done $0x0  }
0x7c: {  	[sflag:s30] =	ssyncadd.s32 $0xFFFFD800  }
0x7d: {  	[bflag:$0x0] =	sbarrier.arrive $0xFFFF  }
0x7e: {  	s2 =	rddreg [dreg:$0xa]  }
0x7f: {  	s0 =	simm.s32 @p0 $0x1FC8;
	s4 =	rddreg [dreg:$0xc]  }
0x80: {  	[hbm:s2], [sflag:s0] =	dma.local @p0 [spmem:s4], $0x2800  }
0x81: {  	s0 =	simm.s32 @p0 $0x8  }
0x82: {  	_ =	swait.ge @p0 [sflag:s0], $0x2800  }
0x83: {  	s5 =	rddreg [dreg:$0xd]  }
0x84: {  	[sflag:s0] =	ssyncset.done @p0 $0x0;
	s6 =	rddreg [dreg:$0xe]  }
0x85: {  	[sflag:s0] =	ssyncadd.s32 @p0 $0xFFFFD800;
	s0 =	rddreg [dreg:$0x9]  }
0x86: {  	[hbm:s0], [sflag:s5] =	dma.local @!p0 [spmem:s6], $0x2700  }
0x87: {  	s0 =	simm.s32 @!p0 $0x8  }
0x88: {  	_ =	swait.ge @!p0 [sflag:s0], $0x2700  }
0x89: {  	s3 =	rddreg [dreg:$0xf]  }
0x8a: {  	s31 =	rddreg [dreg:$0xb];
	s3 =	sadd.s32 $0x1, s3  }
0x8b: {  	p1 =	sne.s32 s3, s31  }
.Ltmp2:
0x8c: {  	_ = 	snop;
	(pc) =	sbr.rel @p1 .LBB2_1-.Ltmp2, $3  }
0x8d: {  	_ =	sdelay $0x1  }
0x8e: {  	[sflag:s0] =	ssyncset.done @!p0 $0x0  }
0x8f: {  	[sflag:s0] =	ssyncadd.s32 @!p0 $0xFFFFD900  }
0x90: {  	_ =	sfence.sel $0x180000  }
0x91: {  	[bflag:$0x0] =	sbarrier.arrive $0xFFFF  }
0x92: {  	_ =	strace $0x9000004A  }
0x93: {  	s0 =	stileid.u32;
	[bflag:$0x2] =	sbarrier.arrive $0xFFFF  }
0x94: {  	p0 =	sne.s32 s0, $0x0;
	s0 =	rddreg [dreg:$0x2]  }
0x95: {  	s0 =	sadd.s32 @!p0 $0x100000, s0  }
0x96: {  	[sflag:s0] =	ssyncadd.tile.s32 @!p0 $0x1;
	_ =	shalt  }
.Lfunc_end2:
_tile_overlayer_lowered:
.L_overlay_start_2:
0x97: {  	(tag) =	ssettag $0x2  }
0x98: {  	s0 =	rddreg [dreg:$0x0];
	s2 =	stileid.u32  }
0x99: {  	s1 =	rddreg [dreg:$0x1];
	p0 =	sne.s32 s2, $0x0  }
0x9a: {  	s3 =	rddreg [dreg:$0x2];
	[bflag:$0x3] =	sbarrier.arrive $0xFFFF;
	s2 =	simm.s32 @!p0 $0x1C08  }
0x9b: {  	[timem:s3], [sflag:s2] =	dma.local @!p0 [hbm:s0], s1  }
0x9c: {  	s0 =	simm.s32 @!p0 $0x8  }
0x9d: {  	_ =	swait.ge @!p0 [sflag:s0], s1  }
0x9e: {  	s1 =	ssub.s32 @!p0 $0x0, s1;
	[sflag:s0] =	ssyncset.done @!p0 $0x0  }
0x9f: {  	[sflag:s0] =	ssyncadd.s32 @!p0 s1  }
0xa0: {  	[bflag:$0x3] =	sbarrier.arrive $0xFFFF  }
0xa1: {  	_ =	shalt  }

// kernel: kernel.16.cloned.1.call-start
scs
__scs_entry_jumppad:
0x0: {  	(pc) =	sbr.rel $0x88, $3  }
0x1: {  	(tag) =	ssettag $0x0;
	lr =	simm.s32 $0x1  }
0x2: {  	[smem:$0x3F99] =	sst lr;
	_ =	strace $0xD0000000  }
0x3: {  	_ = 	snop  }
0x4: {  	_ = 	snop  }
0x5: {  	_ = 	snop  }
0x6: {  	_ = 	snop  }
0x7: {  	_ = 	snop  }
__scs_overlays_trampoline_lowered:
0x8: {  	[smem:$0x3FA8] =	sst s0  }
0x9: {  	[smem:$0x3FA9] =	sst s1  }
0xa: {  	[smem:$0x3FAA] =	sst s2  }
0xb: {  	[smem:$0x3FAB] =	sst s3  }
0xc: {  	[smem:$0x3FAC] =	sst s4  }
0xd: {  	[smem:$0x3FAD] =	sst s5  }
0xe: {  	[smem:$0x3FAE] =	sst s6  }
0xf: {  	[smem:$0x3FAF] =	sst s7  }
0x10: {  	[smem:$0x3FB0] =	sst s8  }
0x11: {  	[smem:$0x3FB1] =	sst s9;
	s0 =	simm.s32 @!p0 $0x0  }
0x12: {  	s1 =	sld [smem:$0x3F97];
	s0 =	simm.s32 @p0 $0x1  }
0x13: {  	[smem:$0x3FB2] =	sst s0;
	s0 =	simm.s32 @!p1 $0x0  }
0x14: {  	s2 =	sld [smem:$0x3F96];
	s0 =	simm.s32 @p1 $0x1  }
0x15: {  	[smem:$0x3FB3] =	sst s0;
	s0 =	simm.s32 @!p2 $0x0  }
0x16: {  	s3 =	sld [smem:$0x3FDB];
	s0 =	simm.s32 @p2 $0x1  }
0x17: {  	s4 =	simm.s32 $0x1BF5;
	[smem:$0x3FB5] =	sst s0  }
0x18: {  	s0 =	sld [smem:$0x3F98];
	_ =	swait.ge [sflag:s4], $0x0  }
0x19: {  	s7 =	sld [smem:$0x3F99]  }
0x1a: {  	s8 =	sadd.s32 $0xFFFFE003, lr  }
0x1b: {  	s9 =	sadd.s32 $0xFFFFFEF7, lr;
	s5 =	simm.s32 $0xFFFFFFFF;
	p2 =	slt.u32 s8, $0xFFFFF086  }
0x1c: {  	p1 =	slt.u32 s9, $0xF7A;
	s5 =	simm.s32 @!p2 $0x0  }
0x1d: {  	s5 =	simm.s32 @p1 $0x1;
	p0 =	seq.s32 s7, s2  }
0x1e: {  	s7 =	smul.u32 @!p0 $0xF7A, s2;
	p2 =	seq.s32 @!p0 s5, $0x0  }
0x1f: {  	s9 =	smul.u32 $0xF7A, s1;
	s8 =	simm.s32 @!p0 $0x1BF5;
	p2 =	por !p2, p0  }
0x20: {  	[sflag:s8] =	ssyncset.s32 @!p0 $0xFFFFF086;
	s6 =	sadd.s32 @!p0 s3, s7;
	s7 =	simm.s32 @!p0 $0x108  }
0x21: {  	s3 =	sadd.s32 s3, s9;
	s6 =	sadd.s32 @!p0 $0x88, s6;
	s7 =	simm.s32 @p2 $0x1082  }
0x22: {  	[simem:s7], [sflag:s8] =	dma.local @!p0 [hbm:s6], $0xF7A  }
0x23: {  	s9 =	sor.u32 $0xD0000000, s2;
	s6 =	simm.s32 $0x108;
	_ =	swait.ge @!p0 [sflag:s8], $0x0  }
0x24: {  	s3 =	sadd.s32 $0x88, s3;
	s6 =	simm.s32 @!p1 $0x1082;
	[sflag:s4] =	ssyncset.s32 $0xFFFFF086  }
0x25: {  	[simem:s6], [sflag:s4] =	dma.local [hbm:s3], $0xF7A  }
0x26: {  	[smem:$0x3F99] =	sst s1;
	(tag) =	ssettag s2;
	_ =	strace s9  }
0x27: {  	s1 =	sld [smem:$0x3FA9]  }
0x28: {  	s2 =	sld [smem:$0x3FAA]  }
0x29: {  	s4 =	sld [smem:$0x3FAC]  }
0x2a: {  	p0 =	seq.s32 s5, $0x0;
	s5 =	sld [smem:$0x3FAD]  }
0x2b: {  	s6 =	sld [smem:$0x3FAE]  }
0x2c: {  	s7 =	sld [smem:$0x3FAF]  }
0x2d: {  	s3 =	simm.s32 $0x108;
	s8 =	sld [smem:$0x3FB0]  }
0x2e: {  	s3 =	simm.s32 @!p0 $0x1082;
	s9 =	sld [smem:$0x3FB1]  }
0x2f: {  	lr =	sadd.s32 s0, s3;
	s0 =	sld [smem:$0x3FA8]  }
0x30: {  	s3 =	sld [smem:$0x3FAB]  }
0x31: {  	[smem:$0x3FB4] =	sst s10  }
0x32: {  	s10 =	sld [smem:$0x3FB2];
	_ =	sdelay $0x3  }
0x33: {  	p0 =	seq.s32 s10, $0x1;
	s10 =	sld [smem:$0x3FB4];
	_ =	sdelay $0x3  }
0x34: {  	[smem:$0x3FB4] =	sst s10  }
0x35: {  	s10 =	sld [smem:$0x3FB3];
	_ =	sdelay $0x3  }
0x36: {  	p1 =	seq.s32 s10, $0x1;
	s10 =	sld [smem:$0x3FB4];
	_ =	sdelay $0x3  }
0x37: {  	[smem:$0x3FB4] =	sst s10  }
0x38: {  	s10 =	sld [smem:$0x3FB5]  }
0x39: {  	_ = 	snop;
	(pc) =	sbr.ind lr, $3  }
0x3a: {  	_ = 	snop  }
0x3b: {  	_ = 	snop  }
0x3c: {  	p2 =	seq.s32 s10, $0x1;
	s10 =	sld [smem:$0x3FB4]  }
0x3d: {  	_ =	shalt  }
0x3e: {  	_ =	shalt  }
0x3f: {  	_ =	shalt  }
0x40: {  	_ =	shalt  }
0x41: {  	_ =	shalt  }
0x42: {  	_ =	shalt  }
0x43: {  	_ =	shalt  }
0x44: {  	_ =	shalt  }
0x45: {  	_ =	shalt  }
0x46: {  	_ =	shalt  }
0x47: {  	_ =	shalt  }
0x48: {  	_ =	shalt  }
0x49: {  	_ =	shalt  }
0x4a: {  	_ =	shalt  }
0x4b: {  	_ =	shalt  }
0x4c: {  	_ =	shalt  }
0x4d: {  	_ =	shalt  }
0x4e: {  	_ =	shalt  }
0x4f: {  	_ =	shalt  }
0x50: {  	_ =	shalt  }
0x51: {  	_ =	shalt  }
0x52: {  	_ =	shalt  }
0x53: {  	_ =	shalt  }
0x54: {  	_ =	shalt  }
0x55: {  	_ =	shalt  }
0x56: {  	_ =	shalt  }
0x57: {  	_ =	shalt  }
0x58: {  	_ =	shalt  }
0x59: {  	_ =	shalt  }
0x5a: {  	_ =	shalt  }
0x5b: {  	_ =	shalt  }
0x5c: {  	_ =	shalt  }
0x5d: {  	_ =	shalt  }
0x5e: {  	_ =	shalt  }
0x5f: {  	_ =	shalt  }
0x60: {  	_ =	shalt  }
0x61: {  	_ =	shalt  }
0x62: {  	_ =	shalt  }
0x63: {  	_ =	shalt  }
0x64: {  	_ =	shalt  }
0x65: {  	_ =	shalt  }
0x66: {  	_ =	shalt  }
0x67: {  	_ =	shalt  }
0x68: {  	_ =	shalt  }
0x69: {  	_ =	shalt  }
0x6a: {  	_ =	shalt  }
0x6b: {  	_ =	shalt  }
0x6c: {  	_ =	shalt  }
0x6d: {  	_ =	shalt  }
0x6e: {  	_ =	shalt  }
0x6f: {  	_ =	shalt  }
0x70: {  	_ =	shalt  }
0x71: {  	_ =	shalt  }
0x72: {  	_ =	shalt  }
0x73: {  	_ =	shalt  }
0x74: {  	_ =	shalt  }
0x75: {  	_ =	shalt  }
0x76: {  	_ =	shalt  }
0x77: {  	_ =	shalt  }
0x78: {  	_ =	shalt  }
0x79: {  	_ =	shalt  }
0x7a: {  	_ =	shalt  }
0x7b: {  	_ =	shalt  }
0x7c: {  	_ =	shalt  }
0x7d: {  	_ =	shalt  }
0x7e: {  	_ =	shalt  }
0x7f: {  	_ =	shalt  }
0x80: {  	_ =	shalt  }
0x81: {  	_ =	shalt  }
0x82: {  	_ =	shalt  }
0x83: {  	_ =	shalt  }
0x84: {  	_ =	shalt  }
0x85: {  	_ =	shalt  }
0x86: {  	_ =	shalt  }
0x87: {  	_ =	shalt  }
.Lfunc_end0:
.L_simem_size_0:
called_computation.2_lowered:
.L_overlay_start_0:
0x88: {  	s2 =	sld [smem:$0x3FD9]  }
0x89: {  	s3 =	sld [smem:$0x3FFE];
	_ =	sdelay $0x1  }
0x8a: {  	s1 =	srdreg.scid  }
0x8b: {  	s0 =	sand.u32 $0x1, s1  }
0x8c: {  	s16 =	sshll.u32 s0, $0xA;
	s2 =	sadd.s32 s3, s2  }
0x8d: {  	s2 =	sadd.s32 s2, s16  }
0x8e: {  	[smem:$0x3FC0] =	sst s2  }
0x8f: {  	_ = 	snop  }
0x90: {  	(tm) =	ssettm $0x1  }
0x91: {  	s17 =	sld [smem:$0x3FFB];
	_ =	sdelay $0x3  }
0x92: {  	_ =	strace s17  }
0x93: {  	s2 =	sld [smem:$0x3FFC];
	_ =	sdelay $0x3  }
0x94: {  	_ =	strace s2  }
0x95: {  	s2 =	sld [smem:$0x3FFD];
	_ =	sdelay $0x3  }
0x96: {  	_ =	strace s2  }
0x97: {  	_ =	strace $0x8FFFFFFF  }
0x98: {  	s18 =	sld [smem:$0x3FDB];
	_ =	sdelay $0x1  }
0x99: {  	s19 =	simm.s32 $_scs_section_size  }
0x9a: {  	s4 =	simm.s32 $_size__tile_overlayer_lowered;
	s5 =	simm.s32 $_tile_overlayer_lowered  }
0x9b: {  	s22 =	simm.s32 $0x1BFF;
	s21 =	sshll.u32 s5, $0x1;
	s2 =	sadd.s32 s19, s18  }
0x9c: {  	s6 =	simm.s32 $0x0;
	s20 =	sshll.u32 s4, $0x1;
	s4 =	sadd.s32 s21, s2  }
0x9d: {  	[timem:s6], [sflag:s22] =	dma.local [hbm:s4], s20  }
0x9e: {  	_ =	swait.ge [sflag:s22], s20  }
0x9f: {  	s3 =	ssub.s32 $0x0, s20;
	[sflag:s22] =	ssyncset.done $0x0  }
0xa0: {  	[sflag:s22] =	ssyncadd.s32 s3;
	_ =	sdelay $0x1  }
0xa1: {  	s23 =	simm.s32 $0x1B8B  }
0xa2: {  	_ =	swait.ge [sflag:s23], $0x1  }
0xa3: {  	[sflag:s23] =	ssyncset.done $0x0  }
0xa4: {  	s25 =	simm.s32 $0x1B8E;
	s24 =	sld [smem:$0x3FFE];
	[sflag:s23] =	ssyncadd.s32 $0xFFFFFFFF  }
0xa5: {  	s26 =	simm.s32 $execute0_lowered;
	[smem:$0x3FD2] =	sst s25  }
0xa6: {  	s4 =	sshll.u32 s26, $0x1;
	_ =	strace $0x8000004C;
	[dreg:$0x1] =	wrdreg $0xFFFFFFFF  }
0xa7: {  	s28 =	simm.s32 $_size_execute0_lowered;
	s2 =	sadd.s32 s2, s4;
	[dreg:$0x0] =	wrdreg $0x0  }
0xa8: {  	s4 =	sshll.u32 s28, $0x1;
	[dreg:$0x2] =	wrdreg s2  }
0xa9: {  	[dreg:$0x3] =	wrdreg s4  }
0xaa: {  	[dreg:$0x4] =	wrdreg $0xC0  }
0xab: {  	_ =	task [dreg:s6], $0x5FFFF  }
0xac: {  	[dreg:$0x1] =	wrdreg $0xFFFFFFFF  }
0xad: {  	[dreg:$0x0] =	wrdreg $0x60  }
0xae: {  	[dreg:$0x2] =	wrdreg s24  }
0xaf: {  	[dreg:$0x3] =	wrdreg $0xB8000  }
0xb0: {  	[dreg:$0x4] =	wrdreg $0x9  }
0xb1: {  	_ =	task.clear_ibuf [dreg:s6], $0x5FFFF;
	_ =	strace $0x9000004C  }
0xb2: {  	s29 =	simm.s32 $0x9;
	_ =	strace $0x8000004E  }
0xb3: {  	_ =	swait.ge [sflag:s29], $0x1  }
0xb4: {  	[sflag:s29] =	ssyncadd.s32 $0xFFFFFFFF  }
0xb5: {  	_ =	strace $0x9000004E  }
0xb6: {  	_ =	sfence  }
0xb7: {  	s30 =	sld [smem:$0x0];
	_ =	sdelay $0x2  }
0xb8: {  	s31 =	sshll.u32 s1, $0xD;
	s1 =	sshrl.u32 s1, $0x2  }
0xb9: {  	s3 =	sand.u32 $0x4000, s31;
	s1 =	sadd.s32 s1, s30  }
0xba: {  	s0 =	sor.u32 s3, s0;
	s1 =	sshll.u32 s1, $0x11  }
0xbb: {  	s0 =	sor.u32 s1, s0  }
0xbc: {  	s0 =	sadd.s32 $0x8F2B, s0  }
0xbd: {  	[sflag:s0] =	ssyncadd.remote.s32 $0x1  }
0xbe: {  	_ =	sfence.sel $0xFFFF  }
0xbf: {  	[dreg:$0x0] =	wrdreg $0xFFFFFFFF;
	(pc) =	sbr.abs _section_cstart, $3  }
0xc0: {  	[dreg:$0x1] =	wrdreg $0xFFFFFFFF  }
0xc1: {  	_ =	task.clear_ibuf [dreg:s6], $0x2FFFF;
	_ =	strace $0x9FFFFFFF  }
0xc2: {  	(tm) =	ssettm $0x7FFFFFFF  }
0xc3: {  	_ =	shalt  }
tec
execute0_lowered:
.L_overlay_start_1:
0x0: {  	(tag) =	ssettag $0x1  }
0x1: {  	s0 =	rddreg [dreg:$0x0];
	s4 =	stileid.u32  }
0x2: {  	s3 =	simm.s32 $0x0;
	s2 =	srdreg.scid;
	s10 =	smul.u32 $0xA000, s4  }
0x3: {  	[smem:$0x7FF] =	sst s3;
	s2 =	sand.u32 $0x1, s2;
	s8 =	smul.u32 $0x4E000, s4  }
0x4: {  	s6 =	sadd.s32 $0x53600, s0;
	s5 =	sadd.s32 $0x2B600, s0;
	s11 =	smul.u32 $0x270, s4  }
0x5: {  	s0 =	sadd.s32 $0xA1800, s0;
	p0 =	seq.s32 s4, $0xF;
	s25 =	smul.u32 $0x2710, s2  }
0x6: {  	s1 =	rddreg [dreg:$0x1];
	_ =	strace $0x8000004D;
	s26 =	smul.u32 $0x138800, s2  }
0x7: {  	s7 =	ssub.s32 $0x2, s2;
	[dreg:$0x3] =	wrdreg s5;
	s2 =	smul.u32 $0x27100, s2  }
0x8: {  	s9 =	sshrl.u32 s7, $0x1;
	[dreg:$0x4] =	wrdreg s10;
	s10 =	sshrl.u32 s10, $0x3  }
0x9: {  	s7 =	ssub.s32 s7, s9;
	s5 =	sadd.s32 s5, s10;
	s3 =	sadd.s32 s11, s25  }
0xa: {  	s9 =	sshrl.u32 s26, $0x3;
	[dreg:$0x5] =	wrdreg s5;
	s5 =	sadd.s32 $0x14000, s5  }
0xb: {  	s3 =	sshll.u32 s3, $0x4;
	s31 =	smax.u32 s7, $0x1;
	[dreg:$0x6] =	wrdreg s5  }
0xc: {  	s9 =	sadd.s32 $0x24900, s9;
	s28 =	sadd.s32 s6, s3;
	[dreg:$0xb] =	wrdreg s31  }
0xd: {  	s8 =	sshrl.u32 s8, $0x2;
	s29 =	sadd.s32 s6, s9;
	[dreg:$0x7] =	wrdreg s28  }
0xe: {  	s8 =	sadd.s32 s8, s1;
	s30 =	sadd.s32 s0, s3;
	[dreg:$0x8] =	wrdreg s29  }
0xf: {  	s11 =	sadd.s32 $0x124800, s1;
	s0 =	sadd.s32 s0, s9;
	[dreg:$0x9] =	wrdreg s30  }
0x10: {  	s10 =	sadd.s32 s6, s2;
	s6 =	sshrl.u32 @!p0 s8, $0x3;
	[dreg:$0xa] =	wrdreg s0  }
0x11: {  	s0 =	sshll.u32 @!p0 s4, $0x6;
	s4 =	sshrl.u32 @p0 s11, $0x3;
	[dreg:$0xe] =	wrdreg s6  }
0x12: {  	s5 =	sor.u32 @!p0 $0x1C08, s0;
	[dreg:$0xc] =	wrdreg s4  }
0x13: {  	s19 =	simm.s32 $0x50;
	s3 =	simm.s32 $0x0;
	[dreg:$0xd] =	wrdreg s5  }
.LBB2_1:
0x14: {  	[dreg:$0xf] =	wrdreg s3  }
0x15: {  	s0 =	simm.s32 $0x0;
	s2 =	rddreg [dreg:$0x5]  }
0x16: {  	[tilespmem:s0], [sflag:$0x7] =	stream.linear.gather [hbm4b:s2+s0], $0xC80, $0x38;
	[tilespmem:$0x1F080] =	vst v63  }
0x17: {  	s26 =	rddreg [dreg:$0x6];
	s31 =	simm.s32 $0x2000  }
0x18: {  	[tilespmem:s31], [sflag:$0x7] =	stream.linear.gather [hbm4b:s26+s0], $0xC80, $0x38;
	[tilespmem:$0x1F080] =	vst v63  }
0x19: {  	s2 =	rddreg [dreg:$0x8];
	s0 =	simm.s32 @p0 $0x1FC8  }
0x1a: {  	[spmem:s4], [sflag:s0] =	dma.local @p0 [hbm:s2], $0x2800  }
0x1b: {  	s0 =	simm.s32 @p0 $0x8  }
0x1c: {  	_ =	swait.ge @p0 [sflag:s0], $0x2800  }
0x1d: {  	[sflag:s0] =	ssyncset.done @p0 $0x0  }
0x1e: {  	[sflag:s0] =	ssyncadd.s32 @p0 $0xFFFFD800;
	s0 =	rddreg [dreg:$0x7]  }
0x1f: {  	[spmem:s6], [sflag:s5] =	dma.local @!p0 [hbm:s0], $0x2700  }
0x20: {  	s0 =	simm.s32 @!p0 $0x8  }
0x21: {  	p1 =	por $0x0, $0x0;
	_ =	swait.ge @!p0 [sflag:s0], $0x2700  }
0x22: {  	s12 =	simm.s32 $0x4000;
	s25 =	simm.s32 $0x2;
	[sflag:s0] =	ssyncset.done @!p0 $0x0  }
0x23: {  	s28 =	simm.s32 $0x0;
	s29 =	simm.s32 $0x0;
	[sflag:s0] =	ssyncadd.s32 @!p0 $0xFFFFD900  }
0x24: {  	s30 =	simm.s32 $0x0;
	s26 =	simm.s32 $0x9000;
	[bflag:$0x0] =	sbarrier.arrive $0xFFFF  }
.LBB2_3:
0x25: {  	p2 =	seq.s32 s30, $0x0  }
0x26: {  	s2 =	simm.s32 @!p2 $0x4  }
0x27: {  	_ =	swait.ge @!p2 [sflag:s2], $0x2800  }
0x28: {  	[sflag:s2] =	ssyncset.done @!p2 $0x0  }
0x29: {  	[sflag:s2] =	ssyncadd.s32 @!p2 $0xFFFFD800;
	s2 =	simm.s32 @!p2 $0x5  }
0x2a: {  	_ =	swait.ge @!p2 [sflag:s2], $0x2800  }
0x2b: {  	[sflag:s2] =	ssyncset.done @!p2 $0x0  }
0x2c: {  	[sflag:s2] =	ssyncadd.s32 @!p2 $0xFFFFD800;
	s2 =	simm.s32 @!p2 $0x6  }
0x2d: {  	_ =	swait.ge @!p2 [sflag:s2], $0x2800  }
0x2e: {  	s0 =	smov.u32 s30;
	s17 =	smulhi.u32 $0xAAAAAAAB, s25;
	[sflag:s2] =	ssyncset.done @!p2 $0x0  }
0x2f: {  	s4 =	simm.s32 $0x7;
	s3 =	smul.u32 $0x19, s0;
	[sflag:s2] =	ssyncadd.s32 @!p2 $0xFFFFD800  }
0x30: {  	s18 =	smulhi.u32 $0xAAAAAAAB, s28;
	_ =	swait.ge [sflag:s4], $0xC80  }
0x31: {  	s7 =	sand.u32 $0xFF, s3;
	s9 =	sadd.s32 $0x1, s3;
	[sflag:s4] =	ssyncset.done $0x0  }
0x32: {  	s7 =	smul.u32 $0xAB, s7;
	s11 =	sand.u32 $0xFF, s9;
	[sflag:s4] =	ssyncadd.s32 $0xFFFFF380  }
0x33: {  	s30 =	sadd.s32 $0x1, s30;
	s11 =	smul.u32 $0xAB, s11;
	_ =	swait.ge [sflag:s4], $0xC80  }
0x34: {  	s7 =	sshrl.u32 s7, $0x9;
	p2 =	seq.s32 s0, $0x9;
	[sflag:s4] =	ssyncset.done $0x0  }
0x35: {  	s2 =	sshll.u32 @!p2 s30, $0xC;
	[sflag:s4] =	ssyncadd.s32 $0xFFFFF380;
	s4 =	rddreg [dreg:$0x4]  }
0x36: {  	s7 =	smul.u32 $0x3, s7;
	s11 =	sshrl.u32 s11, $0x9;
	s6 =	sadd.s32 @!p2 s4, s2  }
0x37: {  	s0 =	sshll.u32 s0, $0xC;
	s4 =	rddreg [dreg:$0x3];
	s6 =	sshrl.u32 @!p2 s6, $0x3  }
0x38: {  	s8 =	simm.s32 @!p2 $0x0;
	s2 =	sand.u32 @!p2 $0x1000, s2;
	s6 =	sadd.s32 @!p2 s4, s6  }
0x39: {  	[tilespmem:s2], [sflag:$0x7] =	stream.linear.gather @!p2 [hbm4b:s6+s8], $0xC80, $0x38;
	[tilespmem:$0x1F080] =	vst v63  }
0x3a: {  	s0 =	sand.u32 $0x1000, s0;
	s2 =	sor.u32 @!p2 $0x2000, s2;
	s6 =	sadd.s32 @!p2 $0x14000, s6  }
0x3b: {  	[tilespmem:s2], [sflag:$0x7] =	stream.linear.gather @!p2 [hbm4b:s6+s8], $0xC80, $0x38;
	[tilespmem:$0x1F080] =	vst v63  }
0x3c: {  	s8 =	ssub.s32 s3, s7;
	s3 =	smul.u32 $0x3, s11;
	s6 =	simm.s32 $0x1  }
0x3d: {  	p2 =	por $0x0, $0x0;
	s2 =	sand.u32 $0xFF, s8;
	s6 =	simm.s32 @!p1 $0x0  }
0x3e: {  	s8 =	sadd.s32 $0x1, s28;
	p3 =	por @!p2 $0x1, $0x1;
	s13 =	smul.u32 $0xA000, s2  }
0x3f: {  	s3 =	ssub.s32 s9, s3;
	s2 =	sadd.s32 $0x1, s2;
	s15 =	sshll.u32 s6, $0xC  }
0x40: {  	p3 =	por p3, p2;
	s3 =	sand.u32 $0xFF, s3;
	s7 =	sshrl.u32 s13, $0x2  }
0x41: {  	s9 =	sshrl.u32 s18, $0x1;
	s14 =	smul.u32 $0xA000, s3;
	s7 =	sadd.s32 $0x4000, s7  }
0x42: {  	[tilespmem:s7], [sflag:s2] =	stream.indirect.gather [hbm4b:s10+s19], $0x80, s0, s19, $0xb8;
	[tilespmem:$0x1F080] =	vst v63  }
0x43: {  	s31 =	sor.u32 $0x2000, s15;
	s22 =	smul.u32 $0xFFFFFFF4, s9;
	s16 =	sshrl.u32 s14, $0x2  }
0x44: {  	s3 =	sadd.s32 $0x1, s3;
	s0 =	sor.u32 $0x80, s0;
	s6 =	sadd.s32 $0x4000, s16  }
0x45: {  	[tilespmem:s6], [sflag:s3] =	stream.indirect.gather [hbm4b:s10+s19], $0x80, s0, s19, $0xb8;
	[tilespmem:$0x1F080] =	vst v63  }
0x46: {  	s11 =	sor.u32 $0x100, s15;
	s21 =	smul.u32 $0xFFFE2000, s9;
	s6 =	sshrl.u32 s17, $0x1  }
0x47: {  	s15 =	sshra.s32 @!p2 s29, $0x2;
	s20 =	sshra.s32 @!p3 s29, $0x2;
	s13 =	smul.u32 $0xFFFFFFF4, s6  }
0x48: {  	s9 =	sadd.s32 $0x80, s31;
	s21 =	sshra.s32 s21, $0x2;
	s14 =	sadd.s32 $0x1, s25  }
0x49: {  	s2 =	sadd.s32 $0x2800, s26;
	s7 =	sadd.s32 $0x2800, s12;
	s13 =	sshra.s32 s13, $0x2  }
0x4a: {  	s0 =	simm.s32 $0x0;
	s6 =	smul.u32 $0xFFFE2000, s6;
	s16 =	sadd.s32 $0x6, s13  }
0x4b: {  	s3 =	simm.s32 $0x4;
	s13 =	sadd.s32 $0x3, s13;
	s16 =	sadd.s32 @!p3 s20, s16  }
0x4c: {  	s13 =	sadd.s32 @!p2 s15, s13;
	s20 =	sshra.s32 s6, $0x2;
	s16 =	sadd.s32 @!p3 $0x0, s16  }
0x4d: {  	s6 =	sadd.s32 $0x80, s11;
	s13 =	sadd.s32 @!p2 $0x0, s13;
	_ =	swait.ge @!p3 [sflag:s16], $0x2800  }
0x4e: {  	s15 =	sadd.s32 s20, s26;
	s20 =	sshra.s32 s22, $0x2;
	[sflag:s16] =	ssyncset.done @!p3 $0x0  }
0x4f: {  	s22 =	simm.s32 $0x0;
	[sflag:s16] =	ssyncadd.s32 @!p3 $0xFFFFD800;
	s16 =	simm.s32 @!p2 $0x50  }
0x50: {  	[tilespmem:s15], [sflag:s13] =	stream.indirect.gather @!p2 [hbm4b:s10+s16], $0x80, s11, s16, $0xb8;
	[tilespmem:$0x1F080] =	vst v63  }
0x51: {  	s23 =	sadd.s32 $0x1, s20;
	s24 =	sadd.s32 $0x4, s20;
	s11 =	sshra.s32 s29, $0x2  }
0x52: {  	s16 =	sadd.s32 s11, s23;
	s15 =	sadd.s32 s11, s24;
	s24 =	smov.u32 s12  }
.LBB2_4:
0x53: {  	s16 =	sadd.s32 s22, s16;
	s0 =	sadd.s32 $0x1, s0;
	s13 =	smov.u32 s3  }
0x54: {  	s3 =	sadd.s32 $0x4, s3;
	s17 =	smov.u32 s2;
	s20 =	smov.u32 s6  }
0x55: {  	p2 =	seq.s32 s3, $0x64;
	_ =	swait.ge [sflag:s16], $0x2800  }
0x56: {  	s21 =	sadd.s32 s21, s24;
	s15 =	sadd.s32 s22, s15;
	[sflag:s16] =	ssyncset.done $0x0  }
0x57: {  	s24 =	smov.u32 s7;
	[sflag:s16] =	ssyncadd.s32 $0xFFFFD800  }
0x58: {  	[spmem:s1] =	stream.indirect.scatter.add.f32 [tilespmem:s21], [sflag:s15], $0x80, s31, s19, $0xb8;
	[tilespmem:$0x1F080] =	vst v63  }
0x59: {  	s15 =	smulhi.u32 $0xAAAAAAAB, s14;
	s31 =	smov.u32 s9  }
0x5a: {  	s2 =	sadd.s32 $0x2800, s2;
	s7 =	sadd.s32 $0x2800, s7;
	s14 =	sadd.s32 $0x1, s14  }
0x5b: {  	s6 =	sadd.s32 $0x80, s6;
	s16 =	smulhi.u32 $0xAAAAAAAB, s8;
	s15 =	sshrl.u32 s15, $0x1  }
0x5c: {  	p3 =	sgt.u32 s0, $0x16;
	s8 =	sadd.s32 $0x1, s8;
	s21 =	smul.u32 $0xFFFFFFF4, s15  }
0x5d: {  	p4 =	seq.s32 @!p3 s13, $0x0;
	s22 =	sshra.s32 @!p3 s13, $0x2;
	s15 =	smul.u32 $0xFFFE2000, s15  }
0x5e: {  	s23 =	sshra.s32 @!p3 s29, $0x2;
	p4 =	por p4, p3;
	s21 =	sshra.s32 s21, $0x2  }
0x5f: {  	s5 =	sshra.s32 @!p4 s13, $0x2;
	s4 =	sadd.s32 $0x6, s21;
	s21 =	sadd.s32 $0x3, s21  }
0x60: {  	s18 =	sshra.s32 @!p4 s29, $0x2;
	s16 =	sshrl.u32 s16, $0x1;
	s21 =	sadd.s32 @!p3 s23, s21  }
0x61: {  	s15 =	sshra.s32 s15, $0x2;
	s4 =	sadd.s32 @!p4 s18, s4;
	s18 =	sadd.s32 @!p3 s22, s21  }
0x62: {  	s9 =	sadd.s32 $0x80, s9;
	s21 =	smul.u32 $0xFFFFFFF4, s16;
	s4 =	sadd.s32 @!p4 s5, s4  }
0x63: {  	s17 =	sadd.s32 s15, s17;
	s5 =	smul.u32 $0xFFFE2000, s16;
	_ =	swait.ge @!p4 [sflag:s4], $0x2800  }
.Ltmp0:
0x64: {  	s23 =	simm.s32 @!p3 $0x50;
	[sflag:s4] =	ssyncset.done @!p4 $0x0;
	(pc) =	sbr.rel @!p2 .LBB2_4-.Ltmp0, $4  }
0x65: {  	s15 =	sshra.s32 s21, $0x2;
	s21 =	sshra.s32 s5, $0x2;
	[sflag:s4] =	ssyncadd.s32 @!p4 $0xFFFFD800  }
0x66: {  	s5 =	sadd.s32 $0x4, s15;
	s4 =	sadd.s32 $0x1, s15  }
0x67: {  	s22 =	sshra.s32 s13, $0x2;
	s15 =	sadd.s32 s11, s5;
	s16 =	sadd.s32 s11, s4  }
0x68: {  	[tilespmem:s17], [sflag:s18] =	stream.indirect.gather @!p3 [hbm4b:s10+s23], $0x80, s20, s23, $0xb8;
	[tilespmem:$0x1F080] =	vst v63  }
0x69: {  	s0 =	sadd.s32 s22, s16  }
0x6a: {  	_ =	swait.ge [sflag:s0], $0x2800  }
0x6b: {  	[sflag:s0] =	ssyncset.done $0x0  }
0x6c: {  	s2 =	sadd.s32 s21, s24;
	s3 =	sadd.s32 s22, s15;
	[sflag:s0] =	ssyncadd.s32 $0xFFFFD800  }
0x6d: {  	[spmem:s1] =	stream.indirect.scatter.add.f32 [tilespmem:s2], [sflag:s3], $0x80, s31, s19, $0xb8;
	[tilespmem:$0x1F080] =	vst v63  }
0x6e: {  	p2 =	seq.s32 s30, $0xA  }
.Ltmp1:
0x6f: {  	_ = 	snop;
	(pc) =	sbr.rel @!p2 .LBB2_3-.Ltmp1, $3  }
0x70: {  	_ =	sdelay $0x1  }
0x71: {  	p1 =	por !p1, !p1;
	s29 =	sadd.s32 $0x64, s29;
	s28 =	sadd.s32 $0x19, s28  }
0x72: {  	s12 =	sadd.s32 $0x3E800, s12;
	s25 =	sadd.s32 $0x19, s25;
	s26 =	sadd.s32 $0x3E800, s26  }
0x73: {  	s0 =	simm.s32 $0x4  }
0x74: {  	_ =	swait.ge [sflag:s0], $0x2800  }
0x75: {  	[sflag:s0] =	ssyncset.done $0x0  }
0x76: {  	s29 =	simm.s32 $0x5;
	[sflag:s0] =	ssyncadd.s32 $0xFFFFD800  }
0x77: {  	_ =	swait.ge [sflag:s29], $0x2800  }
0x78: {  	[sflag:s29] =	ssyncset.done $0x0  }
0x79: {  	s30 =	simm.s32 $0x6;
	[sflag:s29] =	ssyncadd.s32 $0xFFFFD800  }
0x7a: {  	_ =	swait.ge [sflag:s30], $0x2800  }
0x7b: {  	[sflag:s30] =	ssyncset.done $0x0  }
0x7c: {  	[sflag:s30] =	ssyncadd.s32 $0xFFFFD800  }
0x7d: {  	[bflag:$0x0] =	sbarrier.arrive $0xFFFF  }
0x7e: {  	s2 =	rddreg [dreg:$0xa]  }
0x7f: {  	s0 =	simm.s32 @p0 $0x1FC8;
	s4 =	rddreg [dreg:$0xc]  }
0x80: {  	[hbm:s2], [sflag:s0] =	dma.local @p0 [spmem:s4], $0x2800  }
0x81: {  	s0 =	simm.s32 @p0 $0x8  }
0x82: {  	_ =	swait.ge @p0 [sflag:s0], $0x2800  }
0x83: {  	s5 =	rddreg [dreg:$0xd]  }
0x84: {  	[sflag:s0] =	ssyncset.done @p0 $0x0;
	s6 =	rddreg [dreg:$0xe]  }
0x85: {  	[sflag:s0] =	ssyncadd.s32 @p0 $0xFFFFD800;
	s0 =	rddreg [dreg:$0x9]  }
0x86: {  	[hbm:s0], [sflag:s5] =	dma.local @!p0 [spmem:s6], $0x2700  }
0x87: {  	s0 =	simm.s32 @!p0 $0x8  }
0x88: {  	_ =	swait.ge @!p0 [sflag:s0], $0x2700  }
0x89: {  	s3 =	rddreg [dreg:$0xf]  }
0x8a: {  	s31 =	rddreg [dreg:$0xb];
	s3 =	sadd.s32 $0x1, s3  }
0x8b: {  	p1 =	sne.s32 s3, s31  }
.Ltmp2:
0x8c: {  	_ = 	snop;
	(pc) =	sbr.rel @p1 .LBB2_1-.Ltmp2, $3  }
0x8d: {  	_ =	sdelay $0x1  }
0x8e: {  	[sflag:s0] =	ssyncset.done @!p0 $0x0  }
0x8f: {  	[sflag:s0] =	ssyncadd.s32 @!p0 $0xFFFFD900  }
0x90: {  	_ =	sfence.sel $0x180000  }
0x91: {  	[bflag:$0x0] =	sbarrier.arrive $0xFFFF  }
0x92: {  	_ =	strace $0x9000004D  }
0x93: {  	s0 =	stileid.u32;
	[bflag:$0x2] =	sbarrier.arrive $0xFFFF  }
0x94: {  	p0 =	sne.s32 s0, $0x0;
	s0 =	rddreg [dreg:$0x2]  }
0x95: {  	s0 =	sadd.s32 @!p0 $0x100000, s0  }
0x96: {  	[sflag:s0] =	ssyncadd.tile.s32 @!p0 $0x1;
	_ =	shalt  }
.Lfunc_end2:
_tile_overlayer_lowered:
.L_overlay_start_2:
0x97: {  	(tag) =	ssettag $0x2  }
0x98: {  	s0 =	rddreg [dreg:$0x0];
	s2 =	stileid.u32  }
0x99: {  	s1 =	rddreg [dreg:$0x1];
	p0 =	sne.s32 s2, $0x0  }
0x9a: {  	s3 =	rddreg [dreg:$0x2];
	[bflag:$0x3] =	sbarrier.arrive $0xFFFF;
	s2 =	simm.s32 @!p0 $0x1C08  }
0x9b: {  	[timem:s3], [sflag:s2] =	dma.local @!p0 [hbm:s0], s1  }
0x9c: {  	s0 =	simm.s32 @!p0 $0x8  }
0x9d: {  	_ =	swait.ge @!p0 [sflag:s0], s1  }
0x9e: {  	s1 =	ssub.s32 @!p0 $0x0, s1;
	[sflag:s0] =	ssyncset.done @!p0 $0x0  }
0x9f: {  	[sflag:s0] =	ssyncadd.s32 @!p0 s1  }
0xa0: {  	[bflag:$0x3] =	sbarrier.arrive $0xFFFF  }
0xa1: {  	_ =	shalt  }

// kernel: kernel.19.cloned.1.call-start
scs
__scs_entry_jumppad:
0x0: {  	(pc) =	sbr.rel $0x88, $3  }
0x1: {  	(tag) =	ssettag $0x0;
	lr =	simm.s32 $0x1  }
0x2: {  	[smem:$0x3F99] =	sst lr;
	_ =	strace $0xD0000000  }
0x3: {  	_ = 	snop  }
0x4: {  	_ = 	snop  }
0x5: {  	_ = 	snop  }
0x6: {  	_ = 	snop  }
0x7: {  	_ = 	snop  }
__scs_overlays_trampoline_lowered:
0x8: {  	[smem:$0x3FA8] =	sst s0  }
0x9: {  	[smem:$0x3FA9] =	sst s1  }
0xa: {  	[smem:$0x3FAA] =	sst s2  }
0xb: {  	[smem:$0x3FAB] =	sst s3  }
0xc: {  	[smem:$0x3FAC] =	sst s4  }
0xd: {  	[smem:$0x3FAD] =	sst s5  }
0xe: {  	[smem:$0x3FAE] =	sst s6  }
0xf: {  	[smem:$0x3FAF] =	sst s7  }
0x10: {  	[smem:$0x3FB0] =	sst s8  }
0x11: {  	[smem:$0x3FB1] =	sst s9;
	s0 =	simm.s32 @!p0 $0x0  }
0x12: {  	s1 =	sld [smem:$0x3F97];
	s0 =	simm.s32 @p0 $0x1  }
0x13: {  	[smem:$0x3FB2] =	sst s0;
	s0 =	simm.s32 @!p1 $0x0  }
0x14: {  	s2 =	sld [smem:$0x3F96];
	s0 =	simm.s32 @p1 $0x1  }
0x15: {  	[smem:$0x3FB3] =	sst s0;
	s0 =	simm.s32 @!p2 $0x0  }
0x16: {  	s3 =	sld [smem:$0x3FDB];
	s0 =	simm.s32 @p2 $0x1  }
0x17: {  	s4 =	simm.s32 $0x1BF5;
	[smem:$0x3FB5] =	sst s0  }
0x18: {  	s0 =	sld [smem:$0x3F98];
	_ =	swait.ge [sflag:s4], $0x0  }
0x19: {  	s7 =	sld [smem:$0x3F99]  }
0x1a: {  	s8 =	sadd.s32 $0xFFFFE003, lr  }
0x1b: {  	s9 =	sadd.s32 $0xFFFFFEF7, lr;
	s5 =	simm.s32 $0xFFFFFFFF;
	p2 =	slt.u32 s8, $0xFFFFF086  }
0x1c: {  	p1 =	slt.u32 s9, $0xF7A;
	s5 =	simm.s32 @!p2 $0x0  }
0x1d: {  	s5 =	simm.s32 @p1 $0x1;
	p0 =	seq.s32 s7, s2  }
0x1e: {  	s7 =	smul.u32 @!p0 $0xF7A, s2;
	p2 =	seq.s32 @!p0 s5, $0x0  }
0x1f: {  	s9 =	smul.u32 $0xF7A, s1;
	s8 =	simm.s32 @!p0 $0x1BF5;
	p2 =	por !p2, p0  }
0x20: {  	[sflag:s8] =	ssyncset.s32 @!p0 $0xFFFFF086;
	s6 =	sadd.s32 @!p0 s3, s7;
	s7 =	simm.s32 @!p0 $0x108  }
0x21: {  	s3 =	sadd.s32 s3, s9;
	s6 =	sadd.s32 @!p0 $0x88, s6;
	s7 =	simm.s32 @p2 $0x1082  }
0x22: {  	[simem:s7], [sflag:s8] =	dma.local @!p0 [hbm:s6], $0xF7A  }
0x23: {  	s9 =	sor.u32 $0xD0000000, s2;
	s6 =	simm.s32 $0x108;
	_ =	swait.ge @!p0 [sflag:s8], $0x0  }
0x24: {  	s3 =	sadd.s32 $0x88, s3;
	s6 =	simm.s32 @!p1 $0x1082;
	[sflag:s4] =	ssyncset.s32 $0xFFFFF086  }
0x25: {  	[simem:s6], [sflag:s4] =	dma.local [hbm:s3], $0xF7A  }
0x26: {  	[smem:$0x3F99] =	sst s1;
	(tag) =	ssettag s2;
	_ =	strace s9  }
0x27: {  	s1 =	sld [smem:$0x3FA9]  }
0x28: {  	s2 =	sld [smem:$0x3FAA]  }
0x29: {  	s4 =	sld [smem:$0x3FAC]  }
0x2a: {  	p0 =	seq.s32 s5, $0x0;
	s5 =	sld [smem:$0x3FAD]  }
0x2b: {  	s6 =	sld [smem:$0x3FAE]  }
0x2c: {  	s7 =	sld [smem:$0x3FAF]  }
0x2d: {  	s3 =	simm.s32 $0x108;
	s8 =	sld [smem:$0x3FB0]  }
0x2e: {  	s3 =	simm.s32 @!p0 $0x1082;
	s9 =	sld [smem:$0x3FB1]  }
0x2f: {  	lr =	sadd.s32 s0, s3;
	s0 =	sld [smem:$0x3FA8]  }
0x30: {  	s3 =	sld [smem:$0x3FAB]  }
0x31: {  	[smem:$0x3FB4] =	sst s10  }
0x32: {  	s10 =	sld [smem:$0x3FB2];
	_ =	sdelay $0x3  }
0x33: {  	p0 =	seq.s32 s10, $0x1;
	s10 =	sld [smem:$0x3FB4];
	_ =	sdelay $0x3  }
0x34: {  	[smem:$0x3FB4] =	sst s10  }
0x35: {  	s10 =	sld [smem:$0x3FB3];
	_ =	sdelay $0x3  }
0x36: {  	p1 =	seq.s32 s10, $0x1;
	s10 =	sld [smem:$0x3FB4];
	_ =	sdelay $0x3  }
0x37: {  	[smem:$0x3FB4] =	sst s10  }
0x38: {  	s10 =	sld [smem:$0x3FB5]  }
0x39: {  	_ = 	snop;
	(pc) =	sbr.ind lr, $3  }
0x3a: {  	_ = 	snop  }
0x3b: {  	_ = 	snop  }
0x3c: {  	p2 =	seq.s32 s10, $0x1;
	s10 =	sld [smem:$0x3FB4]  }
0x3d: {  	_ =	shalt  }
0x3e: {  	_ =	shalt  }
0x3f: {  	_ =	shalt  }
0x40: {  	_ =	shalt  }
0x41: {  	_ =	shalt  }
0x42: {  	_ =	shalt  }
0x43: {  	_ =	shalt  }
0x44: {  	_ =	shalt  }
0x45: {  	_ =	shalt  }
0x46: {  	_ =	shalt  }
0x47: {  	_ =	shalt  }
0x48: {  	_ =	shalt  }
0x49: {  	_ =	shalt  }
0x4a: {  	_ =	shalt  }
0x4b: {  	_ =	shalt  }
0x4c: {  	_ =	shalt  }
0x4d: {  	_ =	shalt  }
0x4e: {  	_ =	shalt  }
0x4f: {  	_ =	shalt  }
0x50: {  	_ =	shalt  }
0x51: {  	_ =	shalt  }
0x52: {  	_ =	shalt  }
0x53: {  	_ =	shalt  }
0x54: {  	_ =	shalt  }
0x55: {  	_ =	shalt  }
0x56: {  	_ =	shalt  }
0x57: {  	_ =	shalt  }
0x58: {  	_ =	shalt  }
0x59: {  	_ =	shalt  }
0x5a: {  	_ =	shalt  }
0x5b: {  	_ =	shalt  }
0x5c: {  	_ =	shalt  }
0x5d: {  	_ =	shalt  }
0x5e: {  	_ =	shalt  }
0x5f: {  	_ =	shalt  }
0x60: {  	_ =	shalt  }
0x61: {  	_ =	shalt  }
0x62: {  	_ =	shalt  }
0x63: {  	_ =	shalt  }
0x64: {  	_ =	shalt  }
0x65: {  	_ =	shalt  }
0x66: {  	_ =	shalt  }
0x67: {  	_ =	shalt  }
0x68: {  	_ =	shalt  }
0x69: {  	_ =	shalt  }
0x6a: {  	_ =	shalt  }
0x6b: {  	_ =	shalt  }
0x6c: {  	_ =	shalt  }
0x6d: {  	_ =	shalt  }
0x6e: {  	_ =	shalt  }
0x6f: {  	_ =	shalt  }
0x70: {  	_ =	shalt  }
0x71: {  	_ =	shalt  }
0x72: {  	_ =	shalt  }
0x73: {  	_ =	shalt  }
0x74: {  	_ =	shalt  }
0x75: {  	_ =	shalt  }
0x76: {  	_ =	shalt  }
0x77: {  	_ =	shalt  }
0x78: {  	_ =	shalt  }
0x79: {  	_ =	shalt  }
0x7a: {  	_ =	shalt  }
0x7b: {  	_ =	shalt  }
0x7c: {  	_ =	shalt  }
0x7d: {  	_ =	shalt  }
0x7e: {  	_ =	shalt  }
0x7f: {  	_ =	shalt  }
0x80: {  	_ =	shalt  }
0x81: {  	_ =	shalt  }
0x82: {  	_ =	shalt  }
0x83: {  	_ =	shalt  }
0x84: {  	_ =	shalt  }
0x85: {  	_ =	shalt  }
0x86: {  	_ =	shalt  }
0x87: {  	_ =	shalt  }
.Lfunc_end0:
.L_simem_size_0:
called_computation.3_lowered:
.L_overlay_start_0:
0x88: {  	s2 =	sld [smem:$0x3FD9]  }
0x89: {  	s3 =	sld [smem:$0x3FFE];
	_ =	sdelay $0x1  }
0x8a: {  	s1 =	srdreg.scid  }
0x8b: {  	s0 =	sand.u32 $0x1, s1  }
0x8c: {  	s16 =	sshll.u32 s0, $0xA;
	s2 =	sadd.s32 s3, s2  }
0x8d: {  	s2 =	sadd.s32 s2, s16  }
0x8e: {  	[smem:$0x3FC0] =	sst s2  }
0x8f: {  	_ = 	snop  }
0x90: {  	(tm) =	ssettm $0x1  }
0x91: {  	s17 =	sld [smem:$0x3FFB];
	_ =	sdelay $0x3  }
0x92: {  	_ =	strace s17  }
0x93: {  	s2 =	sld [smem:$0x3FFC];
	_ =	sdelay $0x3  }
0x94: {  	_ =	strace s2  }
0x95: {  	s2 =	sld [smem:$0x3FFD];
	_ =	sdelay $0x3  }
0x96: {  	_ =	strace s2  }
0x97: {  	_ =	strace $0x8FFFFFFF  }
0x98: {  	s18 =	sld [smem:$0x3FDB];
	_ =	sdelay $0x1  }
0x99: {  	s19 =	simm.s32 $_scs_section_size  }
0x9a: {  	s4 =	simm.s32 $_size__tile_overlayer_lowered;
	s5 =	simm.s32 $_tile_overlayer_lowered  }
0x9b: {  	s22 =	simm.s32 $0x1BFF;
	s21 =	sshll.u32 s5, $0x1;
	s2 =	sadd.s32 s19, s18  }
0x9c: {  	s6 =	simm.s32 $0x0;
	s20 =	sshll.u32 s4, $0x1;
	s4 =	sadd.s32 s21, s2  }
0x9d: {  	[timem:s6], [sflag:s22] =	dma.local [hbm:s4], s20  }
0x9e: {  	_ =	swait.ge [sflag:s22], s20  }
0x9f: {  	s3 =	ssub.s32 $0x0, s20;
	[sflag:s22] =	ssyncset.done $0x0  }
0xa0: {  	[sflag:s22] =	ssyncadd.s32 s3;
	_ =	sdelay $0x1  }
0xa1: {  	s23 =	simm.s32 $0x1B8B  }
0xa2: {  	_ =	swait.ge [sflag:s23], $0x1  }
0xa3: {  	[sflag:s23] =	ssyncset.done $0x0  }
0xa4: {  	s25 =	simm.s32 $0x1B8E;
	s24 =	sld [smem:$0x3FFE];
	[sflag:s23] =	ssyncadd.s32 $0xFFFFFFFF  }
0xa5: {  	s26 =	simm.s32 $execute0_lowered;
	[smem:$0x3FD2] =	sst s25  }
0xa6: {  	s4 =	sshll.u32 s26, $0x1;
	_ =	strace $0x8000004F;
	[dreg:$0x1] =	wrdreg $0xFFFFFFFF  }
0xa7: {  	s28 =	simm.s32 $_size_execute0_lowered;
	s2 =	sadd.s32 s2, s4;
	[dreg:$0x0] =	wrdreg $0x0  }
0xa8: {  	s4 =	sshll.u32 s28, $0x1;
	[dreg:$0x2] =	wrdreg s2  }
0xa9: {  	[dreg:$0x3] =	wrdreg s4  }
0xaa: {  	[dreg:$0x4] =	wrdreg $0xC0  }
0xab: {  	_ =	task [dreg:s6], $0x5FFFF  }
0xac: {  	[dreg:$0x1] =	wrdreg $0xFFFFFFFF  }
0xad: {  	[dreg:$0x0] =	wrdreg $0x60  }
0xae: {  	[dreg:$0x2] =	wrdreg s24  }
0xaf: {  	[dreg:$0x3] =	wrdreg $0xB8000  }
0xb0: {  	[dreg:$0x4] =	wrdreg $0x9  }
0xb1: {  	_ =	task.clear_ibuf [dreg:s6], $0x5FFFF;
	_ =	strace $0x9000004F  }
0xb2: {  	s29 =	simm.s32 $0x9;
	_ =	strace $0x80000051  }
0xb3: {  	_ =	swait.ge [sflag:s29], $0x1  }
0xb4: {  	[sflag:s29] =	ssyncadd.s32 $0xFFFFFFFF  }
0xb5: {  	_ =	strace $0x90000051  }
0xb6: {  	_ =	sfence  }
0xb7: {  	s30 =	sld [smem:$0x0];
	_ =	sdelay $0x2  }
0xb8: {  	s31 =	sshll.u32 s1, $0xD;
	s1 =	sshrl.u32 s1, $0x2  }
0xb9: {  	s3 =	sand.u32 $0x4000, s31;
	s1 =	sadd.s32 s1, s30  }
0xba: {  	s0 =	sor.u32 s3, s0;
	s1 =	sshll.u32 s1, $0x11  }
0xbb: {  	s0 =	sor.u32 s1, s0  }
0xbc: {  	s0 =	sadd.s32 $0x8F2B, s0  }
0xbd: {  	[sflag:s0] =	ssyncadd.remote.s32 $0x1  }
0xbe: {  	_ =	sfence.sel $0xFFFF  }
0xbf: {  	[dreg:$0x0] =	wrdreg $0xFFFFFFFF;
	(pc) =	sbr.abs _section_cstart, $3  }
0xc0: {  	[dreg:$0x1] =	wrdreg $0xFFFFFFFF  }
0xc1: {  	_ =	task.clear_ibuf [dreg:s6], $0x2FFFF;
	_ =	strace $0x9FFFFFFF  }
0xc2: {  	(tm) =	ssettm $0x7FFFFFFF  }
0xc3: {  	_ =	shalt  }
tec
execute0_lowered:
.L_overlay_start_1:
0x0: {  	(tag) =	ssettag $0x1  }
0x1: {  	s0 =	rddreg [dreg:$0x0]  }
0x2: {  	s1 =	rddreg [dreg:$0x1]  }
0x3: {  	s2 =	srdreg.scid;
	s5 =	simm.s32 $0x0;
	s4 =	stileid.u32  }
0x4: {  	s2 =	sand.u32 $0x1, s2;
	[smem:$0x7FF] =	sst s5;
	s25 =	smul.u32 $0x4E000, s4  }
0x5: {  	s5 =	sadd.s32 $0x2B000, s0;
	s11 =	sadd.s32 $0x3000, s0;
	s26 =	smul.u32 $0x2700, s4  }
0x6: {  	s0 =	sadd.s32 $0x79200, s0;
	s3 =	sshll.u32 s2, $0x4;
	s8 =	smul.u32 $0x27100, s2  }
0x7: {  	s7 =	ssub.s32 $0x2, s2;
	s2 =	smul.u32 $0x138800, s2;
	s3 =	sor.u32 s4, s3  }
0x8: {  	p0 =	seq.s32 s4, $0xF;
	_ =	strace $0x80000050;
	s6 =	smul.u32 $0x5000, s3  }
0x9: {  	[dreg:$0x4] =	wrdreg s11;
	s9 =	sshrl.u32 s7, $0x1;
	s8 =	sadd.s32 s26, s8  }
0xa: {  	s7 =	ssub.s32 s7, s9;
	s28 =	sadd.s32 s5, s8;
	[dreg:$0x3] =	wrdreg s6  }
0xb: {  	s2 =	sshrl.u32 s2, $0x3;
	s30 =	sadd.s32 s0, s8;
	[dreg:$0x7] =	wrdreg s28  }
0xc: {  	s2 =	sadd.s32 $0x24900, s2;
	s31 =	smax.u32 s7, $0x1;
	[dreg:$0x9] =	wrdreg s30  }
0xd: {  	s3 =	sshrl.u32 s25, $0x2;
	s29 =	sadd.s32 s5, s2;
	[dreg:$0xb] =	wrdreg s31  }
0xe: {  	s3 =	sadd.s32 s3, s1;
	s0 =	sadd.s32 s0, s2;
	[dreg:$0x8] =	wrdreg s29  }
0xf: {  	s10 =	sshrl.u32 s6, $0x3;
	s7 =	sshrl.u32 @!p0 s3, $0x3;
	[dreg:$0xa] =	wrdreg s0  }
0x10: {  	s9 =	sadd.s32 $0x124800, s1;
	s6 =	sadd.s32 s11, s10;
	[dreg:$0xe] =	wrdreg s7  }
0x11: {  	s0 =	sshll.u32 @!p0 s4, $0x6;
	s4 =	sshrl.u32 @p0 s9, $0x3;
	[dreg:$0x5] =	wrdreg s6  }
0x12: {  	s6 =	sadd.s32 $0x14000, s6;
	[dreg:$0xc] =	wrdreg s4  }
0x13: {  	[dreg:$0x6] =	wrdreg s6;
	s6 =	sor.u32 @!p0 $0x1C08, s0  }
0x14: {  	s19 =	simm.s32 $0x50;
	s3 =	simm.s32 $0x0;
	[dreg:$0xd] =	wrdreg s6  }
.LBB2_1:
0x15: {  	[dreg:$0xf] =	wrdreg s3  }
0x16: {  	s0 =	simm.s32 $0x0;
	s2 =	rddreg [dreg:$0x5]  }
0x17: {  	[tilespmem:s0], [sflag:$0x7] =	stream.linear.gather [hbm4b:s2+s0], $0xC80, $0x38;
	[tilespmem:$0x1F080] =	vst v63  }
0x18: {  	s26 =	rddreg [dreg:$0x6];
	s31 =	simm.s32 $0x2000  }
0x19: {  	[tilespmem:s31], [sflag:$0x7] =	stream.linear.gather [hbm4b:s26+s0], $0xC80, $0x38;
	[tilespmem:$0x1F080] =	vst v63  }
0x1a: {  	s2 =	rddreg [dreg:$0x8];
	s0 =	simm.s32 @p0 $0x1FC8  }
0x1b: {  	[spmem:s4], [sflag:s0] =	dma.local @p0 [hbm:s2], $0x2800  }
0x1c: {  	s0 =	simm.s32 @p0 $0x8  }
0x1d: {  	_ =	swait.ge @p0 [sflag:s0], $0x2800  }
0x1e: {  	[sflag:s0] =	ssyncset.done @p0 $0x0  }
0x1f: {  	[sflag:s0] =	ssyncadd.s32 @p0 $0xFFFFD800;
	s0 =	rddreg [dreg:$0x7]  }
0x20: {  	[spmem:s7], [sflag:s6] =	dma.local @!p0 [hbm:s0], $0x2700  }
0x21: {  	s0 =	simm.s32 @!p0 $0x8  }
0x22: {  	p1 =	por $0x0, $0x0;
	_ =	swait.ge @!p0 [sflag:s0], $0x2700  }
0x23: {  	s12 =	simm.s32 $0x4000;
	s25 =	simm.s32 $0x2;
	[sflag:s0] =	ssyncset.done @!p0 $0x0  }
0x24: {  	s28 =	simm.s32 $0x0;
	s29 =	simm.s32 $0x0;
	[sflag:s0] =	ssyncadd.s32 @!p0 $0xFFFFD900  }
0x25: {  	s30 =	simm.s32 $0x0;
	s26 =	simm.s32 $0x9000;
	[bflag:$0x0] =	sbarrier.arrive $0xFFFF  }
.LBB2_3:
0x26: {  	s0 =	smov.u32 s30  }
0x27: {  	p2 =	seq.s32 s30, $0x0;
	s4 =	simm.s32 $0x7;
	s8 =	smul.u32 $0x10B3, s0  }
0x28: {  	s30 =	sadd.s32 $0x1, s30;
	s2 =	simm.s32 @!p2 $0x4;
	s9 =	smul.u32 $0x19, s0  }
0x29: {  	s14 =	sadd.s32 $0x1, s25;
	s6 =	smulhi.u32 $0xAAAAAAAB, s28;
	_ =	swait.ge @!p2 [sflag:s2], $0x2800  }
0x2a: {  	[sflag:s2] =	ssyncset.done @!p2 $0x0;
	s8 =	sshrl.u32 s8, $0x9;
	s10 =	sadd.s32 $0x1, s9  }
0x2b: {  	[sflag:s2] =	ssyncadd.s32 @!p2 $0xFFFFD800;
	s2 =	simm.s32 @!p2 $0x5;
	s8 =	sand.u32 $0x7F, s8  }
0x2c: {  	s11 =	sand.u32 $0xFF, s10;
	_ =	swait.ge @!p2 [sflag:s2], $0x2800;
	s8 =	smul.u32 $0x3, s8  }
0x2d: {  	s17 =	smul.u32 $0xAB, s11;
	s11 =	simm.s32 $0x1;
	[sflag:s2] =	ssyncset.done @!p2 $0x0  }
0x2e: {  	s11 =	simm.s32 @!p1 $0x0;
	[sflag:s2] =	ssyncadd.s32 @!p2 $0xFFFFD800;
	s2 =	simm.s32 @!p2 $0x6  }
0x2f: {  	s8 =	ssub.s32 s9, s8;
	s9 =	sshrl.u32 s17, $0x9;
	_ =	swait.ge @!p2 [sflag:s2], $0x2800  }
0x30: {  	s23 =	sshll.u32 s11, $0xC;
	s8 =	sand.u32 $0xFF, s8;
	[sflag:s2] =	ssyncset.done @!p2 $0x0  }
0x31: {  	s9 =	smul.u32 $0x3, s9;
	s31 =	sor.u32 $0x2000, s23;
	[sflag:s2] =	ssyncadd.s32 @!p2 $0xFFFFD800  }
0x32: {  	s11 =	sor.u32 $0x100, s23;
	s13 =	smul.u32 $0xA000, s8;
	_ =	swait.ge [sflag:s4], $0xC80  }
0x33: {  	s21 =	sadd.s32 $0x1, s8;
	s8 =	sadd.s32 $0x2800, s12;
	[sflag:s4] =	ssyncset.done $0x0  }
0x34: {  	p2 =	seq.s32 s0, $0x4;
	s20 =	ssub.s32 s10, s9;
	[sflag:s4] =	ssyncadd.s32 $0xFFFFF380  }
0x35: {  	s0 =	sshll.u32 s0, $0xC;
	s9 =	sadd.s32 $0x1, s28;
	_ =	swait.ge [sflag:s4], $0xC80  }
0x36: {  	s2 =	sshll.u32 @!p2 s30, $0xC;
	s7 =	simm.s32 @!p2 $0x0;
	s3 =	rddreg [dreg:$0x3]  }
0x37: {  	s18 =	sshrl.u32 s13, $0x2;
	[sflag:s4] =	ssyncset.done $0x0;
	s3 =	sadd.s32 @!p2 s3, s2  }
0x38: {  	[sflag:s4] =	ssyncadd.s32 $0xFFFFF380;
	s4 =	rddreg [dreg:$0x4];
	s3 =	sshrl.u32 @!p2 s3, $0x3  }
0x39: {  	s2 =	sand.u32 @!p2 $0x1000, s2;
	s3 =	sadd.s32 @!p2 s4, s3;
	s4 =	smulhi.u32 $0xAAAAAAAB, s25  }
0x3a: {  	[tilespmem:s2], [sflag:$0x7] =	stream.linear.gather @!p2 [hbm4b:s3+s7], $0xC80, $0x38;
	[tilespmem:$0x1F080] =	vst v63  }
0x3b: {  	s2 =	sor.u32 @!p2 $0x2000, s2;
	s3 =	sadd.s32 @!p2 $0x14000, s3;
	s17 =	sshrl.u32 s4, $0x1  }
0x3c: {  	[tilespmem:s2], [sflag:$0x7] =	stream.linear.gather @!p2 [hbm4b:s3+s7], $0xC80, $0x38;
	[tilespmem:$0x1F080] =	vst v63  }
0x3d: {  	s0 =	sand.u32 $0x1000, s0;
	s2 =	sadd.s32 $0x4000, s18;
	s18 =	smul.u32 $0xFFFFFFF4, s17  }
0x3e: {  	s3 =	sand.u32 $0xFF, s20;
	p2 =	por $0x0, $0x0;
	s10 =	smul.u32 $0xFFFE2000, s17  }
0x3f: {  	s22 =	smul.u32 $0xA000, s3;
	s3 =	sadd.s32 $0x1, s3;
	p3 =	por @!p2 $0x1, $0x1  }
0x40: {  	[tilespmem:s2], [sflag:s21] =	stream.indirect.gather [hbm4b:s5+s19], $0x80, s0, s19, $0xb8;
	[tilespmem:$0x1F080] =	vst v63  }
0x41: {  	s15 =	sshra.s32 @!p2 s29, $0x2;
	s0 =	sor.u32 $0x80, s0;
	s2 =	simm.s32 $0x4  }
0x42: {  	s13 =	sshra.s32 s18, $0x2;
	p3 =	por p3, p2;
	s21 =	sshrl.u32 s6, $0x1  }
0x43: {  	s24 =	sshrl.u32 s22, $0x2;
	s16 =	sadd.s32 $0x6, s13;
	s20 =	sshra.s32 @!p3 s29, $0x2  }
0x44: {  	s13 =	sadd.s32 $0x3, s13;
	s22 =	smul.u32 $0xFFFFFFF4, s21;
	s7 =	sadd.s32 $0x4000, s24  }
0x45: {  	[tilespmem:s7], [sflag:s3] =	stream.indirect.gather [hbm4b:s5+s19], $0x80, s0, s19, $0xb8;
	[tilespmem:$0x1F080] =	vst v63  }
0x46: {  	s21 =	smul.u32 $0xFFFE2000, s21;
	s13 =	sadd.s32 @!p2 s15, s13;
	s0 =	simm.s32 $0x0  }
0x47: {  	s3 =	sadd.s32 $0x2800, s26;
	s7 =	sadd.s32 @!p3 s20, s16;
	s20 =	sshra.s32 s10, $0x2  }
0x48: {  	s13 =	sadd.s32 @!p2 $0x0, s13;
	s10 =	sadd.s32 $0x80, s31;
	s16 =	sadd.s32 @!p3 $0x0, s7  }
0x49: {  	s21 =	sshra.s32 s21, $0x2;
	s7 =	sadd.s32 $0x80, s11;
	_ =	swait.ge @!p3 [sflag:s16], $0x2800  }
0x4a: {  	s15 =	sadd.s32 s20, s26;
	s20 =	sshra.s32 s22, $0x2;
	[sflag:s16] =	ssyncset.done @!p3 $0x0  }
0x4b: {  	s22 =	simm.s32 $0x0;
	[sflag:s16] =	ssyncadd.s32 @!p3 $0xFFFFD800;
	s16 =	simm.s32 @!p2 $0x50  }
0x4c: {  	[tilespmem:s15], [sflag:s13] =	stream.indirect.gather @!p2 [hbm4b:s5+s16], $0x80, s11, s16, $0xb8;
	[tilespmem:$0x1F080] =	vst v63  }
0x4d: {  	s23 =	sadd.s32 $0x1, s20;
	s24 =	sadd.s32 $0x4, s20;
	s11 =	sshra.s32 s29, $0x2  }
0x4e: {  	s16 =	sadd.s32 s11, s23;
	s15 =	sadd.s32 s11, s24;
	s24 =	smov.u32 s12  }
.LBB2_4:
0x4f: {  	s16 =	sadd.s32 s22, s16;
	s0 =	sadd.s32 $0x1, s0;
	s13 =	smov.u32 s2  }
0x50: {  	s2 =	sadd.s32 $0x4, s2;
	s17 =	smov.u32 s3;
	s20 =	smov.u32 s7  }
0x51: {  	p2 =	seq.s32 s2, $0x64;
	_ =	swait.ge [sflag:s16], $0x2800  }
0x52: {  	s21 =	sadd.s32 s21, s24;
	s15 =	sadd.s32 s22, s15;
	[sflag:s16] =	ssyncset.done $0x0  }
0x53: {  	s24 =	smov.u32 s8;
	[sflag:s16] =	ssyncadd.s32 $0xFFFFD800  }
0x54: {  	[spmem:s1] =	stream.indirect.scatter.add.f32 [tilespmem:s21], [sflag:s15], $0x80, s31, s19, $0xb8;
	[tilespmem:$0x1F080] =	vst v63  }
0x55: {  	s15 =	smulhi.u32 $0xAAAAAAAB, s14;
	s31 =	smov.u32 s10  }
0x56: {  	s3 =	sadd.s32 $0x2800, s3;
	s8 =	sadd.s32 $0x2800, s8;
	s14 =	sadd.s32 $0x1, s14  }
0x57: {  	s7 =	sadd.s32 $0x80, s7;
	s16 =	smulhi.u32 $0xAAAAAAAB, s9;
	s15 =	sshrl.u32 s15, $0x1  }
0x58: {  	p3 =	sgt.u32 s0, $0x16;
	s9 =	sadd.s32 $0x1, s9;
	s21 =	smul.u32 $0xFFFFFFF4, s15  }
0x59: {  	p4 =	seq.s32 @!p3 s13, $0x0;
	s22 =	sshra.s32 @!p3 s13, $0x2;
	s15 =	smul.u32 $0xFFFE2000, s15  }
0x5a: {  	s23 =	sshra.s32 @!p3 s29, $0x2;
	p4 =	por p4, p3;
	s21 =	sshra.s32 s21, $0x2  }
0x5b: {  	s6 =	sshra.s32 @!p4 s13, $0x2;
	s4 =	sadd.s32 $0x6, s21;
	s21 =	sadd.s32 $0x3, s21  }
0x5c: {  	s18 =	sshra.s32 @!p4 s29, $0x2;
	s16 =	sshrl.u32 s16, $0x1;
	s21 =	sadd.s32 @!p3 s23, s21  }
0x5d: {  	s15 =	sshra.s32 s15, $0x2;
	s4 =	sadd.s32 @!p4 s18, s4;
	s18 =	sadd.s32 @!p3 s22, s21  }
0x5e: {  	s10 =	sadd.s32 $0x80, s10;
	s21 =	smul.u32 $0xFFFFFFF4, s16;
	s4 =	sadd.s32 @!p4 s6, s4  }
0x5f: {  	s17 =	sadd.s32 s15, s17;
	s6 =	smul.u32 $0xFFFE2000, s16;
	_ =	swait.ge @!p4 [sflag:s4], $0x2800  }
.Ltmp0:
0x60: {  	s23 =	simm.s32 @!p3 $0x50;
	[sflag:s4] =	ssyncset.done @!p4 $0x0;
	(pc) =	sbr.rel @!p2 .LBB2_4-.Ltmp0, $4  }
0x61: {  	s15 =	sshra.s32 s21, $0x2;
	s21 =	sshra.s32 s6, $0x2;
	[sflag:s4] =	ssyncadd.s32 @!p4 $0xFFFFD800  }
0x62: {  	s6 =	sadd.s32 $0x4, s15;
	s4 =	sadd.s32 $0x1, s15  }
0x63: {  	s22 =	sshra.s32 s13, $0x2;
	s15 =	sadd.s32 s11, s6;
	s16 =	sadd.s32 s11, s4  }
0x64: {  	[tilespmem:s17], [sflag:s18] =	stream.indirect.gather @!p3 [hbm4b:s5+s23], $0x80, s20, s23, $0xb8;
	[tilespmem:$0x1F080] =	vst v63  }
0x65: {  	s0 =	sadd.s32 s22, s16  }
0x66: {  	_ =	swait.ge [sflag:s0], $0x2800  }
0x67: {  	[sflag:s0] =	ssyncset.done $0x0  }
0x68: {  	s2 =	sadd.s32 s21, s24;
	s3 =	sadd.s32 s22, s15;
	[sflag:s0] =	ssyncadd.s32 $0xFFFFD800  }
0x69: {  	[spmem:s1] =	stream.indirect.scatter.add.f32 [tilespmem:s2], [sflag:s3], $0x80, s31, s19, $0xb8;
	[tilespmem:$0x1F080] =	vst v63  }
0x6a: {  	p2 =	seq.s32 s30, $0x5  }
.Ltmp1:
0x6b: {  	_ = 	snop;
	(pc) =	sbr.rel @!p2 .LBB2_3-.Ltmp1, $3  }
0x6c: {  	_ =	sdelay $0x1  }
0x6d: {  	p1 =	por !p1, !p1;
	s29 =	sadd.s32 $0x64, s29;
	s28 =	sadd.s32 $0x19, s28  }
0x6e: {  	s12 =	sadd.s32 $0x3E800, s12;
	s25 =	sadd.s32 $0x19, s25;
	s26 =	sadd.s32 $0x3E800, s26  }
0x6f: {  	s0 =	simm.s32 $0x4  }
0x70: {  	_ =	swait.ge [sflag:s0], $0x2800  }
0x71: {  	[sflag:s0] =	ssyncset.done $0x0  }
0x72: {  	s29 =	simm.s32 $0x5;
	[sflag:s0] =	ssyncadd.s32 $0xFFFFD800  }
0x73: {  	_ =	swait.ge [sflag:s29], $0x2800  }
0x74: {  	[sflag:s29] =	ssyncset.done $0x0  }
0x75: {  	s30 =	simm.s32 $0x6;
	[sflag:s29] =	ssyncadd.s32 $0xFFFFD800  }
0x76: {  	_ =	swait.ge [sflag:s30], $0x2800  }
0x77: {  	[sflag:s30] =	ssyncset.done $0x0  }
0x78: {  	[sflag:s30] =	ssyncadd.s32 $0xFFFFD800  }
0x79: {  	[bflag:$0x0] =	sbarrier.arrive $0xFFFF  }
0x7a: {  	s2 =	rddreg [dreg:$0xa]  }
0x7b: {  	s0 =	simm.s32 @p0 $0x1FC8;
	s4 =	rddreg [dreg:$0xc]  }
0x7c: {  	[hbm:s2], [sflag:s0] =	dma.local @p0 [spmem:s4], $0x2800  }
0x7d: {  	s0 =	simm.s32 @p0 $0x8  }
0x7e: {  	_ =	swait.ge @p0 [sflag:s0], $0x2800  }
0x7f: {  	s6 =	rddreg [dreg:$0xd]  }
0x80: {  	[sflag:s0] =	ssyncset.done @p0 $0x0;
	s7 =	rddreg [dreg:$0xe]  }
0x81: {  	[sflag:s0] =	ssyncadd.s32 @p0 $0xFFFFD800;
	s0 =	rddreg [dreg:$0x9]  }
0x82: {  	[hbm:s0], [sflag:s6] =	dma.local @!p0 [spmem:s7], $0x2700  }
0x83: {  	s0 =	simm.s32 @!p0 $0x8  }
0x84: {  	_ =	swait.ge @!p0 [sflag:s0], $0x2700  }
0x85: {  	s3 =	rddreg [dreg:$0xf]  }
0x86: {  	s31 =	rddreg [dreg:$0xb];
	s3 =	sadd.s32 $0x1, s3  }
0x87: {  	p1 =	sne.s32 s3, s31  }
.Ltmp2:
0x88: {  	_ = 	snop;
	(pc) =	sbr.rel @p1 .LBB2_1-.Ltmp2, $3  }
0x89: {  	_ =	sdelay $0x1  }
0x8a: {  	[sflag:s0] =	ssyncset.done @!p0 $0x0  }
0x8b: {  	[sflag:s0] =	ssyncadd.s32 @!p0 $0xFFFFD900  }
0x8c: {  	_ =	sfence.sel $0x180000  }
0x8d: {  	[bflag:$0x0] =	sbarrier.arrive $0xFFFF  }
0x8e: {  	_ =	strace $0x90000050  }
0x8f: {  	s0 =	stileid.u32;
	[bflag:$0x2] =	sbarrier.arrive $0xFFFF  }
0x90: {  	p0 =	sne.s32 s0, $0x0;
	s0 =	rddreg [dreg:$0x2]  }
0x91: {  	s0 =	sadd.s32 @!p0 $0x100000, s0  }
0x92: {  	[sflag:s0] =	ssyncadd.tile.s32 @!p0 $0x1;
	_ =	shalt  }
.Lfunc_end2:
_tile_overlayer_lowered:
.L_overlay_start_2:
0x93: {  	(tag) =	ssettag $0x2  }
0x94: {  	s0 =	rddreg [dreg:$0x0];
	s2 =	stileid.u32  }
0x95: {  	s1 =	rddreg [dreg:$0x1];
	p0 =	sne.s32 s2, $0x0  }
0x96: {  	s3 =	rddreg [dreg:$0x2];
	[bflag:$0x3] =	sbarrier.arrive $0xFFFF;
	s2 =	simm.s32 @!p0 $0x1C08  }
0x97: {  	[timem:s3], [sflag:s2] =	dma.local @!p0 [hbm:s0], s1  }
0x98: {  	s0 =	simm.s32 @!p0 $0x8  }
0x99: {  	_ =	swait.ge @!p0 [sflag:s0], s1  }
0x9a: {  	s1 =	ssub.s32 @!p0 $0x0, s1;
	[sflag:s0] =	ssyncset.done @!p0 $0x0  }
0x9b: {  	[sflag:s0] =	ssyncadd.s32 @!p0 s1  }
0x9c: {  	[bflag:$0x3] =	sbarrier.arrive $0xFFFF  }
0x9d: {  	_ =	shalt  }

</sc_bundles>
